<compile_context>
chip_gen: v7x
topology: tpu7x:2x2x1
jax: 0.10.2.dev20260603
libtpu: 0.0.44.dev20260713+nightly
codegen_flags: <defaults>
</compile_context>

<pallas_src>
import functools

import jax
import jax.numpy as jnp
from jax import lax
from jax.experimental import pallas as pl
from jax.experimental.pallas import tpu as pltpu
from jax.experimental.pallas import tpu_sc as plsc

_B = 1024
_T = 50
_D = 32
_DEC = 20
_F = _T * _D

_info = plsc.get_sparse_core_info()
_NC = _info.num_cores
_NS = _info.num_subcores
_NW = _NC * _NS
_NB = _B // _NW

@functools.partial(
    pl.kernel,
    mesh=plsc.VectorSubcoreMesh(core_axis_name="c", subcore_axis_name="s"),
    out_type=jax.ShapeDtypeStruct((_DEC, _F // 8, _B // 128, 8, 128),
                                  jnp.float32),
    compiler_params=pltpu.CompilerParams(
        use_tc_tiling_on_sc=False, needs_layout_passes=False),
    scratch_types=[
        pltpu.VMEM((_NB, _T), jnp.int32),
        pltpu.VMEM((_NB * _T, _D), jnp.float32),
        pltpu.VMEM((_F // 8, 8, _NB + 1), jnp.float32),
        pltpu.SemaphoreType.DMA,
        pltpu.SemaphoreType.DMA,
    ],
)
def _sc_gather(idx_hbm, table_hbm, out_hbm, idx_v, rows_v, t_v, gsem, wsem):
    wid = lax.axis_index("s") * _NC + lax.axis_index("c")
    base = wid * _NB

    pltpu.sync_copy(idx_hbm.at[pl.ds(base, _NB)], idx_v)

    gathers = [
        pltpu.async_copy(table_hbm.at[idx_v.at[i]],
                         rows_v.at[pl.ds(i * _T, _T)], gsem)
        for i in range(_NB)
    ]
    for g in gathers:
        g.wait()

    iota = lax.iota(jnp.int32, 16)
    tr_off = lax.shift_right_logical(iota, 3)
    r_idx = iota & 7

    def row_body(i, carry):
        col = jnp.full((16,), i, jnp.int32)
        for g in range(_F // 16):
            f0 = g * 16
            vals = rows_v[i * _T + g // 2, pl.ds((g % 2) * 16, 16)]
            tr = tr_off + (f0 // 8)
            plsc.store_scatter(t_v, [tr, r_idx, col], vals)
        return carry

    lax.fori_loop(0, _NB, row_body, 0)

    writes = [
        pltpu.async_copy(
            t_v.at[:, :, pl.ds(0, _NB)],
            out_hbm.at[j, :, wid // 4, :, pl.ds((wid % 4) * _NB, _NB)],
            wsem)
        for j in range(_DEC)
    ]
    for w in writes:
        w.wait()


def kernel(inputs, decoder_length, table):
    del decoder_length
    out6 = _sc_gather(inputs, table)
    return (out6.transpose(2, 4, 0, 1, 3)
            .reshape(_B, _DEC, _F))

# --- scband reference (transcript-rebuilt; emitter-appended) ---
"""Pipeline reference for scband-embedding-51943334478457 (READ-ONLY COPY).

The authoritative reference and input builder live on the scoring server;
editing this copy changes nothing except your own understanding.
"""

import jax, jax.numpy as jnp
import numpy as np

VOCAB = 100000
EMBED_DIM = 32  # hp_Dict['Orthography_Embedding_Size'] assumed 32
BATCH = 1024
HIST = 50
DEC_LEN = 20


def setup_inputs(seed: int = 0) -> dict:
    key = jax.random.key(seed)
    k1, k2 = jax.random.split(key)
    inputs = jax.random.randint(k1, (BATCH, HIST), 0, VOCAB, dtype=jnp.int64 if jax.config.jax_enable_x64 else jnp.int32).astype(jnp.int32)
    table = jax.random.normal(k2, (VOCAB, EMBED_DIM), dtype=jnp.float32) * 0.02
    return {"inputs": inputs, "decoder_length": DEC_LEN, "table": table}


def reference(inputs, decoder_length, table):
    # Embedding lookup: [B, T] -> [B, T, D]
    new_tensor = jnp.take(table, inputs, axis=0)
    b = new_tensor.shape[0]
    t, d = new_tensor.shape[1], new_tensor.shape[2]
    # Flatten time/dim: [B, T*D]
    new_tensor = jnp.reshape(new_tensor, (b, t * d))
    # Tile along new decoder axis: [B, decoder_length, T*D]
    one = jnp.asarray(decoder_length - decoder_length + 1, dtype=new_tensor.dtype)
    new_tensor = jnp.tile(new_tensor[:, None, :], (1, DEC_LEN, 1)) * one
    return new_tensor

if __name__ == "__main__":
    import jax
    _d = setup_inputs()
    print(jax.jit(kernel)(*tuple(_d.values())))

</pallas_src>

<mosaic_0001>
#map = affine_map<(d0, d1) -> (0, 0)>
#map1 = affine_map<(d0, d1) -> (0, 0, 0, 0, 0)>
module attributes {stable_mosaic.version = 14 : i64} {
  func.func @_sc_gather(%arg0: i32, %arg1: i32, %arg2: memref<1024x50xi32, #tpu.memory_space<hbm>>, %arg3: memref<100000x32xf32, #tpu.memory_space<hbm>>, %arg4: memref<20x200x8x8x128xf32, #tpu.memory_space<hbm>>, %arg5: memref<32x50xi32, #tpu.memory_space<vmem>>, %arg6: memref<1600x32xf32, #tpu.memory_space<vmem>>, %arg7: memref<200x8x33xf32, #tpu.memory_space<vmem>>, %arg8: memref<!tpu.dma_semaphore, #tpu.memory_space<semaphore_mem>>, %arg9: memref<!tpu.dma_semaphore, #tpu.memory_space<semaphore_mem>>) attributes {dimension_semantics = [#tpu.dimension_semantics<core_parallel>, #tpu.dimension_semantics<subcore_parallel>], iteration_bounds = array<i64: 2, 16>, scalar_prefetch = 0 : i64, scratch_operands = 5 : i64, tpu.core_type = #tpu.core_type<sc_vector_subcore>, window_params = [{transform_indices = #map}, {transform_indices = #map}, {transform_indices = #map1}]} {
    %mul3A = arith.constant 2 : i32
    %mul3A_0 = arith.muli %arg1, %mul3A : i32
    %add3A = arith.addi %mul3A_0, %arg0 : i32
    %mul3A_1 = arith.constant 32 : i32
    %mul3A_2 = arith.muli %add3A, %mul3A_1 : i32
    "tpu.region"() ({
      %run_scoped3A = tpu.sem_alloc : memref<!tpu.dma_semaphore, #tpu.memory_space<semaphore_mem>>
      %dma_start3A_2161 = arith.constant 0 : i32
      %dma_start3A_2162 = tpu.memref_slice %arg2[%mul3A_2, %dma_start3A_2161] : memref<1024x50xi32, #tpu.memory_space<hbm>> -> memref<32x50xi32, #tpu.memory_space<hbm>>
      %dma_start3A_2163 = arith.constant 0 : i32
      %dma_start3A_2164 = tpu.memref_slice %arg2[%mul3A_2, %dma_start3A_2163] : memref<1024x50xi32, #tpu.memory_space<hbm>> -> memref<32x50xi32, #tpu.memory_space<hbm>>
      tpu.enqueue_dma source(%dma_start3A_2164 : memref<32x50xi32, #tpu.memory_space<hbm>>) target(%arg5 : memref<32x50xi32, #tpu.memory_space<vmem>>) target_semaphore(%run_scoped3A : memref<!tpu.dma_semaphore, #tpu.memory_space<semaphore_mem>>)
      %dma_wait3A_2165 = arith.constant 0 : i32
      %dma_wait3A_2166 = tpu.memref_slice %arg2[%mul3A_2, %dma_wait3A_2165] : memref<1024x50xi32, #tpu.memory_space<hbm>> -> memref<32x50xi32, #tpu.memory_space<hbm>>
      %dma_wait3A_2167 = arith.constant 0 : i32
      %dma_wait3A_2168 = tpu.memref_slice %arg2[%mul3A_2, %dma_wait3A_2167] : memref<1024x50xi32, #tpu.memory_space<hbm>> -> memref<32x50xi32, #tpu.memory_space<hbm>>
      tpu.wait_dma2 semaphore(%run_scoped3A : memref<!tpu.dma_semaphore, #tpu.memory_space<semaphore_mem>>) src(%dma_wait3A_2168 : memref<32x50xi32, #tpu.memory_space<hbm>>) dst(%arg5 : memref<32x50xi32, #tpu.memory_space<vmem>>)
      tpu.yield
    }) : () -> ()
    %dma_start3A = arith.constant 0 : i32
    %dma_start3A_3 = arith.constant 0 : i32
    %dma_start3A_4 = arith.constant 0 : i32
    %dma_start3A_5 = tpu.memref_slice %arg6[%dma_start3A_3, %dma_start3A_4] : memref<1600x32xf32, #tpu.memory_space<vmem>> -> memref<50x32xf32, #tpu.memory_space<vmem>>
    %dma_start3A_6 = arith.constant 0 : i32
    %dma_start3A_7 = tpu.memref_slice %arg5[%dma_start3A, %dma_start3A_6] : memref<32x50xi32, #tpu.memory_space<vmem>> -> memref<1x50xi32, #tpu.memory_space<vmem>>
    %dma_start3A_8 = tpu.memref_squeeze %dma_start3A_7 : memref<1x50xi32, #tpu.memory_space<vmem>> -> memref<50xi32, #tpu.memory_space<vmem>>
    %dma_start3A_9 = arith.constant 0 : i32
    %dma_start3A_10 = arith.constant 0 : i32
    %dma_start3A_11 = tpu.memref_slice %arg3[%dma_start3A_9, %dma_start3A_10] : memref<100000x32xf32, #tpu.memory_space<hbm>> -> memref<100000x32xf32, #tpu.memory_space<hbm>>
    tpu.enqueue_indirect_dma source(%dma_start3A_11 : memref<100000x32xf32, #tpu.memory_space<hbm>>) target(%dma_start3A_5 : memref<50x32xf32, #tpu.memory_space<vmem>>) offsets(%dma_start3A_8 : memref<50xi32, #tpu.memory_space<vmem>>) semaphore(%arg8 : memref<!tpu.dma_semaphore, #tpu.memory_space<semaphore_mem>>)
    %dma_start3A_12 = arith.constant 1 : i32
    %dma_start3A_13 = arith.constant 50 : i32
    %dma_start3A_14 = arith.constant 0 : i32
    %dma_start3A_15 = tpu.memref_slice %arg6[%dma_start3A_13, %dma_start3A_14] : memref<1600x32xf32, #tpu.memory_space<vmem>> -> memref<50x32xf32, #tpu.memory_space<vmem>>
    %dma_start3A_16 = arith.constant 0 : i32
    %dma_start3A_17 = tpu.memref_slice %arg5[%dma_start3A_12, %dma_start3A_16] : memref<32x50xi32, #tpu.memory_space<vmem>> -> memref<1x50xi32, #tpu.memory_space<vmem>>
    %dma_start3A_18 = tpu.memref_squeeze %dma_start3A_17 : memref<1x50xi32, #tpu.memory_space<vmem>> -> memref<50xi32, #tpu.memory_space<vmem>>
    %dma_start3A_19 = arith.constant 0 : i32
    %dma_start3A_20 = arith.constant 0 : i32
    %dma_start3A_21 = tpu.memref_slice %arg3[%dma_start3A_19, %dma_start3A_20] : memref<100000x32xf32, #tpu.memory_space<hbm>> -> memref<100000x32xf32, #tpu.memory_space<hbm>>
    tpu.enqueue_indirect_dma source(%dma_start3A_21 : memref<100000x32xf32, #tpu.memory_space<hbm>>) target(%dma_start3A_15 : memref<50x32xf32, #tpu.memory_space<vmem>>) offsets(%dma_start3A_18 : memref<50xi32, #tpu.memory_space<vmem>>) semaphore(%arg8 : memref<!tpu.dma_semaphore, #tpu.memory_space<semaphore_mem>>)
    %dma_start3A_22 = arith.constant 2 : i32
    %dma_start3A_23 = arith.constant 100 : i32
    %dma_start3A_24 = arith.constant 0 : i32
    %dma_start3A_25 = tpu.memref_slice %arg6[%dma_start3A_23, %dma_start3A_24] : memref<1600x32xf32, #tpu.memory_space<vmem>> -> memref<50x32xf32, #tpu.memory_space<vmem>>
    %dma_start3A_26 = arith.constant 0 : i32
    %dma_start3A_27 = tpu.memref_slice %arg5[%dma_start3A_22, %dma_start3A_26] : memref<32x50xi32, #tpu.memory_space<vmem>> -> memref<1x50xi32, #tpu.memory_space<vmem>>
    %dma_start3A_28 = tpu.memref_squeeze %dma_start3A_27 : memref<1x50xi32, #tpu.memory_space<vmem>> -> memref<50xi32, #tpu.memory_space<vmem>>
    %dma_start3A_29 = arith.constant 0 : i32
    %dma_start3A_30 = arith.constant 0 : i32
    %dma_start3A_31 = tpu.memref_slice %arg3[%dma_start3A_29, %dma_start3A_30] : memref<100000x32xf32, #tpu.memory_space<hbm>> -> memref<100000x32xf32, #tpu.memory_space<hbm>>
    tpu.enqueue_indirect_dma source(%dma_start3A_31 : memref<100000x32xf32, #tpu.memory_space<hbm>>) target(%dma_start3A_25 : memref<50x32xf32, #tpu.memory_space<vmem>>) offsets(%dma_start3A_28 : memref<50xi32, #tpu.memory_space<vmem>>) semaphore(%arg8 : memref<!tpu.dma_semaphore, #tpu.memory_space<semaphore_mem>>)
    %dma_start3A_32 = arith.constant 3 : i32
    %dma_start3A_33 = arith.constant 150 : i32
    %dma_start3A_34 = arith.constant 0 : i32
    %dma_start3A_35 = tpu.memref_slice %arg6[%dma_start3A_33, %dma_start3A_34] : memref<1600x32xf32, #tpu.memory_space<vmem>> -> memref<50x32xf32, #tpu.memory_space<vmem>>
    %dma_start3A_36 = arith.constant 0 : i32
    %dma_start3A_37 = tpu.memref_slice %arg5[%dma_start3A_32, %dma_start3A_36] : memref<32x50xi32, #tpu.memory_space<vmem>> -> memref<1x50xi32, #tpu.memory_space<vmem>>
    %dma_start3A_38 = tpu.memref_squeeze %dma_start3A_37 : memref<1x50xi32, #tpu.memory_space<vmem>> -> memref<50xi32, #tpu.memory_space<vmem>>
    %dma_start3A_39 = arith.constant 0 : i32
    %dma_start3A_40 = arith.constant 0 : i32
    %dma_start3A_41 = tpu.memref_slice %arg3[%dma_start3A_39, %dma_start3A_40] : memref<100000x32xf32, #tpu.memory_space<hbm>> -> memref<100000x32xf32, #tpu.memory_space<hbm>>
    tpu.enqueue_indirect_dma source(%dma_start3A_41 : memref<100000x32xf32, #tpu.memory_space<hbm>>) target(%dma_start3A_35 : memref<50x32xf32, #tpu.memory_space<vmem>>) offsets(%dma_start3A_38 : memref<50xi32, #tpu.memory_space<vmem>>) semaphore(%arg8 : memref<!tpu.dma_semaphore, #tpu.memory_space<semaphore_mem>>)
    %dma_start3A_42 = arith.constant 4 : i32
    %dma_start3A_43 = arith.constant 200 : i32
    %dma_start3A_44 = arith.constant 0 : i32
    %dma_start3A_45 = tpu.memref_slice %arg6[%dma_start3A_43, %dma_start3A_44] : memref<1600x32xf32, #tpu.memory_space<vmem>> -> memref<50x32xf32, #tpu.memory_space<vmem>>
    %dma_start3A_46 = arith.constant 0 : i32
    %dma_start3A_47 = tpu.memref_slice %arg5[%dma_start3A_42, %dma_start3A_46] : memref<32x50xi32, #tpu.memory_space<vmem>> -> memref<1x50xi32, #tpu.memory_space<vmem>>
    %dma_start3A_48 = tpu.memref_squeeze %dma_start3A_47 : memref<1x50xi32, #tpu.memory_space<vmem>> -> memref<50xi32, #tpu.memory_space<vmem>>
    %dma_start3A_49 = arith.constant 0 : i32
    %dma_start3A_50 = arith.constant 0 : i32
    %dma_start3A_51 = tpu.memref_slice %arg3[%dma_start3A_49, %dma_start3A_50] : memref<100000x32xf32, #tpu.memory_space<hbm>> -> memref<100000x32xf32, #tpu.memory_space<hbm>>
    tpu.enqueue_indirect_dma source(%dma_start3A_51 : memref<100000x32xf32, #tpu.memory_space<hbm>>) target(%dma_start3A_45 : memref<50x32xf32, #tpu.memory_space<vmem>>) offsets(%dma_start3A_48 : memref<50xi32, #tpu.memory_space<vmem>>) semaphore(%arg8 : memref<!tpu.dma_semaphore, #tpu.memory_space<semaphore_mem>>)
    %dma_start3A_52 = arith.constant 5 : i32
    %dma_start3A_53 = arith.constant 250 : i32
    %dma_start3A_54 = arith.constant 0 : i32
    %dma_start3A_55 = tpu.memref_slice %arg6[%dma_start3A_53, %dma_start3A_54] : memref<1600x32xf32, #tpu.memory_space<vmem>> -> memref<50x32xf32, #tpu.memory_space<vmem>>
    %dma_start3A_56 = arith.constant 0 : i32
    %dma_start3A_57 = tpu.memref_slice %arg5[%dma_start3A_52, %dma_start3A_56] : memref<32x50xi32, #tpu.memory_space<vmem>> -> memref<1x50xi32, #tpu.memory_space<vmem>>
    %dma_start3A_58 = tpu.memref_squeeze %dma_start3A_57 : memref<1x50xi32, #tpu.memory_space<vmem>> -> memref<50xi32, #tpu.memory_space<vmem>>
    %dma_start3A_59 = arith.constant 0 : i32
    %dma_start3A_60 = arith.constant 0 : i32
    %dma_start3A_61 = tpu.memref_slice %arg3[%dma_start3A_59, %dma_start3A_60] : memref<100000x32xf32, #tpu.memory_space<hbm>> -> memref<100000x32xf32, #tpu.memory_space<hbm>>
    tpu.enqueue_indirect_dma source(%dma_start3A_61 : memref<100000x32xf32, #tpu.memory_space<hbm>>) target(%dma_start3A_55 : memref<50x32xf32, #tpu.memory_space<vmem>>) offsets(%dma_start3A_58 : memref<50xi32, #tpu.memory_space<vmem>>) semaphore(%arg8 : memref<!tpu.dma_semaphore, #tpu.memory_space<semaphore_mem>>)
    %dma_start3A_62 = arith.constant 6 : i32
    %dma_start3A_63 = arith.constant 300 : i32
    %dma_start3A_64 = arith.constant 0 : i32
    %dma_start3A_65 = tpu.memref_slice %arg6[%dma_start3A_63, %dma_start3A_64] : memref<1600x32xf32, #tpu.memory_space<vmem>> -> memref<50x32xf32, #tpu.memory_space<vmem>>
    %dma_start3A_66 = arith.constant 0 : i32
    %dma_start3A_67 = tpu.memref_slice %arg5[%dma_start3A_62, %dma_start3A_66] : memref<32x50xi32, #tpu.memory_space<vmem>> -> memref<1x50xi32, #tpu.memory_space<vmem>>
    %dma_start3A_68 = tpu.memref_squeeze %dma_start3A_67 : memref<1x50xi32, #tpu.memory_space<vmem>> -> memref<50xi32, #tpu.memory_space<vmem>>
    %dma_start3A_69 = arith.constant 0 : i32
    %dma_start3A_70 = arith.constant 0 : i32
    %dma_start3A_71 = tpu.memref_slice %arg3[%dma_start3A_69, %dma_start3A_70] : memref<100000x32xf32, #tpu.memory_space<hbm>> -> memref<100000x32xf32, #tpu.memory_space<hbm>>
    tpu.enqueue_indirect_dma source(%dma_start3A_71 : memref<100000x32xf32, #tpu.memory_space<hbm>>) target(%dma_start3A_65 : memref<50x32xf32, #tpu.memory_space<vmem>>) offsets(%dma_start3A_68 : memref<50xi32, #tpu.memory_space<vmem>>) semaphore(%arg8 : memref<!tpu.dma_semaphore, #tpu.memory_space<semaphore_mem>>)
    %dma_start3A_72 = arith.constant 7 : i32
    %dma_start3A_73 = arith.constant 350 : i32
    %dma_start3A_74 = arith.constant 0 : i32
    %dma_start3A_75 = tpu.memref_slice %arg6[%dma_start3A_73, %dma_start3A_74] : memref<1600x32xf32, #tpu.memory_space<vmem>> -> memref<50x32xf32, #tpu.memory_space<vmem>>
    %dma_start3A_76 = arith.constant 0 : i32
    %dma_start3A_77 = tpu.memref_slice %arg5[%dma_start3A_72, %dma_start3A_76] : memref<32x50xi32, #tpu.memory_space<vmem>> -> memref<1x50xi32, #tpu.memory_space<vmem>>
    %dma_start3A_78 = tpu.memref_squeeze %dma_start3A_77 : memref<1x50xi32, #tpu.memory_space<vmem>> -> memref<50xi32, #tpu.memory_space<vmem>>
    %dma_start3A_79 = arith.constant 0 : i32
    %dma_start3A_80 = arith.constant 0 : i32
    %dma_start3A_81 = tpu.memref_slice %arg3[%dma_start3A_79, %dma_start3A_80] : memref<100000x32xf32, #tpu.memory_space<hbm>> -> memref<100000x32xf32, #tpu.memory_space<hbm>>
    tpu.enqueue_indirect_dma source(%dma_start3A_81 : memref<100000x32xf32, #tpu.memory_space<hbm>>) target(%dma_start3A_75 : memref<50x32xf32, #tpu.memory_space<vmem>>) offsets(%dma_start3A_78 : memref<50xi32, #tpu.memory_space<vmem>>) semaphore(%arg8 : memref<!tpu.dma_semaphore, #tpu.memory_space<semaphore_mem>>)
    %dma_start3A_82 = arith.constant 8 : i32
    %dma_start3A_83 = arith.constant 400 : i32
    %dma_start3A_84 = arith.constant 0 : i32
    %dma_start3A_85 = tpu.memref_slice %arg6[%dma_start3A_83, %dma_start3A_84] : memref<1600x32xf32, #tpu.memory_space<vmem>> -> memref<50x32xf32, #tpu.memory_space<vmem>>
    %dma_start3A_86 = arith.constant 0 : i32
    %dma_start3A_87 = tpu.memref_slice %arg5[%dma_start3A_82, %dma_start3A_86] : memref<32x50xi32, #tpu.memory_space<vmem>> -> memref<1x50xi32, #tpu.memory_space<vmem>>
    %dma_start3A_88 = tpu.memref_squeeze %dma_start3A_87 : memref<1x50xi32, #tpu.memory_space<vmem>> -> memref<50xi32, #tpu.memory_space<vmem>>
    %dma_start3A_89 = arith.constant 0 : i32
    %dma_start3A_90 = arith.constant 0 : i32
    %dma_start3A_91 = tpu.memref_slice %arg3[%dma_start3A_89, %dma_start3A_90] : memref<100000x32xf32, #tpu.memory_space<hbm>> -> memref<100000x32xf32, #tpu.memory_space<hbm>>
    tpu.enqueue_indirect_dma source(%dma_start3A_91 : memref<100000x32xf32, #tpu.memory_space<hbm>>) target(%dma_start3A_85 : memref<50x32xf32, #tpu.memory_space<vmem>>) offsets(%dma_start3A_88 : memref<50xi32, #tpu.memory_space<vmem>>) semaphore(%arg8 : memref<!tpu.dma_semaphore, #tpu.memory_space<semaphore_mem>>)
    %dma_start3A_92 = arith.constant 9 : i32
    %dma_start3A_93 = arith.constant 450 : i32
    %dma_start3A_94 = arith.constant 0 : i32
    %dma_start3A_95 = tpu.memref_slice %arg6[%dma_start3A_93, %dma_start3A_94] : memref<1600x32xf32, #tpu.memory_space<vmem>> -> memref<50x32xf32, #tpu.memory_space<vmem>>
    %dma_start3A_96 = arith.constant 0 : i32
    %dma_start3A_97 = tpu.memref_slice %arg5[%dma_start3A_92, %dma_start3A_96] : memref<32x50xi32, #tpu.memory_space<vmem>> -> memref<1x50xi32, #tpu.memory_space<vmem>>
    %dma_start3A_98 = tpu.memref_squeeze %dma_start3A_97 : memref<1x50xi32, #tpu.memory_space<vmem>> -> memref<50xi32, #tpu.memory_space<vmem>>
    %dma_start3A_99 = arith.constant 0 : i32
    %dma_start3A_100 = arith.constant 0 : i32
    %dma_start3A_101 = tpu.memref_slice %arg3[%dma_start3A_99, %dma_start3A_100] : memref<100000x32xf32, #tpu.memory_space<hbm>> -> memref<100000x32xf32, #tpu.memory_space<hbm>>
    tpu.enqueue_indirect_dma source(%dma_start3A_101 : memref<100000x32xf32, #tpu.memory_space<hbm>>) target(%dma_start3A_95 : memref<50x32xf32, #tpu.memory_space<vmem>>) offsets(%dma_start3A_98 : memref<50xi32, #tpu.memory_space<vmem>>) semaphore(%arg8 : memref<!tpu.dma_semaphore, #tpu.memory_space<semaphore_mem>>)
    %dma_start3A_102 = arith.constant 10 : i32
    %dma_start3A_103 = arith.constant 500 : i32
    %dma_start3A_104 = arith.constant 0 : i32
    %dma_start3A_105 = tpu.memref_slice %arg6[%dma_start3A_103, %dma_start3A_104] : memref<1600x32xf32, #tpu.memory_space<vmem>> -> memref<50x32xf32, #tpu.memory_space<vmem>>
    %dma_start3A_106 = arith.constant 0 : i32
    %dma_start3A_107 = tpu.memref_slice %arg5[%dma_start3A_102, %dma_start3A_106] : memref<32x50xi32, #tpu.memory_space<vmem>> -> memref<1x50xi32, #tpu.memory_space<vmem>>
    %dma_start3A_108 = tpu.memref_squeeze %dma_start3A_107 : memref<1x50xi32, #tpu.memory_space<vmem>> -> memref<50xi32, #tpu.memory_space<vmem>>
    %dma_start3A_109 = arith.constant 0 : i32
    %dma_start3A_110 = arith.constant 0 : i32
    %dma_start3A_111 = tpu.memref_slice %arg3[%dma_start3A_109, %dma_start3A_110] : memref<100000x32xf32, #tpu.memory_space<hbm>> -> memref<100000x32xf32, #tpu.memory_space<hbm>>
    tpu.enqueue_indirect_dma source(%dma_start3A_111 : memref<100000x32xf32, #tpu.memory_space<hbm>>) target(%dma_start3A_105 : memref<50x32xf32, #tpu.memory_space<vmem>>) offsets(%dma_start3A_108 : memref<50xi32, #tpu.memory_space<vmem>>) semaphore(%arg8 : memref<!tpu.dma_semaphore, #tpu.memory_space<semaphore_mem>>)
    %dma_start3A_112 = arith.constant 11 : i32
    %dma_start3A_113 = arith.constant 550 : i32
    %dma_start3A_114 = arith.constant 0 : i32
    %dma_start3A_115 = tpu.memref_slice %arg6[%dma_start3A_113, %dma_start3A_114] : memref<1600x32xf32, #tpu.memory_space<vmem>> -> memref<50x32xf32, #tpu.memory_space<vmem>>
    %dma_start3A_116 = arith.constant 0 : i32
    %dma_start3A_117 = tpu.memref_slice %arg5[%dma_start3A_112, %dma_start3A_116] : memref<32x50xi32, #tpu.memory_space<vmem>> -> memref<1x50xi32, #tpu.memory_space<vmem>>
    %dma_start3A_118 = tpu.memref_squeeze %dma_start3A_117 : memref<1x50xi32, #tpu.memory_space<vmem>> -> memref<50xi32, #tpu.memory_space<vmem>>
    %dma_start3A_119 = arith.constant 0 : i32
    %dma_start3A_120 = arith.constant 0 : i32
    %dma_start3A_121 = tpu.memref_slice %arg3[%dma_start3A_119, %dma_start3A_120] : memref<100000x32xf32, #tpu.memory_space<hbm>> -> memref<100000x32xf32, #tpu.memory_space<hbm>>
    tpu.enqueue_indirect_dma source(%dma_start3A_121 : memref<100000x32xf32, #tpu.memory_space<hbm>>) target(%dma_start3A_115 : memref<50x32xf32, #tpu.memory_space<vmem>>) offsets(%dma_start3A_118 : memref<50xi32, #tpu.memory_space<vmem>>) semaphore(%arg8 : memref<!tpu.dma_semaphore, #tpu.memory_space<semaphore_mem>>)
    %dma_start3A_122 = arith.constant 12 : i32
    %dma_start3A_123 = arith.constant 600 : i32
    %dma_start3A_124 = arith.constant 0 : i32
    %dma_start3A_125 = tpu.memref_slice %arg6[%dma_start3A_123, %dma_start3A_124] : memref<1600x32xf32, #tpu.memory_space<vmem>> -> memref<50x32xf32, #tpu.memory_space<vmem>>
    %dma_start3A_126 = arith.constant 0 : i32
    %dma_start3A_127 = tpu.memref_slice %arg5[%dma_start3A_122, %dma_start3A_126] : memref<32x50xi32, #tpu.memory_space<vmem>> -> memref<1x50xi32, #tpu.memory_space<vmem>>
    %dma_start3A_128 = tpu.memref_squeeze %dma_start3A_127 : memref<1x50xi32, #tpu.memory_space<vmem>> -> memref<50xi32, #tpu.memory_space<vmem>>
    %dma_start3A_129 = arith.constant 0 : i32
    %dma_start3A_130 = arith.constant 0 : i32
    %dma_start3A_131 = tpu.memref_slice %arg3[%dma_start3A_129, %dma_start3A_130] : memref<100000x32xf32, #tpu.memory_space<hbm>> -> memref<100000x32xf32, #tpu.memory_space<hbm>>
    tpu.enqueue_indirect_dma source(%dma_start3A_131 : memref<100000x32xf32, #tpu.memory_space<hbm>>) target(%dma_start3A_125 : memref<50x32xf32, #tpu.memory_space<vmem>>) offsets(%dma_start3A_128 : memref<50xi32, #tpu.memory_space<vmem>>) semaphore(%arg8 : memref<!tpu.dma_semaphore, #tpu.memory_space<semaphore_mem>>)
    %dma_start3A_132 = arith.constant 13 : i32
    %dma_start3A_133 = arith.constant 650 : i32
    %dma_start3A_134 = arith.constant 0 : i32
    %dma_start3A_135 = tpu.memref_slice %arg6[%dma_start3A_133, %dma_start3A_134] : memref<1600x32xf32, #tpu.memory_space<vmem>> -> memref<50x32xf32, #tpu.memory_space<vmem>>
    %dma_start3A_136 = arith.constant 0 : i32
    %dma_start3A_137 = tpu.memref_slice %arg5[%dma_start3A_132, %dma_start3A_136] : memref<32x50xi32, #tpu.memory_space<vmem>> -> memref<1x50xi32, #tpu.memory_space<vmem>>
    %dma_start3A_138 = tpu.memref_squeeze %dma_start3A_137 : memref<1x50xi32, #tpu.memory_space<vmem>> -> memref<50xi32, #tpu.memory_space<vmem>>
    %dma_start3A_139 = arith.constant 0 : i32
    %dma_start3A_140 = arith.constant 0 : i32
    %dma_start3A_141 = tpu.memref_slice %arg3[%dma_start3A_139, %dma_start3A_140] : memref<100000x32xf32, #tpu.memory_space<hbm>> -> memref<100000x32xf32, #tpu.memory_space<hbm>>
    tpu.enqueue_indirect_dma source(%dma_start3A_141 : memref<100000x32xf32, #tpu.memory_space<hbm>>) target(%dma_start3A_135 : memref<50x32xf32, #tpu.memory_space<vmem>>) offsets(%dma_start3A_138 : memref<50xi32, #tpu.memory_space<vmem>>) semaphore(%arg8 : memref<!tpu.dma_semaphore, #tpu.memory_space<semaphore_mem>>)
    %dma_start3A_142 = arith.constant 14 : i32
    %dma_start3A_143 = arith.constant 700 : i32
    %dma_start3A_144 = arith.constant 0 : i32
    %dma_start3A_145 = tpu.memref_slice %arg6[%dma_start3A_143, %dma_start3A_144] : memref<1600x32xf32, #tpu.memory_space<vmem>> -> memref<50x32xf32, #tpu.memory_space<vmem>>
    %dma_start3A_146 = arith.constant 0 : i32
    %dma_start3A_147 = tpu.memref_slice %arg5[%dma_start3A_142, %dma_start3A_146] : memref<32x50xi32, #tpu.memory_space<vmem>> -> memref<1x50xi32, #tpu.memory_space<vmem>>
    %dma_start3A_148 = tpu.memref_squeeze %dma_start3A_147 : memref<1x50xi32, #tpu.memory_space<vmem>> -> memref<50xi32, #tpu.memory_space<vmem>>
    %dma_start3A_149 = arith.constant 0 : i32
    %dma_start3A_150 = arith.constant 0 : i32
    %dma_start3A_151 = tpu.memref_slice %arg3[%dma_start3A_149, %dma_start3A_150] : memref<100000x32xf32, #tpu.memory_space<hbm>> -> memref<100000x32xf32, #tpu.memory_space<hbm>>
    tpu.enqueue_indirect_dma source(%dma_start3A_151 : memref<100000x32xf32, #tpu.memory_space<hbm>>) target(%dma_start3A_145 : memref<50x32xf32, #tpu.memory_space<vmem>>) offsets(%dma_start3A_148 : memref<50xi32, #tpu.memory_space<vmem>>) semaphore(%arg8 : memref<!tpu.dma_semaphore, #tpu.memory_space<semaphore_mem>>)
    %dma_start3A_152 = arith.constant 15 : i32
    %dma_start3A_153 = arith.constant 750 : i32
    %dma_start3A_154 = arith.constant 0 : i32
    %dma_start3A_155 = tpu.memref_slice %arg6[%dma_start3A_153, %dma_start3A_154] : memref<1600x32xf32, #tpu.memory_space<vmem>> -> memref<50x32xf32, #tpu.memory_space<vmem>>
    %dma_start3A_156 = arith.constant 0 : i32
    %dma_start3A_157 = tpu.memref_slice %arg5[%dma_start3A_152, %dma_start3A_156] : memref<32x50xi32, #tpu.memory_space<vmem>> -> memref<1x50xi32, #tpu.memory_space<vmem>>
    %dma_start3A_158 = tpu.memref_squeeze %dma_start3A_157 : memref<1x50xi32, #tpu.memory_space<vmem>> -> memref<50xi32, #tpu.memory_space<vmem>>
    %dma_start3A_159 = arith.constant 0 : i32
    %dma_start3A_160 = arith.constant 0 : i32
    %dma_start3A_161 = tpu.memref_slice %arg3[%dma_start3A_159, %dma_start3A_160] : memref<100000x32xf32, #tpu.memory_space<hbm>> -> memref<100000x32xf32, #tpu.memory_space<hbm>>
    tpu.enqueue_indirect_dma source(%dma_start3A_161 : memref<100000x32xf32, #tpu.memory_space<hbm>>) target(%dma_start3A_155 : memref<50x32xf32, #tpu.memory_space<vmem>>) offsets(%dma_start3A_158 : memref<50xi32, #tpu.memory_space<vmem>>) semaphore(%arg8 : memref<!tpu.dma_semaphore, #tpu.memory_space<semaphore_mem>>)
    %dma_start3A_162 = arith.constant 16 : i32
    %dma_start3A_163 = arith.constant 800 : i32
    %dma_start3A_164 = arith.constant 0 : i32
    %dma_start3A_165 = tpu.memref_slice %arg6[%dma_start3A_163, %dma_start3A_164] : memref<1600x32xf32, #tpu.memory_space<vmem>> -> memref<50x32xf32, #tpu.memory_space<vmem>>
    %dma_start3A_166 = arith.constant 0 : i32
    %dma_start3A_167 = tpu.memref_slice %arg5[%dma_start3A_162, %dma_start3A_166] : memref<32x50xi32, #tpu.memory_space<vmem>> -> memref<1x50xi32, #tpu.memory_space<vmem>>
    %dma_start3A_168 = tpu.memref_squeeze %dma_start3A_167 : memref<1x50xi32, #tpu.memory_space<vmem>> -> memref<50xi32, #tpu.memory_space<vmem>>
    %dma_start3A_169 = arith.constant 0 : i32
    %dma_start3A_170 = arith.constant 0 : i32
    %dma_start3A_171 = tpu.memref_slice %arg3[%dma_start3A_169, %dma_start3A_170] : memref<100000x32xf32, #tpu.memory_space<hbm>> -> memref<100000x32xf32, #tpu.memory_space<hbm>>
    tpu.enqueue_indirect_dma source(%dma_start3A_171 : memref<100000x32xf32, #tpu.memory_space<hbm>>) target(%dma_start3A_165 : memref<50x32xf32, #tpu.memory_space<vmem>>) offsets(%dma_start3A_168 : memref<50xi32, #tpu.memory_space<vmem>>) semaphore(%arg8 : memref<!tpu.dma_semaphore, #tpu.memory_space<semaphore_mem>>)
    %dma_start3A_172 = arith.constant 17 : i32
    %dma_start3A_173 = arith.constant 850 : i32
    %dma_start3A_174 = arith.constant 0 : i32
    %dma_start3A_175 = tpu.memref_slice %arg6[%dma_start3A_173, %dma_start3A_174] : memref<1600x32xf32, #tpu.memory_space<vmem>> -> memref<50x32xf32, #tpu.memory_space<vmem>>
    %dma_start3A_176 = arith.constant 0 : i32
    %dma_start3A_177 = tpu.memref_slice %arg5[%dma_start3A_172, %dma_start3A_176] : memref<32x50xi32, #tpu.memory_space<vmem>> -> memref<1x50xi32, #tpu.memory_space<vmem>>
    %dma_start3A_178 = tpu.memref_squeeze %dma_start3A_177 : memref<1x50xi32, #tpu.memory_space<vmem>> -> memref<50xi32, #tpu.memory_space<vmem>>
    %dma_start3A_179 = arith.constant 0 : i32
    %dma_start3A_180 = arith.constant 0 : i32
    %dma_start3A_181 = tpu.memref_slice %arg3[%dma_start3A_179, %dma_start3A_180] : memref<100000x32xf32, #tpu.memory_space<hbm>> -> memref<100000x32xf32, #tpu.memory_space<hbm>>
    tpu.enqueue_indirect_dma source(%dma_start3A_181 : memref<100000x32xf32, #tpu.memory_space<hbm>>) target(%dma_start3A_175 : memref<50x32xf32, #tpu.memory_space<vmem>>) offsets(%dma_start3A_178 : memref<50xi32, #tpu.memory_space<vmem>>) semaphore(%arg8 : memref<!tpu.dma_semaphore, #tpu.memory_space<semaphore_mem>>)
    %dma_start3A_182 = arith.constant 18 : i32
    %dma_start3A_183 = arith.constant 900 : i32
    %dma_start3A_184 = arith.constant 0 : i32
    %dma_start3A_185 = tpu.memref_slice %arg6[%dma_start3A_183, %dma_start3A_184] : memref<1600x32xf32, #tpu.memory_space<vmem>> -> memref<50x32xf32, #tpu.memory_space<vmem>>
    %dma_start3A_186 = arith.constant 0 : i32
    %dma_start3A_187 = tpu.memref_slice %arg5[%dma_start3A_182, %dma_start3A_186] : memref<32x50xi32, #tpu.memory_space<vmem>> -> memref<1x50xi32, #tpu.memory_space<vmem>>
    %dma_start3A_188 = tpu.memref_squeeze %dma_start3A_187 : memref<1x50xi32, #tpu.memory_space<vmem>> -> memref<50xi32, #tpu.memory_space<vmem>>
    %dma_start3A_189 = arith.constant 0 : i32
    %dma_start3A_190 = arith.constant 0 : i32
    %dma_start3A_191 = tpu.memref_slice %arg3[%dma_start3A_189, %dma_start3A_190] : memref<100000x32xf32, #tpu.memory_space<hbm>> -> memref<100000x32xf32, #tpu.memory_space<hbm>>
    tpu.enqueue_indirect_dma source(%dma_start3A_191 : memref<100000x32xf32, #tpu.memory_space<hbm>>) target(%dma_start3A_185 : memref<50x32xf32, #tpu.memory_space<vmem>>) offsets(%dma_start3A_188 : memref<50xi32, #tpu.memory_space<vmem>>) semaphore(%arg8 : memref<!tpu.dma_semaphore, #tpu.memory_space<semaphore_mem>>)
    %dma_start3A_192 = arith.constant 19 : i32
    %dma_start3A_193 = arith.constant 950 : i32
    %dma_start3A_194 = arith.constant 0 : i32
    %dma_start3A_195 = tpu.memref_slice %arg6[%dma_start3A_193, %dma_start3A_194] : memref<1600x32xf32, #tpu.memory_space<vmem>> -> memref<50x32xf32, #tpu.memory_space<vmem>>
    %dma_start3A_196 = arith.constant 0 : i32
    %dma_start3A_197 = tpu.memref_slice %arg5[%dma_start3A_192, %dma_start3A_196] : memref<32x50xi32, #tpu.memory_space<vmem>> -> memref<1x50xi32, #tpu.memory_space<vmem>>
    %dma_start3A_198 = tpu.memref_squeeze %dma_start3A_197 : memref<1x50xi32, #tpu.memory_space<vmem>> -> memref<50xi32, #tpu.memory_space<vmem>>
    %dma_start3A_199 = arith.constant 0 : i32
    %dma_start3A_200 = arith.constant 0 : i32
    %dma_start3A_201 = tpu.memref_slice %arg3[%dma_start3A_199, %dma_start3A_200] : memref<100000x32xf32, #tpu.memory_space<hbm>> -> memref<100000x32xf32, #tpu.memory_space<hbm>>
    tpu.enqueue_indirect_dma source(%dma_start3A_201 : memref<100000x32xf32, #tpu.memory_space<hbm>>) target(%dma_start3A_195 : memref<50x32xf32, #tpu.memory_space<vmem>>) offsets(%dma_start3A_198 : memref<50xi32, #tpu.memory_space<vmem>>) semaphore(%arg8 : memref<!tpu.dma_semaphore, #tpu.memory_space<semaphore_mem>>)
    %dma_start3A_202 = arith.constant 20 : i32
    %dma_start3A_203 = arith.constant 1000 : i32
    %dma_start3A_204 = arith.constant 0 : i32
    %dma_start3A_205 = tpu.memref_slice %arg6[%dma_start3A_203, %dma_start3A_204] : memref<1600x32xf32, #tpu.memory_space<vmem>> -> memref<50x32xf32, #tpu.memory_space<vmem>>
    %dma_start3A_206 = arith.constant 0 : i32
    %dma_start3A_207 = tpu.memref_slice %arg5[%dma_start3A_202, %dma_start3A_206] : memref<32x50xi32, #tpu.memory_space<vmem>> -> memref<1x50xi32, #tpu.memory_space<vmem>>
    %dma_start3A_208 = tpu.memref_squeeze %dma_start3A_207 : memref<1x50xi32, #tpu.memory_space<vmem>> -> memref<50xi32, #tpu.memory_space<vmem>>
    %dma_start3A_209 = arith.constant 0 : i32
    %dma_start3A_210 = arith.constant 0 : i32
    %dma_start3A_211 = tpu.memref_slice %arg3[%dma_start3A_209, %dma_start3A_210] : memref<100000x32xf32, #tpu.memory_space<hbm>> -> memref<100000x32xf32, #tpu.memory_space<hbm>>
    tpu.enqueue_indirect_dma source(%dma_start3A_211 : memref<100000x32xf32, #tpu.memory_space<hbm>>) target(%dma_start3A_205 : memref<50x32xf32, #tpu.memory_space<vmem>>) offsets(%dma_start3A_208 : memref<50xi32, #tpu.memory_space<vmem>>) semaphore(%arg8 : memref<!tpu.dma_semaphore, #tpu.memory_space<semaphore_mem>>)
    %dma_start3A_212 = arith.constant 21 : i32
    %dma_start3A_213 = arith.constant 1050 : i32
    %dma_start3A_214 = arith.constant 0 : i32
    %dma_start3A_215 = tpu.memref_slice %arg6[%dma_start3A_213, %dma_start3A_214] : memref<1600x32xf32, #tpu.memory_space<vmem>> -> memref<50x32xf32, #tpu.memory_space<vmem>>
    %dma_start3A_216 = arith.constant 0 : i32
    %dma_start3A_217 = tpu.memref_slice %arg5[%dma_start3A_212, %dma_start3A_216] : memref<32x50xi32, #tpu.memory_space<vmem>> -> memref<1x50xi32, #tpu.memory_space<vmem>>
    %dma_start3A_218 = tpu.memref_squeeze %dma_start3A_217 : memref<1x50xi32, #tpu.memory_space<vmem>> -> memref<50xi32, #tpu.memory_space<vmem>>
    %dma_start3A_219 = arith.constant 0 : i32
    %dma_start3A_220 = arith.constant 0 : i32
    %dma_start3A_221 = tpu.memref_slice %arg3[%dma_start3A_219, %dma_start3A_220] : memref<100000x32xf32, #tpu.memory_space<hbm>> -> memref<100000x32xf32, #tpu.memory_space<hbm>>
    tpu.enqueue_indirect_dma source(%dma_start3A_221 : memref<100000x32xf32, #tpu.memory_space<hbm>>) target(%dma_start3A_215 : memref<50x32xf32, #tpu.memory_space<vmem>>) offsets(%dma_start3A_218 : memref<50xi32, #tpu.memory_space<vmem>>) semaphore(%arg8 : memref<!tpu.dma_semaphore, #tpu.memory_space<semaphore_mem>>)
    %dma_start3A_222 = arith.constant 22 : i32
    %dma_start3A_223 = arith.constant 1100 : i32
    %dma_start3A_224 = arith.constant 0 : i32
    %dma_start3A_225 = tpu.memref_slice %arg6[%dma_start3A_223, %dma_start3A_224] : memref<1600x32xf32, #tpu.memory_space<vmem>> -> memref<50x32xf32, #tpu.memory_space<vmem>>
    %dma_start3A_226 = arith.constant 0 : i32
    %dma_start3A_227 = tpu.memref_slice %arg5[%dma_start3A_222, %dma_start3A_226] : memref<32x50xi32, #tpu.memory_space<vmem>> -> memref<1x50xi32, #tpu.memory_space<vmem>>
    %dma_start3A_228 = tpu.memref_squeeze %dma_start3A_227 : memref<1x50xi32, #tpu.memory_space<vmem>> -> memref<50xi32, #tpu.memory_space<vmem>>
    %dma_start3A_229 = arith.constant 0 : i32
    %dma_start3A_230 = arith.constant 0 : i32
    %dma_start3A_231 = tpu.memref_slice %arg3[%dma_start3A_229, %dma_start3A_230] : memref<100000x32xf32, #tpu.memory_space<hbm>> -> memref<100000x32xf32, #tpu.memory_space<hbm>>
    tpu.enqueue_indirect_dma source(%dma_start3A_231 : memref<100000x32xf32, #tpu.memory_space<hbm>>) target(%dma_start3A_225 : memref<50x32xf32, #tpu.memory_space<vmem>>) offsets(%dma_start3A_228 : memref<50xi32, #tpu.memory_space<vmem>>) semaphore(%arg8 : memref<!tpu.dma_semaphore, #tpu.memory_space<semaphore_mem>>)
    %dma_start3A_232 = arith.constant 23 : i32
    %dma_start3A_233 = arith.constant 1150 : i32
    %dma_start3A_234 = arith.constant 0 : i32
    %dma_start3A_235 = tpu.memref_slice %arg6[%dma_start3A_233, %dma_start3A_234] : memref<1600x32xf32, #tpu.memory_space<vmem>> -> memref<50x32xf32, #tpu.memory_space<vmem>>
    %dma_start3A_236 = arith.constant 0 : i32
    %dma_start3A_237 = tpu.memref_slice %arg5[%dma_start3A_232, %dma_start3A_236] : memref<32x50xi32, #tpu.memory_space<vmem>> -> memref<1x50xi32, #tpu.memory_space<vmem>>
    %dma_start3A_238 = tpu.memref_squeeze %dma_start3A_237 : memref<1x50xi32, #tpu.memory_space<vmem>> -> memref<50xi32, #tpu.memory_space<vmem>>
    %dma_start3A_239 = arith.constant 0 : i32
    %dma_start3A_240 = arith.constant 0 : i32
    %dma_start3A_241 = tpu.memref_slice %arg3[%dma_start3A_239, %dma_start3A_240] : memref<100000x32xf32, #tpu.memory_space<hbm>> -> memref<100000x32xf32, #tpu.memory_space<hbm>>
    tpu.enqueue_indirect_dma source(%dma_start3A_241 : memref<100000x32xf32, #tpu.memory_space<hbm>>) target(%dma_start3A_235 : memref<50x32xf32, #tpu.memory_space<vmem>>) offsets(%dma_start3A_238 : memref<50xi32, #tpu.memory_space<vmem>>) semaphore(%arg8 : memref<!tpu.dma_semaphore, #tpu.memory_space<semaphore_mem>>)
    %dma_start3A_242 = arith.constant 24 : i32
    %dma_start3A_243 = arith.constant 1200 : i32
    %dma_start3A_244 = arith.constant 0 : i32
    %dma_start3A_245 = tpu.memref_slice %arg6[%dma_start3A_243, %dma_start3A_244] : memref<1600x32xf32, #tpu.memory_space<vmem>> -> memref<50x32xf32, #tpu.memory_space<vmem>>
    %dma_start3A_246 = arith.constant 0 : i32
    %dma_start3A_247 = tpu.memref_slice %arg5[%dma_start3A_242, %dma_start3A_246] : memref<32x50xi32, #tpu.memory_space<vmem>> -> memref<1x50xi32, #tpu.memory_space<vmem>>
    %dma_start3A_248 = tpu.memref_squeeze %dma_start3A_247 : memref<1x50xi32, #tpu.memory_space<vmem>> -> memref<50xi32, #tpu.memory_space<vmem>>
    %dma_start3A_249 = arith.constant 0 : i32
    %dma_start3A_250 = arith.constant 0 : i32
    %dma_start3A_251 = tpu.memref_slice %arg3[%dma_start3A_249, %dma_start3A_250] : memref<100000x32xf32, #tpu.memory_space<hbm>> -> memref<100000x32xf32, #tpu.memory_space<hbm>>
    tpu.enqueue_indirect_dma source(%dma_start3A_251 : memref<100000x32xf32, #tpu.memory_space<hbm>>) target(%dma_start3A_245 : memref<50x32xf32, #tpu.memory_space<vmem>>) offsets(%dma_start3A_248 : memref<50xi32, #tpu.memory_space<vmem>>) semaphore(%arg8 : memref<!tpu.dma_semaphore, #tpu.memory_space<semaphore_mem>>)
    %dma_start3A_252 = arith.constant 25 : i32
    %dma_start3A_253 = arith.constant 1250 : i32
    %dma_start3A_254 = arith.constant 0 : i32
    %dma_start3A_255 = tpu.memref_slice %arg6[%dma_start3A_253, %dma_start3A_254] : memref<1600x32xf32, #tpu.memory_space<vmem>> -> memref<50x32xf32, #tpu.memory_space<vmem>>
    %dma_start3A_256 = arith.constant 0 : i32
    %dma_start3A_257 = tpu.memref_slice %arg5[%dma_start3A_252, %dma_start3A_256] : memref<32x50xi32, #tpu.memory_space<vmem>> -> memref<1x50xi32, #tpu.memory_space<vmem>>
    %dma_start3A_258 = tpu.memref_squeeze %dma_start3A_257 : memref<1x50xi32, #tpu.memory_space<vmem>> -> memref<50xi32, #tpu.memory_space<vmem>>
    %dma_start3A_259 = arith.constant 0 : i32
    %dma_start3A_260 = arith.constant 0 : i32
    %dma_start3A_261 = tpu.memref_slice %arg3[%dma_start3A_259, %dma_start3A_260] : memref<100000x32xf32, #tpu.memory_space<hbm>> -> memref<100000x32xf32, #tpu.memory_space<hbm>>
    tpu.enqueue_indirect_dma source(%dma_start3A_261 : memref<100000x32xf32, #tpu.memory_space<hbm>>) target(%dma_start3A_255 : memref<50x32xf32, #tpu.memory_space<vmem>>) offsets(%dma_start3A_258 : memref<50xi32, #tpu.memory_space<vmem>>) semaphore(%arg8 : memref<!tpu.dma_semaphore, #tpu.memory_space<semaphore_mem>>)
    %dma_start3A_262 = arith.constant 26 : i32
    %dma_start3A_263 = arith.constant 1300 : i32
    %dma_start3A_264 = arith.constant 0 : i32
    %dma_start3A_265 = tpu.memref_slice %arg6[%dma_start3A_263, %dma_start3A_264] : memref<1600x32xf32, #tpu.memory_space<vmem>> -> memref<50x32xf32, #tpu.memory_space<vmem>>
    %dma_start3A_266 = arith.constant 0 : i32
    %dma_start3A_267 = tpu.memref_slice %arg5[%dma_start3A_262, %dma_start3A_266] : memref<32x50xi32, #tpu.memory_space<vmem>> -> memref<1x50xi32, #tpu.memory_space<vmem>>
    %dma_start3A_268 = tpu.memref_squeeze %dma_start3A_267 : memref<1x50xi32, #tpu.memory_space<vmem>> -> memref<50xi32, #tpu.memory_space<vmem>>
    %dma_start3A_269 = arith.constant 0 : i32
    %dma_start3A_270 = arith.constant 0 : i32
    %dma_start3A_271 = tpu.memref_slice %arg3[%dma_start3A_269, %dma_start3A_270] : memref<100000x32xf32, #tpu.memory_space<hbm>> -> memref<100000x32xf32, #tpu.memory_space<hbm>>
    tpu.enqueue_indirect_dma source(%dma_start3A_271 : memref<100000x32xf32, #tpu.memory_space<hbm>>) target(%dma_start3A_265 : memref<50x32xf32, #tpu.memory_space<vmem>>) offsets(%dma_start3A_268 : memref<50xi32, #tpu.memory_space<vmem>>) semaphore(%arg8 : memref<!tpu.dma_semaphore, #tpu.memory_space<semaphore_mem>>)
    %dma_start3A_272 = arith.constant 27 : i32
    %dma_start3A_273 = arith.constant 1350 : i32
    %dma_start3A_274 = arith.constant 0 : i32
    %dma_start3A_275 = tpu.memref_slice %arg6[%dma_start3A_273, %dma_start3A_274] : memref<1600x32xf32, #tpu.memory_space<vmem>> -> memref<50x32xf32, #tpu.memory_space<vmem>>
    %dma_start3A_276 = arith.constant 0 : i32
    %dma_start3A_277 = tpu.memref_slice %arg5[%dma_start3A_272, %dma_start3A_276] : memref<32x50xi32, #tpu.memory_space<vmem>> -> memref<1x50xi32, #tpu.memory_space<vmem>>
    %dma_start3A_278 = tpu.memref_squeeze %dma_start3A_277 : memref<1x50xi32, #tpu.memory_space<vmem>> -> memref<50xi32, #tpu.memory_space<vmem>>
    %dma_start3A_279 = arith.constant 0 : i32
    %dma_start3A_280 = arith.constant 0 : i32
    %dma_start3A_281 = tpu.memref_slice %arg3[%dma_start3A_279, %dma_start3A_280] : memref<100000x32xf32, #tpu.memory_space<hbm>> -> memref<100000x32xf32, #tpu.memory_space<hbm>>
    tpu.enqueue_indirect_dma source(%dma_start3A_281 : memref<100000x32xf32, #tpu.memory_space<hbm>>) target(%dma_start3A_275 : memref<50x32xf32, #tpu.memory_space<vmem>>) offsets(%dma_start3A_278 : memref<50xi32, #tpu.memory_space<vmem>>) semaphore(%arg8 : memref<!tpu.dma_semaphore, #tpu.memory_space<semaphore_mem>>)
    %dma_start3A_282 = arith.constant 28 : i32
    %dma_start3A_283 = arith.constant 1400 : i32
    %dma_start3A_284 = arith.constant 0 : i32
    %dma_start3A_285 = tpu.memref_slice %arg6[%dma_start3A_283, %dma_start3A_284] : memref<1600x32xf32, #tpu.memory_space<vmem>> -> memref<50x32xf32, #tpu.memory_space<vmem>>
    %dma_start3A_286 = arith.constant 0 : i32
    %dma_start3A_287 = tpu.memref_slice %arg5[%dma_start3A_282, %dma_start3A_286] : memref<32x50xi32, #tpu.memory_space<vmem>> -> memref<1x50xi32, #tpu.memory_space<vmem>>
    %dma_start3A_288 = tpu.memref_squeeze %dma_start3A_287 : memref<1x50xi32, #tpu.memory_space<vmem>> -> memref<50xi32, #tpu.memory_space<vmem>>
    %dma_start3A_289 = arith.constant 0 : i32
    %dma_start3A_290 = arith.constant 0 : i32
    %dma_start3A_291 = tpu.memref_slice %arg3[%dma_start3A_289, %dma_start3A_290] : memref<100000x32xf32, #tpu.memory_space<hbm>> -> memref<100000x32xf32, #tpu.memory_space<hbm>>
    tpu.enqueue_indirect_dma source(%dma_start3A_291 : memref<100000x32xf32, #tpu.memory_space<hbm>>) target(%dma_start3A_285 : memref<50x32xf32, #tpu.memory_space<vmem>>) offsets(%dma_start3A_288 : memref<50xi32, #tpu.memory_space<vmem>>) semaphore(%arg8 : memref<!tpu.dma_semaphore, #tpu.memory_space<semaphore_mem>>)
    %dma_start3A_292 = arith.constant 29 : i32
    %dma_start3A_293 = arith.constant 1450 : i32
    %dma_start3A_294 = arith.constant 0 : i32
    %dma_start3A_295 = tpu.memref_slice %arg6[%dma_start3A_293, %dma_start3A_294] : memref<1600x32xf32, #tpu.memory_space<vmem>> -> memref<50x32xf32, #tpu.memory_space<vmem>>
    %dma_start3A_296 = arith.constant 0 : i32
    %dma_start3A_297 = tpu.memref_slice %arg5[%dma_start3A_292, %dma_start3A_296] : memref<32x50xi32, #tpu.memory_space<vmem>> -> memref<1x50xi32, #tpu.memory_space<vmem>>
    %dma_start3A_298 = tpu.memref_squeeze %dma_start3A_297 : memref<1x50xi32, #tpu.memory_space<vmem>> -> memref<50xi32, #tpu.memory_space<vmem>>
    %dma_start3A_299 = arith.constant 0 : i32
    %dma_start3A_300 = arith.constant 0 : i32
    %dma_start3A_301 = tpu.memref_slice %arg3[%dma_start3A_299, %dma_start3A_300] : memref<100000x32xf32, #tpu.memory_space<hbm>> -> memref<100000x32xf32, #tpu.memory_space<hbm>>
    tpu.enqueue_indirect_dma source(%dma_start3A_301 : memref<100000x32xf32, #tpu.memory_space<hbm>>) target(%dma_start3A_295 : memref<50x32xf32, #tpu.memory_space<vmem>>) offsets(%dma_start3A_298 : memref<50xi32, #tpu.memory_space<vmem>>) semaphore(%arg8 : memref<!tpu.dma_semaphore, #tpu.memory_space<semaphore_mem>>)
    %dma_start3A_302 = arith.constant 30 : i32
    %dma_start3A_303 = arith.constant 1500 : i32
    %dma_start3A_304 = arith.constant 0 : i32
    %dma_start3A_305 = tpu.memref_slice %arg6[%dma_start3A_303, %dma_start3A_304] : memref<1600x32xf32, #tpu.memory_space<vmem>> -> memref<50x32xf32, #tpu.memory_space<vmem>>
    %dma_start3A_306 = arith.constant 0 : i32
    %dma_start3A_307 = tpu.memref_slice %arg5[%dma_start3A_302, %dma_start3A_306] : memref<32x50xi32, #tpu.memory_space<vmem>> -> memref<1x50xi32, #tpu.memory_space<vmem>>
    %dma_start3A_308 = tpu.memref_squeeze %dma_start3A_307 : memref<1x50xi32, #tpu.memory_space<vmem>> -> memref<50xi32, #tpu.memory_space<vmem>>
    %dma_start3A_309 = arith.constant 0 : i32
    %dma_start3A_310 = arith.constant 0 : i32
    %dma_start3A_311 = tpu.memref_slice %arg3[%dma_start3A_309, %dma_start3A_310] : memref<100000x32xf32, #tpu.memory_space<hbm>> -> memref<100000x32xf32, #tpu.memory_space<hbm>>
    tpu.enqueue_indirect_dma source(%dma_start3A_311 : memref<100000x32xf32, #tpu.memory_space<hbm>>) target(%dma_start3A_305 : memref<50x32xf32, #tpu.memory_space<vmem>>) offsets(%dma_start3A_308 : memref<50xi32, #tpu.memory_space<vmem>>) semaphore(%arg8 : memref<!tpu.dma_semaphore, #tpu.memory_space<semaphore_mem>>)
    %dma_start3A_312 = arith.constant 31 : i32
    %dma_start3A_313 = arith.constant 1550 : i32
    %dma_start3A_314 = arith.constant 0 : i32
    %dma_start3A_315 = tpu.memref_slice %arg6[%dma_start3A_313, %dma_start3A_314] : memref<1600x32xf32, #tpu.memory_space<vmem>> -> memref<50x32xf32, #tpu.memory_space<vmem>>
    %dma_start3A_316 = arith.constant 0 : i32
    %dma_start3A_317 = tpu.memref_slice %arg5[%dma_start3A_312, %dma_start3A_316] : memref<32x50xi32, #tpu.memory_space<vmem>> -> memref<1x50xi32, #tpu.memory_space<vmem>>
    %dma_start3A_318 = tpu.memref_squeeze %dma_start3A_317 : memref<1x50xi32, #tpu.memory_space<vmem>> -> memref<50xi32, #tpu.memory_space<vmem>>
    %dma_start3A_319 = arith.constant 0 : i32
    %dma_start3A_320 = arith.constant 0 : i32
    %dma_start3A_321 = tpu.memref_slice %arg3[%dma_start3A_319, %dma_start3A_320] : memref<100000x32xf32, #tpu.memory_space<hbm>> -> memref<100000x32xf32, #tpu.memory_space<hbm>>
    tpu.enqueue_indirect_dma source(%dma_start3A_321 : memref<100000x32xf32, #tpu.memory_space<hbm>>) target(%dma_start3A_315 : memref<50x32xf32, #tpu.memory_space<vmem>>) offsets(%dma_start3A_318 : memref<50xi32, #tpu.memory_space<vmem>>) semaphore(%arg8 : memref<!tpu.dma_semaphore, #tpu.memory_space<semaphore_mem>>)
    %dma_wait3A = arith.constant 0 : i32
    %dma_wait3A_322 = arith.constant 0 : i32
    %dma_wait3A_323 = arith.constant 0 : i32
    %dma_wait3A_324 = tpu.memref_slice %arg6[%dma_wait3A_322, %dma_wait3A_323] : memref<1600x32xf32, #tpu.memory_space<vmem>> -> memref<50x32xf32, #tpu.memory_space<vmem>>
    %dma_wait3A_325 = arith.constant 0 : i32
    %dma_wait3A_326 = tpu.memref_slice %arg5[%dma_wait3A, %dma_wait3A_325] : memref<32x50xi32, #tpu.memory_space<vmem>> -> memref<1x50xi32, #tpu.memory_space<vmem>>
    %dma_wait3A_327 = tpu.memref_squeeze %dma_wait3A_326 : memref<1x50xi32, #tpu.memory_space<vmem>> -> memref<50xi32, #tpu.memory_space<vmem>>
    %dma_wait3A_328 = arith.constant 0 : i32
    %dma_wait3A_329 = arith.constant 0 : i32
    %dma_wait3A_330 = tpu.memref_slice %arg3[%dma_wait3A_328, %dma_wait3A_329] : memref<100000x32xf32, #tpu.memory_space<hbm>> -> memref<100000x32xf32, #tpu.memory_space<hbm>>
    tpu.wait_indirect_dma semaphore(%arg8 : memref<!tpu.dma_semaphore, #tpu.memory_space<semaphore_mem>>) src(%dma_wait3A_330 : memref<100000x32xf32, #tpu.memory_space<hbm>>) dst(%dma_wait3A_324 : memref<50x32xf32, #tpu.memory_space<vmem>>)
    %dma_wait3A_331 = arith.constant 1 : i32
    %dma_wait3A_332 = arith.constant 50 : i32
    %dma_wait3A_333 = arith.constant 0 : i32
    %dma_wait3A_334 = tpu.memref_slice %arg6[%dma_wait3A_332, %dma_wait3A_333] : memref<1600x32xf32, #tpu.memory_space<vmem>> -> memref<50x32xf32, #tpu.memory_space<vmem>>
    %dma_wait3A_335 = arith.constant 0 : i32
    %dma_wait3A_336 = tpu.memref_slice %arg5[%dma_wait3A_331, %dma_wait3A_335] : memref<32x50xi32, #tpu.memory_space<vmem>> -> memref<1x50xi32, #tpu.memory_space<vmem>>
    %dma_wait3A_337 = tpu.memref_squeeze %dma_wait3A_336 : memref<1x50xi32, #tpu.memory_space<vmem>> -> memref<50xi32, #tpu.memory_space<vmem>>
    %dma_wait3A_338 = arith.constant 0 : i32
    %dma_wait3A_339 = arith.constant 0 : i32
    %dma_wait3A_340 = tpu.memref_slice %arg3[%dma_wait3A_338, %dma_wait3A_339] : memref<100000x32xf32, #tpu.memory_space<hbm>> -> memref<100000x32xf32, #tpu.memory_space<hbm>>
    tpu.wait_indirect_dma semaphore(%arg8 : memref<!tpu.dma_semaphore, #tpu.memory_space<semaphore_mem>>) src(%dma_wait3A_340 : memref<100000x32xf32, #tpu.memory_space<hbm>>) dst(%dma_wait3A_334 : memref<50x32xf32, #tpu.memory_space<vmem>>)
    %dma_wait3A_341 = arith.constant 2 : i32
    %dma_wait3A_342 = arith.constant 100 : i32
    %dma_wait3A_343 = arith.constant 0 : i32
    %dma_wait3A_344 = tpu.memref_slice %arg6[%dma_wait3A_342, %dma_wait3A_343] : memref<1600x32xf32, #tpu.memory_space<vmem>> -> memref<50x32xf32, #tpu.memory_space<vmem>>
    %dma_wait3A_345 = arith.constant 0 : i32
    %dma_wait3A_346 = tpu.memref_slice %arg5[%dma_wait3A_341, %dma_wait3A_345] : memref<32x50xi32, #tpu.memory_space<vmem>> -> memref<1x50xi32, #tpu.memory_space<vmem>>
    %dma_wait3A_347 = tpu.memref_squeeze %dma_wait3A_346 : memref<1x50xi32, #tpu.memory_space<vmem>> -> memref<50xi32, #tpu.memory_space<vmem>>
    %dma_wait3A_348 = arith.constant 0 : i32
    %dma_wait3A_349 = arith.constant 0 : i32
    %dma_wait3A_350 = tpu.memref_slice %arg3[%dma_wait3A_348, %dma_wait3A_349] : memref<100000x32xf32, #tpu.memory_space<hbm>> -> memref<100000x32xf32, #tpu.memory_space<hbm>>
    tpu.wait_indirect_dma semaphore(%arg8 : memref<!tpu.dma_semaphore, #tpu.memory_space<semaphore_mem>>) src(%dma_wait3A_350 : memref<100000x32xf32, #tpu.memory_space<hbm>>) dst(%dma_wait3A_344 : memref<50x32xf32, #tpu.memory_space<vmem>>)
    %dma_wait3A_351 = arith.constant 3 : i32
    %dma_wait3A_352 = arith.constant 150 : i32
    %dma_wait3A_353 = arith.constant 0 : i32
    %dma_wait3A_354 = tpu.memref_slice %arg6[%dma_wait3A_352, %dma_wait3A_353] : memref<1600x32xf32, #tpu.memory_space<vmem>> -> memref<50x32xf32, #tpu.memory_space<vmem>>
    %dma_wait3A_355 = arith.constant 0 : i32
    %dma_wait3A_356 = tpu.memref_slice %arg5[%dma_wait3A_351, %dma_wait3A_355] : memref<32x50xi32, #tpu.memory_space<vmem>> -> memref<1x50xi32, #tpu.memory_space<vmem>>
    %dma_wait3A_357 = tpu.memref_squeeze %dma_wait3A_356 : memref<1x50xi32, #tpu.memory_space<vmem>> -> memref<50xi32, #tpu.memory_space<vmem>>
    %dma_wait3A_358 = arith.constant 0 : i32
    %dma_wait3A_359 = arith.constant 0 : i32
    %dma_wait3A_360 = tpu.memref_slice %arg3[%dma_wait3A_358, %dma_wait3A_359] : memref<100000x32xf32, #tpu.memory_space<hbm>> -> memref<100000x32xf32, #tpu.memory_space<hbm>>
    tpu.wait_indirect_dma semaphore(%arg8 : memref<!tpu.dma_semaphore, #tpu.memory_space<semaphore_mem>>) src(%dma_wait3A_360 : memref<100000x32xf32, #tpu.memory_space<hbm>>) dst(%dma_wait3A_354 : memref<50x32xf32, #tpu.memory_space<vmem>>)
    %dma_wait3A_361 = arith.constant 4 : i32
    %dma_wait3A_362 = arith.constant 200 : i32
    %dma_wait3A_363 = arith.constant 0 : i32
    %dma_wait3A_364 = tpu.memref_slice %arg6[%dma_wait3A_362, %dma_wait3A_363] : memref<1600x32xf32, #tpu.memory_space<vmem>> -> memref<50x32xf32, #tpu.memory_space<vmem>>
    %dma_wait3A_365 = arith.constant 0 : i32
    %dma_wait3A_366 = tpu.memref_slice %arg5[%dma_wait3A_361, %dma_wait3A_365] : memref<32x50xi32, #tpu.memory_space<vmem>> -> memref<1x50xi32, #tpu.memory_space<vmem>>
    %dma_wait3A_367 = tpu.memref_squeeze %dma_wait3A_366 : memref<1x50xi32, #tpu.memory_space<vmem>> -> memref<50xi32, #tpu.memory_space<vmem>>
    %dma_wait3A_368 = arith.constant 0 : i32
    %dma_wait3A_369 = arith.constant 0 : i32
    %dma_wait3A_370 = tpu.memref_slice %arg3[%dma_wait3A_368, %dma_wait3A_369] : memref<100000x32xf32, #tpu.memory_space<hbm>> -> memref<100000x32xf32, #tpu.memory_space<hbm>>
    tpu.wait_indirect_dma semaphore(%arg8 : memref<!tpu.dma_semaphore, #tpu.memory_space<semaphore_mem>>) src(%dma_wait3A_370 : memref<100000x32xf32, #tpu.memory_space<hbm>>) dst(%dma_wait3A_364 : memref<50x32xf32, #tpu.memory_space<vmem>>)
    %dma_wait3A_371 = arith.constant 5 : i32
    %dma_wait3A_372 = arith.constant 250 : i32
    %dma_wait3A_373 = arith.constant 0 : i32
    %dma_wait3A_374 = tpu.memref_slice %arg6[%dma_wait3A_372, %dma_wait3A_373] : memref<1600x32xf32, #tpu.memory_space<vmem>> -> memref<50x32xf32, #tpu.memory_space<vmem>>
    %dma_wait3A_375 = arith.constant 0 : i32
    %dma_wait3A_376 = tpu.memref_slice %arg5[%dma_wait3A_371, %dma_wait3A_375] : memref<32x50xi32, #tpu.memory_space<vmem>> -> memref<1x50xi32, #tpu.memory_space<vmem>>
    %dma_wait3A_377 = tpu.memref_squeeze %dma_wait3A_376 : memref<1x50xi32, #tpu.memory_space<vmem>> -> memref<50xi32, #tpu.memory_space<vmem>>
    %dma_wait3A_378 = arith.constant 0 : i32
    %dma_wait3A_379 = arith.constant 0 : i32
    %dma_wait3A_380 = tpu.memref_slice %arg3[%dma_wait3A_378, %dma_wait3A_379] : memref<100000x32xf32, #tpu.memory_space<hbm>> -> memref<100000x32xf32, #tpu.memory_space<hbm>>
    tpu.wait_indirect_dma semaphore(%arg8 : memref<!tpu.dma_semaphore, #tpu.memory_space<semaphore_mem>>) src(%dma_wait3A_380 : memref<100000x32xf32, #tpu.memory_space<hbm>>) dst(%dma_wait3A_374 : memref<50x32xf32, #tpu.memory_space<vmem>>)
    %dma_wait3A_381 = arith.constant 6 : i32
    %dma_wait3A_382 = arith.constant 300 : i32
    %dma_wait3A_383 = arith.constant 0 : i32
    %dma_wait3A_384 = tpu.memref_slice %arg6[%dma_wait3A_382, %dma_wait3A_383] : memref<1600x32xf32, #tpu.memory_space<vmem>> -> memref<50x32xf32, #tpu.memory_space<vmem>>
    %dma_wait3A_385 = arith.constant 0 : i32
    %dma_wait3A_386 = tpu.memref_slice %arg5[%dma_wait3A_381, %dma_wait3A_385] : memref<32x50xi32, #tpu.memory_space<vmem>> -> memref<1x50xi32, #tpu.memory_space<vmem>>
    %dma_wait3A_387 = tpu.memref_squeeze %dma_wait3A_386 : memref<1x50xi32, #tpu.memory_space<vmem>> -> memref<50xi32, #tpu.memory_space<vmem>>
    %dma_wait3A_388 = arith.constant 0 : i32
    %dma_wait3A_389 = arith.constant 0 : i32
    %dma_wait3A_390 = tpu.memref_slice %arg3[%dma_wait3A_388, %dma_wait3A_389] : memref<100000x32xf32, #tpu.memory_space<hbm>> -> memref<100000x32xf32, #tpu.memory_space<hbm>>
    tpu.wait_indirect_dma semaphore(%arg8 : memref<!tpu.dma_semaphore, #tpu.memory_space<semaphore_mem>>) src(%dma_wait3A_390 : memref<100000x32xf32, #tpu.memory_space<hbm>>) dst(%dma_wait3A_384 : memref<50x32xf32, #tpu.memory_space<vmem>>)
    %dma_wait3A_391 = arith.constant 7 : i32
    %dma_wait3A_392 = arith.constant 350 : i32
    %dma_wait3A_393 = arith.constant 0 : i32
    %dma_wait3A_394 = tpu.memref_slice %arg6[%dma_wait3A_392, %dma_wait3A_393] : memref<1600x32xf32, #tpu.memory_space<vmem>> -> memref<50x32xf32, #tpu.memory_space<vmem>>
    %dma_wait3A_395 = arith.constant 0 : i32
    %dma_wait3A_396 = tpu.memref_slice %arg5[%dma_wait3A_391, %dma_wait3A_395] : memref<32x50xi32, #tpu.memory_space<vmem>> -> memref<1x50xi32, #tpu.memory_space<vmem>>
    %dma_wait3A_397 = tpu.memref_squeeze %dma_wait3A_396 : memref<1x50xi32, #tpu.memory_space<vmem>> -> memref<50xi32, #tpu.memory_space<vmem>>
    %dma_wait3A_398 = arith.constant 0 : i32
    %dma_wait3A_399 = arith.constant 0 : i32
    %dma_wait3A_400 = tpu.memref_slice %arg3[%dma_wait3A_398, %dma_wait3A_399] : memref<100000x32xf32, #tpu.memory_space<hbm>> -> memref<100000x32xf32, #tpu.memory_space<hbm>>
    tpu.wait_indirect_dma semaphore(%arg8 : memref<!tpu.dma_semaphore, #tpu.memory_space<semaphore_mem>>) src(%dma_wait3A_400 : memref<100000x32xf32, #tpu.memory_space<hbm>>) dst(%dma_wait3A_394 : memref<50x32xf32, #tpu.memory_space<vmem>>)
    %dma_wait3A_401 = arith.constant 8 : i32
    %dma_wait3A_402 = arith.constant 400 : i32
    %dma_wait3A_403 = arith.constant 0 : i32
    %dma_wait3A_404 = tpu.memref_slice %arg6[%dma_wait3A_402, %dma_wait3A_403] : memref<1600x32xf32, #tpu.memory_space<vmem>> -> memref<50x32xf32, #tpu.memory_space<vmem>>
    %dma_wait3A_405 = arith.constant 0 : i32
    %dma_wait3A_406 = tpu.memref_slice %arg5[%dma_wait3A_401, %dma_wait3A_405] : memref<32x50xi32, #tpu.memory_space<vmem>> -> memref<1x50xi32, #tpu.memory_space<vmem>>
    %dma_wait3A_407 = tpu.memref_squeeze %dma_wait3A_406 : memref<1x50xi32, #tpu.memory_space<vmem>> -> memref<50xi32, #tpu.memory_space<vmem>>
    %dma_wait3A_408 = arith.constant 0 : i32
    %dma_wait3A_409 = arith.constant 0 : i32
    %dma_wait3A_410 = tpu.memref_slice %arg3[%dma_wait3A_408, %dma_wait3A_409] : memref<100000x32xf32, #tpu.memory_space<hbm>> -> memref<100000x32xf32, #tpu.memory_space<hbm>>
    tpu.wait_indirect_dma semaphore(%arg8 : memref<!tpu.dma_semaphore, #tpu.memory_space<semaphore_mem>>) src(%dma_wait3A_410 : memref<100000x32xf32, #tpu.memory_space<hbm>>) dst(%dma_wait3A_404 : memref<50x32xf32, #tpu.memory_space<vmem>>)
    %dma_wait3A_411 = arith.constant 9 : i32
    %dma_wait3A_412 = arith.constant 450 : i32
    %dma_wait3A_413 = arith.constant 0 : i32
    %dma_wait3A_414 = tpu.memref_slice %arg6[%dma_wait3A_412, %dma_wait3A_413] : memref<1600x32xf32, #tpu.memory_space<vmem>> -> memref<50x32xf32, #tpu.memory_space<vmem>>
    %dma_wait3A_415 = arith.constant 0 : i32
    %dma_wait3A_416 = tpu.memref_slice %arg5[%dma_wait3A_411, %dma_wait3A_415] : memref<32x50xi32, #tpu.memory_space<vmem>> -> memref<1x50xi32, #tpu.memory_space<vmem>>
    %dma_wait3A_417 = tpu.memref_squeeze %dma_wait3A_416 : memref<1x50xi32, #tpu.memory_space<vmem>> -> memref<50xi32, #tpu.memory_space<vmem>>
    %dma_wait3A_418 = arith.constant 0 : i32
    %dma_wait3A_419 = arith.constant 0 : i32
    %dma_wait3A_420 = tpu.memref_slice %arg3[%dma_wait3A_418, %dma_wait3A_419] : memref<100000x32xf32, #tpu.memory_space<hbm>> -> memref<100000x32xf32, #tpu.memory_space<hbm>>
    tpu.wait_indirect_dma semaphore(%arg8 : memref<!tpu.dma_semaphore, #tpu.memory_space<semaphore_mem>>) src(%dma_wait3A_420 : memref<100000x32xf32, #tpu.memory_space<hbm>>) dst(%dma_wait3A_414 : memref<50x32xf32, #tpu.memory_space<vmem>>)
    %dma_wait3A_421 = arith.constant 10 : i32
    %dma_wait3A_422 = arith.constant 500 : i32
    %dma_wait3A_423 = arith.constant 0 : i32
    %dma_wait3A_424 = tpu.memref_slice %arg6[%dma_wait3A_422, %dma_wait3A_423] : memref<1600x32xf32, #tpu.memory_space<vmem>> -> memref<50x32xf32, #tpu.memory_space<vmem>>
    %dma_wait3A_425 = arith.constant 0 : i32
    %dma_wait3A_426 = tpu.memref_slice %arg5[%dma_wait3A_421, %dma_wait3A_425] : memref<32x50xi32, #tpu.memory_space<vmem>> -> memref<1x50xi32, #tpu.memory_space<vmem>>
    %dma_wait3A_427 = tpu.memref_squeeze %dma_wait3A_426 : memref<1x50xi32, #tpu.memory_space<vmem>> -> memref<50xi32, #tpu.memory_space<vmem>>
    %dma_wait3A_428 = arith.constant 0 : i32
    %dma_wait3A_429 = arith.constant 0 : i32
    %dma_wait3A_430 = tpu.memref_slice %arg3[%dma_wait3A_428, %dma_wait3A_429] : memref<100000x32xf32, #tpu.memory_space<hbm>> -> memref<100000x32xf32, #tpu.memory_space<hbm>>
    tpu.wait_indirect_dma semaphore(%arg8 : memref<!tpu.dma_semaphore, #tpu.memory_space<semaphore_mem>>) src(%dma_wait3A_430 : memref<100000x32xf32, #tpu.memory_space<hbm>>) dst(%dma_wait3A_424 : memref<50x32xf32, #tpu.memory_space<vmem>>)
    %dma_wait3A_431 = arith.constant 11 : i32
    %dma_wait3A_432 = arith.constant 550 : i32
    %dma_wait3A_433 = arith.constant 0 : i32
    %dma_wait3A_434 = tpu.memref_slice %arg6[%dma_wait3A_432, %dma_wait3A_433] : memref<1600x32xf32, #tpu.memory_space<vmem>> -> memref<50x32xf32, #tpu.memory_space<vmem>>
    %dma_wait3A_435 = arith.constant 0 : i32
    %dma_wait3A_436 = tpu.memref_slice %arg5[%dma_wait3A_431, %dma_wait3A_435] : memref<32x50xi32, #tpu.memory_space<vmem>> -> memref<1x50xi32, #tpu.memory_space<vmem>>
    %dma_wait3A_437 = tpu.memref_squeeze %dma_wait3A_436 : memref<1x50xi32, #tpu.memory_space<vmem>> -> memref<50xi32, #tpu.memory_space<vmem>>
    %dma_wait3A_438 = arith.constant 0 : i32
    %dma_wait3A_439 = arith.constant 0 : i32
    %dma_wait3A_440 = tpu.memref_slice %arg3[%dma_wait3A_438, %dma_wait3A_439] : memref<100000x32xf32, #tpu.memory_space<hbm>> -> memref<100000x32xf32, #tpu.memory_space<hbm>>
    tpu.wait_indirect_dma semaphore(%arg8 : memref<!tpu.dma_semaphore, #tpu.memory_space<semaphore_mem>>) src(%dma_wait3A_440 : memref<100000x32xf32, #tpu.memory_space<hbm>>) dst(%dma_wait3A_434 : memref<50x32xf32, #tpu.memory_space<vmem>>)
    %dma_wait3A_441 = arith.constant 12 : i32
    %dma_wait3A_442 = arith.constant 600 : i32
    %dma_wait3A_443 = arith.constant 0 : i32
    %dma_wait3A_444 = tpu.memref_slice %arg6[%dma_wait3A_442, %dma_wait3A_443] : memref<1600x32xf32, #tpu.memory_space<vmem>> -> memref<50x32xf32, #tpu.memory_space<vmem>>
    %dma_wait3A_445 = arith.constant 0 : i32
    %dma_wait3A_446 = tpu.memref_slice %arg5[%dma_wait3A_441, %dma_wait3A_445] : memref<32x50xi32, #tpu.memory_space<vmem>> -> memref<1x50xi32, #tpu.memory_space<vmem>>
    %dma_wait3A_447 = tpu.memref_squeeze %dma_wait3A_446 : memref<1x50xi32, #tpu.memory_space<vmem>> -> memref<50xi32, #tpu.memory_space<vmem>>
    %dma_wait3A_448 = arith.constant 0 : i32
    %dma_wait3A_449 = arith.constant 0 : i32
    %dma_wait3A_450 = tpu.memref_slice %arg3[%dma_wait3A_448, %dma_wait3A_449] : memref<100000x32xf32, #tpu.memory_space<hbm>> -> memref<100000x32xf32, #tpu.memory_space<hbm>>
    tpu.wait_indirect_dma semaphore(%arg8 : memref<!tpu.dma_semaphore, #tpu.memory_space<semaphore_mem>>) src(%dma_wait3A_450 : memref<100000x32xf32, #tpu.memory_space<hbm>>) dst(%dma_wait3A_444 : memref<50x32xf32, #tpu.memory_space<vmem>>)
    %dma_wait3A_451 = arith.constant 13 : i32
    %dma_wait3A_452 = arith.constant 650 : i32
    %dma_wait3A_453 = arith.constant 0 : i32
    %dma_wait3A_454 = tpu.memref_slice %arg6[%dma_wait3A_452, %dma_wait3A_453] : memref<1600x32xf32, #tpu.memory_space<vmem>> -> memref<50x32xf32, #tpu.memory_space<vmem>>
    %dma_wait3A_455 = arith.constant 0 : i32
    %dma_wait3A_456 = tpu.memref_slice %arg5[%dma_wait3A_451, %dma_wait3A_455] : memref<32x50xi32, #tpu.memory_space<vmem>> -> memref<1x50xi32, #tpu.memory_space<vmem>>
    %dma_wait3A_457 = tpu.memref_squeeze %dma_wait3A_456 : memref<1x50xi32, #tpu.memory_space<vmem>> -> memref<50xi32, #tpu.memory_space<vmem>>
    %dma_wait3A_458 = arith.constant 0 : i32
    %dma_wait3A_459 = arith.constant 0 : i32
    %dma_wait3A_460 = tpu.memref_slice %arg3[%dma_wait3A_458, %dma_wait3A_459] : memref<100000x32xf32, #tpu.memory_space<hbm>> -> memref<100000x32xf32, #tpu.memory_space<hbm>>
    tpu.wait_indirect_dma semaphore(%arg8 : memref<!tpu.dma_semaphore, #tpu.memory_space<semaphore_mem>>) src(%dma_wait3A_460 : memref<100000x32xf32, #tpu.memory_space<hbm>>) dst(%dma_wait3A_454 : memref<50x32xf32, #tpu.memory_space<vmem>>)
    %dma_wait3A_461 = arith.constant 14 : i32
    %dma_wait3A_462 = arith.constant 700 : i32
    %dma_wait3A_463 = arith.constant 0 : i32
    %dma_wait3A_464 = tpu.memref_slice %arg6[%dma_wait3A_462, %dma_wait3A_463] : memref<1600x32xf32, #tpu.memory_space<vmem>> -> memref<50x32xf32, #tpu.memory_space<vmem>>
    %dma_wait3A_465 = arith.constant 0 : i32
    %dma_wait3A_466 = tpu.memref_slice %arg5[%dma_wait3A_461, %dma_wait3A_465] : memref<32x50xi32, #tpu.memory_space<vmem>> -> memref<1x50xi32, #tpu.memory_space<vmem>>
    %dma_wait3A_467 = tpu.memref_squeeze %dma_wait3A_466 : memref<1x50xi32, #tpu.memory_space<vmem>> -> memref<50xi32, #tpu.memory_space<vmem>>
    %dma_wait3A_468 = arith.constant 0 : i32
    %dma_wait3A_469 = arith.constant 0 : i32
    %dma_wait3A_470 = tpu.memref_slice %arg3[%dma_wait3A_468, %dma_wait3A_469] : memref<100000x32xf32, #tpu.memory_space<hbm>> -> memref<100000x32xf32, #tpu.memory_space<hbm>>
    tpu.wait_indirect_dma semaphore(%arg8 : memref<!tpu.dma_semaphore, #tpu.memory_space<semaphore_mem>>) src(%dma_wait3A_470 : memref<100000x32xf32, #tpu.memory_space<hbm>>) dst(%dma_wait3A_464 : memref<50x32xf32, #tpu.memory_space<vmem>>)
    %dma_wait3A_471 = arith.constant 15 : i32
    %dma_wait3A_472 = arith.constant 750 : i32
    %dma_wait3A_473 = arith.constant 0 : i32
    %dma_wait3A_474 = tpu.memref_slice %arg6[%dma_wait3A_472, %dma_wait3A_473] : memref<1600x32xf32, #tpu.memory_space<vmem>> -> memref<50x32xf32, #tpu.memory_space<vmem>>
    %dma_wait3A_475 = arith.constant 0 : i32
    %dma_wait3A_476 = tpu.memref_slice %arg5[%dma_wait3A_471, %dma_wait3A_475] : memref<32x50xi32, #tpu.memory_space<vmem>> -> memref<1x50xi32, #tpu.memory_space<vmem>>
    %dma_wait3A_477 = tpu.memref_squeeze %dma_wait3A_476 : memref<1x50xi32, #tpu.memory_space<vmem>> -> memref<50xi32, #tpu.memory_space<vmem>>
    %dma_wait3A_478 = arith.constant 0 : i32
    %dma_wait3A_479 = arith.constant 0 : i32
    %dma_wait3A_480 = tpu.memref_slice %arg3[%dma_wait3A_478, %dma_wait3A_479] : memref<100000x32xf32, #tpu.memory_space<hbm>> -> memref<100000x32xf32, #tpu.memory_space<hbm>>
    tpu.wait_indirect_dma semaphore(%arg8 : memref<!tpu.dma_semaphore, #tpu.memory_space<semaphore_mem>>) src(%dma_wait3A_480 : memref<100000x32xf32, #tpu.memory_space<hbm>>) dst(%dma_wait3A_474 : memref<50x32xf32, #tpu.memory_space<vmem>>)
    %dma_wait3A_481 = arith.constant 16 : i32
    %dma_wait3A_482 = arith.constant 800 : i32
    %dma_wait3A_483 = arith.constant 0 : i32
    %dma_wait3A_484 = tpu.memref_slice %arg6[%dma_wait3A_482, %dma_wait3A_483] : memref<1600x32xf32, #tpu.memory_space<vmem>> -> memref<50x32xf32, #tpu.memory_space<vmem>>
    %dma_wait3A_485 = arith.constant 0 : i32
    %dma_wait3A_486 = tpu.memref_slice %arg5[%dma_wait3A_481, %dma_wait3A_485] : memref<32x50xi32, #tpu.memory_space<vmem>> -> memref<1x50xi32, #tpu.memory_space<vmem>>
    %dma_wait3A_487 = tpu.memref_squeeze %dma_wait3A_486 : memref<1x50xi32, #tpu.memory_space<vmem>> -> memref<50xi32, #tpu.memory_space<vmem>>
    %dma_wait3A_488 = arith.constant 0 : i32
    %dma_wait3A_489 = arith.constant 0 : i32
    %dma_wait3A_490 = tpu.memref_slice %arg3[%dma_wait3A_488, %dma_wait3A_489] : memref<100000x32xf32, #tpu.memory_space<hbm>> -> memref<100000x32xf32, #tpu.memory_space<hbm>>
    tpu.wait_indirect_dma semaphore(%arg8 : memref<!tpu.dma_semaphore, #tpu.memory_space<semaphore_mem>>) src(%dma_wait3A_490 : memref<100000x32xf32, #tpu.memory_space<hbm>>) dst(%dma_wait3A_484 : memref<50x32xf32, #tpu.memory_space<vmem>>)
    %dma_wait3A_491 = arith.constant 17 : i32
    %dma_wait3A_492 = arith.constant 850 : i32
    %dma_wait3A_493 = arith.constant 0 : i32
    %dma_wait3A_494 = tpu.memref_slice %arg6[%dma_wait3A_492, %dma_wait3A_493] : memref<1600x32xf32, #tpu.memory_space<vmem>> -> memref<50x32xf32, #tpu.memory_space<vmem>>
    %dma_wait3A_495 = arith.constant 0 : i32
    %dma_wait3A_496 = tpu.memref_slice %arg5[%dma_wait3A_491, %dma_wait3A_495] : memref<32x50xi32, #tpu.memory_space<vmem>> -> memref<1x50xi32, #tpu.memory_space<vmem>>
    %dma_wait3A_497 = tpu.memref_squeeze %dma_wait3A_496 : memref<1x50xi32, #tpu.memory_space<vmem>> -> memref<50xi32, #tpu.memory_space<vmem>>
    %dma_wait3A_498 = arith.constant 0 : i32
    %dma_wait3A_499 = arith.constant 0 : i32
    %dma_wait3A_500 = tpu.memref_slice %arg3[%dma_wait3A_498, %dma_wait3A_499] : memref<100000x32xf32, #tpu.memory_space<hbm>> -> memref<100000x32xf32, #tpu.memory_space<hbm>>
    tpu.wait_indirect_dma semaphore(%arg8 : memref<!tpu.dma_semaphore, #tpu.memory_space<semaphore_mem>>) src(%dma_wait3A_500 : memref<100000x32xf32, #tpu.memory_space<hbm>>) dst(%dma_wait3A_494 : memref<50x32xf32, #tpu.memory_space<vmem>>)
    %dma_wait3A_501 = arith.constant 18 : i32
    %dma_wait3A_502 = arith.constant 900 : i32
    %dma_wait3A_503 = arith.constant 0 : i32
    %dma_wait3A_504 = tpu.memref_slice %arg6[%dma_wait3A_502, %dma_wait3A_503] : memref<1600x32xf32, #tpu.memory_space<vmem>> -> memref<50x32xf32, #tpu.memory_space<vmem>>
    %dma_wait3A_505 = arith.constant 0 : i32
    %dma_wait3A_506 = tpu.memref_slice %arg5[%dma_wait3A_501, %dma_wait3A_505] : memref<32x50xi32, #tpu.memory_space<vmem>> -> memref<1x50xi32, #tpu.memory_space<vmem>>
    %dma_wait3A_507 = tpu.memref_squeeze %dma_wait3A_506 : memref<1x50xi32, #tpu.memory_space<vmem>> -> memref<50xi32, #tpu.memory_space<vmem>>
    %dma_wait3A_508 = arith.constant 0 : i32
    %dma_wait3A_509 = arith.constant 0 : i32
    %dma_wait3A_510 = tpu.memref_slice %arg3[%dma_wait3A_508, %dma_wait3A_509] : memref<100000x32xf32, #tpu.memory_space<hbm>> -> memref<100000x32xf32, #tpu.memory_space<hbm>>
    tpu.wait_indirect_dma semaphore(%arg8 : memref<!tpu.dma_semaphore, #tpu.memory_space<semaphore_mem>>) src(%dma_wait3A_510 : memref<100000x32xf32, #tpu.memory_space<hbm>>) dst(%dma_wait3A_504 : memref<50x32xf32, #tpu.memory_space<vmem>>)
    %dma_wait3A_511 = arith.constant 19 : i32
    %dma_wait3A_512 = arith.constant 950 : i32
    %dma_wait3A_513 = arith.constant 0 : i32
    %dma_wait3A_514 = tpu.memref_slice %arg6[%dma_wait3A_512, %dma_wait3A_513] : memref<1600x32xf32, #tpu.memory_space<vmem>> -> memref<50x32xf32, #tpu.memory_space<vmem>>
    %dma_wait3A_515 = arith.constant 0 : i32
    %dma_wait3A_516 = tpu.memref_slice %arg5[%dma_wait3A_511, %dma_wait3A_515] : memref<32x50xi32, #tpu.memory_space<vmem>> -> memref<1x50xi32, #tpu.memory_space<vmem>>
    %dma_wait3A_517 = tpu.memref_squeeze %dma_wait3A_516 : memref<1x50xi32, #tpu.memory_space<vmem>> -> memref<50xi32, #tpu.memory_space<vmem>>
    %dma_wait3A_518 = arith.constant 0 : i32
    %dma_wait3A_519 = arith.constant 0 : i32
    %dma_wait3A_520 = tpu.memref_slice %arg3[%dma_wait3A_518, %dma_wait3A_519] : memref<100000x32xf32, #tpu.memory_space<hbm>> -> memref<100000x32xf32, #tpu.memory_space<hbm>>
    tpu.wait_indirect_dma semaphore(%arg8 : memref<!tpu.dma_semaphore, #tpu.memory_space<semaphore_mem>>) src(%dma_wait3A_520 : memref<100000x32xf32, #tpu.memory_space<hbm>>) dst(%dma_wait3A_514 : memref<50x32xf32, #tpu.memory_space<vmem>>)
    %dma_wait3A_521 = arith.constant 20 : i32
    %dma_wait3A_522 = arith.constant 1000 : i32
    %dma_wait3A_523 = arith.constant 0 : i32
    %dma_wait3A_524 = tpu.memref_slice %arg6[%dma_wait3A_522, %dma_wait3A_523] : memref<1600x32xf32, #tpu.memory_space<vmem>> -> memref<50x32xf32, #tpu.memory_space<vmem>>
    %dma_wait3A_525 = arith.constant 0 : i32
    %dma_wait3A_526 = tpu.memref_slice %arg5[%dma_wait3A_521, %dma_wait3A_525] : memref<32x50xi32, #tpu.memory_space<vmem>> -> memref<1x50xi32, #tpu.memory_space<vmem>>
    %dma_wait3A_527 = tpu.memref_squeeze %dma_wait3A_526 : memref<1x50xi32, #tpu.memory_space<vmem>> -> memref<50xi32, #tpu.memory_space<vmem>>
    %dma_wait3A_528 = arith.constant 0 : i32
    %dma_wait3A_529 = arith.constant 0 : i32
    %dma_wait3A_530 = tpu.memref_slice %arg3[%dma_wait3A_528, %dma_wait3A_529] : memref<100000x32xf32, #tpu.memory_space<hbm>> -> memref<100000x32xf32, #tpu.memory_space<hbm>>
    tpu.wait_indirect_dma semaphore(%arg8 : memref<!tpu.dma_semaphore, #tpu.memory_space<semaphore_mem>>) src(%dma_wait3A_530 : memref<100000x32xf32, #tpu.memory_space<hbm>>) dst(%dma_wait3A_524 : memref<50x32xf32, #tpu.memory_space<vmem>>)
    %dma_wait3A_531 = arith.constant 21 : i32
    %dma_wait3A_532 = arith.constant 1050 : i32
    %dma_wait3A_533 = arith.constant 0 : i32
    %dma_wait3A_534 = tpu.memref_slice %arg6[%dma_wait3A_532, %dma_wait3A_533] : memref<1600x32xf32, #tpu.memory_space<vmem>> -> memref<50x32xf32, #tpu.memory_space<vmem>>
    %dma_wait3A_535 = arith.constant 0 : i32
    %dma_wait3A_536 = tpu.memref_slice %arg5[%dma_wait3A_531, %dma_wait3A_535] : memref<32x50xi32, #tpu.memory_space<vmem>> -> memref<1x50xi32, #tpu.memory_space<vmem>>
    %dma_wait3A_537 = tpu.memref_squeeze %dma_wait3A_536 : memref<1x50xi32, #tpu.memory_space<vmem>> -> memref<50xi32, #tpu.memory_space<vmem>>
    %dma_wait3A_538 = arith.constant 0 : i32
    %dma_wait3A_539 = arith.constant 0 : i32
    %dma_wait3A_540 = tpu.memref_slice %arg3[%dma_wait3A_538, %dma_wait3A_539] : memref<100000x32xf32, #tpu.memory_space<hbm>> -> memref<100000x32xf32, #tpu.memory_space<hbm>>
    tpu.wait_indirect_dma semaphore(%arg8 : memref<!tpu.dma_semaphore, #tpu.memory_space<semaphore_mem>>) src(%dma_wait3A_540 : memref<100000x32xf32, #tpu.memory_space<hbm>>) dst(%dma_wait3A_534 : memref<50x32xf32, #tpu.memory_space<vmem>>)
    %dma_wait3A_541 = arith.constant 22 : i32
    %dma_wait3A_542 = arith.constant 1100 : i32
    %dma_wait3A_543 = arith.constant 0 : i32
    %dma_wait3A_544 = tpu.memref_slice %arg6[%dma_wait3A_542, %dma_wait3A_543] : memref<1600x32xf32, #tpu.memory_space<vmem>> -> memref<50x32xf32, #tpu.memory_space<vmem>>
    %dma_wait3A_545 = arith.constant 0 : i32
    %dma_wait3A_546 = tpu.memref_slice %arg5[%dma_wait3A_541, %dma_wait3A_545] : memref<32x50xi32, #tpu.memory_space<vmem>> -> memref<1x50xi32, #tpu.memory_space<vmem>>
    %dma_wait3A_547 = tpu.memref_squeeze %dma_wait3A_546 : memref<1x50xi32, #tpu.memory_space<vmem>> -> memref<50xi32, #tpu.memory_space<vmem>>
    %dma_wait3A_548 = arith.constant 0 : i32
    %dma_wait3A_549 = arith.constant 0 : i32
    %dma_wait3A_550 = tpu.memref_slice %arg3[%dma_wait3A_548, %dma_wait3A_549] : memref<100000x32xf32, #tpu.memory_space<hbm>> -> memref<100000x32xf32, #tpu.memory_space<hbm>>
    tpu.wait_indirect_dma semaphore(%arg8 : memref<!tpu.dma_semaphore, #tpu.memory_space<semaphore_mem>>) src(%dma_wait3A_550 : memref<100000x32xf32, #tpu.memory_space<hbm>>) dst(%dma_wait3A_544 : memref<50x32xf32, #tpu.memory_space<vmem>>)
    %dma_wait3A_551 = arith.constant 23 : i32
    %dma_wait3A_552 = arith.constant 1150 : i32
    %dma_wait3A_553 = arith.constant 0 : i32
    %dma_wait3A_554 = tpu.memref_slice %arg6[%dma_wait3A_552, %dma_wait3A_553] : memref<1600x32xf32, #tpu.memory_space<vmem>> -> memref<50x32xf32, #tpu.memory_space<vmem>>
    %dma_wait3A_555 = arith.constant 0 : i32
    %dma_wait3A_556 = tpu.memref_slice %arg5[%dma_wait3A_551, %dma_wait3A_555] : memref<32x50xi32, #tpu.memory_space<vmem>> -> memref<1x50xi32, #tpu.memory_space<vmem>>
    %dma_wait3A_557 = tpu.memref_squeeze %dma_wait3A_556 : memref<1x50xi32, #tpu.memory_space<vmem>> -> memref<50xi32, #tpu.memory_space<vmem>>
    %dma_wait3A_558 = arith.constant 0 : i32
    %dma_wait3A_559 = arith.constant 0 : i32
    %dma_wait3A_560 = tpu.memref_slice %arg3[%dma_wait3A_558, %dma_wait3A_559] : memref<100000x32xf32, #tpu.memory_space<hbm>> -> memref<100000x32xf32, #tpu.memory_space<hbm>>
    tpu.wait_indirect_dma semaphore(%arg8 : memref<!tpu.dma_semaphore, #tpu.memory_space<semaphore_mem>>) src(%dma_wait3A_560 : memref<100000x32xf32, #tpu.memory_space<hbm>>) dst(%dma_wait3A_554 : memref<50x32xf32, #tpu.memory_space<vmem>>)
    %dma_wait3A_561 = arith.constant 24 : i32
    %dma_wait3A_562 = arith.constant 1200 : i32
    %dma_wait3A_563 = arith.constant 0 : i32
    %dma_wait3A_564 = tpu.memref_slice %arg6[%dma_wait3A_562, %dma_wait3A_563] : memref<1600x32xf32, #tpu.memory_space<vmem>> -> memref<50x32xf32, #tpu.memory_space<vmem>>
    %dma_wait3A_565 = arith.constant 0 : i32
    %dma_wait3A_566 = tpu.memref_slice %arg5[%dma_wait3A_561, %dma_wait3A_565] : memref<32x50xi32, #tpu.memory_space<vmem>> -> memref<1x50xi32, #tpu.memory_space<vmem>>
    %dma_wait3A_567 = tpu.memref_squeeze %dma_wait3A_566 : memref<1x50xi32, #tpu.memory_space<vmem>> -> memref<50xi32, #tpu.memory_space<vmem>>
    %dma_wait3A_568 = arith.constant 0 : i32
    %dma_wait3A_569 = arith.constant 0 : i32
    %dma_wait3A_570 = tpu.memref_slice %arg3[%dma_wait3A_568, %dma_wait3A_569] : memref<100000x32xf32, #tpu.memory_space<hbm>> -> memref<100000x32xf32, #tpu.memory_space<hbm>>
    tpu.wait_indirect_dma semaphore(%arg8 : memref<!tpu.dma_semaphore, #tpu.memory_space<semaphore_mem>>) src(%dma_wait3A_570 : memref<100000x32xf32, #tpu.memory_space<hbm>>) dst(%dma_wait3A_564 : memref<50x32xf32, #tpu.memory_space<vmem>>)
    %dma_wait3A_571 = arith.constant 25 : i32
    %dma_wait3A_572 = arith.constant 1250 : i32
    %dma_wait3A_573 = arith.constant 0 : i32
    %dma_wait3A_574 = tpu.memref_slice %arg6[%dma_wait3A_572, %dma_wait3A_573] : memref<1600x32xf32, #tpu.memory_space<vmem>> -> memref<50x32xf32, #tpu.memory_space<vmem>>
    %dma_wait3A_575 = arith.constant 0 : i32
    %dma_wait3A_576 = tpu.memref_slice %arg5[%dma_wait3A_571, %dma_wait3A_575] : memref<32x50xi32, #tpu.memory_space<vmem>> -> memref<1x50xi32, #tpu.memory_space<vmem>>
    %dma_wait3A_577 = tpu.memref_squeeze %dma_wait3A_576 : memref<1x50xi32, #tpu.memory_space<vmem>> -> memref<50xi32, #tpu.memory_space<vmem>>
    %dma_wait3A_578 = arith.constant 0 : i32
    %dma_wait3A_579 = arith.constant 0 : i32
    %dma_wait3A_580 = tpu.memref_slice %arg3[%dma_wait3A_578, %dma_wait3A_579] : memref<100000x32xf32, #tpu.memory_space<hbm>> -> memref<100000x32xf32, #tpu.memory_space<hbm>>
    tpu.wait_indirect_dma semaphore(%arg8 : memref<!tpu.dma_semaphore, #tpu.memory_space<semaphore_mem>>) src(%dma_wait3A_580 : memref<100000x32xf32, #tpu.memory_space<hbm>>) dst(%dma_wait3A_574 : memref<50x32xf32, #tpu.memory_space<vmem>>)
    %dma_wait3A_581 = arith.constant 26 : i32
    %dma_wait3A_582 = arith.constant 1300 : i32
    %dma_wait3A_583 = arith.constant 0 : i32
    %dma_wait3A_584 = tpu.memref_slice %arg6[%dma_wait3A_582, %dma_wait3A_583] : memref<1600x32xf32, #tpu.memory_space<vmem>> -> memref<50x32xf32, #tpu.memory_space<vmem>>
    %dma_wait3A_585 = arith.constant 0 : i32
    %dma_wait3A_586 = tpu.memref_slice %arg5[%dma_wait3A_581, %dma_wait3A_585] : memref<32x50xi32, #tpu.memory_space<vmem>> -> memref<1x50xi32, #tpu.memory_space<vmem>>
    %dma_wait3A_587 = tpu.memref_squeeze %dma_wait3A_586 : memref<1x50xi32, #tpu.memory_space<vmem>> -> memref<50xi32, #tpu.memory_space<vmem>>
    %dma_wait3A_588 = arith.constant 0 : i32
    %dma_wait3A_589 = arith.constant 0 : i32
    %dma_wait3A_590 = tpu.memref_slice %arg3[%dma_wait3A_588, %dma_wait3A_589] : memref<100000x32xf32, #tpu.memory_space<hbm>> -> memref<100000x32xf32, #tpu.memory_space<hbm>>
    tpu.wait_indirect_dma semaphore(%arg8 : memref<!tpu.dma_semaphore, #tpu.memory_space<semaphore_mem>>) src(%dma_wait3A_590 : memref<100000x32xf32, #tpu.memory_space<hbm>>) dst(%dma_wait3A_584 : memref<50x32xf32, #tpu.memory_space<vmem>>)
    %dma_wait3A_591 = arith.constant 27 : i32
    %dma_wait3A_592 = arith.constant 1350 : i32
    %dma_wait3A_593 = arith.constant 0 : i32
    %dma_wait3A_594 = tpu.memref_slice %arg6[%dma_wait3A_592, %dma_wait3A_593] : memref<1600x32xf32, #tpu.memory_space<vmem>> -> memref<50x32xf32, #tpu.memory_space<vmem>>
    %dma_wait3A_595 = arith.constant 0 : i32
    %dma_wait3A_596 = tpu.memref_slice %arg5[%dma_wait3A_591, %dma_wait3A_595] : memref<32x50xi32, #tpu.memory_space<vmem>> -> memref<1x50xi32, #tpu.memory_space<vmem>>
    %dma_wait3A_597 = tpu.memref_squeeze %dma_wait3A_596 : memref<1x50xi32, #tpu.memory_space<vmem>> -> memref<50xi32, #tpu.memory_space<vmem>>
    %dma_wait3A_598 = arith.constant 0 : i32
    %dma_wait3A_599 = arith.constant 0 : i32
    %dma_wait3A_600 = tpu.memref_slice %arg3[%dma_wait3A_598, %dma_wait3A_599] : memref<100000x32xf32, #tpu.memory_space<hbm>> -> memref<100000x32xf32, #tpu.memory_space<hbm>>
    tpu.wait_indirect_dma semaphore(%arg8 : memref<!tpu.dma_semaphore, #tpu.memory_space<semaphore_mem>>) src(%dma_wait3A_600 : memref<100000x32xf32, #tpu.memory_space<hbm>>) dst(%dma_wait3A_594 : memref<50x32xf32, #tpu.memory_space<vmem>>)
    %dma_wait3A_601 = arith.constant 28 : i32
    %dma_wait3A_602 = arith.constant 1400 : i32
    %dma_wait3A_603 = arith.constant 0 : i32
    %dma_wait3A_604 = tpu.memref_slice %arg6[%dma_wait3A_602, %dma_wait3A_603] : memref<1600x32xf32, #tpu.memory_space<vmem>> -> memref<50x32xf32, #tpu.memory_space<vmem>>
    %dma_wait3A_605 = arith.constant 0 : i32
    %dma_wait3A_606 = tpu.memref_slice %arg5[%dma_wait3A_601, %dma_wait3A_605] : memref<32x50xi32, #tpu.memory_space<vmem>> -> memref<1x50xi32, #tpu.memory_space<vmem>>
    %dma_wait3A_607 = tpu.memref_squeeze %dma_wait3A_606 : memref<1x50xi32, #tpu.memory_space<vmem>> -> memref<50xi32, #tpu.memory_space<vmem>>
    %dma_wait3A_608 = arith.constant 0 : i32
    %dma_wait3A_609 = arith.constant 0 : i32
    %dma_wait3A_610 = tpu.memref_slice %arg3[%dma_wait3A_608, %dma_wait3A_609] : memref<100000x32xf32, #tpu.memory_space<hbm>> -> memref<100000x32xf32, #tpu.memory_space<hbm>>
    tpu.wait_indirect_dma semaphore(%arg8 : memref<!tpu.dma_semaphore, #tpu.memory_space<semaphore_mem>>) src(%dma_wait3A_610 : memref<100000x32xf32, #tpu.memory_space<hbm>>) dst(%dma_wait3A_604 : memref<50x32xf32, #tpu.memory_space<vmem>>)
    %dma_wait3A_611 = arith.constant 29 : i32
    %dma_wait3A_612 = arith.constant 1450 : i32
    %dma_wait3A_613 = arith.constant 0 : i32
    %dma_wait3A_614 = tpu.memref_slice %arg6[%dma_wait3A_612, %dma_wait3A_613] : memref<1600x32xf32, #tpu.memory_space<vmem>> -> memref<50x32xf32, #tpu.memory_space<vmem>>
    %dma_wait3A_615 = arith.constant 0 : i32
    %dma_wait3A_616 = tpu.memref_slice %arg5[%dma_wait3A_611, %dma_wait3A_615] : memref<32x50xi32, #tpu.memory_space<vmem>> -> memref<1x50xi32, #tpu.memory_space<vmem>>
    %dma_wait3A_617 = tpu.memref_squeeze %dma_wait3A_616 : memref<1x50xi32, #tpu.memory_space<vmem>> -> memref<50xi32, #tpu.memory_space<vmem>>
    %dma_wait3A_618 = arith.constant 0 : i32
    %dma_wait3A_619 = arith.constant 0 : i32
    %dma_wait3A_620 = tpu.memref_slice %arg3[%dma_wait3A_618, %dma_wait3A_619] : memref<100000x32xf32, #tpu.memory_space<hbm>> -> memref<100000x32xf32, #tpu.memory_space<hbm>>
    tpu.wait_indirect_dma semaphore(%arg8 : memref<!tpu.dma_semaphore, #tpu.memory_space<semaphore_mem>>) src(%dma_wait3A_620 : memref<100000x32xf32, #tpu.memory_space<hbm>>) dst(%dma_wait3A_614 : memref<50x32xf32, #tpu.memory_space<vmem>>)
    %dma_wait3A_621 = arith.constant 30 : i32
    %dma_wait3A_622 = arith.constant 1500 : i32
    %dma_wait3A_623 = arith.constant 0 : i32
    %dma_wait3A_624 = tpu.memref_slice %arg6[%dma_wait3A_622, %dma_wait3A_623] : memref<1600x32xf32, #tpu.memory_space<vmem>> -> memref<50x32xf32, #tpu.memory_space<vmem>>
    %dma_wait3A_625 = arith.constant 0 : i32
    %dma_wait3A_626 = tpu.memref_slice %arg5[%dma_wait3A_621, %dma_wait3A_625] : memref<32x50xi32, #tpu.memory_space<vmem>> -> memref<1x50xi32, #tpu.memory_space<vmem>>
    %dma_wait3A_627 = tpu.memref_squeeze %dma_wait3A_626 : memref<1x50xi32, #tpu.memory_space<vmem>> -> memref<50xi32, #tpu.memory_space<vmem>>
    %dma_wait3A_628 = arith.constant 0 : i32
    %dma_wait3A_629 = arith.constant 0 : i32
    %dma_wait3A_630 = tpu.memref_slice %arg3[%dma_wait3A_628, %dma_wait3A_629] : memref<100000x32xf32, #tpu.memory_space<hbm>> -> memref<100000x32xf32, #tpu.memory_space<hbm>>
    tpu.wait_indirect_dma semaphore(%arg8 : memref<!tpu.dma_semaphore, #tpu.memory_space<semaphore_mem>>) src(%dma_wait3A_630 : memref<100000x32xf32, #tpu.memory_space<hbm>>) dst(%dma_wait3A_624 : memref<50x32xf32, #tpu.memory_space<vmem>>)
    %dma_wait3A_631 = arith.constant 31 : i32
    %dma_wait3A_632 = arith.constant 1550 : i32
    %dma_wait3A_633 = arith.constant 0 : i32
    %dma_wait3A_634 = tpu.memref_slice %arg6[%dma_wait3A_632, %dma_wait3A_633] : memref<1600x32xf32, #tpu.memory_space<vmem>> -> memref<50x32xf32, #tpu.memory_space<vmem>>
    %dma_wait3A_635 = arith.constant 0 : i32
    %dma_wait3A_636 = tpu.memref_slice %arg5[%dma_wait3A_631, %dma_wait3A_635] : memref<32x50xi32, #tpu.memory_space<vmem>> -> memref<1x50xi32, #tpu.memory_space<vmem>>
    %dma_wait3A_637 = tpu.memref_squeeze %dma_wait3A_636 : memref<1x50xi32, #tpu.memory_space<vmem>> -> memref<50xi32, #tpu.memory_space<vmem>>
    %dma_wait3A_638 = arith.constant 0 : i32
    %dma_wait3A_639 = arith.constant 0 : i32
    %dma_wait3A_640 = tpu.memref_slice %arg3[%dma_wait3A_638, %dma_wait3A_639] : memref<100000x32xf32, #tpu.memory_space<hbm>> -> memref<100000x32xf32, #tpu.memory_space<hbm>>
    tpu.wait_indirect_dma semaphore(%arg8 : memref<!tpu.dma_semaphore, #tpu.memory_space<semaphore_mem>>) src(%dma_wait3A_640 : memref<100000x32xf32, #tpu.memory_space<hbm>>) dst(%dma_wait3A_634 : memref<50x32xf32, #tpu.memory_space<vmem>>)
    %iota3A = tpu.iota {dimensions = array<i32: 0>} : vector<16xi32>
    %shift_right_logical3A = arith.constant 3 : i32
    %shift_right_logical3A_641 = vector.broadcast %shift_right_logical3A : i32 to vector<16xi32>
    %shift_right_logical3A_642 = arith.shrui %iota3A, %shift_right_logical3A_641 : vector<16xi32>
    %and3A = arith.constant 7 : i32
    %and3A_643 = vector.broadcast %and3A : i32 to vector<16xi32>
    %and3A_644 = arith.andi %iota3A, %and3A_643 : vector<16xi32>
    %scan3A = arith.constant 0 : i32
    %scan3A_645 = arith.constant 0 : i32
    %scan3A_646 = arith.constant 32 : i32
    %scan3A_647 = arith.addi %scan3A_645, %scan3A_646 : i32
    %scan3A_648 = arith.constant 1 : i32
    scf.for %scan3A_2161 = %scan3A_645 to %scan3A_647 step %scan3A_648  : i32 {
      %broadcast_in_dim3A = vector.broadcast %scan3A_2161 : i32 to vector<16xi32>
      %mul3A_2162 = arith.constant 50 : i32
      %mul3A_2163 = arith.muli %scan3A_2161, %mul3A_2162 : i32
      %add3A_2164 = arith.constant 0 : i32
      %add3A_2165 = arith.addi %mul3A_2163, %add3A_2164 : i32
      %get3A = arith.index_cast %add3A_2165 : i32 to index
      %get3A_2166 = arith.constant 0 : index
      %get3A_2167 = tpu.vector_load %arg6[%get3A, %get3A_2166] {strides = array<i32>} : memref<1600x32xf32, #tpu.memory_space<vmem>>, vector<16xf32>,
      %add3A_2168 = arith.constant 0 : i32
      %add3A_2169 = vector.broadcast %add3A_2168 : i32 to vector<16xi32>
      %add3A_2170 = arith.addi %shift_right_logical3A_642, %add3A_2169 : vector<16xi32>
      tpu.vector_store_idx %arg7[%add3A_2170, %and3A_644, %broadcast_in_dim3A], %get3A_2167 : memref<200x8x33xf32, #tpu.memory_space<vmem>>[vector<16xi32>, vector<16xi32>, vector<16xi32>], vector<16xf32>,
      %mul3A_2171 = arith.constant 50 : i32
      %mul3A_2172 = arith.muli %scan3A_2161, %mul3A_2171 : i32
      %add3A_2173 = arith.constant 0 : i32
      %add3A_2174 = arith.addi %mul3A_2172, %add3A_2173 : i32
      %get3A_2175 = arith.index_cast %add3A_2174 : i32 to index
      %get3A_2176 = arith.constant 16 : index
      %get3A_2177 = tpu.vector_load %arg6[%get3A_2175, %get3A_2176] {strides = array<i32>} : memref<1600x32xf32, #tpu.memory_space<vmem>>, vector<16xf32>,
      %add3A_2178 = arith.constant 2 : i32
      %add3A_2179 = vector.broadcast %add3A_2178 : i32 to vector<16xi32>
      %add3A_2180 = arith.addi %shift_right_logical3A_642, %add3A_2179 : vector<16xi32>
      tpu.vector_store_idx %arg7[%add3A_2180, %and3A_644, %broadcast_in_dim3A], %get3A_2177 : memref<200x8x33xf32, #tpu.memory_space<vmem>>[vector<16xi32>, vector<16xi32>, vector<16xi32>], vector<16xf32>,
      %mul3A_2181 = arith.constant 50 : i32
      %mul3A_2182 = arith.muli %scan3A_2161, %mul3A_2181 : i32
      %add3A_2183 = arith.constant 1 : i32
      %add3A_2184 = arith.addi %mul3A_2182, %add3A_2183 : i32
      %get3A_2185 = arith.index_cast %add3A_2184 : i32 to index
      %get3A_2186 = arith.constant 0 : index
      %get3A_2187 = tpu.vector_load %arg6[%get3A_2185, %get3A_2186] {strides = array<i32>} : memref<1600x32xf32, #tpu.memory_space<vmem>>, vector<16xf32>,
      %add3A_2188 = arith.constant 4 : i32
      %add3A_2189 = vector.broadcast %add3A_2188 : i32 to vector<16xi32>
      %add3A_2190 = arith.addi %shift_right_logical3A_642, %add3A_2189 : vector<16xi32>
      tpu.vector_store_idx %arg7[%add3A_2190, %and3A_644, %broadcast_in_dim3A], %get3A_2187 : memref<200x8x33xf32, #tpu.memory_space<vmem>>[vector<16xi32>, vector<16xi32>, vector<16xi32>], vector<16xf32>,
      %mul3A_2191 = arith.constant 50 : i32
      %mul3A_2192 = arith.muli %scan3A_2161, %mul3A_2191 : i32
      %add3A_2193 = arith.constant 1 : i32
      %add3A_2194 = arith.addi %mul3A_2192, %add3A_2193 : i32
      %get3A_2195 = arith.index_cast %add3A_2194 : i32 to index
      %get3A_2196 = arith.constant 16 : index
      %get3A_2197 = tpu.vector_load %arg6[%get3A_2195, %get3A_2196] {strides = array<i32>} : memref<1600x32xf32, #tpu.memory_space<vmem>>, vector<16xf32>,
      %add3A_2198 = arith.constant 6 : i32
      %add3A_2199 = vector.broadcast %add3A_2198 : i32 to vector<16xi32>
      %add3A_2200 = arith.addi %shift_right_logical3A_642, %add3A_2199 : vector<16xi32>
      tpu.vector_store_idx %arg7[%add3A_2200, %and3A_644, %broadcast_in_dim3A], %get3A_2197 : memref<200x8x33xf32, #tpu.memory_space<vmem>>[vector<16xi32>, vector<16xi32>, vector<16xi32>], vector<16xf32>,
      %mul3A_2201 = arith.constant 50 : i32
      %mul3A_2202 = arith.muli %scan3A_2161, %mul3A_2201 : i32
      %add3A_2203 = arith.constant 2 : i32
      %add3A_2204 = arith.addi %mul3A_2202, %add3A_2203 : i32
      %get3A_2205 = arith.index_cast %add3A_2204 : i32 to index
      %get3A_2206 = arith.constant 0 : index
      %get3A_2207 = tpu.vector_load %arg6[%get3A_2205, %get3A_2206] {strides = array<i32>} : memref<1600x32xf32, #tpu.memory_space<vmem>>, vector<16xf32>,
      %add3A_2208 = arith.constant 8 : i32
      %add3A_2209 = vector.broadcast %add3A_2208 : i32 to vector<16xi32>
      %add3A_2210 = arith.addi %shift_right_logical3A_642, %add3A_2209 : vector<16xi32>
      tpu.vector_store_idx %arg7[%add3A_2210, %and3A_644, %broadcast_in_dim3A], %get3A_2207 : memref<200x8x33xf32, #tpu.memory_space<vmem>>[vector<16xi32>, vector<16xi32>, vector<16xi32>], vector<16xf32>,
      %mul3A_2211 = arith.constant 50 : i32
      %mul3A_2212 = arith.muli %scan3A_2161, %mul3A_2211 : i32
      %add3A_2213 = arith.constant 2 : i32
      %add3A_2214 = arith.addi %mul3A_2212, %add3A_2213 : i32
      %get3A_2215 = arith.index_cast %add3A_2214 : i32 to index
      %get3A_2216 = arith.constant 16 : index
      %get3A_2217 = tpu.vector_load %arg6[%get3A_2215, %get3A_2216] {strides = array<i32>} : memref<1600x32xf32, #tpu.memory_space<vmem>>, vector<16xf32>,
      %add3A_2218 = arith.constant 10 : i32
      %add3A_2219 = vector.broadcast %add3A_2218 : i32 to vector<16xi32>
      %add3A_2220 = arith.addi %shift_right_logical3A_642, %add3A_2219 : vector<16xi32>
      tpu.vector_store_idx %arg7[%add3A_2220, %and3A_644, %broadcast_in_dim3A], %get3A_2217 : memref<200x8x33xf32, #tpu.memory_space<vmem>>[vector<16xi32>, vector<16xi32>, vector<16xi32>], vector<16xf32>,
      %mul3A_2221 = arith.constant 50 : i32
      %mul3A_2222 = arith.muli %scan3A_2161, %mul3A_2221 : i32
      %add3A_2223 = arith.constant 3 : i32
      %add3A_2224 = arith.addi %mul3A_2222, %add3A_2223 : i32
      %get3A_2225 = arith.index_cast %add3A_2224 : i32 to index
      %get3A_2226 = arith.constant 0 : index
      %get3A_2227 = tpu.vector_load %arg6[%get3A_2225, %get3A_2226] {strides = array<i32>} : memref<1600x32xf32, #tpu.memory_space<vmem>>, vector<16xf32>,
      %add3A_2228 = arith.constant 12 : i32
      %add3A_2229 = vector.broadcast %add3A_2228 : i32 to vector<16xi32>
      %add3A_2230 = arith.addi %shift_right_logical3A_642, %add3A_2229 : vector<16xi32>
      tpu.vector_store_idx %arg7[%add3A_2230, %and3A_644, %broadcast_in_dim3A], %get3A_2227 : memref<200x8x33xf32, #tpu.memory_space<vmem>>[vector<16xi32>, vector<16xi32>, vector<16xi32>], vector<16xf32>,
      %mul3A_2231 = arith.constant 50 : i32
      %mul3A_2232 = arith.muli %scan3A_2161, %mul3A_2231 : i32
      %add3A_2233 = arith.constant 3 : i32
      %add3A_2234 = arith.addi %mul3A_2232, %add3A_2233 : i32
      %get3A_2235 = arith.index_cast %add3A_2234 : i32 to index
      %get3A_2236 = arith.constant 16 : index
      %get3A_2237 = tpu.vector_load %arg6[%get3A_2235, %get3A_2236] {strides = array<i32>} : memref<1600x32xf32, #tpu.memory_space<vmem>>, vector<16xf32>,
      %add3A_2238 = arith.constant 14 : i32
      %add3A_2239 = vector.broadcast %add3A_2238 : i32 to vector<16xi32>
      %add3A_2240 = arith.addi %shift_right_logical3A_642, %add3A_2239 : vector<16xi32>
      tpu.vector_store_idx %arg7[%add3A_2240, %and3A_644, %broadcast_in_dim3A], %get3A_2237 : memref<200x8x33xf32, #tpu.memory_space<vmem>>[vector<16xi32>, vector<16xi32>, vector<16xi32>], vector<16xf32>,
      %mul3A_2241 = arith.constant 50 : i32
      %mul3A_2242 = arith.muli %scan3A_2161, %mul3A_2241 : i32
      %add3A_2243 = arith.constant 4 : i32
      %add3A_2244 = arith.addi %mul3A_2242, %add3A_2243 : i32
      %get3A_2245 = arith.index_cast %add3A_2244 : i32 to index
      %get3A_2246 = arith.constant 0 : index
      %get3A_2247 = tpu.vector_load %arg6[%get3A_2245, %get3A_2246] {strides = array<i32>} : memref<1600x32xf32, #tpu.memory_space<vmem>>, vector<16xf32>,
      %add3A_2248 = arith.constant 16 : i32
      %add3A_2249 = vector.broadcast %add3A_2248 : i32 to vector<16xi32>
      %add3A_2250 = arith.addi %shift_right_logical3A_642, %add3A_2249 : vector<16xi32>
      tpu.vector_store_idx %arg7[%add3A_2250, %and3A_644, %broadcast_in_dim3A], %get3A_2247 : memref<200x8x33xf32, #tpu.memory_space<vmem>>[vector<16xi32>, vector<16xi32>, vector<16xi32>], vector<16xf32>,
      %mul3A_2251 = arith.constant 50 : i32
      %mul3A_2252 = arith.muli %scan3A_2161, %mul3A_2251 : i32
      %add3A_2253 = arith.constant 4 : i32
      %add3A_2254 = arith.addi %mul3A_2252, %add3A_2253 : i32
      %get3A_2255 = arith.index_cast %add3A_2254 : i32 to index
      %get3A_2256 = arith.constant 16 : index
      %get3A_2257 = tpu.vector_load %arg6[%get3A_2255, %get3A_2256] {strides = array<i32>} : memref<1600x32xf32, #tpu.memory_space<vmem>>, vector<16xf32>,
      %add3A_2258 = arith.constant 18 : i32
      %add3A_2259 = vector.broadcast %add3A_2258 : i32 to vector<16xi32>
      %add3A_2260 = arith.addi %shift_right_logical3A_642, %add3A_2259 : vector<16xi32>
      tpu.vector_store_idx %arg7[%add3A_2260, %and3A_644, %broadcast_in_dim3A], %get3A_2257 : memref<200x8x33xf32, #tpu.memory_space<vmem>>[vector<16xi32>, vector<16xi32>, vector<16xi32>], vector<16xf32>,
      %mul3A_2261 = arith.constant 50 : i32
      %mul3A_2262 = arith.muli %scan3A_2161, %mul3A_2261 : i32
      %add3A_2263 = arith.constant 5 : i32
      %add3A_2264 = arith.addi %mul3A_2262, %add3A_2263 : i32
      %get3A_2265 = arith.index_cast %add3A_2264 : i32 to index
      %get3A_2266 = arith.constant 0 : index
      %get3A_2267 = tpu.vector_load %arg6[%get3A_2265, %get3A_2266] {strides = array<i32>} : memref<1600x32xf32, #tpu.memory_space<vmem>>, vector<16xf32>,
      %add3A_2268 = arith.constant 20 : i32
      %add3A_2269 = vector.broadcast %add3A_2268 : i32 to vector<16xi32>
      %add3A_2270 = arith.addi %shift_right_logical3A_642, %add3A_2269 : vector<16xi32>
      tpu.vector_store_idx %arg7[%add3A_2270, %and3A_644, %broadcast_in_dim3A], %get3A_2267 : memref<200x8x33xf32, #tpu.memory_space<vmem>>[vector<16xi32>, vector<16xi32>, vector<16xi32>], vector<16xf32>,
      %mul3A_2271 = arith.constant 50 : i32
      %mul3A_2272 = arith.muli %scan3A_2161, %mul3A_2271 : i32
      %add3A_2273 = arith.constant 5 : i32
      %add3A_2274 = arith.addi %mul3A_2272, %add3A_2273 : i32
      %get3A_2275 = arith.index_cast %add3A_2274 : i32 to index
      %get3A_2276 = arith.constant 16 : index
      %get3A_2277 = tpu.vector_load %arg6[%get3A_2275, %get3A_2276] {strides = array<i32>} : memref<1600x32xf32, #tpu.memory_space<vmem>>, vector<16xf32>,
      %add3A_2278 = arith.constant 22 : i32
      %add3A_2279 = vector.broadcast %add3A_2278 : i32 to vector<16xi32>
      %add3A_2280 = arith.addi %shift_right_logical3A_642, %add3A_2279 : vector<16xi32>
      tpu.vector_store_idx %arg7[%add3A_2280, %and3A_644, %broadcast_in_dim3A], %get3A_2277 : memref<200x8x33xf32, #tpu.memory_space<vmem>>[vector<16xi32>, vector<16xi32>, vector<16xi32>], vector<16xf32>,
      %mul3A_2281 = arith.constant 50 : i32
      %mul3A_2282 = arith.muli %scan3A_2161, %mul3A_2281 : i32
      %add3A_2283 = arith.constant 6 : i32
      %add3A_2284 = arith.addi %mul3A_2282, %add3A_2283 : i32
      %get3A_2285 = arith.index_cast %add3A_2284 : i32 to index
      %get3A_2286 = arith.constant 0 : index
      %get3A_2287 = tpu.vector_load %arg6[%get3A_2285, %get3A_2286] {strides = array<i32>} : memref<1600x32xf32, #tpu.memory_space<vmem>>, vector<16xf32>,
      %add3A_2288 = arith.constant 24 : i32
      %add3A_2289 = vector.broadcast %add3A_2288 : i32 to vector<16xi32>
      %add3A_2290 = arith.addi %shift_right_logical3A_642, %add3A_2289 : vector<16xi32>
      tpu.vector_store_idx %arg7[%add3A_2290, %and3A_644, %broadcast_in_dim3A], %get3A_2287 : memref<200x8x33xf32, #tpu.memory_space<vmem>>[vector<16xi32>, vector<16xi32>, vector<16xi32>], vector<16xf32>,
      %mul3A_2291 = arith.constant 50 : i32
      %mul3A_2292 = arith.muli %scan3A_2161, %mul3A_2291 : i32
      %add3A_2293 = arith.constant 6 : i32
      %add3A_2294 = arith.addi %mul3A_2292, %add3A_2293 : i32
      %get3A_2295 = arith.index_cast %add3A_2294 : i32 to index
      %get3A_2296 = arith.constant 16 : index
      %get3A_2297 = tpu.vector_load %arg6[%get3A_2295, %get3A_2296] {strides = array<i32>} : memref<1600x32xf32, #tpu.memory_space<vmem>>, vector<16xf32>,
      %add3A_2298 = arith.constant 26 : i32
      %add3A_2299 = vector.broadcast %add3A_2298 : i32 to vector<16xi32>
      %add3A_2300 = arith.addi %shift_right_logical3A_642, %add3A_2299 : vector<16xi32>
      tpu.vector_store_idx %arg7[%add3A_2300, %and3A_644, %broadcast_in_dim3A], %get3A_2297 : memref<200x8x33xf32, #tpu.memory_space<vmem>>[vector<16xi32>, vector<16xi32>, vector<16xi32>], vector<16xf32>,
      %mul3A_2301 = arith.constant 50 : i32
      %mul3A_2302 = arith.muli %scan3A_2161, %mul3A_2301 : i32
      %add3A_2303 = arith.constant 7 : i32
      %add3A_2304 = arith.addi %mul3A_2302, %add3A_2303 : i32
      %get3A_2305 = arith.index_cast %add3A_2304 : i32 to index
      %get3A_2306 = arith.constant 0 : index
      %get3A_2307 = tpu.vector_load %arg6[%get3A_2305, %get3A_2306] {strides = array<i32>} : memref<1600x32xf32, #tpu.memory_space<vmem>>, vector<16xf32>,
      %add3A_2308 = arith.constant 28 : i32
      %add3A_2309 = vector.broadcast %add3A_2308 : i32 to vector<16xi32>
      %add3A_2310 = arith.addi %shift_right_logical3A_642, %add3A_2309 : vector<16xi32>
      tpu.vector_store_idx %arg7[%add3A_2310, %and3A_644, %broadcast_in_dim3A], %get3A_2307 : memref<200x8x33xf32, #tpu.memory_space<vmem>>[vector<16xi32>, vector<16xi32>, vector<16xi32>], vector<16xf32>,
      %mul3A_2311 = arith.constant 50 : i32
      %mul3A_2312 = arith.muli %scan3A_2161, %mul3A_2311 : i32
      %add3A_2313 = arith.constant 7 : i32
      %add3A_2314 = arith.addi %mul3A_2312, %add3A_2313 : i32
      %get3A_2315 = arith.index_cast %add3A_2314 : i32 to index
      %get3A_2316 = arith.constant 16 : index
      %get3A_2317 = tpu.vector_load %arg6[%get3A_2315, %get3A_2316] {strides = array<i32>} : memref<1600x32xf32, #tpu.memory_space<vmem>>, vector<16xf32>,
      %add3A_2318 = arith.constant 30 : i32
      %add3A_2319 = vector.broadcast %add3A_2318 : i32 to vector<16xi32>
      %add3A_2320 = arith.addi %shift_right_logical3A_642, %add3A_2319 : vector<16xi32>
      tpu.vector_store_idx %arg7[%add3A_2320, %and3A_644, %broadcast_in_dim3A], %get3A_2317 : memref<200x8x33xf32, #tpu.memory_space<vmem>>[vector<16xi32>, vector<16xi32>, vector<16xi32>], vector<16xf32>,
      %mul3A_2321 = arith.constant 50 : i32
      %mul3A_2322 = arith.muli %scan3A_2161, %mul3A_2321 : i32
      %add3A_2323 = arith.constant 8 : i32
      %add3A_2324 = arith.addi %mul3A_2322, %add3A_2323 : i32
      %get3A_2325 = arith.index_cast %add3A_2324 : i32 to index
      %get3A_2326 = arith.constant 0 : index
      %get3A_2327 = tpu.vector_load %arg6[%get3A_2325, %get3A_2326] {strides = array<i32>} : memref<1600x32xf32, #tpu.memory_space<vmem>>, vector<16xf32>,
      %add3A_2328 = arith.constant 32 : i32
      %add3A_2329 = vector.broadcast %add3A_2328 : i32 to vector<16xi32>
      %add3A_2330 = arith.addi %shift_right_logical3A_642, %add3A_2329 : vector<16xi32>
      tpu.vector_store_idx %arg7[%add3A_2330, %and3A_644, %broadcast_in_dim3A], %get3A_2327 : memref<200x8x33xf32, #tpu.memory_space<vmem>>[vector<16xi32>, vector<16xi32>, vector<16xi32>], vector<16xf32>,
      %mul3A_2331 = arith.constant 50 : i32
      %mul3A_2332 = arith.muli %scan3A_2161, %mul3A_2331 : i32
      %add3A_2333 = arith.constant 8 : i32
      %add3A_2334 = arith.addi %mul3A_2332, %add3A_2333 : i32
      %get3A_2335 = arith.index_cast %add3A_2334 : i32 to index
      %get3A_2336 = arith.constant 16 : index
      %get3A_2337 = tpu.vector_load %arg6[%get3A_2335, %get3A_2336] {strides = array<i32>} : memref<1600x32xf32, #tpu.memory_space<vmem>>, vector<16xf32>,
      %add3A_2338 = arith.constant 34 : i32
      %add3A_2339 = vector.broadcast %add3A_2338 : i32 to vector<16xi32>
      %add3A_2340 = arith.addi %shift_right_logical3A_642, %add3A_2339 : vector<16xi32>
      tpu.vector_store_idx %arg7[%add3A_2340, %and3A_644, %broadcast_in_dim3A], %get3A_2337 : memref<200x8x33xf32, #tpu.memory_space<vmem>>[vector<16xi32>, vector<16xi32>, vector<16xi32>], vector<16xf32>,
      %mul3A_2341 = arith.constant 50 : i32
      %mul3A_2342 = arith.muli %scan3A_2161, %mul3A_2341 : i32
      %add3A_2343 = arith.constant 9 : i32
      %add3A_2344 = arith.addi %mul3A_2342, %add3A_2343 : i32
      %get3A_2345 = arith.index_cast %add3A_2344 : i32 to index
      %get3A_2346 = arith.constant 0 : index
      %get3A_2347 = tpu.vector_load %arg6[%get3A_2345, %get3A_2346] {strides = array<i32>} : memref<1600x32xf32, #tpu.memory_space<vmem>>, vector<16xf32>,
      %add3A_2348 = arith.constant 36 : i32
      %add3A_2349 = vector.broadcast %add3A_2348 : i32 to vector<16xi32>
      %add3A_2350 = arith.addi %shift_right_logical3A_642, %add3A_2349 : vector<16xi32>
      tpu.vector_store_idx %arg7[%add3A_2350, %and3A_644, %broadcast_in_dim3A], %get3A_2347 : memref<200x8x33xf32, #tpu.memory_space<vmem>>[vector<16xi32>, vector<16xi32>, vector<16xi32>], vector<16xf32>,
      %mul3A_2351 = arith.constant 50 : i32
      %mul3A_2352 = arith.muli %scan3A_2161, %mul3A_2351 : i32
      %add3A_2353 = arith.constant 9 : i32
      %add3A_2354 = arith.addi %mul3A_2352, %add3A_2353 : i32
      %get3A_2355 = arith.index_cast %add3A_2354 : i32 to index
      %get3A_2356 = arith.constant 16 : index
      %get3A_2357 = tpu.vector_load %arg6[%get3A_2355, %get3A_2356] {strides = array<i32>} : memref<1600x32xf32, #tpu.memory_space<vmem>>, vector<16xf32>,
      %add3A_2358 = arith.constant 38 : i32
      %add3A_2359 = vector.broadcast %add3A_2358 : i32 to vector<16xi32>
      %add3A_2360 = arith.addi %shift_right_logical3A_642, %add3A_2359 : vector<16xi32>
      tpu.vector_store_idx %arg7[%add3A_2360, %and3A_644, %broadcast_in_dim3A], %get3A_2357 : memref<200x8x33xf32, #tpu.memory_space<vmem>>[vector<16xi32>, vector<16xi32>, vector<16xi32>], vector<16xf32>,
      %mul3A_2361 = arith.constant 50 : i32
      %mul3A_2362 = arith.muli %scan3A_2161, %mul3A_2361 : i32
      %add3A_2363 = arith.constant 10 : i32
      %add3A_2364 = arith.addi %mul3A_2362, %add3A_2363 : i32
      %get3A_2365 = arith.index_cast %add3A_2364 : i32 to index
      %get3A_2366 = arith.constant 0 : index
      %get3A_2367 = tpu.vector_load %arg6[%get3A_2365, %get3A_2366] {strides = array<i32>} : memref<1600x32xf32, #tpu.memory_space<vmem>>, vector<16xf32>,
      %add3A_2368 = arith.constant 40 : i32
      %add3A_2369 = vector.broadcast %add3A_2368 : i32 to vector<16xi32>
      %add3A_2370 = arith.addi %shift_right_logical3A_642, %add3A_2369 : vector<16xi32>
      tpu.vector_store_idx %arg7[%add3A_2370, %and3A_644, %broadcast_in_dim3A], %get3A_2367 : memref<200x8x33xf32, #tpu.memory_space<vmem>>[vector<16xi32>, vector<16xi32>, vector<16xi32>], vector<16xf32>,
      %mul3A_2371 = arith.constant 50 : i32
      %mul3A_2372 = arith.muli %scan3A_2161, %mul3A_2371 : i32
      %add3A_2373 = arith.constant 10 : i32
      %add3A_2374 = arith.addi %mul3A_2372, %add3A_2373 : i32
      %get3A_2375 = arith.index_cast %add3A_2374 : i32 to index
      %get3A_2376 = arith.constant 16 : index
      %get3A_2377 = tpu.vector_load %arg6[%get3A_2375, %get3A_2376] {strides = array<i32>} : memref<1600x32xf32, #tpu.memory_space<vmem>>, vector<16xf32>,
      %add3A_2378 = arith.constant 42 : i32
      %add3A_2379 = vector.broadcast %add3A_2378 : i32 to vector<16xi32>
      %add3A_2380 = arith.addi %shift_right_logical3A_642, %add3A_2379 : vector<16xi32>
      tpu.vector_store_idx %arg7[%add3A_2380, %and3A_644, %broadcast_in_dim3A], %get3A_2377 : memref<200x8x33xf32, #tpu.memory_space<vmem>>[vector<16xi32>, vector<16xi32>, vector<16xi32>], vector<16xf32>,
      %mul3A_2381 = arith.constant 50 : i32
      %mul3A_2382 = arith.muli %scan3A_2161, %mul3A_2381 : i32
      %add3A_2383 = arith.constant 11 : i32
      %add3A_2384 = arith.addi %mul3A_2382, %add3A_2383 : i32
      %get3A_2385 = arith.index_cast %add3A_2384 : i32 to index
      %get3A_2386 = arith.constant 0 : index
      %get3A_2387 = tpu.vector_load %arg6[%get3A_2385, %get3A_2386] {strides = array<i32>} : memref<1600x32xf32, #tpu.memory_space<vmem>>, vector<16xf32>,
      %add3A_2388 = arith.constant 44 : i32
      %add3A_2389 = vector.broadcast %add3A_2388 : i32 to vector<16xi32>
      %add3A_2390 = arith.addi %shift_right_logical3A_642, %add3A_2389 : vector<16xi32>
      tpu.vector_store_idx %arg7[%add3A_2390, %and3A_644, %broadcast_in_dim3A], %get3A_2387 : memref<200x8x33xf32, #tpu.memory_space<vmem>>[vector<16xi32>, vector<16xi32>, vector<16xi32>], vector<16xf32>,
      %mul3A_2391 = arith.constant 50 : i32
      %mul3A_2392 = arith.muli %scan3A_2161, %mul3A_2391 : i32
      %add3A_2393 = arith.constant 11 : i32
      %add3A_2394 = arith.addi %mul3A_2392, %add3A_2393 : i32
      %get3A_2395 = arith.index_cast %add3A_2394 : i32 to index
      %get3A_2396 = arith.constant 16 : index
      %get3A_2397 = tpu.vector_load %arg6[%get3A_2395, %get3A_2396] {strides = array<i32>} : memref<1600x32xf32, #tpu.memory_space<vmem>>, vector<16xf32>,
      %add3A_2398 = arith.constant 46 : i32
      %add3A_2399 = vector.broadcast %add3A_2398 : i32 to vector<16xi32>
      %add3A_2400 = arith.addi %shift_right_logical3A_642, %add3A_2399 : vector<16xi32>
      tpu.vector_store_idx %arg7[%add3A_2400, %and3A_644, %broadcast_in_dim3A], %get3A_2397 : memref<200x8x33xf32, #tpu.memory_space<vmem>>[vector<16xi32>, vector<16xi32>, vector<16xi32>], vector<16xf32>,
      %mul3A_2401 = arith.constant 50 : i32
      %mul3A_2402 = arith.muli %scan3A_2161, %mul3A_2401 : i32
      %add3A_2403 = arith.constant 12 : i32
      %add3A_2404 = arith.addi %mul3A_2402, %add3A_2403 : i32
      %get3A_2405 = arith.index_cast %add3A_2404 : i32 to index
      %get3A_2406 = arith.constant 0 : index
      %get3A_2407 = tpu.vector_load %arg6[%get3A_2405, %get3A_2406] {strides = array<i32>} : memref<1600x32xf32, #tpu.memory_space<vmem>>, vector<16xf32>,
      %add3A_2408 = arith.constant 48 : i32
      %add3A_2409 = vector.broadcast %add3A_2408 : i32 to vector<16xi32>
      %add3A_2410 = arith.addi %shift_right_logical3A_642, %add3A_2409 : vector<16xi32>
      tpu.vector_store_idx %arg7[%add3A_2410, %and3A_644, %broadcast_in_dim3A], %get3A_2407 : memref<200x8x33xf32, #tpu.memory_space<vmem>>[vector<16xi32>, vector<16xi32>, vector<16xi32>], vector<16xf32>,
      %mul3A_2411 = arith.constant 50 : i32
      %mul3A_2412 = arith.muli %scan3A_2161, %mul3A_2411 : i32
      %add3A_2413 = arith.constant 12 : i32
      %add3A_2414 = arith.addi %mul3A_2412, %add3A_2413 : i32
      %get3A_2415 = arith.index_cast %add3A_2414 : i32 to index
      %get3A_2416 = arith.constant 16 : index
      %get3A_2417 = tpu.vector_load %arg6[%get3A_2415, %get3A_2416] {strides = array<i32>} : memref<1600x32xf32, #tpu.memory_space<vmem>>, vector<16xf32>,
      %add3A_2418 = arith.constant 50 : i32
      %add3A_2419 = vector.broadcast %add3A_2418 : i32 to vector<16xi32>
      %add3A_2420 = arith.addi %shift_right_logical3A_642, %add3A_2419 : vector<16xi32>
      tpu.vector_store_idx %arg7[%add3A_2420, %and3A_644, %broadcast_in_dim3A], %get3A_2417 : memref<200x8x33xf32, #tpu.memory_space<vmem>>[vector<16xi32>, vector<16xi32>, vector<16xi32>], vector<16xf32>,
      %mul3A_2421 = arith.constant 50 : i32
      %mul3A_2422 = arith.muli %scan3A_2161, %mul3A_2421 : i32
      %add3A_2423 = arith.constant 13 : i32
      %add3A_2424 = arith.addi %mul3A_2422, %add3A_2423 : i32
      %get3A_2425 = arith.index_cast %add3A_2424 : i32 to index
      %get3A_2426 = arith.constant 0 : index
      %get3A_2427 = tpu.vector_load %arg6[%get3A_2425, %get3A_2426] {strides = array<i32>} : memref<1600x32xf32, #tpu.memory_space<vmem>>, vector<16xf32>,
      %add3A_2428 = arith.constant 52 : i32
      %add3A_2429 = vector.broadcast %add3A_2428 : i32 to vector<16xi32>
      %add3A_2430 = arith.addi %shift_right_logical3A_642, %add3A_2429 : vector<16xi32>
      tpu.vector_store_idx %arg7[%add3A_2430, %and3A_644, %broadcast_in_dim3A], %get3A_2427 : memref<200x8x33xf32, #tpu.memory_space<vmem>>[vector<16xi32>, vector<16xi32>, vector<16xi32>], vector<16xf32>,
      %mul3A_2431 = arith.constant 50 : i32
      %mul3A_2432 = arith.muli %scan3A_2161, %mul3A_2431 : i32
      %add3A_2433 = arith.constant 13 : i32
      %add3A_2434 = arith.addi %mul3A_2432, %add3A_2433 : i32
      %get3A_2435 = arith.index_cast %add3A_2434 : i32 to index
      %get3A_2436 = arith.constant 16 : index
      %get3A_2437 = tpu.vector_load %arg6[%get3A_2435, %get3A_2436] {strides = array<i32>} : memref<1600x32xf32, #tpu.memory_space<vmem>>, vector<16xf32>,
      %add3A_2438 = arith.constant 54 : i32
      %add3A_2439 = vector.broadcast %add3A_2438 : i32 to vector<16xi32>
      %add3A_2440 = arith.addi %shift_right_logical3A_642, %add3A_2439 : vector<16xi32>
      tpu.vector_store_idx %arg7[%add3A_2440, %and3A_644, %broadcast_in_dim3A], %get3A_2437 : memref<200x8x33xf32, #tpu.memory_space<vmem>>[vector<16xi32>, vector<16xi32>, vector<16xi32>], vector<16xf32>,
      %mul3A_2441 = arith.constant 50 : i32
      %mul3A_2442 = arith.muli %scan3A_2161, %mul3A_2441 : i32
      %add3A_2443 = arith.constant 14 : i32
      %add3A_2444 = arith.addi %mul3A_2442, %add3A_2443 : i32
      %get3A_2445 = arith.index_cast %add3A_2444 : i32 to index
      %get3A_2446 = arith.constant 0 : index
      %get3A_2447 = tpu.vector_load %arg6[%get3A_2445, %get3A_2446] {strides = array<i32>} : memref<1600x32xf32, #tpu.memory_space<vmem>>, vector<16xf32>,
      %add3A_2448 = arith.constant 56 : i32
      %add3A_2449 = vector.broadcast %add3A_2448 : i32 to vector<16xi32>
      %add3A_2450 = arith.addi %shift_right_logical3A_642, %add3A_2449 : vector<16xi32>
      tpu.vector_store_idx %arg7[%add3A_2450, %and3A_644, %broadcast_in_dim3A], %get3A_2447 : memref<200x8x33xf32, #tpu.memory_space<vmem>>[vector<16xi32>, vector<16xi32>, vector<16xi32>], vector<16xf32>,
      %mul3A_2451 = arith.constant 50 : i32
      %mul3A_2452 = arith.muli %scan3A_2161, %mul3A_2451 : i32
      %add3A_2453 = arith.constant 14 : i32
      %add3A_2454 = arith.addi %mul3A_2452, %add3A_2453 : i32
      %get3A_2455 = arith.index_cast %add3A_2454 : i32 to index
      %get3A_2456 = arith.constant 16 : index
      %get3A_2457 = tpu.vector_load %arg6[%get3A_2455, %get3A_2456] {strides = array<i32>} : memref<1600x32xf32, #tpu.memory_space<vmem>>, vector<16xf32>,
      %add3A_2458 = arith.constant 58 : i32
      %add3A_2459 = vector.broadcast %add3A_2458 : i32 to vector<16xi32>
      %add3A_2460 = arith.addi %shift_right_logical3A_642, %add3A_2459 : vector<16xi32>
      tpu.vector_store_idx %arg7[%add3A_2460, %and3A_644, %broadcast_in_dim3A], %get3A_2457 : memref<200x8x33xf32, #tpu.memory_space<vmem>>[vector<16xi32>, vector<16xi32>, vector<16xi32>], vector<16xf32>,
      %mul3A_2461 = arith.constant 50 : i32
      %mul3A_2462 = arith.muli %scan3A_2161, %mul3A_2461 : i32
      %add3A_2463 = arith.constant 15 : i32
      %add3A_2464 = arith.addi %mul3A_2462, %add3A_2463 : i32
      %get3A_2465 = arith.index_cast %add3A_2464 : i32 to index
      %get3A_2466 = arith.constant 0 : index
      %get3A_2467 = tpu.vector_load %arg6[%get3A_2465, %get3A_2466] {strides = array<i32>} : memref<1600x32xf32, #tpu.memory_space<vmem>>, vector<16xf32>,
      %add3A_2468 = arith.constant 60 : i32
      %add3A_2469 = vector.broadcast %add3A_2468 : i32 to vector<16xi32>
      %add3A_2470 = arith.addi %shift_right_logical3A_642, %add3A_2469 : vector<16xi32>
      tpu.vector_store_idx %arg7[%add3A_2470, %and3A_644, %broadcast_in_dim3A], %get3A_2467 : memref<200x8x33xf32, #tpu.memory_space<vmem>>[vector<16xi32>, vector<16xi32>, vector<16xi32>], vector<16xf32>,
      %mul3A_2471 = arith.constant 50 : i32
      %mul3A_2472 = arith.muli %scan3A_2161, %mul3A_2471 : i32
      %add3A_2473 = arith.constant 15 : i32
      %add3A_2474 = arith.addi %mul3A_2472, %add3A_2473 : i32
      %get3A_2475 = arith.index_cast %add3A_2474 : i32 to index
      %get3A_2476 = arith.constant 16 : index
      %get3A_2477 = tpu.vector_load %arg6[%get3A_2475, %get3A_2476] {strides = array<i32>} : memref<1600x32xf32, #tpu.memory_space<vmem>>, vector<16xf32>,
      %add3A_2478 = arith.constant 62 : i32
      %add3A_2479 = vector.broadcast %add3A_2478 : i32 to vector<16xi32>
      %add3A_2480 = arith.addi %shift_right_logical3A_642, %add3A_2479 : vector<16xi32>
      tpu.vector_store_idx %arg7[%add3A_2480, %and3A_644, %broadcast_in_dim3A], %get3A_2477 : memref<200x8x33xf32, #tpu.memory_space<vmem>>[vector<16xi32>, vector<16xi32>, vector<16xi32>], vector<16xf32>,
      %mul3A_2481 = arith.constant 50 : i32
      %mul3A_2482 = arith.muli %scan3A_2161, %mul3A_2481 : i32
      %add3A_2483 = arith.constant 16 : i32
      %add3A_2484 = arith.addi %mul3A_2482, %add3A_2483 : i32
      %get3A_2485 = arith.index_cast %add3A_2484 : i32 to index
      %get3A_2486 = arith.constant 0 : index
      %get3A_2487 = tpu.vector_load %arg6[%get3A_2485, %get3A_2486] {strides = array<i32>} : memref<1600x32xf32, #tpu.memory_space<vmem>>, vector<16xf32>,
      %add3A_2488 = arith.constant 64 : i32
      %add3A_2489 = vector.broadcast %add3A_2488 : i32 to vector<16xi32>
      %add3A_2490 = arith.addi %shift_right_logical3A_642, %add3A_2489 : vector<16xi32>
      tpu.vector_store_idx %arg7[%add3A_2490, %and3A_644, %broadcast_in_dim3A], %get3A_2487 : memref<200x8x33xf32, #tpu.memory_space<vmem>>[vector<16xi32>, vector<16xi32>, vector<16xi32>], vector<16xf32>,
      %mul3A_2491 = arith.constant 50 : i32
      %mul3A_2492 = arith.muli %scan3A_2161, %mul3A_2491 : i32
      %add3A_2493 = arith.constant 16 : i32
      %add3A_2494 = arith.addi %mul3A_2492, %add3A_2493 : i32
      %get3A_2495 = arith.index_cast %add3A_2494 : i32 to index
      %get3A_2496 = arith.constant 16 : index
      %get3A_2497 = tpu.vector_load %arg6[%get3A_2495, %get3A_2496] {strides = array<i32>} : memref<1600x32xf32, #tpu.memory_space<vmem>>, vector<16xf32>,
      %add3A_2498 = arith.constant 66 : i32
      %add3A_2499 = vector.broadcast %add3A_2498 : i32 to vector<16xi32>
      %add3A_2500 = arith.addi %shift_right_logical3A_642, %add3A_2499 : vector<16xi32>
      tpu.vector_store_idx %arg7[%add3A_2500, %and3A_644, %broadcast_in_dim3A], %get3A_2497 : memref<200x8x33xf32, #tpu.memory_space<vmem>>[vector<16xi32>, vector<16xi32>, vector<16xi32>], vector<16xf32>,
      %mul3A_2501 = arith.constant 50 : i32
      %mul3A_2502 = arith.muli %scan3A_2161, %mul3A_2501 : i32
      %add3A_2503 = arith.constant 17 : i32
      %add3A_2504 = arith.addi %mul3A_2502, %add3A_2503 : i32
      %get3A_2505 = arith.index_cast %add3A_2504 : i32 to index
      %get3A_2506 = arith.constant 0 : index
      %get3A_2507 = tpu.vector_load %arg6[%get3A_2505, %get3A_2506] {strides = array<i32>} : memref<1600x32xf32, #tpu.memory_space<vmem>>, vector<16xf32>,
      %add3A_2508 = arith.constant 68 : i32
      %add3A_2509 = vector.broadcast %add3A_2508 : i32 to vector<16xi32>
      %add3A_2510 = arith.addi %shift_right_logical3A_642, %add3A_2509 : vector<16xi32>
      tpu.vector_store_idx %arg7[%add3A_2510, %and3A_644, %broadcast_in_dim3A], %get3A_2507 : memref<200x8x33xf32, #tpu.memory_space<vmem>>[vector<16xi32>, vector<16xi32>, vector<16xi32>], vector<16xf32>,
      %mul3A_2511 = arith.constant 50 : i32
      %mul3A_2512 = arith.muli %scan3A_2161, %mul3A_2511 : i32
      %add3A_2513 = arith.constant 17 : i32
      %add3A_2514 = arith.addi %mul3A_2512, %add3A_2513 : i32
      %get3A_2515 = arith.index_cast %add3A_2514 : i32 to index
      %get3A_2516 = arith.constant 16 : index
      %get3A_2517 = tpu.vector_load %arg6[%get3A_2515, %get3A_2516] {strides = array<i32>} : memref<1600x32xf32, #tpu.memory_space<vmem>>, vector<16xf32>,
      %add3A_2518 = arith.constant 70 : i32
      %add3A_2519 = vector.broadcast %add3A_2518 : i32 to vector<16xi32>
      %add3A_2520 = arith.addi %shift_right_logical3A_642, %add3A_2519 : vector<16xi32>
      tpu.vector_store_idx %arg7[%add3A_2520, %and3A_644, %broadcast_in_dim3A], %get3A_2517 : memref<200x8x33xf32, #tpu.memory_space<vmem>>[vector<16xi32>, vector<16xi32>, vector<16xi32>], vector<16xf32>,
      %mul3A_2521 = arith.constant 50 : i32
      %mul3A_2522 = arith.muli %scan3A_2161, %mul3A_2521 : i32
      %add3A_2523 = arith.constant 18 : i32
      %add3A_2524 = arith.addi %mul3A_2522, %add3A_2523 : i32
      %get3A_2525 = arith.index_cast %add3A_2524 : i32 to index
      %get3A_2526 = arith.constant 0 : index
      %get3A_2527 = tpu.vector_load %arg6[%get3A_2525, %get3A_2526] {strides = array<i32>} : memref<1600x32xf32, #tpu.memory_space<vmem>>, vector<16xf32>,
      %add3A_2528 = arith.constant 72 : i32
      %add3A_2529 = vector.broadcast %add3A_2528 : i32 to vector<16xi32>
      %add3A_2530 = arith.addi %shift_right_logical3A_642, %add3A_2529 : vector<16xi32>
      tpu.vector_store_idx %arg7[%add3A_2530, %and3A_644, %broadcast_in_dim3A], %get3A_2527 : memref<200x8x33xf32, #tpu.memory_space<vmem>>[vector<16xi32>, vector<16xi32>, vector<16xi32>], vector<16xf32>,
      %mul3A_2531 = arith.constant 50 : i32
      %mul3A_2532 = arith.muli %scan3A_2161, %mul3A_2531 : i32
      %add3A_2533 = arith.constant 18 : i32
      %add3A_2534 = arith.addi %mul3A_2532, %add3A_2533 : i32
      %get3A_2535 = arith.index_cast %add3A_2534 : i32 to index
      %get3A_2536 = arith.constant 16 : index
      %get3A_2537 = tpu.vector_load %arg6[%get3A_2535, %get3A_2536] {strides = array<i32>} : memref<1600x32xf32, #tpu.memory_space<vmem>>, vector<16xf32>,
      %add3A_2538 = arith.constant 74 : i32
      %add3A_2539 = vector.broadcast %add3A_2538 : i32 to vector<16xi32>
      %add3A_2540 = arith.addi %shift_right_logical3A_642, %add3A_2539 : vector<16xi32>
      tpu.vector_store_idx %arg7[%add3A_2540, %and3A_644, %broadcast_in_dim3A], %get3A_2537 : memref<200x8x33xf32, #tpu.memory_space<vmem>>[vector<16xi32>, vector<16xi32>, vector<16xi32>], vector<16xf32>,
      %mul3A_2541 = arith.constant 50 : i32
      %mul3A_2542 = arith.muli %scan3A_2161, %mul3A_2541 : i32
      %add3A_2543 = arith.constant 19 : i32
      %add3A_2544 = arith.addi %mul3A_2542, %add3A_2543 : i32
      %get3A_2545 = arith.index_cast %add3A_2544 : i32 to index
      %get3A_2546 = arith.constant 0 : index
      %get3A_2547 = tpu.vector_load %arg6[%get3A_2545, %get3A_2546] {strides = array<i32>} : memref<1600x32xf32, #tpu.memory_space<vmem>>, vector<16xf32>,
      %add3A_2548 = arith.constant 76 : i32
      %add3A_2549 = vector.broadcast %add3A_2548 : i32 to vector<16xi32>
      %add3A_2550 = arith.addi %shift_right_logical3A_642, %add3A_2549 : vector<16xi32>
      tpu.vector_store_idx %arg7[%add3A_2550, %and3A_644, %broadcast_in_dim3A], %get3A_2547 : memref<200x8x33xf32, #tpu.memory_space<vmem>>[vector<16xi32>, vector<16xi32>, vector<16xi32>], vector<16xf32>,
      %mul3A_2551 = arith.constant 50 : i32
      %mul3A_2552 = arith.muli %scan3A_2161, %mul3A_2551 : i32
      %add3A_2553 = arith.constant 19 : i32
      %add3A_2554 = arith.addi %mul3A_2552, %add3A_2553 : i32
      %get3A_2555 = arith.index_cast %add3A_2554 : i32 to index
      %get3A_2556 = arith.constant 16 : index
      %get3A_2557 = tpu.vector_load %arg6[%get3A_2555, %get3A_2556] {strides = array<i32>} : memref<1600x32xf32, #tpu.memory_space<vmem>>, vector<16xf32>,
      %add3A_2558 = arith.constant 78 : i32
      %add3A_2559 = vector.broadcast %add3A_2558 : i32 to vector<16xi32>
      %add3A_2560 = arith.addi %shift_right_logical3A_642, %add3A_2559 : vector<16xi32>
      tpu.vector_store_idx %arg7[%add3A_2560, %and3A_644, %broadcast_in_dim3A], %get3A_2557 : memref<200x8x33xf32, #tpu.memory_space<vmem>>[vector<16xi32>, vector<16xi32>, vector<16xi32>], vector<16xf32>,
      %mul3A_2561 = arith.constant 50 : i32
      %mul3A_2562 = arith.muli %scan3A_2161, %mul3A_2561 : i32
      %add3A_2563 = arith.constant 20 : i32
      %add3A_2564 = arith.addi %mul3A_2562, %add3A_2563 : i32
      %get3A_2565 = arith.index_cast %add3A_2564 : i32 to index
      %get3A_2566 = arith.constant 0 : index
      %get3A_2567 = tpu.vector_load %arg6[%get3A_2565, %get3A_2566] {strides = array<i32>} : memref<1600x32xf32, #tpu.memory_space<vmem>>, vector<16xf32>,
      %add3A_2568 = arith.constant 80 : i32
      %add3A_2569 = vector.broadcast %add3A_2568 : i32 to vector<16xi32>
      %add3A_2570 = arith.addi %shift_right_logical3A_642, %add3A_2569 : vector<16xi32>
      tpu.vector_store_idx %arg7[%add3A_2570, %and3A_644, %broadcast_in_dim3A], %get3A_2567 : memref<200x8x33xf32, #tpu.memory_space<vmem>>[vector<16xi32>, vector<16xi32>, vector<16xi32>], vector<16xf32>,
      %mul3A_2571 = arith.constant 50 : i32
      %mul3A_2572 = arith.muli %scan3A_2161, %mul3A_2571 : i32
      %add3A_2573 = arith.constant 20 : i32
      %add3A_2574 = arith.addi %mul3A_2572, %add3A_2573 : i32
      %get3A_2575 = arith.index_cast %add3A_2574 : i32 to index
      %get3A_2576 = arith.constant 16 : index
      %get3A_2577 = tpu.vector_load %arg6[%get3A_2575, %get3A_2576] {strides = array<i32>} : memref<1600x32xf32, #tpu.memory_space<vmem>>, vector<16xf32>,
      %add3A_2578 = arith.constant 82 : i32
      %add3A_2579 = vector.broadcast %add3A_2578 : i32 to vector<16xi32>
      %add3A_2580 = arith.addi %shift_right_logical3A_642, %add3A_2579 : vector<16xi32>
      tpu.vector_store_idx %arg7[%add3A_2580, %and3A_644, %broadcast_in_dim3A], %get3A_2577 : memref<200x8x33xf32, #tpu.memory_space<vmem>>[vector<16xi32>, vector<16xi32>, vector<16xi32>], vector<16xf32>,
      %mul3A_2581 = arith.constant 50 : i32
      %mul3A_2582 = arith.muli %scan3A_2161, %mul3A_2581 : i32
      %add3A_2583 = arith.constant 21 : i32
      %add3A_2584 = arith.addi %mul3A_2582, %add3A_2583 : i32
      %get3A_2585 = arith.index_cast %add3A_2584 : i32 to index
      %get3A_2586 = arith.constant 0 : index
      %get3A_2587 = tpu.vector_load %arg6[%get3A_2585, %get3A_2586] {strides = array<i32>} : memref<1600x32xf32, #tpu.memory_space<vmem>>, vector<16xf32>,
      %add3A_2588 = arith.constant 84 : i32
      %add3A_2589 = vector.broadcast %add3A_2588 : i32 to vector<16xi32>
      %add3A_2590 = arith.addi %shift_right_logical3A_642, %add3A_2589 : vector<16xi32>
      tpu.vector_store_idx %arg7[%add3A_2590, %and3A_644, %broadcast_in_dim3A], %get3A_2587 : memref<200x8x33xf32, #tpu.memory_space<vmem>>[vector<16xi32>, vector<16xi32>, vector<16xi32>], vector<16xf32>,
      %mul3A_2591 = arith.constant 50 : i32
      %mul3A_2592 = arith.muli %scan3A_2161, %mul3A_2591 : i32
      %add3A_2593 = arith.constant 21 : i32
      %add3A_2594 = arith.addi %mul3A_2592, %add3A_2593 : i32
      %get3A_2595 = arith.index_cast %add3A_2594 : i32 to index
      %get3A_2596 = arith.constant 16 : index
      %get3A_2597 = tpu.vector_load %arg6[%get3A_2595, %get3A_2596] {strides = array<i32>} : memref<1600x32xf32, #tpu.memory_space<vmem>>, vector<16xf32>,
      %add3A_2598 = arith.constant 86 : i32
      %add3A_2599 = vector.broadcast %add3A_2598 : i32 to vector<16xi32>
      %add3A_2600 = arith.addi %shift_right_logical3A_642, %add3A_2599 : vector<16xi32>
      tpu.vector_store_idx %arg7[%add3A_2600, %and3A_644, %broadcast_in_dim3A], %get3A_2597 : memref<200x8x33xf32, #tpu.memory_space<vmem>>[vector<16xi32>, vector<16xi32>, vector<16xi32>], vector<16xf32>,
      %mul3A_2601 = arith.constant 50 : i32
      %mul3A_2602 = arith.muli %scan3A_2161, %mul3A_2601 : i32
      %add3A_2603 = arith.constant 22 : i32
      %add3A_2604 = arith.addi %mul3A_2602, %add3A_2603 : i32
      %get3A_2605 = arith.index_cast %add3A_2604 : i32 to index
      %get3A_2606 = arith.constant 0 : index
      %get3A_2607 = tpu.vector_load %arg6[%get3A_2605, %get3A_2606] {strides = array<i32>} : memref<1600x32xf32, #tpu.memory_space<vmem>>, vector<16xf32>,
      %add3A_2608 = arith.constant 88 : i32
      %add3A_2609 = vector.broadcast %add3A_2608 : i32 to vector<16xi32>
      %add3A_2610 = arith.addi %shift_right_logical3A_642, %add3A_2609 : vector<16xi32>
      tpu.vector_store_idx %arg7[%add3A_2610, %and3A_644, %broadcast_in_dim3A], %get3A_2607 : memref<200x8x33xf32, #tpu.memory_space<vmem>>[vector<16xi32>, vector<16xi32>, vector<16xi32>], vector<16xf32>,
      %mul3A_2611 = arith.constant 50 : i32
      %mul3A_2612 = arith.muli %scan3A_2161, %mul3A_2611 : i32
      %add3A_2613 = arith.constant 22 : i32
      %add3A_2614 = arith.addi %mul3A_2612, %add3A_2613 : i32
      %get3A_2615 = arith.index_cast %add3A_2614 : i32 to index
      %get3A_2616 = arith.constant 16 : index
      %get3A_2617 = tpu.vector_load %arg6[%get3A_2615, %get3A_2616] {strides = array<i32>} : memref<1600x32xf32, #tpu.memory_space<vmem>>, vector<16xf32>,
      %add3A_2618 = arith.constant 90 : i32
      %add3A_2619 = vector.broadcast %add3A_2618 : i32 to vector<16xi32>
      %add3A_2620 = arith.addi %shift_right_logical3A_642, %add3A_2619 : vector<16xi32>
      tpu.vector_store_idx %arg7[%add3A_2620, %and3A_644, %broadcast_in_dim3A], %get3A_2617 : memref<200x8x33xf32, #tpu.memory_space<vmem>>[vector<16xi32>, vector<16xi32>, vector<16xi32>], vector<16xf32>,
      %mul3A_2621 = arith.constant 50 : i32
      %mul3A_2622 = arith.muli %scan3A_2161, %mul3A_2621 : i32
      %add3A_2623 = arith.constant 23 : i32
      %add3A_2624 = arith.addi %mul3A_2622, %add3A_2623 : i32
      %get3A_2625 = arith.index_cast %add3A_2624 : i32 to index
      %get3A_2626 = arith.constant 0 : index
      %get3A_2627 = tpu.vector_load %arg6[%get3A_2625, %get3A_2626] {strides = array<i32>} : memref<1600x32xf32, #tpu.memory_space<vmem>>, vector<16xf32>,
      %add3A_2628 = arith.constant 92 : i32
      %add3A_2629 = vector.broadcast %add3A_2628 : i32 to vector<16xi32>
      %add3A_2630 = arith.addi %shift_right_logical3A_642, %add3A_2629 : vector<16xi32>
      tpu.vector_store_idx %arg7[%add3A_2630, %and3A_644, %broadcast_in_dim3A], %get3A_2627 : memref<200x8x33xf32, #tpu.memory_space<vmem>>[vector<16xi32>, vector<16xi32>, vector<16xi32>], vector<16xf32>,
      %mul3A_2631 = arith.constant 50 : i32
      %mul3A_2632 = arith.muli %scan3A_2161, %mul3A_2631 : i32
      %add3A_2633 = arith.constant 23 : i32
      %add3A_2634 = arith.addi %mul3A_2632, %add3A_2633 : i32
      %get3A_2635 = arith.index_cast %add3A_2634 : i32 to index
      %get3A_2636 = arith.constant 16 : index
      %get3A_2637 = tpu.vector_load %arg6[%get3A_2635, %get3A_2636] {strides = array<i32>} : memref<1600x32xf32, #tpu.memory_space<vmem>>, vector<16xf32>,
      %add3A_2638 = arith.constant 94 : i32
      %add3A_2639 = vector.broadcast %add3A_2638 : i32 to vector<16xi32>
      %add3A_2640 = arith.addi %shift_right_logical3A_642, %add3A_2639 : vector<16xi32>
      tpu.vector_store_idx %arg7[%add3A_2640, %and3A_644, %broadcast_in_dim3A], %get3A_2637 : memref<200x8x33xf32, #tpu.memory_space<vmem>>[vector<16xi32>, vector<16xi32>, vector<16xi32>], vector<16xf32>,
      %mul3A_2641 = arith.constant 50 : i32
      %mul3A_2642 = arith.muli %scan3A_2161, %mul3A_2641 : i32
      %add3A_2643 = arith.constant 24 : i32
      %add3A_2644 = arith.addi %mul3A_2642, %add3A_2643 : i32
      %get3A_2645 = arith.index_cast %add3A_2644 : i32 to index
      %get3A_2646 = arith.constant 0 : index
      %get3A_2647 = tpu.vector_load %arg6[%get3A_2645, %get3A_2646] {strides = array<i32>} : memref<1600x32xf32, #tpu.memory_space<vmem>>, vector<16xf32>,
      %add3A_2648 = arith.constant 96 : i32
      %add3A_2649 = vector.broadcast %add3A_2648 : i32 to vector<16xi32>
      %add3A_2650 = arith.addi %shift_right_logical3A_642, %add3A_2649 : vector<16xi32>
      tpu.vector_store_idx %arg7[%add3A_2650, %and3A_644, %broadcast_in_dim3A], %get3A_2647 : memref<200x8x33xf32, #tpu.memory_space<vmem>>[vector<16xi32>, vector<16xi32>, vector<16xi32>], vector<16xf32>,
      %mul3A_2651 = arith.constant 50 : i32
      %mul3A_2652 = arith.muli %scan3A_2161, %mul3A_2651 : i32
      %add3A_2653 = arith.constant 24 : i32
      %add3A_2654 = arith.addi %mul3A_2652, %add3A_2653 : i32
      %get3A_2655 = arith.index_cast %add3A_2654 : i32 to index
      %get3A_2656 = arith.constant 16 : index
      %get3A_2657 = tpu.vector_load %arg6[%get3A_2655, %get3A_2656] {strides = array<i32>} : memref<1600x32xf32, #tpu.memory_space<vmem>>, vector<16xf32>,
      %add3A_2658 = arith.constant 98 : i32
      %add3A_2659 = vector.broadcast %add3A_2658 : i32 to vector<16xi32>
      %add3A_2660 = arith.addi %shift_right_logical3A_642, %add3A_2659 : vector<16xi32>
      tpu.vector_store_idx %arg7[%add3A_2660, %and3A_644, %broadcast_in_dim3A], %get3A_2657 : memref<200x8x33xf32, #tpu.memory_space<vmem>>[vector<16xi32>, vector<16xi32>, vector<16xi32>], vector<16xf32>,
      %mul3A_2661 = arith.constant 50 : i32
      %mul3A_2662 = arith.muli %scan3A_2161, %mul3A_2661 : i32
      %add3A_2663 = arith.constant 25 : i32
      %add3A_2664 = arith.addi %mul3A_2662, %add3A_2663 : i32
      %get3A_2665 = arith.index_cast %add3A_2664 : i32 to index
      %get3A_2666 = arith.constant 0 : index
      %get3A_2667 = tpu.vector_load %arg6[%get3A_2665, %get3A_2666] {strides = array<i32>} : memref<1600x32xf32, #tpu.memory_space<vmem>>, vector<16xf32>,
      %add3A_2668 = arith.constant 100 : i32
      %add3A_2669 = vector.broadcast %add3A_2668 : i32 to vector<16xi32>
      %add3A_2670 = arith.addi %shift_right_logical3A_642, %add3A_2669 : vector<16xi32>
      tpu.vector_store_idx %arg7[%add3A_2670, %and3A_644, %broadcast_in_dim3A], %get3A_2667 : memref<200x8x33xf32, #tpu.memory_space<vmem>>[vector<16xi32>, vector<16xi32>, vector<16xi32>], vector<16xf32>,
      %mul3A_2671 = arith.constant 50 : i32
      %mul3A_2672 = arith.muli %scan3A_2161, %mul3A_2671 : i32
      %add3A_2673 = arith.constant 25 : i32
      %add3A_2674 = arith.addi %mul3A_2672, %add3A_2673 : i32
      %get3A_2675 = arith.index_cast %add3A_2674 : i32 to index
      %get3A_2676 = arith.constant 16 : index
      %get3A_2677 = tpu.vector_load %arg6[%get3A_2675, %get3A_2676] {strides = array<i32>} : memref<1600x32xf32, #tpu.memory_space<vmem>>, vector<16xf32>,
      %add3A_2678 = arith.constant 102 : i32
      %add3A_2679 = vector.broadcast %add3A_2678 : i32 to vector<16xi32>
      %add3A_2680 = arith.addi %shift_right_logical3A_642, %add3A_2679 : vector<16xi32>
      tpu.vector_store_idx %arg7[%add3A_2680, %and3A_644, %broadcast_in_dim3A], %get3A_2677 : memref<200x8x33xf32, #tpu.memory_space<vmem>>[vector<16xi32>, vector<16xi32>, vector<16xi32>], vector<16xf32>,
      %mul3A_2681 = arith.constant 50 : i32
      %mul3A_2682 = arith.muli %scan3A_2161, %mul3A_2681 : i32
      %add3A_2683 = arith.constant 26 : i32
      %add3A_2684 = arith.addi %mul3A_2682, %add3A_2683 : i32
      %get3A_2685 = arith.index_cast %add3A_2684 : i32 to index
      %get3A_2686 = arith.constant 0 : index
      %get3A_2687 = tpu.vector_load %arg6[%get3A_2685, %get3A_2686] {strides = array<i32>} : memref<1600x32xf32, #tpu.memory_space<vmem>>, vector<16xf32>,
      %add3A_2688 = arith.constant 104 : i32
      %add3A_2689 = vector.broadcast %add3A_2688 : i32 to vector<16xi32>
      %add3A_2690 = arith.addi %shift_right_logical3A_642, %add3A_2689 : vector<16xi32>
      tpu.vector_store_idx %arg7[%add3A_2690, %and3A_644, %broadcast_in_dim3A], %get3A_2687 : memref<200x8x33xf32, #tpu.memory_space<vmem>>[vector<16xi32>, vector<16xi32>, vector<16xi32>], vector<16xf32>,
      %mul3A_2691 = arith.constant 50 : i32
      %mul3A_2692 = arith.muli %scan3A_2161, %mul3A_2691 : i32
      %add3A_2693 = arith.constant 26 : i32
      %add3A_2694 = arith.addi %mul3A_2692, %add3A_2693 : i32
      %get3A_2695 = arith.index_cast %add3A_2694 : i32 to index
      %get3A_2696 = arith.constant 16 : index
      %get3A_2697 = tpu.vector_load %arg6[%get3A_2695, %get3A_2696] {strides = array<i32>} : memref<1600x32xf32, #tpu.memory_space<vmem>>, vector<16xf32>,
      %add3A_2698 = arith.constant 106 : i32
      %add3A_2699 = vector.broadcast %add3A_2698 : i32 to vector<16xi32>
      %add3A_2700 = arith.addi %shift_right_logical3A_642, %add3A_2699 : vector<16xi32>
      tpu.vector_store_idx %arg7[%add3A_2700, %and3A_644, %broadcast_in_dim3A], %get3A_2697 : memref<200x8x33xf32, #tpu.memory_space<vmem>>[vector<16xi32>, vector<16xi32>, vector<16xi32>], vector<16xf32>,
      %mul3A_2701 = arith.constant 50 : i32
      %mul3A_2702 = arith.muli %scan3A_2161, %mul3A_2701 : i32
      %add3A_2703 = arith.constant 27 : i32
      %add3A_2704 = arith.addi %mul3A_2702, %add3A_2703 : i32
      %get3A_2705 = arith.index_cast %add3A_2704 : i32 to index
      %get3A_2706 = arith.constant 0 : index
      %get3A_2707 = tpu.vector_load %arg6[%get3A_2705, %get3A_2706] {strides = array<i32>} : memref<1600x32xf32, #tpu.memory_space<vmem>>, vector<16xf32>,
      %add3A_2708 = arith.constant 108 : i32
      %add3A_2709 = vector.broadcast %add3A_2708 : i32 to vector<16xi32>
      %add3A_2710 = arith.addi %shift_right_logical3A_642, %add3A_2709 : vector<16xi32>
      tpu.vector_store_idx %arg7[%add3A_2710, %and3A_644, %broadcast_in_dim3A], %get3A_2707 : memref<200x8x33xf32, #tpu.memory_space<vmem>>[vector<16xi32>, vector<16xi32>, vector<16xi32>], vector<16xf32>,
      %mul3A_2711 = arith.constant 50 : i32
      %mul3A_2712 = arith.muli %scan3A_2161, %mul3A_2711 : i32
      %add3A_2713 = arith.constant 27 : i32
      %add3A_2714 = arith.addi %mul3A_2712, %add3A_2713 : i32
      %get3A_2715 = arith.index_cast %add3A_2714 : i32 to index
      %get3A_2716 = arith.constant 16 : index
      %get3A_2717 = tpu.vector_load %arg6[%get3A_2715, %get3A_2716] {strides = array<i32>} : memref<1600x32xf32, #tpu.memory_space<vmem>>, vector<16xf32>,
      %add3A_2718 = arith.constant 110 : i32
      %add3A_2719 = vector.broadcast %add3A_2718 : i32 to vector<16xi32>
      %add3A_2720 = arith.addi %shift_right_logical3A_642, %add3A_2719 : vector<16xi32>
      tpu.vector_store_idx %arg7[%add3A_2720, %and3A_644, %broadcast_in_dim3A], %get3A_2717 : memref<200x8x33xf32, #tpu.memory_space<vmem>>[vector<16xi32>, vector<16xi32>, vector<16xi32>], vector<16xf32>,
      %mul3A_2721 = arith.constant 50 : i32
      %mul3A_2722 = arith.muli %scan3A_2161, %mul3A_2721 : i32
      %add3A_2723 = arith.constant 28 : i32
      %add3A_2724 = arith.addi %mul3A_2722, %add3A_2723 : i32
      %get3A_2725 = arith.index_cast %add3A_2724 : i32 to index
      %get3A_2726 = arith.constant 0 : index
      %get3A_2727 = tpu.vector_load %arg6[%get3A_2725, %get3A_2726] {strides = array<i32>} : memref<1600x32xf32, #tpu.memory_space<vmem>>, vector<16xf32>,
      %add3A_2728 = arith.constant 112 : i32
      %add3A_2729 = vector.broadcast %add3A_2728 : i32 to vector<16xi32>
      %add3A_2730 = arith.addi %shift_right_logical3A_642, %add3A_2729 : vector<16xi32>
      tpu.vector_store_idx %arg7[%add3A_2730, %and3A_644, %broadcast_in_dim3A], %get3A_2727 : memref<200x8x33xf32, #tpu.memory_space<vmem>>[vector<16xi32>, vector<16xi32>, vector<16xi32>], vector<16xf32>,
      %mul3A_2731 = arith.constant 50 : i32
      %mul3A_2732 = arith.muli %scan3A_2161, %mul3A_2731 : i32
      %add3A_2733 = arith.constant 28 : i32
      %add3A_2734 = arith.addi %mul3A_2732, %add3A_2733 : i32
      %get3A_2735 = arith.index_cast %add3A_2734 : i32 to index
      %get3A_2736 = arith.constant 16 : index
      %get3A_2737 = tpu.vector_load %arg6[%get3A_2735, %get3A_2736] {strides = array<i32>} : memref<1600x32xf32, #tpu.memory_space<vmem>>, vector<16xf32>,
      %add3A_2738 = arith.constant 114 : i32
      %add3A_2739 = vector.broadcast %add3A_2738 : i32 to vector<16xi32>
      %add3A_2740 = arith.addi %shift_right_logical3A_642, %add3A_2739 : vector<16xi32>
      tpu.vector_store_idx %arg7[%add3A_2740, %and3A_644, %broadcast_in_dim3A], %get3A_2737 : memref<200x8x33xf32, #tpu.memory_space<vmem>>[vector<16xi32>, vector<16xi32>, vector<16xi32>], vector<16xf32>,
      %mul3A_2741 = arith.constant 50 : i32
      %mul3A_2742 = arith.muli %scan3A_2161, %mul3A_2741 : i32
      %add3A_2743 = arith.constant 29 : i32
      %add3A_2744 = arith.addi %mul3A_2742, %add3A_2743 : i32
      %get3A_2745 = arith.index_cast %add3A_2744 : i32 to index
      %get3A_2746 = arith.constant 0 : index
      %get3A_2747 = tpu.vector_load %arg6[%get3A_2745, %get3A_2746] {strides = array<i32>} : memref<1600x32xf32, #tpu.memory_space<vmem>>, vector<16xf32>,
      %add3A_2748 = arith.constant 116 : i32
      %add3A_2749 = vector.broadcast %add3A_2748 : i32 to vector<16xi32>
      %add3A_2750 = arith.addi %shift_right_logical3A_642, %add3A_2749 : vector<16xi32>
      tpu.vector_store_idx %arg7[%add3A_2750, %and3A_644, %broadcast_in_dim3A], %get3A_2747 : memref<200x8x33xf32, #tpu.memory_space<vmem>>[vector<16xi32>, vector<16xi32>, vector<16xi32>], vector<16xf32>,
      %mul3A_2751 = arith.constant 50 : i32
      %mul3A_2752 = arith.muli %scan3A_2161, %mul3A_2751 : i32
      %add3A_2753 = arith.constant 29 : i32
      %add3A_2754 = arith.addi %mul3A_2752, %add3A_2753 : i32
      %get3A_2755 = arith.index_cast %add3A_2754 : i32 to index
      %get3A_2756 = arith.constant 16 : index
      %get3A_2757 = tpu.vector_load %arg6[%get3A_2755, %get3A_2756] {strides = array<i32>} : memref<1600x32xf32, #tpu.memory_space<vmem>>, vector<16xf32>,
      %add3A_2758 = arith.constant 118 : i32
      %add3A_2759 = vector.broadcast %add3A_2758 : i32 to vector<16xi32>
      %add3A_2760 = arith.addi %shift_right_logical3A_642, %add3A_2759 : vector<16xi32>
      tpu.vector_store_idx %arg7[%add3A_2760, %and3A_644, %broadcast_in_dim3A], %get3A_2757 : memref<200x8x33xf32, #tpu.memory_space<vmem>>[vector<16xi32>, vector<16xi32>, vector<16xi32>], vector<16xf32>,
      %mul3A_2761 = arith.constant 50 : i32
      %mul3A_2762 = arith.muli %scan3A_2161, %mul3A_2761 : i32
      %add3A_2763 = arith.constant 30 : i32
      %add3A_2764 = arith.addi %mul3A_2762, %add3A_2763 : i32
      %get3A_2765 = arith.index_cast %add3A_2764 : i32 to index
      %get3A_2766 = arith.constant 0 : index
      %get3A_2767 = tpu.vector_load %arg6[%get3A_2765, %get3A_2766] {strides = array<i32>} : memref<1600x32xf32, #tpu.memory_space<vmem>>, vector<16xf32>,
      %add3A_2768 = arith.constant 120 : i32
      %add3A_2769 = vector.broadcast %add3A_2768 : i32 to vector<16xi32>
      %add3A_2770 = arith.addi %shift_right_logical3A_642, %add3A_2769 : vector<16xi32>
      tpu.vector_store_idx %arg7[%add3A_2770, %and3A_644, %broadcast_in_dim3A], %get3A_2767 : memref<200x8x33xf32, #tpu.memory_space<vmem>>[vector<16xi32>, vector<16xi32>, vector<16xi32>], vector<16xf32>,
      %mul3A_2771 = arith.constant 50 : i32
      %mul3A_2772 = arith.muli %scan3A_2161, %mul3A_2771 : i32
      %add3A_2773 = arith.constant 30 : i32
      %add3A_2774 = arith.addi %mul3A_2772, %add3A_2773 : i32
      %get3A_2775 = arith.index_cast %add3A_2774 : i32 to index
      %get3A_2776 = arith.constant 16 : index
      %get3A_2777 = tpu.vector_load %arg6[%get3A_2775, %get3A_2776] {strides = array<i32>} : memref<1600x32xf32, #tpu.memory_space<vmem>>, vector<16xf32>,
      %add3A_2778 = arith.constant 122 : i32
      %add3A_2779 = vector.broadcast %add3A_2778 : i32 to vector<16xi32>
      %add3A_2780 = arith.addi %shift_right_logical3A_642, %add3A_2779 : vector<16xi32>
      tpu.vector_store_idx %arg7[%add3A_2780, %and3A_644, %broadcast_in_dim3A], %get3A_2777 : memref<200x8x33xf32, #tpu.memory_space<vmem>>[vector<16xi32>, vector<16xi32>, vector<16xi32>], vector<16xf32>,
      %mul3A_2781 = arith.constant 50 : i32
      %mul3A_2782 = arith.muli %scan3A_2161, %mul3A_2781 : i32
      %add3A_2783 = arith.constant 31 : i32
      %add3A_2784 = arith.addi %mul3A_2782, %add3A_2783 : i32
      %get3A_2785 = arith.index_cast %add3A_2784 : i32 to index
      %get3A_2786 = arith.constant 0 : index
      %get3A_2787 = tpu.vector_load %arg6[%get3A_2785, %get3A_2786] {strides = array<i32>} : memref<1600x32xf32, #tpu.memory_space<vmem>>, vector<16xf32>,
      %add3A_2788 = arith.constant 124 : i32
      %add3A_2789 = vector.broadcast %add3A_2788 : i32 to vector<16xi32>
      %add3A_2790 = arith.addi %shift_right_logical3A_642, %add3A_2789 : vector<16xi32>
      tpu.vector_store_idx %arg7[%add3A_2790, %and3A_644, %broadcast_in_dim3A], %get3A_2787 : memref<200x8x33xf32, #tpu.memory_space<vmem>>[vector<16xi32>, vector<16xi32>, vector<16xi32>], vector<16xf32>,
      %mul3A_2791 = arith.constant 50 : i32
      %mul3A_2792 = arith.muli %scan3A_2161, %mul3A_2791 : i32
      %add3A_2793 = arith.constant 31 : i32
      %add3A_2794 = arith.addi %mul3A_2792, %add3A_2793 : i32
      %get3A_2795 = arith.index_cast %add3A_2794 : i32 to index
      %get3A_2796 = arith.constant 16 : index
      %get3A_2797 = tpu.vector_load %arg6[%get3A_2795, %get3A_2796] {strides = array<i32>} : memref<1600x32xf32, #tpu.memory_space<vmem>>, vector<16xf32>,
      %add3A_2798 = arith.constant 126 : i32
      %add3A_2799 = vector.broadcast %add3A_2798 : i32 to vector<16xi32>
      %add3A_2800 = arith.addi %shift_right_logical3A_642, %add3A_2799 : vector<16xi32>
      tpu.vector_store_idx %arg7[%add3A_2800, %and3A_644, %broadcast_in_dim3A], %get3A_2797 : memref<200x8x33xf32, #tpu.memory_space<vmem>>[vector<16xi32>, vector<16xi32>, vector<16xi32>], vector<16xf32>,
      %mul3A_2801 = arith.constant 50 : i32
      %mul3A_2802 = arith.muli %scan3A_2161, %mul3A_2801 : i32
      %add3A_2803 = arith.constant 32 : i32
      %add3A_2804 = arith.addi %mul3A_2802, %add3A_2803 : i32
      %get3A_2805 = arith.index_cast %add3A_2804 : i32 to index
      %get3A_2806 = arith.constant 0 : index
      %get3A_2807 = tpu.vector_load %arg6[%get3A_2805, %get3A_2806] {strides = array<i32>} : memref<1600x32xf32, #tpu.memory_space<vmem>>, vector<16xf32>,
      %add3A_2808 = arith.constant 128 : i32
      %add3A_2809 = vector.broadcast %add3A_2808 : i32 to vector<16xi32>
      %add3A_2810 = arith.addi %shift_right_logical3A_642, %add3A_2809 : vector<16xi32>
      tpu.vector_store_idx %arg7[%add3A_2810, %and3A_644, %broadcast_in_dim3A], %get3A_2807 : memref<200x8x33xf32, #tpu.memory_space<vmem>>[vector<16xi32>, vector<16xi32>, vector<16xi32>], vector<16xf32>,
      %mul3A_2811 = arith.constant 50 : i32
      %mul3A_2812 = arith.muli %scan3A_2161, %mul3A_2811 : i32
      %add3A_2813 = arith.constant 32 : i32
      %add3A_2814 = arith.addi %mul3A_2812, %add3A_2813 : i32
      %get3A_2815 = arith.index_cast %add3A_2814 : i32 to index
      %get3A_2816 = arith.constant 16 : index
      %get3A_2817 = tpu.vector_load %arg6[%get3A_2815, %get3A_2816] {strides = array<i32>} : memref<1600x32xf32, #tpu.memory_space<vmem>>, vector<16xf32>,
      %add3A_2818 = arith.constant 130 : i32
      %add3A_2819 = vector.broadcast %add3A_2818 : i32 to vector<16xi32>
      %add3A_2820 = arith.addi %shift_right_logical3A_642, %add3A_2819 : vector<16xi32>
      tpu.vector_store_idx %arg7[%add3A_2820, %and3A_644, %broadcast_in_dim3A], %get3A_2817 : memref<200x8x33xf32, #tpu.memory_space<vmem>>[vector<16xi32>, vector<16xi32>, vector<16xi32>], vector<16xf32>,
      %mul3A_2821 = arith.constant 50 : i32
      %mul3A_2822 = arith.muli %scan3A_2161, %mul3A_2821 : i32
      %add3A_2823 = arith.constant 33 : i32
      %add3A_2824 = arith.addi %mul3A_2822, %add3A_2823 : i32
      %get3A_2825 = arith.index_cast %add3A_2824 : i32 to index
      %get3A_2826 = arith.constant 0 : index
      %get3A_2827 = tpu.vector_load %arg6[%get3A_2825, %get3A_2826] {strides = array<i32>} : memref<1600x32xf32, #tpu.memory_space<vmem>>, vector<16xf32>,
      %add3A_2828 = arith.constant 132 : i32
      %add3A_2829 = vector.broadcast %add3A_2828 : i32 to vector<16xi32>
      %add3A_2830 = arith.addi %shift_right_logical3A_642, %add3A_2829 : vector<16xi32>
      tpu.vector_store_idx %arg7[%add3A_2830, %and3A_644, %broadcast_in_dim3A], %get3A_2827 : memref<200x8x33xf32, #tpu.memory_space<vmem>>[vector<16xi32>, vector<16xi32>, vector<16xi32>], vector<16xf32>,
      %mul3A_2831 = arith.constant 50 : i32
      %mul3A_2832 = arith.muli %scan3A_2161, %mul3A_2831 : i32
      %add3A_2833 = arith.constant 33 : i32
      %add3A_2834 = arith.addi %mul3A_2832, %add3A_2833 : i32
      %get3A_2835 = arith.index_cast %add3A_2834 : i32 to index
      %get3A_2836 = arith.constant 16 : index
      %get3A_2837 = tpu.vector_load %arg6[%get3A_2835, %get3A_2836] {strides = array<i32>} : memref<1600x32xf32, #tpu.memory_space<vmem>>, vector<16xf32>,
      %add3A_2838 = arith.constant 134 : i32
      %add3A_2839 = vector.broadcast %add3A_2838 : i32 to vector<16xi32>
      %add3A_2840 = arith.addi %shift_right_logical3A_642, %add3A_2839 : vector<16xi32>
      tpu.vector_store_idx %arg7[%add3A_2840, %and3A_644, %broadcast_in_dim3A], %get3A_2837 : memref<200x8x33xf32, #tpu.memory_space<vmem>>[vector<16xi32>, vector<16xi32>, vector<16xi32>], vector<16xf32>,
      %mul3A_2841 = arith.constant 50 : i32
      %mul3A_2842 = arith.muli %scan3A_2161, %mul3A_2841 : i32
      %add3A_2843 = arith.constant 34 : i32
      %add3A_2844 = arith.addi %mul3A_2842, %add3A_2843 : i32
      %get3A_2845 = arith.index_cast %add3A_2844 : i32 to index
      %get3A_2846 = arith.constant 0 : index
      %get3A_2847 = tpu.vector_load %arg6[%get3A_2845, %get3A_2846] {strides = array<i32>} : memref<1600x32xf32, #tpu.memory_space<vmem>>, vector<16xf32>,
      %add3A_2848 = arith.constant 136 : i32
      %add3A_2849 = vector.broadcast %add3A_2848 : i32 to vector<16xi32>
      %add3A_2850 = arith.addi %shift_right_logical3A_642, %add3A_2849 : vector<16xi32>
      tpu.vector_store_idx %arg7[%add3A_2850, %and3A_644, %broadcast_in_dim3A], %get3A_2847 : memref<200x8x33xf32, #tpu.memory_space<vmem>>[vector<16xi32>, vector<16xi32>, vector<16xi32>], vector<16xf32>,
      %mul3A_2851 = arith.constant 50 : i32
      %mul3A_2852 = arith.muli %scan3A_2161, %mul3A_2851 : i32
      %add3A_2853 = arith.constant 34 : i32
      %add3A_2854 = arith.addi %mul3A_2852, %add3A_2853 : i32
      %get3A_2855 = arith.index_cast %add3A_2854 : i32 to index
      %get3A_2856 = arith.constant 16 : index
      %get3A_2857 = tpu.vector_load %arg6[%get3A_2855, %get3A_2856] {strides = array<i32>} : memref<1600x32xf32, #tpu.memory_space<vmem>>, vector<16xf32>,
      %add3A_2858 = arith.constant 138 : i32
      %add3A_2859 = vector.broadcast %add3A_2858 : i32 to vector<16xi32>
      %add3A_2860 = arith.addi %shift_right_logical3A_642, %add3A_2859 : vector<16xi32>
      tpu.vector_store_idx %arg7[%add3A_2860, %and3A_644, %broadcast_in_dim3A], %get3A_2857 : memref<200x8x33xf32, #tpu.memory_space<vmem>>[vector<16xi32>, vector<16xi32>, vector<16xi32>], vector<16xf32>,
      %mul3A_2861 = arith.constant 50 : i32
      %mul3A_2862 = arith.muli %scan3A_2161, %mul3A_2861 : i32
      %add3A_2863 = arith.constant 35 : i32
      %add3A_2864 = arith.addi %mul3A_2862, %add3A_2863 : i32
      %get3A_2865 = arith.index_cast %add3A_2864 : i32 to index
      %get3A_2866 = arith.constant 0 : index
      %get3A_2867 = tpu.vector_load %arg6[%get3A_2865, %get3A_2866] {strides = array<i32>} : memref<1600x32xf32, #tpu.memory_space<vmem>>, vector<16xf32>,
      %add3A_2868 = arith.constant 140 : i32
      %add3A_2869 = vector.broadcast %add3A_2868 : i32 to vector<16xi32>
      %add3A_2870 = arith.addi %shift_right_logical3A_642, %add3A_2869 : vector<16xi32>
      tpu.vector_store_idx %arg7[%add3A_2870, %and3A_644, %broadcast_in_dim3A], %get3A_2867 : memref<200x8x33xf32, #tpu.memory_space<vmem>>[vector<16xi32>, vector<16xi32>, vector<16xi32>], vector<16xf32>,
      %mul3A_2871 = arith.constant 50 : i32
      %mul3A_2872 = arith.muli %scan3A_2161, %mul3A_2871 : i32
      %add3A_2873 = arith.constant 35 : i32
      %add3A_2874 = arith.addi %mul3A_2872, %add3A_2873 : i32
      %get3A_2875 = arith.index_cast %add3A_2874 : i32 to index
      %get3A_2876 = arith.constant 16 : index
      %get3A_2877 = tpu.vector_load %arg6[%get3A_2875, %get3A_2876] {strides = array<i32>} : memref<1600x32xf32, #tpu.memory_space<vmem>>, vector<16xf32>,
      %add3A_2878 = arith.constant 142 : i32
      %add3A_2879 = vector.broadcast %add3A_2878 : i32 to vector<16xi32>
      %add3A_2880 = arith.addi %shift_right_logical3A_642, %add3A_2879 : vector<16xi32>
      tpu.vector_store_idx %arg7[%add3A_2880, %and3A_644, %broadcast_in_dim3A], %get3A_2877 : memref<200x8x33xf32, #tpu.memory_space<vmem>>[vector<16xi32>, vector<16xi32>, vector<16xi32>], vector<16xf32>,
      %mul3A_2881 = arith.constant 50 : i32
      %mul3A_2882 = arith.muli %scan3A_2161, %mul3A_2881 : i32
      %add3A_2883 = arith.constant 36 : i32
      %add3A_2884 = arith.addi %mul3A_2882, %add3A_2883 : i32
      %get3A_2885 = arith.index_cast %add3A_2884 : i32 to index
      %get3A_2886 = arith.constant 0 : index
      %get3A_2887 = tpu.vector_load %arg6[%get3A_2885, %get3A_2886] {strides = array<i32>} : memref<1600x32xf32, #tpu.memory_space<vmem>>, vector<16xf32>,
      %add3A_2888 = arith.constant 144 : i32
      %add3A_2889 = vector.broadcast %add3A_2888 : i32 to vector<16xi32>
      %add3A_2890 = arith.addi %shift_right_logical3A_642, %add3A_2889 : vector<16xi32>
      tpu.vector_store_idx %arg7[%add3A_2890, %and3A_644, %broadcast_in_dim3A], %get3A_2887 : memref<200x8x33xf32, #tpu.memory_space<vmem>>[vector<16xi32>, vector<16xi32>, vector<16xi32>], vector<16xf32>,
      %mul3A_2891 = arith.constant 50 : i32
      %mul3A_2892 = arith.muli %scan3A_2161, %mul3A_2891 : i32
      %add3A_2893 = arith.constant 36 : i32
      %add3A_2894 = arith.addi %mul3A_2892, %add3A_2893 : i32
      %get3A_2895 = arith.index_cast %add3A_2894 : i32 to index
      %get3A_2896 = arith.constant 16 : index
      %get3A_2897 = tpu.vector_load %arg6[%get3A_2895, %get3A_2896] {strides = array<i32>} : memref<1600x32xf32, #tpu.memory_space<vmem>>, vector<16xf32>,
      %add3A_2898 = arith.constant 146 : i32
      %add3A_2899 = vector.broadcast %add3A_2898 : i32 to vector<16xi32>
      %add3A_2900 = arith.addi %shift_right_logical3A_642, %add3A_2899 : vector<16xi32>
      tpu.vector_store_idx %arg7[%add3A_2900, %and3A_644, %broadcast_in_dim3A], %get3A_2897 : memref<200x8x33xf32, #tpu.memory_space<vmem>>[vector<16xi32>, vector<16xi32>, vector<16xi32>], vector<16xf32>,
      %mul3A_2901 = arith.constant 50 : i32
      %mul3A_2902 = arith.muli %scan3A_2161, %mul3A_2901 : i32
      %add3A_2903 = arith.constant 37 : i32
      %add3A_2904 = arith.addi %mul3A_2902, %add3A_2903 : i32
      %get3A_2905 = arith.index_cast %add3A_2904 : i32 to index
      %get3A_2906 = arith.constant 0 : index
      %get3A_2907 = tpu.vector_load %arg6[%get3A_2905, %get3A_2906] {strides = array<i32>} : memref<1600x32xf32, #tpu.memory_space<vmem>>, vector<16xf32>,
      %add3A_2908 = arith.constant 148 : i32
      %add3A_2909 = vector.broadcast %add3A_2908 : i32 to vector<16xi32>
      %add3A_2910 = arith.addi %shift_right_logical3A_642, %add3A_2909 : vector<16xi32>
      tpu.vector_store_idx %arg7[%add3A_2910, %and3A_644, %broadcast_in_dim3A], %get3A_2907 : memref<200x8x33xf32, #tpu.memory_space<vmem>>[vector<16xi32>, vector<16xi32>, vector<16xi32>], vector<16xf32>,
      %mul3A_2911 = arith.constant 50 : i32
      %mul3A_2912 = arith.muli %scan3A_2161, %mul3A_2911 : i32
      %add3A_2913 = arith.constant 37 : i32
      %add3A_2914 = arith.addi %mul3A_2912, %add3A_2913 : i32
      %get3A_2915 = arith.index_cast %add3A_2914 : i32 to index
      %get3A_2916 = arith.constant 16 : index
      %get3A_2917 = tpu.vector_load %arg6[%get3A_2915, %get3A_2916] {strides = array<i32>} : memref<1600x32xf32, #tpu.memory_space<vmem>>, vector<16xf32>,
      %add3A_2918 = arith.constant 150 : i32
      %add3A_2919 = vector.broadcast %add3A_2918 : i32 to vector<16xi32>
      %add3A_2920 = arith.addi %shift_right_logical3A_642, %add3A_2919 : vector<16xi32>
      tpu.vector_store_idx %arg7[%add3A_2920, %and3A_644, %broadcast_in_dim3A], %get3A_2917 : memref<200x8x33xf32, #tpu.memory_space<vmem>>[vector<16xi32>, vector<16xi32>, vector<16xi32>], vector<16xf32>,
      %mul3A_2921 = arith.constant 50 : i32
      %mul3A_2922 = arith.muli %scan3A_2161, %mul3A_2921 : i32
      %add3A_2923 = arith.constant 38 : i32
      %add3A_2924 = arith.addi %mul3A_2922, %add3A_2923 : i32
      %get3A_2925 = arith.index_cast %add3A_2924 : i32 to index
      %get3A_2926 = arith.constant 0 : index
      %get3A_2927 = tpu.vector_load %arg6[%get3A_2925, %get3A_2926] {strides = array<i32>} : memref<1600x32xf32, #tpu.memory_space<vmem>>, vector<16xf32>,
      %add3A_2928 = arith.constant 152 : i32
      %add3A_2929 = vector.broadcast %add3A_2928 : i32 to vector<16xi32>
      %add3A_2930 = arith.addi %shift_right_logical3A_642, %add3A_2929 : vector<16xi32>
      tpu.vector_store_idx %arg7[%add3A_2930, %and3A_644, %broadcast_in_dim3A], %get3A_2927 : memref<200x8x33xf32, #tpu.memory_space<vmem>>[vector<16xi32>, vector<16xi32>, vector<16xi32>], vector<16xf32>,
      %mul3A_2931 = arith.constant 50 : i32
      %mul3A_2932 = arith.muli %scan3A_2161, %mul3A_2931 : i32
      %add3A_2933 = arith.constant 38 : i32
      %add3A_2934 = arith.addi %mul3A_2932, %add3A_2933 : i32
      %get3A_2935 = arith.index_cast %add3A_2934 : i32 to index
      %get3A_2936 = arith.constant 16 : index
      %get3A_2937 = tpu.vector_load %arg6[%get3A_2935, %get3A_2936] {strides = array<i32>} : memref<1600x32xf32, #tpu.memory_space<vmem>>, vector<16xf32>,
      %add3A_2938 = arith.constant 154 : i32
      %add3A_2939 = vector.broadcast %add3A_2938 : i32 to vector<16xi32>
      %add3A_2940 = arith.addi %shift_right_logical3A_642, %add3A_2939 : vector<16xi32>
      tpu.vector_store_idx %arg7[%add3A_2940, %and3A_644, %broadcast_in_dim3A], %get3A_2937 : memref<200x8x33xf32, #tpu.memory_space<vmem>>[vector<16xi32>, vector<16xi32>, vector<16xi32>], vector<16xf32>,
      %mul3A_2941 = arith.constant 50 : i32
      %mul3A_2942 = arith.muli %scan3A_2161, %mul3A_2941 : i32
      %add3A_2943 = arith.constant 39 : i32
      %add3A_2944 = arith.addi %mul3A_2942, %add3A_2943 : i32
      %get3A_2945 = arith.index_cast %add3A_2944 : i32 to index
      %get3A_2946 = arith.constant 0 : index
      %get3A_2947 = tpu.vector_load %arg6[%get3A_2945, %get3A_2946] {strides = array<i32>} : memref<1600x32xf32, #tpu.memory_space<vmem>>, vector<16xf32>,
      %add3A_2948 = arith.constant 156 : i32
      %add3A_2949 = vector.broadcast %add3A_2948 : i32 to vector<16xi32>
      %add3A_2950 = arith.addi %shift_right_logical3A_642, %add3A_2949 : vector<16xi32>
      tpu.vector_store_idx %arg7[%add3A_2950, %and3A_644, %broadcast_in_dim3A], %get3A_2947 : memref<200x8x33xf32, #tpu.memory_space<vmem>>[vector<16xi32>, vector<16xi32>, vector<16xi32>], vector<16xf32>,
      %mul3A_2951 = arith.constant 50 : i32
      %mul3A_2952 = arith.muli %scan3A_2161, %mul3A_2951 : i32
      %add3A_2953 = arith.constant 39 : i32
      %add3A_2954 = arith.addi %mul3A_2952, %add3A_2953 : i32
      %get3A_2955 = arith.index_cast %add3A_2954 : i32 to index
      %get3A_2956 = arith.constant 16 : index
      %get3A_2957 = tpu.vector_load %arg6[%get3A_2955, %get3A_2956] {strides = array<i32>} : memref<1600x32xf32, #tpu.memory_space<vmem>>, vector<16xf32>,
      %add3A_2958 = arith.constant 158 : i32
      %add3A_2959 = vector.broadcast %add3A_2958 : i32 to vector<16xi32>
      %add3A_2960 = arith.addi %shift_right_logical3A_642, %add3A_2959 : vector<16xi32>
      tpu.vector_store_idx %arg7[%add3A_2960, %and3A_644, %broadcast_in_dim3A], %get3A_2957 : memref<200x8x33xf32, #tpu.memory_space<vmem>>[vector<16xi32>, vector<16xi32>, vector<16xi32>], vector<16xf32>,
      %mul3A_2961 = arith.constant 50 : i32
      %mul3A_2962 = arith.muli %scan3A_2161, %mul3A_2961 : i32
      %add3A_2963 = arith.constant 40 : i32
      %add3A_2964 = arith.addi %mul3A_2962, %add3A_2963 : i32
      %get3A_2965 = arith.index_cast %add3A_2964 : i32 to index
      %get3A_2966 = arith.constant 0 : index
      %get3A_2967 = tpu.vector_load %arg6[%get3A_2965, %get3A_2966] {strides = array<i32>} : memref<1600x32xf32, #tpu.memory_space<vmem>>, vector<16xf32>,
      %add3A_2968 = arith.constant 160 : i32
      %add3A_2969 = vector.broadcast %add3A_2968 : i32 to vector<16xi32>
      %add3A_2970 = arith.addi %shift_right_logical3A_642, %add3A_2969 : vector<16xi32>
      tpu.vector_store_idx %arg7[%add3A_2970, %and3A_644, %broadcast_in_dim3A], %get3A_2967 : memref<200x8x33xf32, #tpu.memory_space<vmem>>[vector<16xi32>, vector<16xi32>, vector<16xi32>], vector<16xf32>,
      %mul3A_2971 = arith.constant 50 : i32
      %mul3A_2972 = arith.muli %scan3A_2161, %mul3A_2971 : i32
      %add3A_2973 = arith.constant 40 : i32
      %add3A_2974 = arith.addi %mul3A_2972, %add3A_2973 : i32
      %get3A_2975 = arith.index_cast %add3A_2974 : i32 to index
      %get3A_2976 = arith.constant 16 : index
      %get3A_2977 = tpu.vector_load %arg6[%get3A_2975, %get3A_2976] {strides = array<i32>} : memref<1600x32xf32, #tpu.memory_space<vmem>>, vector<16xf32>,
      %add3A_2978 = arith.constant 162 : i32
      %add3A_2979 = vector.broadcast %add3A_2978 : i32 to vector<16xi32>
      %add3A_2980 = arith.addi %shift_right_logical3A_642, %add3A_2979 : vector<16xi32>
      tpu.vector_store_idx %arg7[%add3A_2980, %and3A_644, %broadcast_in_dim3A], %get3A_2977 : memref<200x8x33xf32, #tpu.memory_space<vmem>>[vector<16xi32>, vector<16xi32>, vector<16xi32>], vector<16xf32>,
      %mul3A_2981 = arith.constant 50 : i32
      %mul3A_2982 = arith.muli %scan3A_2161, %mul3A_2981 : i32
      %add3A_2983 = arith.constant 41 : i32
      %add3A_2984 = arith.addi %mul3A_2982, %add3A_2983 : i32
      %get3A_2985 = arith.index_cast %add3A_2984 : i32 to index
      %get3A_2986 = arith.constant 0 : index
      %get3A_2987 = tpu.vector_load %arg6[%get3A_2985, %get3A_2986] {strides = array<i32>} : memref<1600x32xf32, #tpu.memory_space<vmem>>, vector<16xf32>,
      %add3A_2988 = arith.constant 164 : i32
      %add3A_2989 = vector.broadcast %add3A_2988 : i32 to vector<16xi32>
      %add3A_2990 = arith.addi %shift_right_logical3A_642, %add3A_2989 : vector<16xi32>
      tpu.vector_store_idx %arg7[%add3A_2990, %and3A_644, %broadcast_in_dim3A], %get3A_2987 : memref<200x8x33xf32, #tpu.memory_space<vmem>>[vector<16xi32>, vector<16xi32>, vector<16xi32>], vector<16xf32>,
      %mul3A_2991 = arith.constant 50 : i32
      %mul3A_2992 = arith.muli %scan3A_2161, %mul3A_2991 : i32
      %add3A_2993 = arith.constant 41 : i32
      %add3A_2994 = arith.addi %mul3A_2992, %add3A_2993 : i32
      %get3A_2995 = arith.index_cast %add3A_2994 : i32 to index
      %get3A_2996 = arith.constant 16 : index
      %get3A_2997 = tpu.vector_load %arg6[%get3A_2995, %get3A_2996] {strides = array<i32>} : memref<1600x32xf32, #tpu.memory_space<vmem>>, vector<16xf32>,
      %add3A_2998 = arith.constant 166 : i32
      %add3A_2999 = vector.broadcast %add3A_2998 : i32 to vector<16xi32>
      %add3A_3000 = arith.addi %shift_right_logical3A_642, %add3A_2999 : vector<16xi32>
      tpu.vector_store_idx %arg7[%add3A_3000, %and3A_644, %broadcast_in_dim3A], %get3A_2997 : memref<200x8x33xf32, #tpu.memory_space<vmem>>[vector<16xi32>, vector<16xi32>, vector<16xi32>], vector<16xf32>,
      %mul3A_3001 = arith.constant 50 : i32
      %mul3A_3002 = arith.muli %scan3A_2161, %mul3A_3001 : i32
      %add3A_3003 = arith.constant 42 : i32
      %add3A_3004 = arith.addi %mul3A_3002, %add3A_3003 : i32
      %get3A_3005 = arith.index_cast %add3A_3004 : i32 to index
      %get3A_3006 = arith.constant 0 : index
      %get3A_3007 = tpu.vector_load %arg6[%get3A_3005, %get3A_3006] {strides = array<i32>} : memref<1600x32xf32, #tpu.memory_space<vmem>>, vector<16xf32>,
      %add3A_3008 = arith.constant 168 : i32
      %add3A_3009 = vector.broadcast %add3A_3008 : i32 to vector<16xi32>
      %add3A_3010 = arith.addi %shift_right_logical3A_642, %add3A_3009 : vector<16xi32>
      tpu.vector_store_idx %arg7[%add3A_3010, %and3A_644, %broadcast_in_dim3A], %get3A_3007 : memref<200x8x33xf32, #tpu.memory_space<vmem>>[vector<16xi32>, vector<16xi32>, vector<16xi32>], vector<16xf32>,
      %mul3A_3011 = arith.constant 50 : i32
      %mul3A_3012 = arith.muli %scan3A_2161, %mul3A_3011 : i32
      %add3A_3013 = arith.constant 42 : i32
      %add3A_3014 = arith.addi %mul3A_3012, %add3A_3013 : i32
      %get3A_3015 = arith.index_cast %add3A_3014 : i32 to index
      %get3A_3016 = arith.constant 16 : index
      %get3A_3017 = tpu.vector_load %arg6[%get3A_3015, %get3A_3016] {strides = array<i32>} : memref<1600x32xf32, #tpu.memory_space<vmem>>, vector<16xf32>,
      %add3A_3018 = arith.constant 170 : i32
      %add3A_3019 = vector.broadcast %add3A_3018 : i32 to vector<16xi32>
      %add3A_3020 = arith.addi %shift_right_logical3A_642, %add3A_3019 : vector<16xi32>
      tpu.vector_store_idx %arg7[%add3A_3020, %and3A_644, %broadcast_in_dim3A], %get3A_3017 : memref<200x8x33xf32, #tpu.memory_space<vmem>>[vector<16xi32>, vector<16xi32>, vector<16xi32>], vector<16xf32>,
      %mul3A_3021 = arith.constant 50 : i32
      %mul3A_3022 = arith.muli %scan3A_2161, %mul3A_3021 : i32
      %add3A_3023 = arith.constant 43 : i32
      %add3A_3024 = arith.addi %mul3A_3022, %add3A_3023 : i32
      %get3A_3025 = arith.index_cast %add3A_3024 : i32 to index
      %get3A_3026 = arith.constant 0 : index
      %get3A_3027 = tpu.vector_load %arg6[%get3A_3025, %get3A_3026] {strides = array<i32>} : memref<1600x32xf32, #tpu.memory_space<vmem>>, vector<16xf32>,
      %add3A_3028 = arith.constant 172 : i32
      %add3A_3029 = vector.broadcast %add3A_3028 : i32 to vector<16xi32>
      %add3A_3030 = arith.addi %shift_right_logical3A_642, %add3A_3029 : vector<16xi32>
      tpu.vector_store_idx %arg7[%add3A_3030, %and3A_644, %broadcast_in_dim3A], %get3A_3027 : memref<200x8x33xf32, #tpu.memory_space<vmem>>[vector<16xi32>, vector<16xi32>, vector<16xi32>], vector<16xf32>,
      %mul3A_3031 = arith.constant 50 : i32
      %mul3A_3032 = arith.muli %scan3A_2161, %mul3A_3031 : i32
      %add3A_3033 = arith.constant 43 : i32
      %add3A_3034 = arith.addi %mul3A_3032, %add3A_3033 : i32
      %get3A_3035 = arith.index_cast %add3A_3034 : i32 to index
      %get3A_3036 = arith.constant 16 : index
      %get3A_3037 = tpu.vector_load %arg6[%get3A_3035, %get3A_3036] {strides = array<i32>} : memref<1600x32xf32, #tpu.memory_space<vmem>>, vector<16xf32>,
      %add3A_3038 = arith.constant 174 : i32
      %add3A_3039 = vector.broadcast %add3A_3038 : i32 to vector<16xi32>
      %add3A_3040 = arith.addi %shift_right_logical3A_642, %add3A_3039 : vector<16xi32>
      tpu.vector_store_idx %arg7[%add3A_3040, %and3A_644, %broadcast_in_dim3A], %get3A_3037 : memref<200x8x33xf32, #tpu.memory_space<vmem>>[vector<16xi32>, vector<16xi32>, vector<16xi32>], vector<16xf32>,
      %mul3A_3041 = arith.constant 50 : i32
      %mul3A_3042 = arith.muli %scan3A_2161, %mul3A_3041 : i32
      %add3A_3043 = arith.constant 44 : i32
      %add3A_3044 = arith.addi %mul3A_3042, %add3A_3043 : i32
      %get3A_3045 = arith.index_cast %add3A_3044 : i32 to index
      %get3A_3046 = arith.constant 0 : index
      %get3A_3047 = tpu.vector_load %arg6[%get3A_3045, %get3A_3046] {strides = array<i32>} : memref<1600x32xf32, #tpu.memory_space<vmem>>, vector<16xf32>,
      %add3A_3048 = arith.constant 176 : i32
      %add3A_3049 = vector.broadcast %add3A_3048 : i32 to vector<16xi32>
      %add3A_3050 = arith.addi %shift_right_logical3A_642, %add3A_3049 : vector<16xi32>
      tpu.vector_store_idx %arg7[%add3A_3050, %and3A_644, %broadcast_in_dim3A], %get3A_3047 : memref<200x8x33xf32, #tpu.memory_space<vmem>>[vector<16xi32>, vector<16xi32>, vector<16xi32>], vector<16xf32>,
      %mul3A_3051 = arith.constant 50 : i32
      %mul3A_3052 = arith.muli %scan3A_2161, %mul3A_3051 : i32
      %add3A_3053 = arith.constant 44 : i32
      %add3A_3054 = arith.addi %mul3A_3052, %add3A_3053 : i32
      %get3A_3055 = arith.index_cast %add3A_3054 : i32 to index
      %get3A_3056 = arith.constant 16 : index
      %get3A_3057 = tpu.vector_load %arg6[%get3A_3055, %get3A_3056] {strides = array<i32>} : memref<1600x32xf32, #tpu.memory_space<vmem>>, vector<16xf32>,
      %add3A_3058 = arith.constant 178 : i32
      %add3A_3059 = vector.broadcast %add3A_3058 : i32 to vector<16xi32>
      %add3A_3060 = arith.addi %shift_right_logical3A_642, %add3A_3059 : vector<16xi32>
      tpu.vector_store_idx %arg7[%add3A_3060, %and3A_644, %broadcast_in_dim3A], %get3A_3057 : memref<200x8x33xf32, #tpu.memory_space<vmem>>[vector<16xi32>, vector<16xi32>, vector<16xi32>], vector<16xf32>,
      %mul3A_3061 = arith.constant 50 : i32
      %mul3A_3062 = arith.muli %scan3A_2161, %mul3A_3061 : i32
      %add3A_3063 = arith.constant 45 : i32
      %add3A_3064 = arith.addi %mul3A_3062, %add3A_3063 : i32
      %get3A_3065 = arith.index_cast %add3A_3064 : i32 to index
      %get3A_3066 = arith.constant 0 : index
      %get3A_3067 = tpu.vector_load %arg6[%get3A_3065, %get3A_3066] {strides = array<i32>} : memref<1600x32xf32, #tpu.memory_space<vmem>>, vector<16xf32>,
      %add3A_3068 = arith.constant 180 : i32
      %add3A_3069 = vector.broadcast %add3A_3068 : i32 to vector<16xi32>
      %add3A_3070 = arith.addi %shift_right_logical3A_642, %add3A_3069 : vector<16xi32>
      tpu.vector_store_idx %arg7[%add3A_3070, %and3A_644, %broadcast_in_dim3A], %get3A_3067 : memref<200x8x33xf32, #tpu.memory_space<vmem>>[vector<16xi32>, vector<16xi32>, vector<16xi32>], vector<16xf32>,
      %mul3A_3071 = arith.constant 50 : i32
      %mul3A_3072 = arith.muli %scan3A_2161, %mul3A_3071 : i32
      %add3A_3073 = arith.constant 45 : i32
      %add3A_3074 = arith.addi %mul3A_3072, %add3A_3073 : i32
      %get3A_3075 = arith.index_cast %add3A_3074 : i32 to index
      %get3A_3076 = arith.constant 16 : index
      %get3A_3077 = tpu.vector_load %arg6[%get3A_3075, %get3A_3076] {strides = array<i32>} : memref<1600x32xf32, #tpu.memory_space<vmem>>, vector<16xf32>,
      %add3A_3078 = arith.constant 182 : i32
      %add3A_3079 = vector.broadcast %add3A_3078 : i32 to vector<16xi32>
      %add3A_3080 = arith.addi %shift_right_logical3A_642, %add3A_3079 : vector<16xi32>
      tpu.vector_store_idx %arg7[%add3A_3080, %and3A_644, %broadcast_in_dim3A], %get3A_3077 : memref<200x8x33xf32, #tpu.memory_space<vmem>>[vector<16xi32>, vector<16xi32>, vector<16xi32>], vector<16xf32>,
      %mul3A_3081 = arith.constant 50 : i32
      %mul3A_3082 = arith.muli %scan3A_2161, %mul3A_3081 : i32
      %add3A_3083 = arith.constant 46 : i32
      %add3A_3084 = arith.addi %mul3A_3082, %add3A_3083 : i32
      %get3A_3085 = arith.index_cast %add3A_3084 : i32 to index
      %get3A_3086 = arith.constant 0 : index
      %get3A_3087 = tpu.vector_load %arg6[%get3A_3085, %get3A_3086] {strides = array<i32>} : memref<1600x32xf32, #tpu.memory_space<vmem>>, vector<16xf32>,
      %add3A_3088 = arith.constant 184 : i32
      %add3A_3089 = vector.broadcast %add3A_3088 : i32 to vector<16xi32>
      %add3A_3090 = arith.addi %shift_right_logical3A_642, %add3A_3089 : vector<16xi32>
      tpu.vector_store_idx %arg7[%add3A_3090, %and3A_644, %broadcast_in_dim3A], %get3A_3087 : memref<200x8x33xf32, #tpu.memory_space<vmem>>[vector<16xi32>, vector<16xi32>, vector<16xi32>], vector<16xf32>,
      %mul3A_3091 = arith.constant 50 : i32
      %mul3A_3092 = arith.muli %scan3A_2161, %mul3A_3091 : i32
      %add3A_3093 = arith.constant 46 : i32
      %add3A_3094 = arith.addi %mul3A_3092, %add3A_3093 : i32
      %get3A_3095 = arith.index_cast %add3A_3094 : i32 to index
      %get3A_3096 = arith.constant 16 : index
      %get3A_3097 = tpu.vector_load %arg6[%get3A_3095, %get3A_3096] {strides = array<i32>} : memref<1600x32xf32, #tpu.memory_space<vmem>>, vector<16xf32>,
      %add3A_3098 = arith.constant 186 : i32
      %add3A_3099 = vector.broadcast %add3A_3098 : i32 to vector<16xi32>
      %add3A_3100 = arith.addi %shift_right_logical3A_642, %add3A_3099 : vector<16xi32>
      tpu.vector_store_idx %arg7[%add3A_3100, %and3A_644, %broadcast_in_dim3A], %get3A_3097 : memref<200x8x33xf32, #tpu.memory_space<vmem>>[vector<16xi32>, vector<16xi32>, vector<16xi32>], vector<16xf32>,
      %mul3A_3101 = arith.constant 50 : i32
      %mul3A_3102 = arith.muli %scan3A_2161, %mul3A_3101 : i32
      %add3A_3103 = arith.constant 47 : i32
      %add3A_3104 = arith.addi %mul3A_3102, %add3A_3103 : i32
      %get3A_3105 = arith.index_cast %add3A_3104 : i32 to index
      %get3A_3106 = arith.constant 0 : index
      %get3A_3107 = tpu.vector_load %arg6[%get3A_3105, %get3A_3106] {strides = array<i32>} : memref<1600x32xf32, #tpu.memory_space<vmem>>, vector<16xf32>,
      %add3A_3108 = arith.constant 188 : i32
      %add3A_3109 = vector.broadcast %add3A_3108 : i32 to vector<16xi32>
      %add3A_3110 = arith.addi %shift_right_logical3A_642, %add3A_3109 : vector<16xi32>
      tpu.vector_store_idx %arg7[%add3A_3110, %and3A_644, %broadcast_in_dim3A], %get3A_3107 : memref<200x8x33xf32, #tpu.memory_space<vmem>>[vector<16xi32>, vector<16xi32>, vector<16xi32>], vector<16xf32>,
      %mul3A_3111 = arith.constant 50 : i32
      %mul3A_3112 = arith.muli %scan3A_2161, %mul3A_3111 : i32
      %add3A_3113 = arith.constant 47 : i32
      %add3A_3114 = arith.addi %mul3A_3112, %add3A_3113 : i32
      %get3A_3115 = arith.index_cast %add3A_3114 : i32 to index
      %get3A_3116 = arith.constant 16 : index
      %get3A_3117 = tpu.vector_load %arg6[%get3A_3115, %get3A_3116] {strides = array<i32>} : memref<1600x32xf32, #tpu.memory_space<vmem>>, vector<16xf32>,
      %add3A_3118 = arith.constant 190 : i32
      %add3A_3119 = vector.broadcast %add3A_3118 : i32 to vector<16xi32>
      %add3A_3120 = arith.addi %shift_right_logical3A_642, %add3A_3119 : vector<16xi32>
      tpu.vector_store_idx %arg7[%add3A_3120, %and3A_644, %broadcast_in_dim3A], %get3A_3117 : memref<200x8x33xf32, #tpu.memory_space<vmem>>[vector<16xi32>, vector<16xi32>, vector<16xi32>], vector<16xf32>,
      %mul3A_3121 = arith.constant 50 : i32
      %mul3A_3122 = arith.muli %scan3A_2161, %mul3A_3121 : i32
      %add3A_3123 = arith.constant 48 : i32
      %add3A_3124 = arith.addi %mul3A_3122, %add3A_3123 : i32
      %get3A_3125 = arith.index_cast %add3A_3124 : i32 to index
      %get3A_3126 = arith.constant 0 : index
      %get3A_3127 = tpu.vector_load %arg6[%get3A_3125, %get3A_3126] {strides = array<i32>} : memref<1600x32xf32, #tpu.memory_space<vmem>>, vector<16xf32>,
      %add3A_3128 = arith.constant 192 : i32
      %add3A_3129 = vector.broadcast %add3A_3128 : i32 to vector<16xi32>
      %add3A_3130 = arith.addi %shift_right_logical3A_642, %add3A_3129 : vector<16xi32>
      tpu.vector_store_idx %arg7[%add3A_3130, %and3A_644, %broadcast_in_dim3A], %get3A_3127 : memref<200x8x33xf32, #tpu.memory_space<vmem>>[vector<16xi32>, vector<16xi32>, vector<16xi32>], vector<16xf32>,
      %mul3A_3131 = arith.constant 50 : i32
      %mul3A_3132 = arith.muli %scan3A_2161, %mul3A_3131 : i32
      %add3A_3133 = arith.constant 48 : i32
      %add3A_3134 = arith.addi %mul3A_3132, %add3A_3133 : i32
      %get3A_3135 = arith.index_cast %add3A_3134 : i32 to index
      %get3A_3136 = arith.constant 16 : index
      %get3A_3137 = tpu.vector_load %arg6[%get3A_3135, %get3A_3136] {strides = array<i32>} : memref<1600x32xf32, #tpu.memory_space<vmem>>, vector<16xf32>,
      %add3A_3138 = arith.constant 194 : i32
      %add3A_3139 = vector.broadcast %add3A_3138 : i32 to vector<16xi32>
      %add3A_3140 = arith.addi %shift_right_logical3A_642, %add3A_3139 : vector<16xi32>
      tpu.vector_store_idx %arg7[%add3A_3140, %and3A_644, %broadcast_in_dim3A], %get3A_3137 : memref<200x8x33xf32, #tpu.memory_space<vmem>>[vector<16xi32>, vector<16xi32>, vector<16xi32>], vector<16xf32>,
      %mul3A_3141 = arith.constant 50 : i32
      %mul3A_3142 = arith.muli %scan3A_2161, %mul3A_3141 : i32
      %add3A_3143 = arith.constant 49 : i32
      %add3A_3144 = arith.addi %mul3A_3142, %add3A_3143 : i32
      %get3A_3145 = arith.index_cast %add3A_3144 : i32 to index
      %get3A_3146 = arith.constant 0 : index
      %get3A_3147 = tpu.vector_load %arg6[%get3A_3145, %get3A_3146] {strides = array<i32>} : memref<1600x32xf32, #tpu.memory_space<vmem>>, vector<16xf32>,
      %add3A_3148 = arith.constant 196 : i32
      %add3A_3149 = vector.broadcast %add3A_3148 : i32 to vector<16xi32>
      %add3A_3150 = arith.addi %shift_right_logical3A_642, %add3A_3149 : vector<16xi32>
      tpu.vector_store_idx %arg7[%add3A_3150, %and3A_644, %broadcast_in_dim3A], %get3A_3147 : memref<200x8x33xf32, #tpu.memory_space<vmem>>[vector<16xi32>, vector<16xi32>, vector<16xi32>], vector<16xf32>,
      %mul3A_3151 = arith.constant 50 : i32
      %mul3A_3152 = arith.muli %scan3A_2161, %mul3A_3151 : i32
      %add3A_3153 = arith.constant 49 : i32
      %add3A_3154 = arith.addi %mul3A_3152, %add3A_3153 : i32
      %get3A_3155 = arith.index_cast %add3A_3154 : i32 to index
      %get3A_3156 = arith.constant 16 : index
      %get3A_3157 = tpu.vector_load %arg6[%get3A_3155, %get3A_3156] {strides = array<i32>} : memref<1600x32xf32, #tpu.memory_space<vmem>>, vector<16xf32>,
      %add3A_3158 = arith.constant 198 : i32
      %add3A_3159 = vector.broadcast %add3A_3158 : i32 to vector<16xi32>
      %add3A_3160 = arith.addi %shift_right_logical3A_642, %add3A_3159 : vector<16xi32>
      tpu.vector_store_idx %arg7[%add3A_3160, %and3A_644, %broadcast_in_dim3A], %get3A_3157 : memref<200x8x33xf32, #tpu.memory_space<vmem>>[vector<16xi32>, vector<16xi32>, vector<16xi32>], vector<16xf32>,
    }
    %scan3A_649 = arith.constant 32 : i32
    %jit3A = arith.constant 4 : i32
    %div3A = arith.divsi %add3A, %jit3A : i32
    %sign3A = arith.constant 0 : i32
    %sign3A_650 = arith.cmpi sgt, %add3A, %sign3A : i32
    %sign3A_651 = arith.extui %sign3A_650 : i1 to i32
    %sign3A_652 = arith.constant 0 : i32
    %sign3A_653 = arith.cmpi slt, %add3A, %sign3A_652 : i32
    %sign3A_654 = arith.extui %sign3A_653 : i1 to i32
    %sign3A_655 = arith.subi %sign3A_651, %sign3A_654 : i32
    %sign3A_656 = arith.constant 0 : i32
    %sign3A_657 = arith.cmpi sgt, %jit3A, %sign3A_656 : i32
    %sign3A_658 = arith.extui %sign3A_657 : i1 to i32
    %sign3A_659 = arith.constant 0 : i32
    %sign3A_660 = arith.cmpi slt, %jit3A, %sign3A_659 : i32
    %sign3A_661 = arith.extui %sign3A_660 : i1 to i32
    %sign3A_662 = arith.subi %sign3A_658, %sign3A_661 : i32
    %ne3A = arith.cmpi ne, %sign3A_655, %sign3A_662 : i32
    %rem3A = arith.remsi %add3A, %jit3A : i32
    %ne3A_663 = arith.constant 0 : i32
    %ne3A_664 = arith.cmpi ne, %rem3A, %ne3A_663 : i32
    %and3A_665 = arith.andi %ne3A, %ne3A_664 : i1
    %sub3A = arith.constant 1 : i32
    %sub3A_666 = arith.subi %div3A, %sub3A : i32
    %select_n3A = arith.select %and3A_665, %sub3A_666, %div3A : i32
    %jit3A_667 = arith.constant 4 : i32
    %eq3A = arith.constant 0 : i32
    %eq3A_668 = arith.cmpi eq, %jit3A_667, %eq3A : i32
    %jit3A_669 = arith.constant 1 : i32
    %select_n3A_670 = arith.select %eq3A_668, %jit3A_669, %jit3A_667 : i32
    %rem3A_671 = arith.remsi %add3A, %select_n3A_670 : i32
    %ne3A_672 = arith.constant 0 : i32
    %ne3A_673 = arith.cmpi ne, %rem3A_671, %ne3A_672 : i32
    %lt3A = arith.constant 0 : i32
    %lt3A_674 = arith.cmpi slt, %rem3A_671, %lt3A : i32
    %lt3A_675 = arith.constant 0 : i32
    %lt3A_676 = arith.cmpi slt, %select_n3A_670, %lt3A_675 : i32
    %ne3A_677 = arith.xori %lt3A_674, %lt3A_676 : i1
    %and3A_678 = arith.andi %ne3A_677, %ne3A_673 : i1
    %add3A_679 = arith.addi %rem3A_671, %select_n3A_670 : i32
    %select_n3A_680 = arith.select %and3A_678, %add3A_679, %rem3A_671 : i32
    %mul3A_681 = arith.constant 32 : i32
    %mul3A_682 = arith.muli %select_n3A_680, %mul3A_681 : i32
    %dma_start3A_683 = arith.constant 0 : i32
    %dma_start3A_684 = arith.constant 0 : i32
    %dma_start3A_685 = arith.constant 0 : i32
    %dma_start3A_686 = arith.constant 0 : i32
    %dma_start3A_687 = tpu.memref_slice %arg7[%dma_start3A_684, %dma_start3A_685, %dma_start3A_686] : memref<200x8x33xf32, #tpu.memory_space<vmem>> -> memref<200x8x32xf32, #tpu.memory_space<vmem>>
    %dma_start3A_688 = arith.constant 0 : i32
    %dma_start3A_689 = arith.constant 0 : i32
    %dma_start3A_690 = tpu.memref_slice %arg4[%dma_start3A_683, %dma_start3A_688, %select_n3A, %dma_start3A_689, %mul3A_682] : memref<20x200x8x8x128xf32, #tpu.memory_space<hbm>> -> memref<1x200x1x8x32xf32, #tpu.memory_space<hbm>>
    %dma_start3A_691 = tpu.memref_squeeze %dma_start3A_690 : memref<1x200x1x8x32xf32, #tpu.memory_space<hbm>> -> memref<200x8x32xf32, #tpu.memory_space<hbm>>
    %dma_start3A_692 = arith.constant 0 : i32
    %dma_start3A_693 = arith.constant 0 : i32
    %dma_start3A_694 = tpu.memref_slice %arg4[%dma_start3A_683, %dma_start3A_692, %select_n3A, %dma_start3A_693, %mul3A_682] : memref<20x200x8x8x128xf32, #tpu.memory_space<hbm>> -> memref<1x200x1x8x32xf32, #tpu.memory_space<hbm>>
    %dma_start3A_695 = tpu.memref_squeeze %dma_start3A_694 : memref<1x200x1x8x32xf32, #tpu.memory_space<hbm>> -> memref<200x8x32xf32, #tpu.memory_space<hbm>>
    %dma_start3A_696 = arith.constant 0 : i32
    %dma_start3A_697 = arith.constant 0 : i32
    %dma_start3A_698 = arith.constant 0 : i32
    %dma_start3A_699 = tpu.memref_slice %arg7[%dma_start3A_696, %dma_start3A_697, %dma_start3A_698] : memref<200x8x33xf32, #tpu.memory_space<vmem>> -> memref<200x8x32xf32, #tpu.memory_space<vmem>>
    tpu.enqueue_dma source(%dma_start3A_699 : memref<200x8x32xf32, #tpu.memory_space<vmem>>) target(%dma_start3A_695 : memref<200x8x32xf32, #tpu.memory_space<hbm>>) target_semaphore(%arg9 : memref<!tpu.dma_semaphore, #tpu.memory_space<semaphore_mem>>)
    %jit3A_700 = arith.constant 4 : i32
    %div3A_701 = arith.divsi %add3A, %jit3A_700 : i32
    %sign3A_702 = arith.constant 0 : i32
    %sign3A_703 = arith.cmpi sgt, %add3A, %sign3A_702 : i32
    %sign3A_704 = arith.extui %sign3A_703 : i1 to i32
    %sign3A_705 = arith.constant 0 : i32
    %sign3A_706 = arith.cmpi slt, %add3A, %sign3A_705 : i32
    %sign3A_707 = arith.extui %sign3A_706 : i1 to i32
    %sign3A_708 = arith.subi %sign3A_704, %sign3A_707 : i32
    %sign3A_709 = arith.constant 0 : i32
    %sign3A_710 = arith.cmpi sgt, %jit3A_700, %sign3A_709 : i32
    %sign3A_711 = arith.extui %sign3A_710 : i1 to i32
    %sign3A_712 = arith.constant 0 : i32
    %sign3A_713 = arith.cmpi slt, %jit3A_700, %sign3A_712 : i32
    %sign3A_714 = arith.extui %sign3A_713 : i1 to i32
    %sign3A_715 = arith.subi %sign3A_711, %sign3A_714 : i32
    %ne3A_716 = arith.cmpi ne, %sign3A_708, %sign3A_715 : i32
    %rem3A_717 = arith.remsi %add3A, %jit3A_700 : i32
    %ne3A_718 = arith.constant 0 : i32
    %ne3A_719 = arith.cmpi ne, %rem3A_717, %ne3A_718 : i32
    %and3A_720 = arith.andi %ne3A_716, %ne3A_719 : i1
    %sub3A_721 = arith.constant 1 : i32
    %sub3A_722 = arith.subi %div3A_701, %sub3A_721 : i32
    %select_n3A_723 = arith.select %and3A_720, %sub3A_722, %div3A_701 : i32
    %jit3A_724 = arith.constant 4 : i32
    %eq3A_725 = arith.constant 0 : i32
    %eq3A_726 = arith.cmpi eq, %jit3A_724, %eq3A_725 : i32
    %jit3A_727 = arith.constant 1 : i32
    %select_n3A_728 = arith.select %eq3A_726, %jit3A_727, %jit3A_724 : i32
    %rem3A_729 = arith.remsi %add3A, %select_n3A_728 : i32
    %ne3A_730 = arith.constant 0 : i32
    %ne3A_731 = arith.cmpi ne, %rem3A_729, %ne3A_730 : i32
    %lt3A_732 = arith.constant 0 : i32
    %lt3A_733 = arith.cmpi slt, %rem3A_729, %lt3A_732 : i32
    %lt3A_734 = arith.constant 0 : i32
    %lt3A_735 = arith.cmpi slt, %select_n3A_728, %lt3A_734 : i32
    %ne3A_736 = arith.xori %lt3A_733, %lt3A_735 : i1
    %and3A_737 = arith.andi %ne3A_736, %ne3A_731 : i1
    %add3A_738 = arith.addi %rem3A_729, %select_n3A_728 : i32
    %select_n3A_739 = arith.select %and3A_737, %add3A_738, %rem3A_729 : i32
    %mul3A_740 = arith.constant 32 : i32
    %mul3A_741 = arith.muli %select_n3A_739, %mul3A_740 : i32
    %dma_start3A_742 = arith.constant 1 : i32
    %dma_start3A_743 = arith.constant 0 : i32
    %dma_start3A_744 = arith.constant 0 : i32
    %dma_start3A_745 = arith.constant 0 : i32
    %dma_start3A_746 = tpu.memref_slice %arg7[%dma_start3A_743, %dma_start3A_744, %dma_start3A_745] : memref<200x8x33xf32, #tpu.memory_space<vmem>> -> memref<200x8x32xf32, #tpu.memory_space<vmem>>
    %dma_start3A_747 = arith.constant 0 : i32
    %dma_start3A_748 = arith.constant 0 : i32
    %dma_start3A_749 = tpu.memref_slice %arg4[%dma_start3A_742, %dma_start3A_747, %select_n3A_723, %dma_start3A_748, %mul3A_741] : memref<20x200x8x8x128xf32, #tpu.memory_space<hbm>> -> memref<1x200x1x8x32xf32, #tpu.memory_space<hbm>>
    %dma_start3A_750 = tpu.memref_squeeze %dma_start3A_749 : memref<1x200x1x8x32xf32, #tpu.memory_space<hbm>> -> memref<200x8x32xf32, #tpu.memory_space<hbm>>
    %dma_start3A_751 = arith.constant 0 : i32
    %dma_start3A_752 = arith.constant 0 : i32
    %dma_start3A_753 = tpu.memref_slice %arg4[%dma_start3A_742, %dma_start3A_751, %select_n3A_723, %dma_start3A_752, %mul3A_741] : memref<20x200x8x8x128xf32, #tpu.memory_space<hbm>> -> memref<1x200x1x8x32xf32, #tpu.memory_space<hbm>>
    %dma_start3A_754 = tpu.memref_squeeze %dma_start3A_753 : memref<1x200x1x8x32xf32, #tpu.memory_space<hbm>> -> memref<200x8x32xf32, #tpu.memory_space<hbm>>
    %dma_start3A_755 = arith.constant 0 : i32
    %dma_start3A_756 = arith.constant 0 : i32
    %dma_start3A_757 = arith.constant 0 : i32
    %dma_start3A_758 = tpu.memref_slice %arg7[%dma_start3A_755, %dma_start3A_756, %dma_start3A_757] : memref<200x8x33xf32, #tpu.memory_space<vmem>> -> memref<200x8x32xf32, #tpu.memory_space<vmem>>
    tpu.enqueue_dma source(%dma_start3A_758 : memref<200x8x32xf32, #tpu.memory_space<vmem>>) target(%dma_start3A_754 : memref<200x8x32xf32, #tpu.memory_space<hbm>>) target_semaphore(%arg9 : memref<!tpu.dma_semaphore, #tpu.memory_space<semaphore_mem>>)
    %jit3A_759 = arith.constant 4 : i32
    %div3A_760 = arith.divsi %add3A, %jit3A_759 : i32
    %sign3A_761 = arith.constant 0 : i32
    %sign3A_762 = arith.cmpi sgt, %add3A, %sign3A_761 : i32
    %sign3A_763 = arith.extui %sign3A_762 : i1 to i32
    %sign3A_764 = arith.constant 0 : i32
    %sign3A_765 = arith.cmpi slt, %add3A, %sign3A_764 : i32
    %sign3A_766 = arith.extui %sign3A_765 : i1 to i32
    %sign3A_767 = arith.subi %sign3A_763, %sign3A_766 : i32
    %sign3A_768 = arith.constant 0 : i32
    %sign3A_769 = arith.cmpi sgt, %jit3A_759, %sign3A_768 : i32
    %sign3A_770 = arith.extui %sign3A_769 : i1 to i32
    %sign3A_771 = arith.constant 0 : i32
    %sign3A_772 = arith.cmpi slt, %jit3A_759, %sign3A_771 : i32
    %sign3A_773 = arith.extui %sign3A_772 : i1 to i32
    %sign3A_774 = arith.subi %sign3A_770, %sign3A_773 : i32
    %ne3A_775 = arith.cmpi ne, %sign3A_767, %sign3A_774 : i32
    %rem3A_776 = arith.remsi %add3A, %jit3A_759 : i32
    %ne3A_777 = arith.constant 0 : i32
    %ne3A_778 = arith.cmpi ne, %rem3A_776, %ne3A_777 : i32
    %and3A_779 = arith.andi %ne3A_775, %ne3A_778 : i1
    %sub3A_780 = arith.constant 1 : i32
    %sub3A_781 = arith.subi %div3A_760, %sub3A_780 : i32
    %select_n3A_782 = arith.select %and3A_779, %sub3A_781, %div3A_760 : i32
    %jit3A_783 = arith.constant 4 : i32
    %eq3A_784 = arith.constant 0 : i32
    %eq3A_785 = arith.cmpi eq, %jit3A_783, %eq3A_784 : i32
    %jit3A_786 = arith.constant 1 : i32
    %select_n3A_787 = arith.select %eq3A_785, %jit3A_786, %jit3A_783 : i32
    %rem3A_788 = arith.remsi %add3A, %select_n3A_787 : i32
    %ne3A_789 = arith.constant 0 : i32
    %ne3A_790 = arith.cmpi ne, %rem3A_788, %ne3A_789 : i32
    %lt3A_791 = arith.constant 0 : i32
    %lt3A_792 = arith.cmpi slt, %rem3A_788, %lt3A_791 : i32
    %lt3A_793 = arith.constant 0 : i32
    %lt3A_794 = arith.cmpi slt, %select_n3A_787, %lt3A_793 : i32
    %ne3A_795 = arith.xori %lt3A_792, %lt3A_794 : i1
    %and3A_796 = arith.andi %ne3A_795, %ne3A_790 : i1
    %add3A_797 = arith.addi %rem3A_788, %select_n3A_787 : i32
    %select_n3A_798 = arith.select %and3A_796, %add3A_797, %rem3A_788 : i32
    %mul3A_799 = arith.constant 32 : i32
    %mul3A_800 = arith.muli %select_n3A_798, %mul3A_799 : i32
    %dma_start3A_801 = arith.constant 2 : i32
    %dma_start3A_802 = arith.constant 0 : i32
    %dma_start3A_803 = arith.constant 0 : i32
    %dma_start3A_804 = arith.constant 0 : i32
    %dma_start3A_805 = tpu.memref_slice %arg7[%dma_start3A_802, %dma_start3A_803, %dma_start3A_804] : memref<200x8x33xf32, #tpu.memory_space<vmem>> -> memref<200x8x32xf32, #tpu.memory_space<vmem>>
    %dma_start3A_806 = arith.constant 0 : i32
    %dma_start3A_807 = arith.constant 0 : i32
    %dma_start3A_808 = tpu.memref_slice %arg4[%dma_start3A_801, %dma_start3A_806, %select_n3A_782, %dma_start3A_807, %mul3A_800] : memref<20x200x8x8x128xf32, #tpu.memory_space<hbm>> -> memref<1x200x1x8x32xf32, #tpu.memory_space<hbm>>
    %dma_start3A_809 = tpu.memref_squeeze %dma_start3A_808 : memref<1x200x1x8x32xf32, #tpu.memory_space<hbm>> -> memref<200x8x32xf32, #tpu.memory_space<hbm>>
    %dma_start3A_810 = arith.constant 0 : i32
    %dma_start3A_811 = arith.constant 0 : i32
    %dma_start3A_812 = tpu.memref_slice %arg4[%dma_start3A_801, %dma_start3A_810, %select_n3A_782, %dma_start3A_811, %mul3A_800] : memref<20x200x8x8x128xf32, #tpu.memory_space<hbm>> -> memref<1x200x1x8x32xf32, #tpu.memory_space<hbm>>
    %dma_start3A_813 = tpu.memref_squeeze %dma_start3A_812 : memref<1x200x1x8x32xf32, #tpu.memory_space<hbm>> -> memref<200x8x32xf32, #tpu.memory_space<hbm>>
    %dma_start3A_814 = arith.constant 0 : i32
    %dma_start3A_815 = arith.constant 0 : i32
    %dma_start3A_816 = arith.constant 0 : i32
    %dma_start3A_817 = tpu.memref_slice %arg7[%dma_start3A_814, %dma_start3A_815, %dma_start3A_816] : memref<200x8x33xf32, #tpu.memory_space<vmem>> -> memref<200x8x32xf32, #tpu.memory_space<vmem>>
    tpu.enqueue_dma source(%dma_start3A_817 : memref<200x8x32xf32, #tpu.memory_space<vmem>>) target(%dma_start3A_813 : memref<200x8x32xf32, #tpu.memory_space<hbm>>) target_semaphore(%arg9 : memref<!tpu.dma_semaphore, #tpu.memory_space<semaphore_mem>>)
    %jit3A_818 = arith.constant 4 : i32
    %div3A_819 = arith.divsi %add3A, %jit3A_818 : i32
    %sign3A_820 = arith.constant 0 : i32
    %sign3A_821 = arith.cmpi sgt, %add3A, %sign3A_820 : i32
    %sign3A_822 = arith.extui %sign3A_821 : i1 to i32
    %sign3A_823 = arith.constant 0 : i32
    %sign3A_824 = arith.cmpi slt, %add3A, %sign3A_823 : i32
    %sign3A_825 = arith.extui %sign3A_824 : i1 to i32
    %sign3A_826 = arith.subi %sign3A_822, %sign3A_825 : i32
    %sign3A_827 = arith.constant 0 : i32
    %sign3A_828 = arith.cmpi sgt, %jit3A_818, %sign3A_827 : i32
    %sign3A_829 = arith.extui %sign3A_828 : i1 to i32
    %sign3A_830 = arith.constant 0 : i32
    %sign3A_831 = arith.cmpi slt, %jit3A_818, %sign3A_830 : i32
    %sign3A_832 = arith.extui %sign3A_831 : i1 to i32
    %sign3A_833 = arith.subi %sign3A_829, %sign3A_832 : i32
    %ne3A_834 = arith.cmpi ne, %sign3A_826, %sign3A_833 : i32
    %rem3A_835 = arith.remsi %add3A, %jit3A_818 : i32
    %ne3A_836 = arith.constant 0 : i32
    %ne3A_837 = arith.cmpi ne, %rem3A_835, %ne3A_836 : i32
    %and3A_838 = arith.andi %ne3A_834, %ne3A_837 : i1
    %sub3A_839 = arith.constant 1 : i32
    %sub3A_840 = arith.subi %div3A_819, %sub3A_839 : i32
    %select_n3A_841 = arith.select %and3A_838, %sub3A_840, %div3A_819 : i32
    %jit3A_842 = arith.constant 4 : i32
    %eq3A_843 = arith.constant 0 : i32
    %eq3A_844 = arith.cmpi eq, %jit3A_842, %eq3A_843 : i32
    %jit3A_845 = arith.constant 1 : i32
    %select_n3A_846 = arith.select %eq3A_844, %jit3A_845, %jit3A_842 : i32
    %rem3A_847 = arith.remsi %add3A, %select_n3A_846 : i32
    %ne3A_848 = arith.constant 0 : i32
    %ne3A_849 = arith.cmpi ne, %rem3A_847, %ne3A_848 : i32
    %lt3A_850 = arith.constant 0 : i32
    %lt3A_851 = arith.cmpi slt, %rem3A_847, %lt3A_850 : i32
    %lt3A_852 = arith.constant 0 : i32
    %lt3A_853 = arith.cmpi slt, %select_n3A_846, %lt3A_852 : i32
    %ne3A_854 = arith.xori %lt3A_851, %lt3A_853 : i1
    %and3A_855 = arith.andi %ne3A_854, %ne3A_849 : i1
    %add3A_856 = arith.addi %rem3A_847, %select_n3A_846 : i32
    %select_n3A_857 = arith.select %and3A_855, %add3A_856, %rem3A_847 : i32
    %mul3A_858 = arith.constant 32 : i32
    %mul3A_859 = arith.muli %select_n3A_857, %mul3A_858 : i32
    %dma_start3A_860 = arith.constant 3 : i32
    %dma_start3A_861 = arith.constant 0 : i32
    %dma_start3A_862 = arith.constant 0 : i32
    %dma_start3A_863 = arith.constant 0 : i32
    %dma_start3A_864 = tpu.memref_slice %arg7[%dma_start3A_861, %dma_start3A_862, %dma_start3A_863] : memref<200x8x33xf32, #tpu.memory_space<vmem>> -> memref<200x8x32xf32, #tpu.memory_space<vmem>>
    %dma_start3A_865 = arith.constant 0 : i32
    %dma_start3A_866 = arith.constant 0 : i32
    %dma_start3A_867 = tpu.memref_slice %arg4[%dma_start3A_860, %dma_start3A_865, %select_n3A_841, %dma_start3A_866, %mul3A_859] : memref<20x200x8x8x128xf32, #tpu.memory_space<hbm>> -> memref<1x200x1x8x32xf32, #tpu.memory_space<hbm>>
    %dma_start3A_868 = tpu.memref_squeeze %dma_start3A_867 : memref<1x200x1x8x32xf32, #tpu.memory_space<hbm>> -> memref<200x8x32xf32, #tpu.memory_space<hbm>>
    %dma_start3A_869 = arith.constant 0 : i32
    %dma_start3A_870 = arith.constant 0 : i32
    %dma_start3A_871 = tpu.memref_slice %arg4[%dma_start3A_860, %dma_start3A_869, %select_n3A_841, %dma_start3A_870, %mul3A_859] : memref<20x200x8x8x128xf32, #tpu.memory_space<hbm>> -> memref<1x200x1x8x32xf32, #tpu.memory_space<hbm>>
    %dma_start3A_872 = tpu.memref_squeeze %dma_start3A_871 : memref<1x200x1x8x32xf32, #tpu.memory_space<hbm>> -> memref<200x8x32xf32, #tpu.memory_space<hbm>>
    %dma_start3A_873 = arith.constant 0 : i32
    %dma_start3A_874 = arith.constant 0 : i32
    %dma_start3A_875 = arith.constant 0 : i32
    %dma_start3A_876 = tpu.memref_slice %arg7[%dma_start3A_873, %dma_start3A_874, %dma_start3A_875] : memref<200x8x33xf32, #tpu.memory_space<vmem>> -> memref<200x8x32xf32, #tpu.memory_space<vmem>>
    tpu.enqueue_dma source(%dma_start3A_876 : memref<200x8x32xf32, #tpu.memory_space<vmem>>) target(%dma_start3A_872 : memref<200x8x32xf32, #tpu.memory_space<hbm>>) target_semaphore(%arg9 : memref<!tpu.dma_semaphore, #tpu.memory_space<semaphore_mem>>)
    %jit3A_877 = arith.constant 4 : i32
    %div3A_878 = arith.divsi %add3A, %jit3A_877 : i32
    %sign3A_879 = arith.constant 0 : i32
    %sign3A_880 = arith.cmpi sgt, %add3A, %sign3A_879 : i32
    %sign3A_881 = arith.extui %sign3A_880 : i1 to i32
    %sign3A_882 = arith.constant 0 : i32
    %sign3A_883 = arith.cmpi slt, %add3A, %sign3A_882 : i32
    %sign3A_884 = arith.extui %sign3A_883 : i1 to i32
    %sign3A_885 = arith.subi %sign3A_881, %sign3A_884 : i32
    %sign3A_886 = arith.constant 0 : i32
    %sign3A_887 = arith.cmpi sgt, %jit3A_877, %sign3A_886 : i32
    %sign3A_888 = arith.extui %sign3A_887 : i1 to i32
    %sign3A_889 = arith.constant 0 : i32
    %sign3A_890 = arith.cmpi slt, %jit3A_877, %sign3A_889 : i32
    %sign3A_891 = arith.extui %sign3A_890 : i1 to i32
    %sign3A_892 = arith.subi %sign3A_888, %sign3A_891 : i32
    %ne3A_893 = arith.cmpi ne, %sign3A_885, %sign3A_892 : i32
    %rem3A_894 = arith.remsi %add3A, %jit3A_877 : i32
    %ne3A_895 = arith.constant 0 : i32
    %ne3A_896 = arith.cmpi ne, %rem3A_894, %ne3A_895 : i32
    %and3A_897 = arith.andi %ne3A_893, %ne3A_896 : i1
    %sub3A_898 = arith.constant 1 : i32
    %sub3A_899 = arith.subi %div3A_878, %sub3A_898 : i32
    %select_n3A_900 = arith.select %and3A_897, %sub3A_899, %div3A_878 : i32
    %jit3A_901 = arith.constant 4 : i32
    %eq3A_902 = arith.constant 0 : i32
    %eq3A_903 = arith.cmpi eq, %jit3A_901, %eq3A_902 : i32
    %jit3A_904 = arith.constant 1 : i32
    %select_n3A_905 = arith.select %eq3A_903, %jit3A_904, %jit3A_901 : i32
    %rem3A_906 = arith.remsi %add3A, %select_n3A_905 : i32
    %ne3A_907 = arith.constant 0 : i32
    %ne3A_908 = arith.cmpi ne, %rem3A_906, %ne3A_907 : i32
    %lt3A_909 = arith.constant 0 : i32
    %lt3A_910 = arith.cmpi slt, %rem3A_906, %lt3A_909 : i32
    %lt3A_911 = arith.constant 0 : i32
    %lt3A_912 = arith.cmpi slt, %select_n3A_905, %lt3A_911 : i32
    %ne3A_913 = arith.xori %lt3A_910, %lt3A_912 : i1
    %and3A_914 = arith.andi %ne3A_913, %ne3A_908 : i1
    %add3A_915 = arith.addi %rem3A_906, %select_n3A_905 : i32
    %select_n3A_916 = arith.select %and3A_914, %add3A_915, %rem3A_906 : i32
    %mul3A_917 = arith.constant 32 : i32
    %mul3A_918 = arith.muli %select_n3A_916, %mul3A_917 : i32
    %dma_start3A_919 = arith.constant 4 : i32
    %dma_start3A_920 = arith.constant 0 : i32
    %dma_start3A_921 = arith.constant 0 : i32
    %dma_start3A_922 = arith.constant 0 : i32
    %dma_start3A_923 = tpu.memref_slice %arg7[%dma_start3A_920, %dma_start3A_921, %dma_start3A_922] : memref<200x8x33xf32, #tpu.memory_space<vmem>> -> memref<200x8x32xf32, #tpu.memory_space<vmem>>
    %dma_start3A_924 = arith.constant 0 : i32
    %dma_start3A_925 = arith.constant 0 : i32
    %dma_start3A_926 = tpu.memref_slice %arg4[%dma_start3A_919, %dma_start3A_924, %select_n3A_900, %dma_start3A_925, %mul3A_918] : memref<20x200x8x8x128xf32, #tpu.memory_space<hbm>> -> memref<1x200x1x8x32xf32, #tpu.memory_space<hbm>>
    %dma_start3A_927 = tpu.memref_squeeze %dma_start3A_926 : memref<1x200x1x8x32xf32, #tpu.memory_space<hbm>> -> memref<200x8x32xf32, #tpu.memory_space<hbm>>
    %dma_start3A_928 = arith.constant 0 : i32
    %dma_start3A_929 = arith.constant 0 : i32
    %dma_start3A_930 = tpu.memref_slice %arg4[%dma_start3A_919, %dma_start3A_928, %select_n3A_900, %dma_start3A_929, %mul3A_918] : memref<20x200x8x8x128xf32, #tpu.memory_space<hbm>> -> memref<1x200x1x8x32xf32, #tpu.memory_space<hbm>>
    %dma_start3A_931 = tpu.memref_squeeze %dma_start3A_930 : memref<1x200x1x8x32xf32, #tpu.memory_space<hbm>> -> memref<200x8x32xf32, #tpu.memory_space<hbm>>
    %dma_start3A_932 = arith.constant 0 : i32
    %dma_start3A_933 = arith.constant 0 : i32
    %dma_start3A_934 = arith.constant 0 : i32
    %dma_start3A_935 = tpu.memref_slice %arg7[%dma_start3A_932, %dma_start3A_933, %dma_start3A_934] : memref<200x8x33xf32, #tpu.memory_space<vmem>> -> memref<200x8x32xf32, #tpu.memory_space<vmem>>
    tpu.enqueue_dma source(%dma_start3A_935 : memref<200x8x32xf32, #tpu.memory_space<vmem>>) target(%dma_start3A_931 : memref<200x8x32xf32, #tpu.memory_space<hbm>>) target_semaphore(%arg9 : memref<!tpu.dma_semaphore, #tpu.memory_space<semaphore_mem>>)
    %jit3A_936 = arith.constant 4 : i32
    %div3A_937 = arith.divsi %add3A, %jit3A_936 : i32
    %sign3A_938 = arith.constant 0 : i32
    %sign3A_939 = arith.cmpi sgt, %add3A, %sign3A_938 : i32
    %sign3A_940 = arith.extui %sign3A_939 : i1 to i32
    %sign3A_941 = arith.constant 0 : i32
    %sign3A_942 = arith.cmpi slt, %add3A, %sign3A_941 : i32
    %sign3A_943 = arith.extui %sign3A_942 : i1 to i32
    %sign3A_944 = arith.subi %sign3A_940, %sign3A_943 : i32
    %sign3A_945 = arith.constant 0 : i32
    %sign3A_946 = arith.cmpi sgt, %jit3A_936, %sign3A_945 : i32
    %sign3A_947 = arith.extui %sign3A_946 : i1 to i32
    %sign3A_948 = arith.constant 0 : i32
    %sign3A_949 = arith.cmpi slt, %jit3A_936, %sign3A_948 : i32
    %sign3A_950 = arith.extui %sign3A_949 : i1 to i32
    %sign3A_951 = arith.subi %sign3A_947, %sign3A_950 : i32
    %ne3A_952 = arith.cmpi ne, %sign3A_944, %sign3A_951 : i32
    %rem3A_953 = arith.remsi %add3A, %jit3A_936 : i32
    %ne3A_954 = arith.constant 0 : i32
    %ne3A_955 = arith.cmpi ne, %rem3A_953, %ne3A_954 : i32
    %and3A_956 = arith.andi %ne3A_952, %ne3A_955 : i1
    %sub3A_957 = arith.constant 1 : i32
    %sub3A_958 = arith.subi %div3A_937, %sub3A_957 : i32
    %select_n3A_959 = arith.select %and3A_956, %sub3A_958, %div3A_937 : i32
    %jit3A_960 = arith.constant 4 : i32
    %eq3A_961 = arith.constant 0 : i32
    %eq3A_962 = arith.cmpi eq, %jit3A_960, %eq3A_961 : i32
    %jit3A_963 = arith.constant 1 : i32
    %select_n3A_964 = arith.select %eq3A_962, %jit3A_963, %jit3A_960 : i32
    %rem3A_965 = arith.remsi %add3A, %select_n3A_964 : i32
    %ne3A_966 = arith.constant 0 : i32
    %ne3A_967 = arith.cmpi ne, %rem3A_965, %ne3A_966 : i32
    %lt3A_968 = arith.constant 0 : i32
    %lt3A_969 = arith.cmpi slt, %rem3A_965, %lt3A_968 : i32
    %lt3A_970 = arith.constant 0 : i32
    %lt3A_971 = arith.cmpi slt, %select_n3A_964, %lt3A_970 : i32
    %ne3A_972 = arith.xori %lt3A_969, %lt3A_971 : i1
    %and3A_973 = arith.andi %ne3A_972, %ne3A_967 : i1
    %add3A_974 = arith.addi %rem3A_965, %select_n3A_964 : i32
    %select_n3A_975 = arith.select %and3A_973, %add3A_974, %rem3A_965 : i32
    %mul3A_976 = arith.constant 32 : i32
    %mul3A_977 = arith.muli %select_n3A_975, %mul3A_976 : i32
    %dma_start3A_978 = arith.constant 5 : i32
    %dma_start3A_979 = arith.constant 0 : i32
    %dma_start3A_980 = arith.constant 0 : i32
    %dma_start3A_981 = arith.constant 0 : i32
    %dma_start3A_982 = tpu.memref_slice %arg7[%dma_start3A_979, %dma_start3A_980, %dma_start3A_981] : memref<200x8x33xf32, #tpu.memory_space<vmem>> -> memref<200x8x32xf32, #tpu.memory_space<vmem>>
    %dma_start3A_983 = arith.constant 0 : i32
    %dma_start3A_984 = arith.constant 0 : i32
    %dma_start3A_985 = tpu.memref_slice %arg4[%dma_start3A_978, %dma_start3A_983, %select_n3A_959, %dma_start3A_984, %mul3A_977] : memref<20x200x8x8x128xf32, #tpu.memory_space<hbm>> -> memref<1x200x1x8x32xf32, #tpu.memory_space<hbm>>
    %dma_start3A_986 = tpu.memref_squeeze %dma_start3A_985 : memref<1x200x1x8x32xf32, #tpu.memory_space<hbm>> -> memref<200x8x32xf32, #tpu.memory_space<hbm>>
    %dma_start3A_987 = arith.constant 0 : i32
    %dma_start3A_988 = arith.constant 0 : i32
    %dma_start3A_989 = tpu.memref_slice %arg4[%dma_start3A_978, %dma_start3A_987, %select_n3A_959, %dma_start3A_988, %mul3A_977] : memref<20x200x8x8x128xf32, #tpu.memory_space<hbm>> -> memref<1x200x1x8x32xf32, #tpu.memory_space<hbm>>
    %dma_start3A_990 = tpu.memref_squeeze %dma_start3A_989 : memref<1x200x1x8x32xf32, #tpu.memory_space<hbm>> -> memref<200x8x32xf32, #tpu.memory_space<hbm>>
    %dma_start3A_991 = arith.constant 0 : i32
    %dma_start3A_992 = arith.constant 0 : i32
    %dma_start3A_993 = arith.constant 0 : i32
    %dma_start3A_994 = tpu.memref_slice %arg7[%dma_start3A_991, %dma_start3A_992, %dma_start3A_993] : memref<200x8x33xf32, #tpu.memory_space<vmem>> -> memref<200x8x32xf32, #tpu.memory_space<vmem>>
    tpu.enqueue_dma source(%dma_start3A_994 : memref<200x8x32xf32, #tpu.memory_space<vmem>>) target(%dma_start3A_990 : memref<200x8x32xf32, #tpu.memory_space<hbm>>) target_semaphore(%arg9 : memref<!tpu.dma_semaphore, #tpu.memory_space<semaphore_mem>>)
    %jit3A_995 = arith.constant 4 : i32
    %div3A_996 = arith.divsi %add3A, %jit3A_995 : i32
    %sign3A_997 = arith.constant 0 : i32
    %sign3A_998 = arith.cmpi sgt, %add3A, %sign3A_997 : i32
    %sign3A_999 = arith.extui %sign3A_998 : i1 to i32
    %sign3A_1000 = arith.constant 0 : i32
    %sign3A_1001 = arith.cmpi slt, %add3A, %sign3A_1000 : i32
    %sign3A_1002 = arith.extui %sign3A_1001 : i1 to i32
    %sign3A_1003 = arith.subi %sign3A_999, %sign3A_1002 : i32
    %sign3A_1004 = arith.constant 0 : i32
    %sign3A_1005 = arith.cmpi sgt, %jit3A_995, %sign3A_1004 : i32
    %sign3A_1006 = arith.extui %sign3A_1005 : i1 to i32
    %sign3A_1007 = arith.constant 0 : i32
    %sign3A_1008 = arith.cmpi slt, %jit3A_995, %sign3A_1007 : i32
    %sign3A_1009 = arith.extui %sign3A_1008 : i1 to i32
    %sign3A_1010 = arith.subi %sign3A_1006, %sign3A_1009 : i32
    %ne3A_1011 = arith.cmpi ne, %sign3A_1003, %sign3A_1010 : i32
    %rem3A_1012 = arith.remsi %add3A, %jit3A_995 : i32
    %ne3A_1013 = arith.constant 0 : i32
    %ne3A_1014 = arith.cmpi ne, %rem3A_1012, %ne3A_1013 : i32
    %and3A_1015 = arith.andi %ne3A_1011, %ne3A_1014 : i1
    %sub3A_1016 = arith.constant 1 : i32
    %sub3A_1017 = arith.subi %div3A_996, %sub3A_1016 : i32
    %select_n3A_1018 = arith.select %and3A_1015, %sub3A_1017, %div3A_996 : i32
    %jit3A_1019 = arith.constant 4 : i32
    %eq3A_1020 = arith.constant 0 : i32
    %eq3A_1021 = arith.cmpi eq, %jit3A_1019, %eq3A_1020 : i32
    %jit3A_1022 = arith.constant 1 : i32
    %select_n3A_1023 = arith.select %eq3A_1021, %jit3A_1022, %jit3A_1019 : i32
    %rem3A_1024 = arith.remsi %add3A, %select_n3A_1023 : i32
    %ne3A_1025 = arith.constant 0 : i32
    %ne3A_1026 = arith.cmpi ne, %rem3A_1024, %ne3A_1025 : i32
    %lt3A_1027 = arith.constant 0 : i32
    %lt3A_1028 = arith.cmpi slt, %rem3A_1024, %lt3A_1027 : i32
    %lt3A_1029 = arith.constant 0 : i32
    %lt3A_1030 = arith.cmpi slt, %select_n3A_1023, %lt3A_1029 : i32
    %ne3A_1031 = arith.xori %lt3A_1028, %lt3A_1030 : i1
    %and3A_1032 = arith.andi %ne3A_1031, %ne3A_1026 : i1
    %add3A_1033 = arith.addi %rem3A_1024, %select_n3A_1023 : i32
    %select_n3A_1034 = arith.select %and3A_1032, %add3A_1033, %rem3A_1024 : i32
    %mul3A_1035 = arith.constant 32 : i32
    %mul3A_1036 = arith.muli %select_n3A_1034, %mul3A_1035 : i32
    %dma_start3A_1037 = arith.constant 6 : i32
    %dma_start3A_1038 = arith.constant 0 : i32
    %dma_start3A_1039 = arith.constant 0 : i32
    %dma_start3A_1040 = arith.constant 0 : i32
    %dma_start3A_1041 = tpu.memref_slice %arg7[%dma_start3A_1038, %dma_start3A_1039, %dma_start3A_1040] : memref<200x8x33xf32, #tpu.memory_space<vmem>> -> memref<200x8x32xf32, #tpu.memory_space<vmem>>
    %dma_start3A_1042 = arith.constant 0 : i32
    %dma_start3A_1043 = arith.constant 0 : i32
    %dma_start3A_1044 = tpu.memref_slice %arg4[%dma_start3A_1037, %dma_start3A_1042, %select_n3A_1018, %dma_start3A_1043, %mul3A_1036] : memref<20x200x8x8x128xf32, #tpu.memory_space<hbm>> -> memref<1x200x1x8x32xf32, #tpu.memory_space<hbm>>
    %dma_start3A_1045 = tpu.memref_squeeze %dma_start3A_1044 : memref<1x200x1x8x32xf32, #tpu.memory_space<hbm>> -> memref<200x8x32xf32, #tpu.memory_space<hbm>>
    %dma_start3A_1046 = arith.constant 0 : i32
    %dma_start3A_1047 = arith.constant 0 : i32
    %dma_start3A_1048 = tpu.memref_slice %arg4[%dma_start3A_1037, %dma_start3A_1046, %select_n3A_1018, %dma_start3A_1047, %mul3A_1036] : memref<20x200x8x8x128xf32, #tpu.memory_space<hbm>> -> memref<1x200x1x8x32xf32, #tpu.memory_space<hbm>>
    %dma_start3A_1049 = tpu.memref_squeeze %dma_start3A_1048 : memref<1x200x1x8x32xf32, #tpu.memory_space<hbm>> -> memref<200x8x32xf32, #tpu.memory_space<hbm>>
    %dma_start3A_1050 = arith.constant 0 : i32
    %dma_start3A_1051 = arith.constant 0 : i32
    %dma_start3A_1052 = arith.constant 0 : i32
    %dma_start3A_1053 = tpu.memref_slice %arg7[%dma_start3A_1050, %dma_start3A_1051, %dma_start3A_1052] : memref<200x8x33xf32, #tpu.memory_space<vmem>> -> memref<200x8x32xf32, #tpu.memory_space<vmem>>
    tpu.enqueue_dma source(%dma_start3A_1053 : memref<200x8x32xf32, #tpu.memory_space<vmem>>) target(%dma_start3A_1049 : memref<200x8x32xf32, #tpu.memory_space<hbm>>) target_semaphore(%arg9 : memref<!tpu.dma_semaphore, #tpu.memory_space<semaphore_mem>>)
    %jit3A_1054 = arith.constant 4 : i32
    %div3A_1055 = arith.divsi %add3A, %jit3A_1054 : i32
    %sign3A_1056 = arith.constant 0 : i32
    %sign3A_1057 = arith.cmpi sgt, %add3A, %sign3A_1056 : i32
    %sign3A_1058 = arith.extui %sign3A_1057 : i1 to i32
    %sign3A_1059 = arith.constant 0 : i32
    %sign3A_1060 = arith.cmpi slt, %add3A, %sign3A_1059 : i32
    %sign3A_1061 = arith.extui %sign3A_1060 : i1 to i32
    %sign3A_1062 = arith.subi %sign3A_1058, %sign3A_1061 : i32
    %sign3A_1063 = arith.constant 0 : i32
    %sign3A_1064 = arith.cmpi sgt, %jit3A_1054, %sign3A_1063 : i32
    %sign3A_1065 = arith.extui %sign3A_1064 : i1 to i32
    %sign3A_1066 = arith.constant 0 : i32
    %sign3A_1067 = arith.cmpi slt, %jit3A_1054, %sign3A_1066 : i32
    %sign3A_1068 = arith.extui %sign3A_1067 : i1 to i32
    %sign3A_1069 = arith.subi %sign3A_1065, %sign3A_1068 : i32
    %ne3A_1070 = arith.cmpi ne, %sign3A_1062, %sign3A_1069 : i32
    %rem3A_1071 = arith.remsi %add3A, %jit3A_1054 : i32
    %ne3A_1072 = arith.constant 0 : i32
    %ne3A_1073 = arith.cmpi ne, %rem3A_1071, %ne3A_1072 : i32
    %and3A_1074 = arith.andi %ne3A_1070, %ne3A_1073 : i1
    %sub3A_1075 = arith.constant 1 : i32
    %sub3A_1076 = arith.subi %div3A_1055, %sub3A_1075 : i32
    %select_n3A_1077 = arith.select %and3A_1074, %sub3A_1076, %div3A_1055 : i32
    %jit3A_1078 = arith.constant 4 : i32
    %eq3A_1079 = arith.constant 0 : i32
    %eq3A_1080 = arith.cmpi eq, %jit3A_1078, %eq3A_1079 : i32
    %jit3A_1081 = arith.constant 1 : i32
    %select_n3A_1082 = arith.select %eq3A_1080, %jit3A_1081, %jit3A_1078 : i32
    %rem3A_1083 = arith.remsi %add3A, %select_n3A_1082 : i32
    %ne3A_1084 = arith.constant 0 : i32
    %ne3A_1085 = arith.cmpi ne, %rem3A_1083, %ne3A_1084 : i32
    %lt3A_1086 = arith.constant 0 : i32
    %lt3A_1087 = arith.cmpi slt, %rem3A_1083, %lt3A_1086 : i32
    %lt3A_1088 = arith.constant 0 : i32
    %lt3A_1089 = arith.cmpi slt, %select_n3A_1082, %lt3A_1088 : i32
    %ne3A_1090 = arith.xori %lt3A_1087, %lt3A_1089 : i1
    %and3A_1091 = arith.andi %ne3A_1090, %ne3A_1085 : i1
    %add3A_1092 = arith.addi %rem3A_1083, %select_n3A_1082 : i32
    %select_n3A_1093 = arith.select %and3A_1091, %add3A_1092, %rem3A_1083 : i32
    %mul3A_1094 = arith.constant 32 : i32
    %mul3A_1095 = arith.muli %select_n3A_1093, %mul3A_1094 : i32
    %dma_start3A_1096 = arith.constant 7 : i32
    %dma_start3A_1097 = arith.constant 0 : i32
    %dma_start3A_1098 = arith.constant 0 : i32
    %dma_start3A_1099 = arith.constant 0 : i32
    %dma_start3A_1100 = tpu.memref_slice %arg7[%dma_start3A_1097, %dma_start3A_1098, %dma_start3A_1099] : memref<200x8x33xf32, #tpu.memory_space<vmem>> -> memref<200x8x32xf32, #tpu.memory_space<vmem>>
    %dma_start3A_1101 = arith.constant 0 : i32
    %dma_start3A_1102 = arith.constant 0 : i32
    %dma_start3A_1103 = tpu.memref_slice %arg4[%dma_start3A_1096, %dma_start3A_1101, %select_n3A_1077, %dma_start3A_1102, %mul3A_1095] : memref<20x200x8x8x128xf32, #tpu.memory_space<hbm>> -> memref<1x200x1x8x32xf32, #tpu.memory_space<hbm>>
    %dma_start3A_1104 = tpu.memref_squeeze %dma_start3A_1103 : memref<1x200x1x8x32xf32, #tpu.memory_space<hbm>> -> memref<200x8x32xf32, #tpu.memory_space<hbm>>
    %dma_start3A_1105 = arith.constant 0 : i32
    %dma_start3A_1106 = arith.constant 0 : i32
    %dma_start3A_1107 = tpu.memref_slice %arg4[%dma_start3A_1096, %dma_start3A_1105, %select_n3A_1077, %dma_start3A_1106, %mul3A_1095] : memref<20x200x8x8x128xf32, #tpu.memory_space<hbm>> -> memref<1x200x1x8x32xf32, #tpu.memory_space<hbm>>
    %dma_start3A_1108 = tpu.memref_squeeze %dma_start3A_1107 : memref<1x200x1x8x32xf32, #tpu.memory_space<hbm>> -> memref<200x8x32xf32, #tpu.memory_space<hbm>>
    %dma_start3A_1109 = arith.constant 0 : i32
    %dma_start3A_1110 = arith.constant 0 : i32
    %dma_start3A_1111 = arith.constant 0 : i32
    %dma_start3A_1112 = tpu.memref_slice %arg7[%dma_start3A_1109, %dma_start3A_1110, %dma_start3A_1111] : memref<200x8x33xf32, #tpu.memory_space<vmem>> -> memref<200x8x32xf32, #tpu.memory_space<vmem>>
    tpu.enqueue_dma source(%dma_start3A_1112 : memref<200x8x32xf32, #tpu.memory_space<vmem>>) target(%dma_start3A_1108 : memref<200x8x32xf32, #tpu.memory_space<hbm>>) target_semaphore(%arg9 : memref<!tpu.dma_semaphore, #tpu.memory_space<semaphore_mem>>)
    %jit3A_1113 = arith.constant 4 : i32
    %div3A_1114 = arith.divsi %add3A, %jit3A_1113 : i32
    %sign3A_1115 = arith.constant 0 : i32
    %sign3A_1116 = arith.cmpi sgt, %add3A, %sign3A_1115 : i32
    %sign3A_1117 = arith.extui %sign3A_1116 : i1 to i32
    %sign3A_1118 = arith.constant 0 : i32
    %sign3A_1119 = arith.cmpi slt, %add3A, %sign3A_1118 : i32
    %sign3A_1120 = arith.extui %sign3A_1119 : i1 to i32
    %sign3A_1121 = arith.subi %sign3A_1117, %sign3A_1120 : i32
    %sign3A_1122 = arith.constant 0 : i32
    %sign3A_1123 = arith.cmpi sgt, %jit3A_1113, %sign3A_1122 : i32
    %sign3A_1124 = arith.extui %sign3A_1123 : i1 to i32
    %sign3A_1125 = arith.constant 0 : i32
    %sign3A_1126 = arith.cmpi slt, %jit3A_1113, %sign3A_1125 : i32
    %sign3A_1127 = arith.extui %sign3A_1126 : i1 to i32
    %sign3A_1128 = arith.subi %sign3A_1124, %sign3A_1127 : i32
    %ne3A_1129 = arith.cmpi ne, %sign3A_1121, %sign3A_1128 : i32
    %rem3A_1130 = arith.remsi %add3A, %jit3A_1113 : i32
    %ne3A_1131 = arith.constant 0 : i32
    %ne3A_1132 = arith.cmpi ne, %rem3A_1130, %ne3A_1131 : i32
    %and3A_1133 = arith.andi %ne3A_1129, %ne3A_1132 : i1
    %sub3A_1134 = arith.constant 1 : i32
    %sub3A_1135 = arith.subi %div3A_1114, %sub3A_1134 : i32
    %select_n3A_1136 = arith.select %and3A_1133, %sub3A_1135, %div3A_1114 : i32
    %jit3A_1137 = arith.constant 4 : i32
    %eq3A_1138 = arith.constant 0 : i32
    %eq3A_1139 = arith.cmpi eq, %jit3A_1137, %eq3A_1138 : i32
    %jit3A_1140 = arith.constant 1 : i32
    %select_n3A_1141 = arith.select %eq3A_1139, %jit3A_1140, %jit3A_1137 : i32
    %rem3A_1142 = arith.remsi %add3A, %select_n3A_1141 : i32
    %ne3A_1143 = arith.constant 0 : i32
    %ne3A_1144 = arith.cmpi ne, %rem3A_1142, %ne3A_1143 : i32
    %lt3A_1145 = arith.constant 0 : i32
    %lt3A_1146 = arith.cmpi slt, %rem3A_1142, %lt3A_1145 : i32
    %lt3A_1147 = arith.constant 0 : i32
    %lt3A_1148 = arith.cmpi slt, %select_n3A_1141, %lt3A_1147 : i32
    %ne3A_1149 = arith.xori %lt3A_1146, %lt3A_1148 : i1
    %and3A_1150 = arith.andi %ne3A_1149, %ne3A_1144 : i1
    %add3A_1151 = arith.addi %rem3A_1142, %select_n3A_1141 : i32
    %select_n3A_1152 = arith.select %and3A_1150, %add3A_1151, %rem3A_1142 : i32
    %mul3A_1153 = arith.constant 32 : i32
    %mul3A_1154 = arith.muli %select_n3A_1152, %mul3A_1153 : i32
    %dma_start3A_1155 = arith.constant 8 : i32
    %dma_start3A_1156 = arith.constant 0 : i32
    %dma_start3A_1157 = arith.constant 0 : i32
    %dma_start3A_1158 = arith.constant 0 : i32
    %dma_start3A_1159 = tpu.memref_slice %arg7[%dma_start3A_1156, %dma_start3A_1157, %dma_start3A_1158] : memref<200x8x33xf32, #tpu.memory_space<vmem>> -> memref<200x8x32xf32, #tpu.memory_space<vmem>>
    %dma_start3A_1160 = arith.constant 0 : i32
    %dma_start3A_1161 = arith.constant 0 : i32
    %dma_start3A_1162 = tpu.memref_slice %arg4[%dma_start3A_1155, %dma_start3A_1160, %select_n3A_1136, %dma_start3A_1161, %mul3A_1154] : memref<20x200x8x8x128xf32, #tpu.memory_space<hbm>> -> memref<1x200x1x8x32xf32, #tpu.memory_space<hbm>>
    %dma_start3A_1163 = tpu.memref_squeeze %dma_start3A_1162 : memref<1x200x1x8x32xf32, #tpu.memory_space<hbm>> -> memref<200x8x32xf32, #tpu.memory_space<hbm>>
    %dma_start3A_1164 = arith.constant 0 : i32
    %dma_start3A_1165 = arith.constant 0 : i32
    %dma_start3A_1166 = tpu.memref_slice %arg4[%dma_start3A_1155, %dma_start3A_1164, %select_n3A_1136, %dma_start3A_1165, %mul3A_1154] : memref<20x200x8x8x128xf32, #tpu.memory_space<hbm>> -> memref<1x200x1x8x32xf32, #tpu.memory_space<hbm>>
    %dma_start3A_1167 = tpu.memref_squeeze %dma_start3A_1166 : memref<1x200x1x8x32xf32, #tpu.memory_space<hbm>> -> memref<200x8x32xf32, #tpu.memory_space<hbm>>
    %dma_start3A_1168 = arith.constant 0 : i32
    %dma_start3A_1169 = arith.constant 0 : i32
    %dma_start3A_1170 = arith.constant 0 : i32
    %dma_start3A_1171 = tpu.memref_slice %arg7[%dma_start3A_1168, %dma_start3A_1169, %dma_start3A_1170] : memref<200x8x33xf32, #tpu.memory_space<vmem>> -> memref<200x8x32xf32, #tpu.memory_space<vmem>>
    tpu.enqueue_dma source(%dma_start3A_1171 : memref<200x8x32xf32, #tpu.memory_space<vmem>>) target(%dma_start3A_1167 : memref<200x8x32xf32, #tpu.memory_space<hbm>>) target_semaphore(%arg9 : memref<!tpu.dma_semaphore, #tpu.memory_space<semaphore_mem>>)
    %jit3A_1172 = arith.constant 4 : i32
    %div3A_1173 = arith.divsi %add3A, %jit3A_1172 : i32
    %sign3A_1174 = arith.constant 0 : i32
    %sign3A_1175 = arith.cmpi sgt, %add3A, %sign3A_1174 : i32
    %sign3A_1176 = arith.extui %sign3A_1175 : i1 to i32
    %sign3A_1177 = arith.constant 0 : i32
    %sign3A_1178 = arith.cmpi slt, %add3A, %sign3A_1177 : i32
    %sign3A_1179 = arith.extui %sign3A_1178 : i1 to i32
    %sign3A_1180 = arith.subi %sign3A_1176, %sign3A_1179 : i32
    %sign3A_1181 = arith.constant 0 : i32
    %sign3A_1182 = arith.cmpi sgt, %jit3A_1172, %sign3A_1181 : i32
    %sign3A_1183 = arith.extui %sign3A_1182 : i1 to i32
    %sign3A_1184 = arith.constant 0 : i32
    %sign3A_1185 = arith.cmpi slt, %jit3A_1172, %sign3A_1184 : i32
    %sign3A_1186 = arith.extui %sign3A_1185 : i1 to i32
    %sign3A_1187 = arith.subi %sign3A_1183, %sign3A_1186 : i32
    %ne3A_1188 = arith.cmpi ne, %sign3A_1180, %sign3A_1187 : i32
    %rem3A_1189 = arith.remsi %add3A, %jit3A_1172 : i32
    %ne3A_1190 = arith.constant 0 : i32
    %ne3A_1191 = arith.cmpi ne, %rem3A_1189, %ne3A_1190 : i32
    %and3A_1192 = arith.andi %ne3A_1188, %ne3A_1191 : i1
    %sub3A_1193 = arith.constant 1 : i32
    %sub3A_1194 = arith.subi %div3A_1173, %sub3A_1193 : i32
    %select_n3A_1195 = arith.select %and3A_1192, %sub3A_1194, %div3A_1173 : i32
    %jit3A_1196 = arith.constant 4 : i32
    %eq3A_1197 = arith.constant 0 : i32
    %eq3A_1198 = arith.cmpi eq, %jit3A_1196, %eq3A_1197 : i32
    %jit3A_1199 = arith.constant 1 : i32
    %select_n3A_1200 = arith.select %eq3A_1198, %jit3A_1199, %jit3A_1196 : i32
    %rem3A_1201 = arith.remsi %add3A, %select_n3A_1200 : i32
    %ne3A_1202 = arith.constant 0 : i32
    %ne3A_1203 = arith.cmpi ne, %rem3A_1201, %ne3A_1202 : i32
    %lt3A_1204 = arith.constant 0 : i32
    %lt3A_1205 = arith.cmpi slt, %rem3A_1201, %lt3A_1204 : i32
    %lt3A_1206 = arith.constant 0 : i32
    %lt3A_1207 = arith.cmpi slt, %select_n3A_1200, %lt3A_1206 : i32
    %ne3A_1208 = arith.xori %lt3A_1205, %lt3A_1207 : i1
    %and3A_1209 = arith.andi %ne3A_1208, %ne3A_1203 : i1
    %add3A_1210 = arith.addi %rem3A_1201, %select_n3A_1200 : i32
    %select_n3A_1211 = arith.select %and3A_1209, %add3A_1210, %rem3A_1201 : i32
    %mul3A_1212 = arith.constant 32 : i32
    %mul3A_1213 = arith.muli %select_n3A_1211, %mul3A_1212 : i32
    %dma_start3A_1214 = arith.constant 9 : i32
    %dma_start3A_1215 = arith.constant 0 : i32
    %dma_start3A_1216 = arith.constant 0 : i32
    %dma_start3A_1217 = arith.constant 0 : i32
    %dma_start3A_1218 = tpu.memref_slice %arg7[%dma_start3A_1215, %dma_start3A_1216, %dma_start3A_1217] : memref<200x8x33xf32, #tpu.memory_space<vmem>> -> memref<200x8x32xf32, #tpu.memory_space<vmem>>
    %dma_start3A_1219 = arith.constant 0 : i32
    %dma_start3A_1220 = arith.constant 0 : i32
    %dma_start3A_1221 = tpu.memref_slice %arg4[%dma_start3A_1214, %dma_start3A_1219, %select_n3A_1195, %dma_start3A_1220, %mul3A_1213] : memref<20x200x8x8x128xf32, #tpu.memory_space<hbm>> -> memref<1x200x1x8x32xf32, #tpu.memory_space<hbm>>
    %dma_start3A_1222 = tpu.memref_squeeze %dma_start3A_1221 : memref<1x200x1x8x32xf32, #tpu.memory_space<hbm>> -> memref<200x8x32xf32, #tpu.memory_space<hbm>>
    %dma_start3A_1223 = arith.constant 0 : i32
    %dma_start3A_1224 = arith.constant 0 : i32
    %dma_start3A_1225 = tpu.memref_slice %arg4[%dma_start3A_1214, %dma_start3A_1223, %select_n3A_1195, %dma_start3A_1224, %mul3A_1213] : memref<20x200x8x8x128xf32, #tpu.memory_space<hbm>> -> memref<1x200x1x8x32xf32, #tpu.memory_space<hbm>>
    %dma_start3A_1226 = tpu.memref_squeeze %dma_start3A_1225 : memref<1x200x1x8x32xf32, #tpu.memory_space<hbm>> -> memref<200x8x32xf32, #tpu.memory_space<hbm>>
    %dma_start3A_1227 = arith.constant 0 : i32
    %dma_start3A_1228 = arith.constant 0 : i32
    %dma_start3A_1229 = arith.constant 0 : i32
    %dma_start3A_1230 = tpu.memref_slice %arg7[%dma_start3A_1227, %dma_start3A_1228, %dma_start3A_1229] : memref<200x8x33xf32, #tpu.memory_space<vmem>> -> memref<200x8x32xf32, #tpu.memory_space<vmem>>
    tpu.enqueue_dma source(%dma_start3A_1230 : memref<200x8x32xf32, #tpu.memory_space<vmem>>) target(%dma_start3A_1226 : memref<200x8x32xf32, #tpu.memory_space<hbm>>) target_semaphore(%arg9 : memref<!tpu.dma_semaphore, #tpu.memory_space<semaphore_mem>>)
    %jit3A_1231 = arith.constant 4 : i32
    %div3A_1232 = arith.divsi %add3A, %jit3A_1231 : i32
    %sign3A_1233 = arith.constant 0 : i32
    %sign3A_1234 = arith.cmpi sgt, %add3A, %sign3A_1233 : i32
    %sign3A_1235 = arith.extui %sign3A_1234 : i1 to i32
    %sign3A_1236 = arith.constant 0 : i32
    %sign3A_1237 = arith.cmpi slt, %add3A, %sign3A_1236 : i32
    %sign3A_1238 = arith.extui %sign3A_1237 : i1 to i32
    %sign3A_1239 = arith.subi %sign3A_1235, %sign3A_1238 : i32
    %sign3A_1240 = arith.constant 0 : i32
    %sign3A_1241 = arith.cmpi sgt, %jit3A_1231, %sign3A_1240 : i32
    %sign3A_1242 = arith.extui %sign3A_1241 : i1 to i32
    %sign3A_1243 = arith.constant 0 : i32
    %sign3A_1244 = arith.cmpi slt, %jit3A_1231, %sign3A_1243 : i32
    %sign3A_1245 = arith.extui %sign3A_1244 : i1 to i32
    %sign3A_1246 = arith.subi %sign3A_1242, %sign3A_1245 : i32
    %ne3A_1247 = arith.cmpi ne, %sign3A_1239, %sign3A_1246 : i32
    %rem3A_1248 = arith.remsi %add3A, %jit3A_1231 : i32
    %ne3A_1249 = arith.constant 0 : i32
    %ne3A_1250 = arith.cmpi ne, %rem3A_1248, %ne3A_1249 : i32
    %and3A_1251 = arith.andi %ne3A_1247, %ne3A_1250 : i1
    %sub3A_1252 = arith.constant 1 : i32
    %sub3A_1253 = arith.subi %div3A_1232, %sub3A_1252 : i32
    %select_n3A_1254 = arith.select %and3A_1251, %sub3A_1253, %div3A_1232 : i32
    %jit3A_1255 = arith.constant 4 : i32
    %eq3A_1256 = arith.constant 0 : i32
    %eq3A_1257 = arith.cmpi eq, %jit3A_1255, %eq3A_1256 : i32
    %jit3A_1258 = arith.constant 1 : i32
    %select_n3A_1259 = arith.select %eq3A_1257, %jit3A_1258, %jit3A_1255 : i32
    %rem3A_1260 = arith.remsi %add3A, %select_n3A_1259 : i32
    %ne3A_1261 = arith.constant 0 : i32
    %ne3A_1262 = arith.cmpi ne, %rem3A_1260, %ne3A_1261 : i32
    %lt3A_1263 = arith.constant 0 : i32
    %lt3A_1264 = arith.cmpi slt, %rem3A_1260, %lt3A_1263 : i32
    %lt3A_1265 = arith.constant 0 : i32
    %lt3A_1266 = arith.cmpi slt, %select_n3A_1259, %lt3A_1265 : i32
    %ne3A_1267 = arith.xori %lt3A_1264, %lt3A_1266 : i1
    %and3A_1268 = arith.andi %ne3A_1267, %ne3A_1262 : i1
    %add3A_1269 = arith.addi %rem3A_1260, %select_n3A_1259 : i32
    %select_n3A_1270 = arith.select %and3A_1268, %add3A_1269, %rem3A_1260 : i32
    %mul3A_1271 = arith.constant 32 : i32
    %mul3A_1272 = arith.muli %select_n3A_1270, %mul3A_1271 : i32
    %dma_start3A_1273 = arith.constant 10 : i32
    %dma_start3A_1274 = arith.constant 0 : i32
    %dma_start3A_1275 = arith.constant 0 : i32
    %dma_start3A_1276 = arith.constant 0 : i32
    %dma_start3A_1277 = tpu.memref_slice %arg7[%dma_start3A_1274, %dma_start3A_1275, %dma_start3A_1276] : memref<200x8x33xf32, #tpu.memory_space<vmem>> -> memref<200x8x32xf32, #tpu.memory_space<vmem>>
    %dma_start3A_1278 = arith.constant 0 : i32
    %dma_start3A_1279 = arith.constant 0 : i32
    %dma_start3A_1280 = tpu.memref_slice %arg4[%dma_start3A_1273, %dma_start3A_1278, %select_n3A_1254, %dma_start3A_1279, %mul3A_1272] : memref<20x200x8x8x128xf32, #tpu.memory_space<hbm>> -> memref<1x200x1x8x32xf32, #tpu.memory_space<hbm>>
    %dma_start3A_1281 = tpu.memref_squeeze %dma_start3A_1280 : memref<1x200x1x8x32xf32, #tpu.memory_space<hbm>> -> memref<200x8x32xf32, #tpu.memory_space<hbm>>
    %dma_start3A_1282 = arith.constant 0 : i32
    %dma_start3A_1283 = arith.constant 0 : i32
    %dma_start3A_1284 = tpu.memref_slice %arg4[%dma_start3A_1273, %dma_start3A_1282, %select_n3A_1254, %dma_start3A_1283, %mul3A_1272] : memref<20x200x8x8x128xf32, #tpu.memory_space<hbm>> -> memref<1x200x1x8x32xf32, #tpu.memory_space<hbm>>
    %dma_start3A_1285 = tpu.memref_squeeze %dma_start3A_1284 : memref<1x200x1x8x32xf32, #tpu.memory_space<hbm>> -> memref<200x8x32xf32, #tpu.memory_space<hbm>>
    %dma_start3A_1286 = arith.constant 0 : i32
    %dma_start3A_1287 = arith.constant 0 : i32
    %dma_start3A_1288 = arith.constant 0 : i32
    %dma_start3A_1289 = tpu.memref_slice %arg7[%dma_start3A_1286, %dma_start3A_1287, %dma_start3A_1288] : memref<200x8x33xf32, #tpu.memory_space<vmem>> -> memref<200x8x32xf32, #tpu.memory_space<vmem>>
    tpu.enqueue_dma source(%dma_start3A_1289 : memref<200x8x32xf32, #tpu.memory_space<vmem>>) target(%dma_start3A_1285 : memref<200x8x32xf32, #tpu.memory_space<hbm>>) target_semaphore(%arg9 : memref<!tpu.dma_semaphore, #tpu.memory_space<semaphore_mem>>)
    %jit3A_1290 = arith.constant 4 : i32
    %div3A_1291 = arith.divsi %add3A, %jit3A_1290 : i32
    %sign3A_1292 = arith.constant 0 : i32
    %sign3A_1293 = arith.cmpi sgt, %add3A, %sign3A_1292 : i32
    %sign3A_1294 = arith.extui %sign3A_1293 : i1 to i32
    %sign3A_1295 = arith.constant 0 : i32
    %sign3A_1296 = arith.cmpi slt, %add3A, %sign3A_1295 : i32
    %sign3A_1297 = arith.extui %sign3A_1296 : i1 to i32
    %sign3A_1298 = arith.subi %sign3A_1294, %sign3A_1297 : i32
    %sign3A_1299 = arith.constant 0 : i32
    %sign3A_1300 = arith.cmpi sgt, %jit3A_1290, %sign3A_1299 : i32
    %sign3A_1301 = arith.extui %sign3A_1300 : i1 to i32
    %sign3A_1302 = arith.constant 0 : i32
    %sign3A_1303 = arith.cmpi slt, %jit3A_1290, %sign3A_1302 : i32
    %sign3A_1304 = arith.extui %sign3A_1303 : i1 to i32
    %sign3A_1305 = arith.subi %sign3A_1301, %sign3A_1304 : i32
    %ne3A_1306 = arith.cmpi ne, %sign3A_1298, %sign3A_1305 : i32
    %rem3A_1307 = arith.remsi %add3A, %jit3A_1290 : i32
    %ne3A_1308 = arith.constant 0 : i32
    %ne3A_1309 = arith.cmpi ne, %rem3A_1307, %ne3A_1308 : i32
    %and3A_1310 = arith.andi %ne3A_1306, %ne3A_1309 : i1
    %sub3A_1311 = arith.constant 1 : i32
    %sub3A_1312 = arith.subi %div3A_1291, %sub3A_1311 : i32
    %select_n3A_1313 = arith.select %and3A_1310, %sub3A_1312, %div3A_1291 : i32
    %jit3A_1314 = arith.constant 4 : i32
    %eq3A_1315 = arith.constant 0 : i32
    %eq3A_1316 = arith.cmpi eq, %jit3A_1314, %eq3A_1315 : i32
    %jit3A_1317 = arith.constant 1 : i32
    %select_n3A_1318 = arith.select %eq3A_1316, %jit3A_1317, %jit3A_1314 : i32
    %rem3A_1319 = arith.remsi %add3A, %select_n3A_1318 : i32
    %ne3A_1320 = arith.constant 0 : i32
    %ne3A_1321 = arith.cmpi ne, %rem3A_1319, %ne3A_1320 : i32
    %lt3A_1322 = arith.constant 0 : i32
    %lt3A_1323 = arith.cmpi slt, %rem3A_1319, %lt3A_1322 : i32
    %lt3A_1324 = arith.constant 0 : i32
    %lt3A_1325 = arith.cmpi slt, %select_n3A_1318, %lt3A_1324 : i32
    %ne3A_1326 = arith.xori %lt3A_1323, %lt3A_1325 : i1
    %and3A_1327 = arith.andi %ne3A_1326, %ne3A_1321 : i1
    %add3A_1328 = arith.addi %rem3A_1319, %select_n3A_1318 : i32
    %select_n3A_1329 = arith.select %and3A_1327, %add3A_1328, %rem3A_1319 : i32
    %mul3A_1330 = arith.constant 32 : i32
    %mul3A_1331 = arith.muli %select_n3A_1329, %mul3A_1330 : i32
    %dma_start3A_1332 = arith.constant 11 : i32
    %dma_start3A_1333 = arith.constant 0 : i32
    %dma_start3A_1334 = arith.constant 0 : i32
    %dma_start3A_1335 = arith.constant 0 : i32
    %dma_start3A_1336 = tpu.memref_slice %arg7[%dma_start3A_1333, %dma_start3A_1334, %dma_start3A_1335] : memref<200x8x33xf32, #tpu.memory_space<vmem>> -> memref<200x8x32xf32, #tpu.memory_space<vmem>>
    %dma_start3A_1337 = arith.constant 0 : i32
    %dma_start3A_1338 = arith.constant 0 : i32
    %dma_start3A_1339 = tpu.memref_slice %arg4[%dma_start3A_1332, %dma_start3A_1337, %select_n3A_1313, %dma_start3A_1338, %mul3A_1331] : memref<20x200x8x8x128xf32, #tpu.memory_space<hbm>> -> memref<1x200x1x8x32xf32, #tpu.memory_space<hbm>>
    %dma_start3A_1340 = tpu.memref_squeeze %dma_start3A_1339 : memref<1x200x1x8x32xf32, #tpu.memory_space<hbm>> -> memref<200x8x32xf32, #tpu.memory_space<hbm>>
    %dma_start3A_1341 = arith.constant 0 : i32
    %dma_start3A_1342 = arith.constant 0 : i32
    %dma_start3A_1343 = tpu.memref_slice %arg4[%dma_start3A_1332, %dma_start3A_1341, %select_n3A_1313, %dma_start3A_1342, %mul3A_1331] : memref<20x200x8x8x128xf32, #tpu.memory_space<hbm>> -> memref<1x200x1x8x32xf32, #tpu.memory_space<hbm>>
    %dma_start3A_1344 = tpu.memref_squeeze %dma_start3A_1343 : memref<1x200x1x8x32xf32, #tpu.memory_space<hbm>> -> memref<200x8x32xf32, #tpu.memory_space<hbm>>
    %dma_start3A_1345 = arith.constant 0 : i32
    %dma_start3A_1346 = arith.constant 0 : i32
    %dma_start3A_1347 = arith.constant 0 : i32
    %dma_start3A_1348 = tpu.memref_slice %arg7[%dma_start3A_1345, %dma_start3A_1346, %dma_start3A_1347] : memref<200x8x33xf32, #tpu.memory_space<vmem>> -> memref<200x8x32xf32, #tpu.memory_space<vmem>>
    tpu.enqueue_dma source(%dma_start3A_1348 : memref<200x8x32xf32, #tpu.memory_space<vmem>>) target(%dma_start3A_1344 : memref<200x8x32xf32, #tpu.memory_space<hbm>>) target_semaphore(%arg9 : memref<!tpu.dma_semaphore, #tpu.memory_space<semaphore_mem>>)
    %jit3A_1349 = arith.constant 4 : i32
    %div3A_1350 = arith.divsi %add3A, %jit3A_1349 : i32
    %sign3A_1351 = arith.constant 0 : i32
    %sign3A_1352 = arith.cmpi sgt, %add3A, %sign3A_1351 : i32
    %sign3A_1353 = arith.extui %sign3A_1352 : i1 to i32
    %sign3A_1354 = arith.constant 0 : i32
    %sign3A_1355 = arith.cmpi slt, %add3A, %sign3A_1354 : i32
    %sign3A_1356 = arith.extui %sign3A_1355 : i1 to i32
    %sign3A_1357 = arith.subi %sign3A_1353, %sign3A_1356 : i32
    %sign3A_1358 = arith.constant 0 : i32
    %sign3A_1359 = arith.cmpi sgt, %jit3A_1349, %sign3A_1358 : i32
    %sign3A_1360 = arith.extui %sign3A_1359 : i1 to i32
    %sign3A_1361 = arith.constant 0 : i32
    %sign3A_1362 = arith.cmpi slt, %jit3A_1349, %sign3A_1361 : i32
    %sign3A_1363 = arith.extui %sign3A_1362 : i1 to i32
    %sign3A_1364 = arith.subi %sign3A_1360, %sign3A_1363 : i32
    %ne3A_1365 = arith.cmpi ne, %sign3A_1357, %sign3A_1364 : i32
    %rem3A_1366 = arith.remsi %add3A, %jit3A_1349 : i32
    %ne3A_1367 = arith.constant 0 : i32
    %ne3A_1368 = arith.cmpi ne, %rem3A_1366, %ne3A_1367 : i32
    %and3A_1369 = arith.andi %ne3A_1365, %ne3A_1368 : i1
    %sub3A_1370 = arith.constant 1 : i32
    %sub3A_1371 = arith.subi %div3A_1350, %sub3A_1370 : i32
    %select_n3A_1372 = arith.select %and3A_1369, %sub3A_1371, %div3A_1350 : i32
    %jit3A_1373 = arith.constant 4 : i32
    %eq3A_1374 = arith.constant 0 : i32
    %eq3A_1375 = arith.cmpi eq, %jit3A_1373, %eq3A_1374 : i32
    %jit3A_1376 = arith.constant 1 : i32
    %select_n3A_1377 = arith.select %eq3A_1375, %jit3A_1376, %jit3A_1373 : i32
    %rem3A_1378 = arith.remsi %add3A, %select_n3A_1377 : i32
    %ne3A_1379 = arith.constant 0 : i32
    %ne3A_1380 = arith.cmpi ne, %rem3A_1378, %ne3A_1379 : i32
    %lt3A_1381 = arith.constant 0 : i32
    %lt3A_1382 = arith.cmpi slt, %rem3A_1378, %lt3A_1381 : i32
    %lt3A_1383 = arith.constant 0 : i32
    %lt3A_1384 = arith.cmpi slt, %select_n3A_1377, %lt3A_1383 : i32
    %ne3A_1385 = arith.xori %lt3A_1382, %lt3A_1384 : i1
    %and3A_1386 = arith.andi %ne3A_1385, %ne3A_1380 : i1
    %add3A_1387 = arith.addi %rem3A_1378, %select_n3A_1377 : i32
    %select_n3A_1388 = arith.select %and3A_1386, %add3A_1387, %rem3A_1378 : i32
    %mul3A_1389 = arith.constant 32 : i32
    %mul3A_1390 = arith.muli %select_n3A_1388, %mul3A_1389 : i32
    %dma_start3A_1391 = arith.constant 12 : i32
    %dma_start3A_1392 = arith.constant 0 : i32
    %dma_start3A_1393 = arith.constant 0 : i32
    %dma_start3A_1394 = arith.constant 0 : i32
    %dma_start3A_1395 = tpu.memref_slice %arg7[%dma_start3A_1392, %dma_start3A_1393, %dma_start3A_1394] : memref<200x8x33xf32, #tpu.memory_space<vmem>> -> memref<200x8x32xf32, #tpu.memory_space<vmem>>
    %dma_start3A_1396 = arith.constant 0 : i32
    %dma_start3A_1397 = arith.constant 0 : i32
    %dma_start3A_1398 = tpu.memref_slice %arg4[%dma_start3A_1391, %dma_start3A_1396, %select_n3A_1372, %dma_start3A_1397, %mul3A_1390] : memref<20x200x8x8x128xf32, #tpu.memory_space<hbm>> -> memref<1x200x1x8x32xf32, #tpu.memory_space<hbm>>
    %dma_start3A_1399 = tpu.memref_squeeze %dma_start3A_1398 : memref<1x200x1x8x32xf32, #tpu.memory_space<hbm>> -> memref<200x8x32xf32, #tpu.memory_space<hbm>>
    %dma_start3A_1400 = arith.constant 0 : i32
    %dma_start3A_1401 = arith.constant 0 : i32
    %dma_start3A_1402 = tpu.memref_slice %arg4[%dma_start3A_1391, %dma_start3A_1400, %select_n3A_1372, %dma_start3A_1401, %mul3A_1390] : memref<20x200x8x8x128xf32, #tpu.memory_space<hbm>> -> memref<1x200x1x8x32xf32, #tpu.memory_space<hbm>>
    %dma_start3A_1403 = tpu.memref_squeeze %dma_start3A_1402 : memref<1x200x1x8x32xf32, #tpu.memory_space<hbm>> -> memref<200x8x32xf32, #tpu.memory_space<hbm>>
    %dma_start3A_1404 = arith.constant 0 : i32
    %dma_start3A_1405 = arith.constant 0 : i32
    %dma_start3A_1406 = arith.constant 0 : i32
    %dma_start3A_1407 = tpu.memref_slice %arg7[%dma_start3A_1404, %dma_start3A_1405, %dma_start3A_1406] : memref<200x8x33xf32, #tpu.memory_space<vmem>> -> memref<200x8x32xf32, #tpu.memory_space<vmem>>
    tpu.enqueue_dma source(%dma_start3A_1407 : memref<200x8x32xf32, #tpu.memory_space<vmem>>) target(%dma_start3A_1403 : memref<200x8x32xf32, #tpu.memory_space<hbm>>) target_semaphore(%arg9 : memref<!tpu.dma_semaphore, #tpu.memory_space<semaphore_mem>>)
    %jit3A_1408 = arith.constant 4 : i32
    %div3A_1409 = arith.divsi %add3A, %jit3A_1408 : i32
    %sign3A_1410 = arith.constant 0 : i32
    %sign3A_1411 = arith.cmpi sgt, %add3A, %sign3A_1410 : i32
    %sign3A_1412 = arith.extui %sign3A_1411 : i1 to i32
    %sign3A_1413 = arith.constant 0 : i32
    %sign3A_1414 = arith.cmpi slt, %add3A, %sign3A_1413 : i32
    %sign3A_1415 = arith.extui %sign3A_1414 : i1 to i32
    %sign3A_1416 = arith.subi %sign3A_1412, %sign3A_1415 : i32
    %sign3A_1417 = arith.constant 0 : i32
    %sign3A_1418 = arith.cmpi sgt, %jit3A_1408, %sign3A_1417 : i32
    %sign3A_1419 = arith.extui %sign3A_1418 : i1 to i32
    %sign3A_1420 = arith.constant 0 : i32
    %sign3A_1421 = arith.cmpi slt, %jit3A_1408, %sign3A_1420 : i32
    %sign3A_1422 = arith.extui %sign3A_1421 : i1 to i32
    %sign3A_1423 = arith.subi %sign3A_1419, %sign3A_1422 : i32
    %ne3A_1424 = arith.cmpi ne, %sign3A_1416, %sign3A_1423 : i32
    %rem3A_1425 = arith.remsi %add3A, %jit3A_1408 : i32
    %ne3A_1426 = arith.constant 0 : i32
    %ne3A_1427 = arith.cmpi ne, %rem3A_1425, %ne3A_1426 : i32
    %and3A_1428 = arith.andi %ne3A_1424, %ne3A_1427 : i1
    %sub3A_1429 = arith.constant 1 : i32
    %sub3A_1430 = arith.subi %div3A_1409, %sub3A_1429 : i32
    %select_n3A_1431 = arith.select %and3A_1428, %sub3A_1430, %div3A_1409 : i32
    %jit3A_1432 = arith.constant 4 : i32
    %eq3A_1433 = arith.constant 0 : i32
    %eq3A_1434 = arith.cmpi eq, %jit3A_1432, %eq3A_1433 : i32
    %jit3A_1435 = arith.constant 1 : i32
    %select_n3A_1436 = arith.select %eq3A_1434, %jit3A_1435, %jit3A_1432 : i32
    %rem3A_1437 = arith.remsi %add3A, %select_n3A_1436 : i32
    %ne3A_1438 = arith.constant 0 : i32
    %ne3A_1439 = arith.cmpi ne, %rem3A_1437, %ne3A_1438 : i32
    %lt3A_1440 = arith.constant 0 : i32
    %lt3A_1441 = arith.cmpi slt, %rem3A_1437, %lt3A_1440 : i32
    %lt3A_1442 = arith.constant 0 : i32
    %lt3A_1443 = arith.cmpi slt, %select_n3A_1436, %lt3A_1442 : i32
    %ne3A_1444 = arith.xori %lt3A_1441, %lt3A_1443 : i1
    %and3A_1445 = arith.andi %ne3A_1444, %ne3A_1439 : i1
    %add3A_1446 = arith.addi %rem3A_1437, %select_n3A_1436 : i32
    %select_n3A_1447 = arith.select %and3A_1445, %add3A_1446, %rem3A_1437 : i32
    %mul3A_1448 = arith.constant 32 : i32
    %mul3A_1449 = arith.muli %select_n3A_1447, %mul3A_1448 : i32
    %dma_start3A_1450 = arith.constant 13 : i32
    %dma_start3A_1451 = arith.constant 0 : i32
    %dma_start3A_1452 = arith.constant 0 : i32
    %dma_start3A_1453 = arith.constant 0 : i32
    %dma_start3A_1454 = tpu.memref_slice %arg7[%dma_start3A_1451, %dma_start3A_1452, %dma_start3A_1453] : memref<200x8x33xf32, #tpu.memory_space<vmem>> -> memref<200x8x32xf32, #tpu.memory_space<vmem>>
    %dma_start3A_1455 = arith.constant 0 : i32
    %dma_start3A_1456 = arith.constant 0 : i32
    %dma_start3A_1457 = tpu.memref_slice %arg4[%dma_start3A_1450, %dma_start3A_1455, %select_n3A_1431, %dma_start3A_1456, %mul3A_1449] : memref<20x200x8x8x128xf32, #tpu.memory_space<hbm>> -> memref<1x200x1x8x32xf32, #tpu.memory_space<hbm>>
    %dma_start3A_1458 = tpu.memref_squeeze %dma_start3A_1457 : memref<1x200x1x8x32xf32, #tpu.memory_space<hbm>> -> memref<200x8x32xf32, #tpu.memory_space<hbm>>
    %dma_start3A_1459 = arith.constant 0 : i32
    %dma_start3A_1460 = arith.constant 0 : i32
    %dma_start3A_1461 = tpu.memref_slice %arg4[%dma_start3A_1450, %dma_start3A_1459, %select_n3A_1431, %dma_start3A_1460, %mul3A_1449] : memref<20x200x8x8x128xf32, #tpu.memory_space<hbm>> -> memref<1x200x1x8x32xf32, #tpu.memory_space<hbm>>
    %dma_start3A_1462 = tpu.memref_squeeze %dma_start3A_1461 : memref<1x200x1x8x32xf32, #tpu.memory_space<hbm>> -> memref<200x8x32xf32, #tpu.memory_space<hbm>>
    %dma_start3A_1463 = arith.constant 0 : i32
    %dma_start3A_1464 = arith.constant 0 : i32
    %dma_start3A_1465 = arith.constant 0 : i32
    %dma_start3A_1466 = tpu.memref_slice %arg7[%dma_start3A_1463, %dma_start3A_1464, %dma_start3A_1465] : memref<200x8x33xf32, #tpu.memory_space<vmem>> -> memref<200x8x32xf32, #tpu.memory_space<vmem>>
    tpu.enqueue_dma source(%dma_start3A_1466 : memref<200x8x32xf32, #tpu.memory_space<vmem>>) target(%dma_start3A_1462 : memref<200x8x32xf32, #tpu.memory_space<hbm>>) target_semaphore(%arg9 : memref<!tpu.dma_semaphore, #tpu.memory_space<semaphore_mem>>)
    %jit3A_1467 = arith.constant 4 : i32
    %div3A_1468 = arith.divsi %add3A, %jit3A_1467 : i32
    %sign3A_1469 = arith.constant 0 : i32
    %sign3A_1470 = arith.cmpi sgt, %add3A, %sign3A_1469 : i32
    %sign3A_1471 = arith.extui %sign3A_1470 : i1 to i32
    %sign3A_1472 = arith.constant 0 : i32
    %sign3A_1473 = arith.cmpi slt, %add3A, %sign3A_1472 : i32
    %sign3A_1474 = arith.extui %sign3A_1473 : i1 to i32
    %sign3A_1475 = arith.subi %sign3A_1471, %sign3A_1474 : i32
    %sign3A_1476 = arith.constant 0 : i32
    %sign3A_1477 = arith.cmpi sgt, %jit3A_1467, %sign3A_1476 : i32
    %sign3A_1478 = arith.extui %sign3A_1477 : i1 to i32
    %sign3A_1479 = arith.constant 0 : i32
    %sign3A_1480 = arith.cmpi slt, %jit3A_1467, %sign3A_1479 : i32
    %sign3A_1481 = arith.extui %sign3A_1480 : i1 to i32
    %sign3A_1482 = arith.subi %sign3A_1478, %sign3A_1481 : i32
    %ne3A_1483 = arith.cmpi ne, %sign3A_1475, %sign3A_1482 : i32
    %rem3A_1484 = arith.remsi %add3A, %jit3A_1467 : i32
    %ne3A_1485 = arith.constant 0 : i32
    %ne3A_1486 = arith.cmpi ne, %rem3A_1484, %ne3A_1485 : i32
    %and3A_1487 = arith.andi %ne3A_1483, %ne3A_1486 : i1
    %sub3A_1488 = arith.constant 1 : i32
    %sub3A_1489 = arith.subi %div3A_1468, %sub3A_1488 : i32
    %select_n3A_1490 = arith.select %and3A_1487, %sub3A_1489, %div3A_1468 : i32
    %jit3A_1491 = arith.constant 4 : i32
    %eq3A_1492 = arith.constant 0 : i32
    %eq3A_1493 = arith.cmpi eq, %jit3A_1491, %eq3A_1492 : i32
    %jit3A_1494 = arith.constant 1 : i32
    %select_n3A_1495 = arith.select %eq3A_1493, %jit3A_1494, %jit3A_1491 : i32
    %rem3A_1496 = arith.remsi %add3A, %select_n3A_1495 : i32
    %ne3A_1497 = arith.constant 0 : i32
    %ne3A_1498 = arith.cmpi ne, %rem3A_1496, %ne3A_1497 : i32
    %lt3A_1499 = arith.constant 0 : i32
    %lt3A_1500 = arith.cmpi slt, %rem3A_1496, %lt3A_1499 : i32
    %lt3A_1501 = arith.constant 0 : i32
    %lt3A_1502 = arith.cmpi slt, %select_n3A_1495, %lt3A_1501 : i32
    %ne3A_1503 = arith.xori %lt3A_1500, %lt3A_1502 : i1
    %and3A_1504 = arith.andi %ne3A_1503, %ne3A_1498 : i1
    %add3A_1505 = arith.addi %rem3A_1496, %select_n3A_1495 : i32
    %select_n3A_1506 = arith.select %and3A_1504, %add3A_1505, %rem3A_1496 : i32
    %mul3A_1507 = arith.constant 32 : i32
    %mul3A_1508 = arith.muli %select_n3A_1506, %mul3A_1507 : i32
    %dma_start3A_1509 = arith.constant 14 : i32
    %dma_start3A_1510 = arith.constant 0 : i32
    %dma_start3A_1511 = arith.constant 0 : i32
    %dma_start3A_1512 = arith.constant 0 : i32
    %dma_start3A_1513 = tpu.memref_slice %arg7[%dma_start3A_1510, %dma_start3A_1511, %dma_start3A_1512] : memref<200x8x33xf32, #tpu.memory_space<vmem>> -> memref<200x8x32xf32, #tpu.memory_space<vmem>>
    %dma_start3A_1514 = arith.constant 0 : i32
    %dma_start3A_1515 = arith.constant 0 : i32
    %dma_start3A_1516 = tpu.memref_slice %arg4[%dma_start3A_1509, %dma_start3A_1514, %select_n3A_1490, %dma_start3A_1515, %mul3A_1508] : memref<20x200x8x8x128xf32, #tpu.memory_space<hbm>> -> memref<1x200x1x8x32xf32, #tpu.memory_space<hbm>>
    %dma_start3A_1517 = tpu.memref_squeeze %dma_start3A_1516 : memref<1x200x1x8x32xf32, #tpu.memory_space<hbm>> -> memref<200x8x32xf32, #tpu.memory_space<hbm>>
    %dma_start3A_1518 = arith.constant 0 : i32
    %dma_start3A_1519 = arith.constant 0 : i32
    %dma_start3A_1520 = tpu.memref_slice %arg4[%dma_start3A_1509, %dma_start3A_1518, %select_n3A_1490, %dma_start3A_1519, %mul3A_1508] : memref<20x200x8x8x128xf32, #tpu.memory_space<hbm>> -> memref<1x200x1x8x32xf32, #tpu.memory_space<hbm>>
    %dma_start3A_1521 = tpu.memref_squeeze %dma_start3A_1520 : memref<1x200x1x8x32xf32, #tpu.memory_space<hbm>> -> memref<200x8x32xf32, #tpu.memory_space<hbm>>
    %dma_start3A_1522 = arith.constant 0 : i32
    %dma_start3A_1523 = arith.constant 0 : i32
    %dma_start3A_1524 = arith.constant 0 : i32
    %dma_start3A_1525 = tpu.memref_slice %arg7[%dma_start3A_1522, %dma_start3A_1523, %dma_start3A_1524] : memref<200x8x33xf32, #tpu.memory_space<vmem>> -> memref<200x8x32xf32, #tpu.memory_space<vmem>>
    tpu.enqueue_dma source(%dma_start3A_1525 : memref<200x8x32xf32, #tpu.memory_space<vmem>>) target(%dma_start3A_1521 : memref<200x8x32xf32, #tpu.memory_space<hbm>>) target_semaphore(%arg9 : memref<!tpu.dma_semaphore, #tpu.memory_space<semaphore_mem>>)
    %jit3A_1526 = arith.constant 4 : i32
    %div3A_1527 = arith.divsi %add3A, %jit3A_1526 : i32
    %sign3A_1528 = arith.constant 0 : i32
    %sign3A_1529 = arith.cmpi sgt, %add3A, %sign3A_1528 : i32
    %sign3A_1530 = arith.extui %sign3A_1529 : i1 to i32
    %sign3A_1531 = arith.constant 0 : i32
    %sign3A_1532 = arith.cmpi slt, %add3A, %sign3A_1531 : i32
    %sign3A_1533 = arith.extui %sign3A_1532 : i1 to i32
    %sign3A_1534 = arith.subi %sign3A_1530, %sign3A_1533 : i32
    %sign3A_1535 = arith.constant 0 : i32
    %sign3A_1536 = arith.cmpi sgt, %jit3A_1526, %sign3A_1535 : i32
    %sign3A_1537 = arith.extui %sign3A_1536 : i1 to i32
    %sign3A_1538 = arith.constant 0 : i32
    %sign3A_1539 = arith.cmpi slt, %jit3A_1526, %sign3A_1538 : i32
    %sign3A_1540 = arith.extui %sign3A_1539 : i1 to i32
    %sign3A_1541 = arith.subi %sign3A_1537, %sign3A_1540 : i32
    %ne3A_1542 = arith.cmpi ne, %sign3A_1534, %sign3A_1541 : i32
    %rem3A_1543 = arith.remsi %add3A, %jit3A_1526 : i32
    %ne3A_1544 = arith.constant 0 : i32
    %ne3A_1545 = arith.cmpi ne, %rem3A_1543, %ne3A_1544 : i32
    %and3A_1546 = arith.andi %ne3A_1542, %ne3A_1545 : i1
    %sub3A_1547 = arith.constant 1 : i32
    %sub3A_1548 = arith.subi %div3A_1527, %sub3A_1547 : i32
    %select_n3A_1549 = arith.select %and3A_1546, %sub3A_1548, %div3A_1527 : i32
    %jit3A_1550 = arith.constant 4 : i32
    %eq3A_1551 = arith.constant 0 : i32
    %eq3A_1552 = arith.cmpi eq, %jit3A_1550, %eq3A_1551 : i32
    %jit3A_1553 = arith.constant 1 : i32
    %select_n3A_1554 = arith.select %eq3A_1552, %jit3A_1553, %jit3A_1550 : i32
    %rem3A_1555 = arith.remsi %add3A, %select_n3A_1554 : i32
    %ne3A_1556 = arith.constant 0 : i32
    %ne3A_1557 = arith.cmpi ne, %rem3A_1555, %ne3A_1556 : i32
    %lt3A_1558 = arith.constant 0 : i32
    %lt3A_1559 = arith.cmpi slt, %rem3A_1555, %lt3A_1558 : i32
    %lt3A_1560 = arith.constant 0 : i32
    %lt3A_1561 = arith.cmpi slt, %select_n3A_1554, %lt3A_1560 : i32
    %ne3A_1562 = arith.xori %lt3A_1559, %lt3A_1561 : i1
    %and3A_1563 = arith.andi %ne3A_1562, %ne3A_1557 : i1
    %add3A_1564 = arith.addi %rem3A_1555, %select_n3A_1554 : i32
    %select_n3A_1565 = arith.select %and3A_1563, %add3A_1564, %rem3A_1555 : i32
    %mul3A_1566 = arith.constant 32 : i32
    %mul3A_1567 = arith.muli %select_n3A_1565, %mul3A_1566 : i32
    %dma_start3A_1568 = arith.constant 15 : i32
    %dma_start3A_1569 = arith.constant 0 : i32
    %dma_start3A_1570 = arith.constant 0 : i32
    %dma_start3A_1571 = arith.constant 0 : i32
    %dma_start3A_1572 = tpu.memref_slice %arg7[%dma_start3A_1569, %dma_start3A_1570, %dma_start3A_1571] : memref<200x8x33xf32, #tpu.memory_space<vmem>> -> memref<200x8x32xf32, #tpu.memory_space<vmem>>
    %dma_start3A_1573 = arith.constant 0 : i32
    %dma_start3A_1574 = arith.constant 0 : i32
    %dma_start3A_1575 = tpu.memref_slice %arg4[%dma_start3A_1568, %dma_start3A_1573, %select_n3A_1549, %dma_start3A_1574, %mul3A_1567] : memref<20x200x8x8x128xf32, #tpu.memory_space<hbm>> -> memref<1x200x1x8x32xf32, #tpu.memory_space<hbm>>
    %dma_start3A_1576 = tpu.memref_squeeze %dma_start3A_1575 : memref<1x200x1x8x32xf32, #tpu.memory_space<hbm>> -> memref<200x8x32xf32, #tpu.memory_space<hbm>>
    %dma_start3A_1577 = arith.constant 0 : i32
    %dma_start3A_1578 = arith.constant 0 : i32
    %dma_start3A_1579 = tpu.memref_slice %arg4[%dma_start3A_1568, %dma_start3A_1577, %select_n3A_1549, %dma_start3A_1578, %mul3A_1567] : memref<20x200x8x8x128xf32, #tpu.memory_space<hbm>> -> memref<1x200x1x8x32xf32, #tpu.memory_space<hbm>>
    %dma_start3A_1580 = tpu.memref_squeeze %dma_start3A_1579 : memref<1x200x1x8x32xf32, #tpu.memory_space<hbm>> -> memref<200x8x32xf32, #tpu.memory_space<hbm>>
    %dma_start3A_1581 = arith.constant 0 : i32
    %dma_start3A_1582 = arith.constant 0 : i32
    %dma_start3A_1583 = arith.constant 0 : i32
    %dma_start3A_1584 = tpu.memref_slice %arg7[%dma_start3A_1581, %dma_start3A_1582, %dma_start3A_1583] : memref<200x8x33xf32, #tpu.memory_space<vmem>> -> memref<200x8x32xf32, #tpu.memory_space<vmem>>
    tpu.enqueue_dma source(%dma_start3A_1584 : memref<200x8x32xf32, #tpu.memory_space<vmem>>) target(%dma_start3A_1580 : memref<200x8x32xf32, #tpu.memory_space<hbm>>) target_semaphore(%arg9 : memref<!tpu.dma_semaphore, #tpu.memory_space<semaphore_mem>>)
    %jit3A_1585 = arith.constant 4 : i32
    %div3A_1586 = arith.divsi %add3A, %jit3A_1585 : i32
    %sign3A_1587 = arith.constant 0 : i32
    %sign3A_1588 = arith.cmpi sgt, %add3A, %sign3A_1587 : i32
    %sign3A_1589 = arith.extui %sign3A_1588 : i1 to i32
    %sign3A_1590 = arith.constant 0 : i32
    %sign3A_1591 = arith.cmpi slt, %add3A, %sign3A_1590 : i32
    %sign3A_1592 = arith.extui %sign3A_1591 : i1 to i32
    %sign3A_1593 = arith.subi %sign3A_1589, %sign3A_1592 : i32
    %sign3A_1594 = arith.constant 0 : i32
    %sign3A_1595 = arith.cmpi sgt, %jit3A_1585, %sign3A_1594 : i32
    %sign3A_1596 = arith.extui %sign3A_1595 : i1 to i32
    %sign3A_1597 = arith.constant 0 : i32
    %sign3A_1598 = arith.cmpi slt, %jit3A_1585, %sign3A_1597 : i32
    %sign3A_1599 = arith.extui %sign3A_1598 : i1 to i32
    %sign3A_1600 = arith.subi %sign3A_1596, %sign3A_1599 : i32
    %ne3A_1601 = arith.cmpi ne, %sign3A_1593, %sign3A_1600 : i32
    %rem3A_1602 = arith.remsi %add3A, %jit3A_1585 : i32
    %ne3A_1603 = arith.constant 0 : i32
    %ne3A_1604 = arith.cmpi ne, %rem3A_1602, %ne3A_1603 : i32
    %and3A_1605 = arith.andi %ne3A_1601, %ne3A_1604 : i1
    %sub3A_1606 = arith.constant 1 : i32
    %sub3A_1607 = arith.subi %div3A_1586, %sub3A_1606 : i32
    %select_n3A_1608 = arith.select %and3A_1605, %sub3A_1607, %div3A_1586 : i32
    %jit3A_1609 = arith.constant 4 : i32
    %eq3A_1610 = arith.constant 0 : i32
    %eq3A_1611 = arith.cmpi eq, %jit3A_1609, %eq3A_1610 : i32
    %jit3A_1612 = arith.constant 1 : i32
    %select_n3A_1613 = arith.select %eq3A_1611, %jit3A_1612, %jit3A_1609 : i32
    %rem3A_1614 = arith.remsi %add3A, %select_n3A_1613 : i32
    %ne3A_1615 = arith.constant 0 : i32
    %ne3A_1616 = arith.cmpi ne, %rem3A_1614, %ne3A_1615 : i32
    %lt3A_1617 = arith.constant 0 : i32
    %lt3A_1618 = arith.cmpi slt, %rem3A_1614, %lt3A_1617 : i32
    %lt3A_1619 = arith.constant 0 : i32
    %lt3A_1620 = arith.cmpi slt, %select_n3A_1613, %lt3A_1619 : i32
    %ne3A_1621 = arith.xori %lt3A_1618, %lt3A_1620 : i1
    %and3A_1622 = arith.andi %ne3A_1621, %ne3A_1616 : i1
    %add3A_1623 = arith.addi %rem3A_1614, %select_n3A_1613 : i32
    %select_n3A_1624 = arith.select %and3A_1622, %add3A_1623, %rem3A_1614 : i32
    %mul3A_1625 = arith.constant 32 : i32
    %mul3A_1626 = arith.muli %select_n3A_1624, %mul3A_1625 : i32
    %dma_start3A_1627 = arith.constant 16 : i32
    %dma_start3A_1628 = arith.constant 0 : i32
    %dma_start3A_1629 = arith.constant 0 : i32
    %dma_start3A_1630 = arith.constant 0 : i32
    %dma_start3A_1631 = tpu.memref_slice %arg7[%dma_start3A_1628, %dma_start3A_1629, %dma_start3A_1630] : memref<200x8x33xf32, #tpu.memory_space<vmem>> -> memref<200x8x32xf32, #tpu.memory_space<vmem>>
    %dma_start3A_1632 = arith.constant 0 : i32
    %dma_start3A_1633 = arith.constant 0 : i32
    %dma_start3A_1634 = tpu.memref_slice %arg4[%dma_start3A_1627, %dma_start3A_1632, %select_n3A_1608, %dma_start3A_1633, %mul3A_1626] : memref<20x200x8x8x128xf32, #tpu.memory_space<hbm>> -> memref<1x200x1x8x32xf32, #tpu.memory_space<hbm>>
    %dma_start3A_1635 = tpu.memref_squeeze %dma_start3A_1634 : memref<1x200x1x8x32xf32, #tpu.memory_space<hbm>> -> memref<200x8x32xf32, #tpu.memory_space<hbm>>
    %dma_start3A_1636 = arith.constant 0 : i32
    %dma_start3A_1637 = arith.constant 0 : i32
    %dma_start3A_1638 = tpu.memref_slice %arg4[%dma_start3A_1627, %dma_start3A_1636, %select_n3A_1608, %dma_start3A_1637, %mul3A_1626] : memref<20x200x8x8x128xf32, #tpu.memory_space<hbm>> -> memref<1x200x1x8x32xf32, #tpu.memory_space<hbm>>
    %dma_start3A_1639 = tpu.memref_squeeze %dma_start3A_1638 : memref<1x200x1x8x32xf32, #tpu.memory_space<hbm>> -> memref<200x8x32xf32, #tpu.memory_space<hbm>>
    %dma_start3A_1640 = arith.constant 0 : i32
    %dma_start3A_1641 = arith.constant 0 : i32
    %dma_start3A_1642 = arith.constant 0 : i32
    %dma_start3A_1643 = tpu.memref_slice %arg7[%dma_start3A_1640, %dma_start3A_1641, %dma_start3A_1642] : memref<200x8x33xf32, #tpu.memory_space<vmem>> -> memref<200x8x32xf32, #tpu.memory_space<vmem>>
    tpu.enqueue_dma source(%dma_start3A_1643 : memref<200x8x32xf32, #tpu.memory_space<vmem>>) target(%dma_start3A_1639 : memref<200x8x32xf32, #tpu.memory_space<hbm>>) target_semaphore(%arg9 : memref<!tpu.dma_semaphore, #tpu.memory_space<semaphore_mem>>)
    %jit3A_1644 = arith.constant 4 : i32
    %div3A_1645 = arith.divsi %add3A, %jit3A_1644 : i32
    %sign3A_1646 = arith.constant 0 : i32
    %sign3A_1647 = arith.cmpi sgt, %add3A, %sign3A_1646 : i32
    %sign3A_1648 = arith.extui %sign3A_1647 : i1 to i32
    %sign3A_1649 = arith.constant 0 : i32
    %sign3A_1650 = arith.cmpi slt, %add3A, %sign3A_1649 : i32
    %sign3A_1651 = arith.extui %sign3A_1650 : i1 to i32
    %sign3A_1652 = arith.subi %sign3A_1648, %sign3A_1651 : i32
    %sign3A_1653 = arith.constant 0 : i32
    %sign3A_1654 = arith.cmpi sgt, %jit3A_1644, %sign3A_1653 : i32
    %sign3A_1655 = arith.extui %sign3A_1654 : i1 to i32
    %sign3A_1656 = arith.constant 0 : i32
    %sign3A_1657 = arith.cmpi slt, %jit3A_1644, %sign3A_1656 : i32
    %sign3A_1658 = arith.extui %sign3A_1657 : i1 to i32
    %sign3A_1659 = arith.subi %sign3A_1655, %sign3A_1658 : i32
    %ne3A_1660 = arith.cmpi ne, %sign3A_1652, %sign3A_1659 : i32
    %rem3A_1661 = arith.remsi %add3A, %jit3A_1644 : i32
    %ne3A_1662 = arith.constant 0 : i32
    %ne3A_1663 = arith.cmpi ne, %rem3A_1661, %ne3A_1662 : i32
    %and3A_1664 = arith.andi %ne3A_1660, %ne3A_1663 : i1
    %sub3A_1665 = arith.constant 1 : i32
    %sub3A_1666 = arith.subi %div3A_1645, %sub3A_1665 : i32
    %select_n3A_1667 = arith.select %and3A_1664, %sub3A_1666, %div3A_1645 : i32
    %jit3A_1668 = arith.constant 4 : i32
    %eq3A_1669 = arith.constant 0 : i32
    %eq3A_1670 = arith.cmpi eq, %jit3A_1668, %eq3A_1669 : i32
    %jit3A_1671 = arith.constant 1 : i32
    %select_n3A_1672 = arith.select %eq3A_1670, %jit3A_1671, %jit3A_1668 : i32
    %rem3A_1673 = arith.remsi %add3A, %select_n3A_1672 : i32
    %ne3A_1674 = arith.constant 0 : i32
    %ne3A_1675 = arith.cmpi ne, %rem3A_1673, %ne3A_1674 : i32
    %lt3A_1676 = arith.constant 0 : i32
    %lt3A_1677 = arith.cmpi slt, %rem3A_1673, %lt3A_1676 : i32
    %lt3A_1678 = arith.constant 0 : i32
    %lt3A_1679 = arith.cmpi slt, %select_n3A_1672, %lt3A_1678 : i32
    %ne3A_1680 = arith.xori %lt3A_1677, %lt3A_1679 : i1
    %and3A_1681 = arith.andi %ne3A_1680, %ne3A_1675 : i1
    %add3A_1682 = arith.addi %rem3A_1673, %select_n3A_1672 : i32
    %select_n3A_1683 = arith.select %and3A_1681, %add3A_1682, %rem3A_1673 : i32
    %mul3A_1684 = arith.constant 32 : i32
    %mul3A_1685 = arith.muli %select_n3A_1683, %mul3A_1684 : i32
    %dma_start3A_1686 = arith.constant 17 : i32
    %dma_start3A_1687 = arith.constant 0 : i32
    %dma_start3A_1688 = arith.constant 0 : i32
    %dma_start3A_1689 = arith.constant 0 : i32
    %dma_start3A_1690 = tpu.memref_slice %arg7[%dma_start3A_1687, %dma_start3A_1688, %dma_start3A_1689] : memref<200x8x33xf32, #tpu.memory_space<vmem>> -> memref<200x8x32xf32, #tpu.memory_space<vmem>>
    %dma_start3A_1691 = arith.constant 0 : i32
    %dma_start3A_1692 = arith.constant 0 : i32
    %dma_start3A_1693 = tpu.memref_slice %arg4[%dma_start3A_1686, %dma_start3A_1691, %select_n3A_1667, %dma_start3A_1692, %mul3A_1685] : memref<20x200x8x8x128xf32, #tpu.memory_space<hbm>> -> memref<1x200x1x8x32xf32, #tpu.memory_space<hbm>>
    %dma_start3A_1694 = tpu.memref_squeeze %dma_start3A_1693 : memref<1x200x1x8x32xf32, #tpu.memory_space<hbm>> -> memref<200x8x32xf32, #tpu.memory_space<hbm>>
    %dma_start3A_1695 = arith.constant 0 : i32
    %dma_start3A_1696 = arith.constant 0 : i32
    %dma_start3A_1697 = tpu.memref_slice %arg4[%dma_start3A_1686, %dma_start3A_1695, %select_n3A_1667, %dma_start3A_1696, %mul3A_1685] : memref<20x200x8x8x128xf32, #tpu.memory_space<hbm>> -> memref<1x200x1x8x32xf32, #tpu.memory_space<hbm>>
    %dma_start3A_1698 = tpu.memref_squeeze %dma_start3A_1697 : memref<1x200x1x8x32xf32, #tpu.memory_space<hbm>> -> memref<200x8x32xf32, #tpu.memory_space<hbm>>
    %dma_start3A_1699 = arith.constant 0 : i32
    %dma_start3A_1700 = arith.constant 0 : i32
    %dma_start3A_1701 = arith.constant 0 : i32
    %dma_start3A_1702 = tpu.memref_slice %arg7[%dma_start3A_1699, %dma_start3A_1700, %dma_start3A_1701] : memref<200x8x33xf32, #tpu.memory_space<vmem>> -> memref<200x8x32xf32, #tpu.memory_space<vmem>>
    tpu.enqueue_dma source(%dma_start3A_1702 : memref<200x8x32xf32, #tpu.memory_space<vmem>>) target(%dma_start3A_1698 : memref<200x8x32xf32, #tpu.memory_space<hbm>>) target_semaphore(%arg9 : memref<!tpu.dma_semaphore, #tpu.memory_space<semaphore_mem>>)
    %jit3A_1703 = arith.constant 4 : i32
    %div3A_1704 = arith.divsi %add3A, %jit3A_1703 : i32
    %sign3A_1705 = arith.constant 0 : i32
    %sign3A_1706 = arith.cmpi sgt, %add3A, %sign3A_1705 : i32
    %sign3A_1707 = arith.extui %sign3A_1706 : i1 to i32
    %sign3A_1708 = arith.constant 0 : i32
    %sign3A_1709 = arith.cmpi slt, %add3A, %sign3A_1708 : i32
    %sign3A_1710 = arith.extui %sign3A_1709 : i1 to i32
    %sign3A_1711 = arith.subi %sign3A_1707, %sign3A_1710 : i32
    %sign3A_1712 = arith.constant 0 : i32
    %sign3A_1713 = arith.cmpi sgt, %jit3A_1703, %sign3A_1712 : i32
    %sign3A_1714 = arith.extui %sign3A_1713 : i1 to i32
    %sign3A_1715 = arith.constant 0 : i32
    %sign3A_1716 = arith.cmpi slt, %jit3A_1703, %sign3A_1715 : i32
    %sign3A_1717 = arith.extui %sign3A_1716 : i1 to i32
    %sign3A_1718 = arith.subi %sign3A_1714, %sign3A_1717 : i32
    %ne3A_1719 = arith.cmpi ne, %sign3A_1711, %sign3A_1718 : i32
    %rem3A_1720 = arith.remsi %add3A, %jit3A_1703 : i32
    %ne3A_1721 = arith.constant 0 : i32
    %ne3A_1722 = arith.cmpi ne, %rem3A_1720, %ne3A_1721 : i32
    %and3A_1723 = arith.andi %ne3A_1719, %ne3A_1722 : i1
    %sub3A_1724 = arith.constant 1 : i32
    %sub3A_1725 = arith.subi %div3A_1704, %sub3A_1724 : i32
    %select_n3A_1726 = arith.select %and3A_1723, %sub3A_1725, %div3A_1704 : i32
    %jit3A_1727 = arith.constant 4 : i32
    %eq3A_1728 = arith.constant 0 : i32
    %eq3A_1729 = arith.cmpi eq, %jit3A_1727, %eq3A_1728 : i32
    %jit3A_1730 = arith.constant 1 : i32
    %select_n3A_1731 = arith.select %eq3A_1729, %jit3A_1730, %jit3A_1727 : i32
    %rem3A_1732 = arith.remsi %add3A, %select_n3A_1731 : i32
    %ne3A_1733 = arith.constant 0 : i32
    %ne3A_1734 = arith.cmpi ne, %rem3A_1732, %ne3A_1733 : i32
    %lt3A_1735 = arith.constant 0 : i32
    %lt3A_1736 = arith.cmpi slt, %rem3A_1732, %lt3A_1735 : i32
    %lt3A_1737 = arith.constant 0 : i32
    %lt3A_1738 = arith.cmpi slt, %select_n3A_1731, %lt3A_1737 : i32
    %ne3A_1739 = arith.xori %lt3A_1736, %lt3A_1738 : i1
    %and3A_1740 = arith.andi %ne3A_1739, %ne3A_1734 : i1
    %add3A_1741 = arith.addi %rem3A_1732, %select_n3A_1731 : i32
    %select_n3A_1742 = arith.select %and3A_1740, %add3A_1741, %rem3A_1732 : i32
    %mul3A_1743 = arith.constant 32 : i32
    %mul3A_1744 = arith.muli %select_n3A_1742, %mul3A_1743 : i32
    %dma_start3A_1745 = arith.constant 18 : i32
    %dma_start3A_1746 = arith.constant 0 : i32
    %dma_start3A_1747 = arith.constant 0 : i32
    %dma_start3A_1748 = arith.constant 0 : i32
    %dma_start3A_1749 = tpu.memref_slice %arg7[%dma_start3A_1746, %dma_start3A_1747, %dma_start3A_1748] : memref<200x8x33xf32, #tpu.memory_space<vmem>> -> memref<200x8x32xf32, #tpu.memory_space<vmem>>
    %dma_start3A_1750 = arith.constant 0 : i32
    %dma_start3A_1751 = arith.constant 0 : i32
    %dma_start3A_1752 = tpu.memref_slice %arg4[%dma_start3A_1745, %dma_start3A_1750, %select_n3A_1726, %dma_start3A_1751, %mul3A_1744] : memref<20x200x8x8x128xf32, #tpu.memory_space<hbm>> -> memref<1x200x1x8x32xf32, #tpu.memory_space<hbm>>
    %dma_start3A_1753 = tpu.memref_squeeze %dma_start3A_1752 : memref<1x200x1x8x32xf32, #tpu.memory_space<hbm>> -> memref<200x8x32xf32, #tpu.memory_space<hbm>>
    %dma_start3A_1754 = arith.constant 0 : i32
    %dma_start3A_1755 = arith.constant 0 : i32
    %dma_start3A_1756 = tpu.memref_slice %arg4[%dma_start3A_1745, %dma_start3A_1754, %select_n3A_1726, %dma_start3A_1755, %mul3A_1744] : memref<20x200x8x8x128xf32, #tpu.memory_space<hbm>> -> memref<1x200x1x8x32xf32, #tpu.memory_space<hbm>>
    %dma_start3A_1757 = tpu.memref_squeeze %dma_start3A_1756 : memref<1x200x1x8x32xf32, #tpu.memory_space<hbm>> -> memref<200x8x32xf32, #tpu.memory_space<hbm>>
    %dma_start3A_1758 = arith.constant 0 : i32
    %dma_start3A_1759 = arith.constant 0 : i32
    %dma_start3A_1760 = arith.constant 0 : i32
    %dma_start3A_1761 = tpu.memref_slice %arg7[%dma_start3A_1758, %dma_start3A_1759, %dma_start3A_1760] : memref<200x8x33xf32, #tpu.memory_space<vmem>> -> memref<200x8x32xf32, #tpu.memory_space<vmem>>
    tpu.enqueue_dma source(%dma_start3A_1761 : memref<200x8x32xf32, #tpu.memory_space<vmem>>) target(%dma_start3A_1757 : memref<200x8x32xf32, #tpu.memory_space<hbm>>) target_semaphore(%arg9 : memref<!tpu.dma_semaphore, #tpu.memory_space<semaphore_mem>>)
    %jit3A_1762 = arith.constant 4 : i32
    %div3A_1763 = arith.divsi %add3A, %jit3A_1762 : i32
    %sign3A_1764 = arith.constant 0 : i32
    %sign3A_1765 = arith.cmpi sgt, %add3A, %sign3A_1764 : i32
    %sign3A_1766 = arith.extui %sign3A_1765 : i1 to i32
    %sign3A_1767 = arith.constant 0 : i32
    %sign3A_1768 = arith.cmpi slt, %add3A, %sign3A_1767 : i32
    %sign3A_1769 = arith.extui %sign3A_1768 : i1 to i32
    %sign3A_1770 = arith.subi %sign3A_1766, %sign3A_1769 : i32
    %sign3A_1771 = arith.constant 0 : i32
    %sign3A_1772 = arith.cmpi sgt, %jit3A_1762, %sign3A_1771 : i32
    %sign3A_1773 = arith.extui %sign3A_1772 : i1 to i32
    %sign3A_1774 = arith.constant 0 : i32
    %sign3A_1775 = arith.cmpi slt, %jit3A_1762, %sign3A_1774 : i32
    %sign3A_1776 = arith.extui %sign3A_1775 : i1 to i32
    %sign3A_1777 = arith.subi %sign3A_1773, %sign3A_1776 : i32
    %ne3A_1778 = arith.cmpi ne, %sign3A_1770, %sign3A_1777 : i32
    %rem3A_1779 = arith.remsi %add3A, %jit3A_1762 : i32
    %ne3A_1780 = arith.constant 0 : i32
    %ne3A_1781 = arith.cmpi ne, %rem3A_1779, %ne3A_1780 : i32
    %and3A_1782 = arith.andi %ne3A_1778, %ne3A_1781 : i1
    %sub3A_1783 = arith.constant 1 : i32
    %sub3A_1784 = arith.subi %div3A_1763, %sub3A_1783 : i32
    %select_n3A_1785 = arith.select %and3A_1782, %sub3A_1784, %div3A_1763 : i32
    %jit3A_1786 = arith.constant 4 : i32
    %eq3A_1787 = arith.constant 0 : i32
    %eq3A_1788 = arith.cmpi eq, %jit3A_1786, %eq3A_1787 : i32
    %jit3A_1789 = arith.constant 1 : i32
    %select_n3A_1790 = arith.select %eq3A_1788, %jit3A_1789, %jit3A_1786 : i32
    %rem3A_1791 = arith.remsi %add3A, %select_n3A_1790 : i32
    %ne3A_1792 = arith.constant 0 : i32
    %ne3A_1793 = arith.cmpi ne, %rem3A_1791, %ne3A_1792 : i32
    %lt3A_1794 = arith.constant 0 : i32
    %lt3A_1795 = arith.cmpi slt, %rem3A_1791, %lt3A_1794 : i32
    %lt3A_1796 = arith.constant 0 : i32
    %lt3A_1797 = arith.cmpi slt, %select_n3A_1790, %lt3A_1796 : i32
    %ne3A_1798 = arith.xori %lt3A_1795, %lt3A_1797 : i1
    %and3A_1799 = arith.andi %ne3A_1798, %ne3A_1793 : i1
    %add3A_1800 = arith.addi %rem3A_1791, %select_n3A_1790 : i32
    %select_n3A_1801 = arith.select %and3A_1799, %add3A_1800, %rem3A_1791 : i32
    %mul3A_1802 = arith.constant 32 : i32
    %mul3A_1803 = arith.muli %select_n3A_1801, %mul3A_1802 : i32
    %dma_start3A_1804 = arith.constant 19 : i32
    %dma_start3A_1805 = arith.constant 0 : i32
    %dma_start3A_1806 = arith.constant 0 : i32
    %dma_start3A_1807 = arith.constant 0 : i32
    %dma_start3A_1808 = tpu.memref_slice %arg7[%dma_start3A_1805, %dma_start3A_1806, %dma_start3A_1807] : memref<200x8x33xf32, #tpu.memory_space<vmem>> -> memref<200x8x32xf32, #tpu.memory_space<vmem>>
    %dma_start3A_1809 = arith.constant 0 : i32
    %dma_start3A_1810 = arith.constant 0 : i32
    %dma_start3A_1811 = tpu.memref_slice %arg4[%dma_start3A_1804, %dma_start3A_1809, %select_n3A_1785, %dma_start3A_1810, %mul3A_1803] : memref<20x200x8x8x128xf32, #tpu.memory_space<hbm>> -> memref<1x200x1x8x32xf32, #tpu.memory_space<hbm>>
    %dma_start3A_1812 = tpu.memref_squeeze %dma_start3A_1811 : memref<1x200x1x8x32xf32, #tpu.memory_space<hbm>> -> memref<200x8x32xf32, #tpu.memory_space<hbm>>
    %dma_start3A_1813 = arith.constant 0 : i32
    %dma_start3A_1814 = arith.constant 0 : i32
    %dma_start3A_1815 = tpu.memref_slice %arg4[%dma_start3A_1804, %dma_start3A_1813, %select_n3A_1785, %dma_start3A_1814, %mul3A_1803] : memref<20x200x8x8x128xf32, #tpu.memory_space<hbm>> -> memref<1x200x1x8x32xf32, #tpu.memory_space<hbm>>
    %dma_start3A_1816 = tpu.memref_squeeze %dma_start3A_1815 : memref<1x200x1x8x32xf32, #tpu.memory_space<hbm>> -> memref<200x8x32xf32, #tpu.memory_space<hbm>>
    %dma_start3A_1817 = arith.constant 0 : i32
    %dma_start3A_1818 = arith.constant 0 : i32
    %dma_start3A_1819 = arith.constant 0 : i32
    %dma_start3A_1820 = tpu.memref_slice %arg7[%dma_start3A_1817, %dma_start3A_1818, %dma_start3A_1819] : memref<200x8x33xf32, #tpu.memory_space<vmem>> -> memref<200x8x32xf32, #tpu.memory_space<vmem>>
    tpu.enqueue_dma source(%dma_start3A_1820 : memref<200x8x32xf32, #tpu.memory_space<vmem>>) target(%dma_start3A_1816 : memref<200x8x32xf32, #tpu.memory_space<hbm>>) target_semaphore(%arg9 : memref<!tpu.dma_semaphore, #tpu.memory_space<semaphore_mem>>)
    %dma_wait3A_1821 = arith.constant 0 : i32
    %dma_wait3A_1822 = arith.constant 0 : i32
    %dma_wait3A_1823 = arith.constant 0 : i32
    %dma_wait3A_1824 = arith.constant 0 : i32
    %dma_wait3A_1825 = tpu.memref_slice %arg7[%dma_wait3A_1822, %dma_wait3A_1823, %dma_wait3A_1824] : memref<200x8x33xf32, #tpu.memory_space<vmem>> -> memref<200x8x32xf32, #tpu.memory_space<vmem>>
    %dma_wait3A_1826 = arith.constant 0 : i32
    %dma_wait3A_1827 = arith.constant 0 : i32
    %dma_wait3A_1828 = tpu.memref_slice %arg4[%dma_wait3A_1821, %dma_wait3A_1826, %select_n3A, %dma_wait3A_1827, %mul3A_682] : memref<20x200x8x8x128xf32, #tpu.memory_space<hbm>> -> memref<1x200x1x8x32xf32, #tpu.memory_space<hbm>>
    %dma_wait3A_1829 = tpu.memref_squeeze %dma_wait3A_1828 : memref<1x200x1x8x32xf32, #tpu.memory_space<hbm>> -> memref<200x8x32xf32, #tpu.memory_space<hbm>>
    %dma_wait3A_1830 = arith.constant 0 : i32
    %dma_wait3A_1831 = arith.constant 0 : i32
    %dma_wait3A_1832 = tpu.memref_slice %arg4[%dma_wait3A_1821, %dma_wait3A_1830, %select_n3A, %dma_wait3A_1831, %mul3A_682] : memref<20x200x8x8x128xf32, #tpu.memory_space<hbm>> -> memref<1x200x1x8x32xf32, #tpu.memory_space<hbm>>
    %dma_wait3A_1833 = tpu.memref_squeeze %dma_wait3A_1832 : memref<1x200x1x8x32xf32, #tpu.memory_space<hbm>> -> memref<200x8x32xf32, #tpu.memory_space<hbm>>
    %dma_wait3A_1834 = arith.constant 0 : i32
    %dma_wait3A_1835 = arith.constant 0 : i32
    %dma_wait3A_1836 = arith.constant 0 : i32
    %dma_wait3A_1837 = tpu.memref_slice %arg7[%dma_wait3A_1834, %dma_wait3A_1835, %dma_wait3A_1836] : memref<200x8x33xf32, #tpu.memory_space<vmem>> -> memref<200x8x32xf32, #tpu.memory_space<vmem>>
    tpu.wait_dma2 semaphore(%arg9 : memref<!tpu.dma_semaphore, #tpu.memory_space<semaphore_mem>>) src(%dma_wait3A_1837 : memref<200x8x32xf32, #tpu.memory_space<vmem>>) dst(%dma_wait3A_1833 : memref<200x8x32xf32, #tpu.memory_space<hbm>>)
    %dma_wait3A_1838 = arith.constant 1 : i32
    %dma_wait3A_1839 = arith.constant 0 : i32
    %dma_wait3A_1840 = arith.constant 0 : i32
    %dma_wait3A_1841 = arith.constant 0 : i32
    %dma_wait3A_1842 = tpu.memref_slice %arg7[%dma_wait3A_1839, %dma_wait3A_1840, %dma_wait3A_1841] : memref<200x8x33xf32, #tpu.memory_space<vmem>> -> memref<200x8x32xf32, #tpu.memory_space<vmem>>
    %dma_wait3A_1843 = arith.constant 0 : i32
    %dma_wait3A_1844 = arith.constant 0 : i32
    %dma_wait3A_1845 = tpu.memref_slice %arg4[%dma_wait3A_1838, %dma_wait3A_1843, %select_n3A_723, %dma_wait3A_1844, %mul3A_741] : memref<20x200x8x8x128xf32, #tpu.memory_space<hbm>> -> memref<1x200x1x8x32xf32, #tpu.memory_space<hbm>>
    %dma_wait3A_1846 = tpu.memref_squeeze %dma_wait3A_1845 : memref<1x200x1x8x32xf32, #tpu.memory_space<hbm>> -> memref<200x8x32xf32, #tpu.memory_space<hbm>>
    %dma_wait3A_1847 = arith.constant 0 : i32
    %dma_wait3A_1848 = arith.constant 0 : i32
    %dma_wait3A_1849 = tpu.memref_slice %arg4[%dma_wait3A_1838, %dma_wait3A_1847, %select_n3A_723, %dma_wait3A_1848, %mul3A_741] : memref<20x200x8x8x128xf32, #tpu.memory_space<hbm>> -> memref<1x200x1x8x32xf32, #tpu.memory_space<hbm>>
    %dma_wait3A_1850 = tpu.memref_squeeze %dma_wait3A_1849 : memref<1x200x1x8x32xf32, #tpu.memory_space<hbm>> -> memref<200x8x32xf32, #tpu.memory_space<hbm>>
    %dma_wait3A_1851 = arith.constant 0 : i32
    %dma_wait3A_1852 = arith.constant 0 : i32
    %dma_wait3A_1853 = arith.constant 0 : i32
    %dma_wait3A_1854 = tpu.memref_slice %arg7[%dma_wait3A_1851, %dma_wait3A_1852, %dma_wait3A_1853] : memref<200x8x33xf32, #tpu.memory_space<vmem>> -> memref<200x8x32xf32, #tpu.memory_space<vmem>>
    tpu.wait_dma2 semaphore(%arg9 : memref<!tpu.dma_semaphore, #tpu.memory_space<semaphore_mem>>) src(%dma_wait3A_1854 : memref<200x8x32xf32, #tpu.memory_space<vmem>>) dst(%dma_wait3A_1850 : memref<200x8x32xf32, #tpu.memory_space<hbm>>)
    %dma_wait3A_1855 = arith.constant 2 : i32
    %dma_wait3A_1856 = arith.constant 0 : i32
    %dma_wait3A_1857 = arith.constant 0 : i32
    %dma_wait3A_1858 = arith.constant 0 : i32
    %dma_wait3A_1859 = tpu.memref_slice %arg7[%dma_wait3A_1856, %dma_wait3A_1857, %dma_wait3A_1858] : memref<200x8x33xf32, #tpu.memory_space<vmem>> -> memref<200x8x32xf32, #tpu.memory_space<vmem>>
    %dma_wait3A_1860 = arith.constant 0 : i32
    %dma_wait3A_1861 = arith.constant 0 : i32
    %dma_wait3A_1862 = tpu.memref_slice %arg4[%dma_wait3A_1855, %dma_wait3A_1860, %select_n3A_782, %dma_wait3A_1861, %mul3A_800] : memref<20x200x8x8x128xf32, #tpu.memory_space<hbm>> -> memref<1x200x1x8x32xf32, #tpu.memory_space<hbm>>
    %dma_wait3A_1863 = tpu.memref_squeeze %dma_wait3A_1862 : memref<1x200x1x8x32xf32, #tpu.memory_space<hbm>> -> memref<200x8x32xf32, #tpu.memory_space<hbm>>
    %dma_wait3A_1864 = arith.constant 0 : i32
    %dma_wait3A_1865 = arith.constant 0 : i32
    %dma_wait3A_1866 = tpu.memref_slice %arg4[%dma_wait3A_1855, %dma_wait3A_1864, %select_n3A_782, %dma_wait3A_1865, %mul3A_800] : memref<20x200x8x8x128xf32, #tpu.memory_space<hbm>> -> memref<1x200x1x8x32xf32, #tpu.memory_space<hbm>>
    %dma_wait3A_1867 = tpu.memref_squeeze %dma_wait3A_1866 : memref<1x200x1x8x32xf32, #tpu.memory_space<hbm>> -> memref<200x8x32xf32, #tpu.memory_space<hbm>>
    %dma_wait3A_1868 = arith.constant 0 : i32
    %dma_wait3A_1869 = arith.constant 0 : i32
    %dma_wait3A_1870 = arith.constant 0 : i32
    %dma_wait3A_1871 = tpu.memref_slice %arg7[%dma_wait3A_1868, %dma_wait3A_1869, %dma_wait3A_1870] : memref<200x8x33xf32, #tpu.memory_space<vmem>> -> memref<200x8x32xf32, #tpu.memory_space<vmem>>
    tpu.wait_dma2 semaphore(%arg9 : memref<!tpu.dma_semaphore, #tpu.memory_space<semaphore_mem>>) src(%dma_wait3A_1871 : memref<200x8x32xf32, #tpu.memory_space<vmem>>) dst(%dma_wait3A_1867 : memref<200x8x32xf32, #tpu.memory_space<hbm>>)
    %dma_wait3A_1872 = arith.constant 3 : i32
    %dma_wait3A_1873 = arith.constant 0 : i32
    %dma_wait3A_1874 = arith.constant 0 : i32
    %dma_wait3A_1875 = arith.constant 0 : i32
    %dma_wait3A_1876 = tpu.memref_slice %arg7[%dma_wait3A_1873, %dma_wait3A_1874, %dma_wait3A_1875] : memref<200x8x33xf32, #tpu.memory_space<vmem>> -> memref<200x8x32xf32, #tpu.memory_space<vmem>>
    %dma_wait3A_1877 = arith.constant 0 : i32
    %dma_wait3A_1878 = arith.constant 0 : i32
    %dma_wait3A_1879 = tpu.memref_slice %arg4[%dma_wait3A_1872, %dma_wait3A_1877, %select_n3A_841, %dma_wait3A_1878, %mul3A_859] : memref<20x200x8x8x128xf32, #tpu.memory_space<hbm>> -> memref<1x200x1x8x32xf32, #tpu.memory_space<hbm>>
    %dma_wait3A_1880 = tpu.memref_squeeze %dma_wait3A_1879 : memref<1x200x1x8x32xf32, #tpu.memory_space<hbm>> -> memref<200x8x32xf32, #tpu.memory_space<hbm>>
    %dma_wait3A_1881 = arith.constant 0 : i32
    %dma_wait3A_1882 = arith.constant 0 : i32
    %dma_wait3A_1883 = tpu.memref_slice %arg4[%dma_wait3A_1872, %dma_wait3A_1881, %select_n3A_841, %dma_wait3A_1882, %mul3A_859] : memref<20x200x8x8x128xf32, #tpu.memory_space<hbm>> -> memref<1x200x1x8x32xf32, #tpu.memory_space<hbm>>
    %dma_wait3A_1884 = tpu.memref_squeeze %dma_wait3A_1883 : memref<1x200x1x8x32xf32, #tpu.memory_space<hbm>> -> memref<200x8x32xf32, #tpu.memory_space<hbm>>
    %dma_wait3A_1885 = arith.constant 0 : i32
    %dma_wait3A_1886 = arith.constant 0 : i32
    %dma_wait3A_1887 = arith.constant 0 : i32
    %dma_wait3A_1888 = tpu.memref_slice %arg7[%dma_wait3A_1885, %dma_wait3A_1886, %dma_wait3A_1887] : memref<200x8x33xf32, #tpu.memory_space<vmem>> -> memref<200x8x32xf32, #tpu.memory_space<vmem>>
    tpu.wait_dma2 semaphore(%arg9 : memref<!tpu.dma_semaphore, #tpu.memory_space<semaphore_mem>>) src(%dma_wait3A_1888 : memref<200x8x32xf32, #tpu.memory_space<vmem>>) dst(%dma_wait3A_1884 : memref<200x8x32xf32, #tpu.memory_space<hbm>>)
    %dma_wait3A_1889 = arith.constant 4 : i32
    %dma_wait3A_1890 = arith.constant 0 : i32
    %dma_wait3A_1891 = arith.constant 0 : i32
    %dma_wait3A_1892 = arith.constant 0 : i32
    %dma_wait3A_1893 = tpu.memref_slice %arg7[%dma_wait3A_1890, %dma_wait3A_1891, %dma_wait3A_1892] : memref<200x8x33xf32, #tpu.memory_space<vmem>> -> memref<200x8x32xf32, #tpu.memory_space<vmem>>
    %dma_wait3A_1894 = arith.constant 0 : i32
    %dma_wait3A_1895 = arith.constant 0 : i32
    %dma_wait3A_1896 = tpu.memref_slice %arg4[%dma_wait3A_1889, %dma_wait3A_1894, %select_n3A_900, %dma_wait3A_1895, %mul3A_918] : memref<20x200x8x8x128xf32, #tpu.memory_space<hbm>> -> memref<1x200x1x8x32xf32, #tpu.memory_space<hbm>>
    %dma_wait3A_1897 = tpu.memref_squeeze %dma_wait3A_1896 : memref<1x200x1x8x32xf32, #tpu.memory_space<hbm>> -> memref<200x8x32xf32, #tpu.memory_space<hbm>>
    %dma_wait3A_1898 = arith.constant 0 : i32
    %dma_wait3A_1899 = arith.constant 0 : i32
    %dma_wait3A_1900 = tpu.memref_slice %arg4[%dma_wait3A_1889, %dma_wait3A_1898, %select_n3A_900, %dma_wait3A_1899, %mul3A_918] : memref<20x200x8x8x128xf32, #tpu.memory_space<hbm>> -> memref<1x200x1x8x32xf32, #tpu.memory_space<hbm>>
    %dma_wait3A_1901 = tpu.memref_squeeze %dma_wait3A_1900 : memref<1x200x1x8x32xf32, #tpu.memory_space<hbm>> -> memref<200x8x32xf32, #tpu.memory_space<hbm>>
    %dma_wait3A_1902 = arith.constant 0 : i32
    %dma_wait3A_1903 = arith.constant 0 : i32
    %dma_wait3A_1904 = arith.constant 0 : i32
    %dma_wait3A_1905 = tpu.memref_slice %arg7[%dma_wait3A_1902, %dma_wait3A_1903, %dma_wait3A_1904] : memref<200x8x33xf32, #tpu.memory_space<vmem>> -> memref<200x8x32xf32, #tpu.memory_space<vmem>>
    tpu.wait_dma2 semaphore(%arg9 : memref<!tpu.dma_semaphore, #tpu.memory_space<semaphore_mem>>) src(%dma_wait3A_1905 : memref<200x8x32xf32, #tpu.memory_space<vmem>>) dst(%dma_wait3A_1901 : memref<200x8x32xf32, #tpu.memory_space<hbm>>)
    %dma_wait3A_1906 = arith.constant 5 : i32
    %dma_wait3A_1907 = arith.constant 0 : i32
    %dma_wait3A_1908 = arith.constant 0 : i32
    %dma_wait3A_1909 = arith.constant 0 : i32
    %dma_wait3A_1910 = tpu.memref_slice %arg7[%dma_wait3A_1907, %dma_wait3A_1908, %dma_wait3A_1909] : memref<200x8x33xf32, #tpu.memory_space<vmem>> -> memref<200x8x32xf32, #tpu.memory_space<vmem>>
    %dma_wait3A_1911 = arith.constant 0 : i32
    %dma_wait3A_1912 = arith.constant 0 : i32
    %dma_wait3A_1913 = tpu.memref_slice %arg4[%dma_wait3A_1906, %dma_wait3A_1911, %select_n3A_959, %dma_wait3A_1912, %mul3A_977] : memref<20x200x8x8x128xf32, #tpu.memory_space<hbm>> -> memref<1x200x1x8x32xf32, #tpu.memory_space<hbm>>
    %dma_wait3A_1914 = tpu.memref_squeeze %dma_wait3A_1913 : memref<1x200x1x8x32xf32, #tpu.memory_space<hbm>> -> memref<200x8x32xf32, #tpu.memory_space<hbm>>
    %dma_wait3A_1915 = arith.constant 0 : i32
    %dma_wait3A_1916 = arith.constant 0 : i32
    %dma_wait3A_1917 = tpu.memref_slice %arg4[%dma_wait3A_1906, %dma_wait3A_1915, %select_n3A_959, %dma_wait3A_1916, %mul3A_977] : memref<20x200x8x8x128xf32, #tpu.memory_space<hbm>> -> memref<1x200x1x8x32xf32, #tpu.memory_space<hbm>>
    %dma_wait3A_1918 = tpu.memref_squeeze %dma_wait3A_1917 : memref<1x200x1x8x32xf32, #tpu.memory_space<hbm>> -> memref<200x8x32xf32, #tpu.memory_space<hbm>>
    %dma_wait3A_1919 = arith.constant 0 : i32
    %dma_wait3A_1920 = arith.constant 0 : i32
    %dma_wait3A_1921 = arith.constant 0 : i32
    %dma_wait3A_1922 = tpu.memref_slice %arg7[%dma_wait3A_1919, %dma_wait3A_1920, %dma_wait3A_1921] : memref<200x8x33xf32, #tpu.memory_space<vmem>> -> memref<200x8x32xf32, #tpu.memory_space<vmem>>
    tpu.wait_dma2 semaphore(%arg9 : memref<!tpu.dma_semaphore, #tpu.memory_space<semaphore_mem>>) src(%dma_wait3A_1922 : memref<200x8x32xf32, #tpu.memory_space<vmem>>) dst(%dma_wait3A_1918 : memref<200x8x32xf32, #tpu.memory_space<hbm>>)
    %dma_wait3A_1923 = arith.constant 6 : i32
    %dma_wait3A_1924 = arith.constant 0 : i32
    %dma_wait3A_1925 = arith.constant 0 : i32
    %dma_wait3A_1926 = arith.constant 0 : i32
    %dma_wait3A_1927 = tpu.memref_slice %arg7[%dma_wait3A_1924, %dma_wait3A_1925, %dma_wait3A_1926] : memref<200x8x33xf32, #tpu.memory_space<vmem>> -> memref<200x8x32xf32, #tpu.memory_space<vmem>>
    %dma_wait3A_1928 = arith.constant 0 : i32
    %dma_wait3A_1929 = arith.constant 0 : i32
    %dma_wait3A_1930 = tpu.memref_slice %arg4[%dma_wait3A_1923, %dma_wait3A_1928, %select_n3A_1018, %dma_wait3A_1929, %mul3A_1036] : memref<20x200x8x8x128xf32, #tpu.memory_space<hbm>> -> memref<1x200x1x8x32xf32, #tpu.memory_space<hbm>>
    %dma_wait3A_1931 = tpu.memref_squeeze %dma_wait3A_1930 : memref<1x200x1x8x32xf32, #tpu.memory_space<hbm>> -> memref<200x8x32xf32, #tpu.memory_space<hbm>>
    %dma_wait3A_1932 = arith.constant 0 : i32
    %dma_wait3A_1933 = arith.constant 0 : i32
    %dma_wait3A_1934 = tpu.memref_slice %arg4[%dma_wait3A_1923, %dma_wait3A_1932, %select_n3A_1018, %dma_wait3A_1933, %mul3A_1036] : memref<20x200x8x8x128xf32, #tpu.memory_space<hbm>> -> memref<1x200x1x8x32xf32, #tpu.memory_space<hbm>>
    %dma_wait3A_1935 = tpu.memref_squeeze %dma_wait3A_1934 : memref<1x200x1x8x32xf32, #tpu.memory_space<hbm>> -> memref<200x8x32xf32, #tpu.memory_space<hbm>>
    %dma_wait3A_1936 = arith.constant 0 : i32
    %dma_wait3A_1937 = arith.constant 0 : i32
    %dma_wait3A_1938 = arith.constant 0 : i32
    %dma_wait3A_1939 = tpu.memref_slice %arg7[%dma_wait3A_1936, %dma_wait3A_1937, %dma_wait3A_1938] : memref<200x8x33xf32, #tpu.memory_space<vmem>> -> memref<200x8x32xf32, #tpu.memory_space<vmem>>
    tpu.wait_dma2 semaphore(%arg9 : memref<!tpu.dma_semaphore, #tpu.memory_space<semaphore_mem>>) src(%dma_wait3A_1939 : memref<200x8x32xf32, #tpu.memory_space<vmem>>) dst(%dma_wait3A_1935 : memref<200x8x32xf32, #tpu.memory_space<hbm>>)
    %dma_wait3A_1940 = arith.constant 7 : i32
    %dma_wait3A_1941 = arith.constant 0 : i32
    %dma_wait3A_1942 = arith.constant 0 : i32
    %dma_wait3A_1943 = arith.constant 0 : i32
    %dma_wait3A_1944 = tpu.memref_slice %arg7[%dma_wait3A_1941, %dma_wait3A_1942, %dma_wait3A_1943] : memref<200x8x33xf32, #tpu.memory_space<vmem>> -> memref<200x8x32xf32, #tpu.memory_space<vmem>>
    %dma_wait3A_1945 = arith.constant 0 : i32
    %dma_wait3A_1946 = arith.constant 0 : i32
    %dma_wait3A_1947 = tpu.memref_slice %arg4[%dma_wait3A_1940, %dma_wait3A_1945, %select_n3A_1077, %dma_wait3A_1946, %mul3A_1095] : memref<20x200x8x8x128xf32, #tpu.memory_space<hbm>> -> memref<1x200x1x8x32xf32, #tpu.memory_space<hbm>>
    %dma_wait3A_1948 = tpu.memref_squeeze %dma_wait3A_1947 : memref<1x200x1x8x32xf32, #tpu.memory_space<hbm>> -> memref<200x8x32xf32, #tpu.memory_space<hbm>>
    %dma_wait3A_1949 = arith.constant 0 : i32
    %dma_wait3A_1950 = arith.constant 0 : i32
    %dma_wait3A_1951 = tpu.memref_slice %arg4[%dma_wait3A_1940, %dma_wait3A_1949, %select_n3A_1077, %dma_wait3A_1950, %mul3A_1095] : memref<20x200x8x8x128xf32, #tpu.memory_space<hbm>> -> memref<1x200x1x8x32xf32, #tpu.memory_space<hbm>>
    %dma_wait3A_1952 = tpu.memref_squeeze %dma_wait3A_1951 : memref<1x200x1x8x32xf32, #tpu.memory_space<hbm>> -> memref<200x8x32xf32, #tpu.memory_space<hbm>>
    %dma_wait3A_1953 = arith.constant 0 : i32
    %dma_wait3A_1954 = arith.constant 0 : i32
    %dma_wait3A_1955 = arith.constant 0 : i32
    %dma_wait3A_1956 = tpu.memref_slice %arg7[%dma_wait3A_1953, %dma_wait3A_1954, %dma_wait3A_1955] : memref<200x8x33xf32, #tpu.memory_space<vmem>> -> memref<200x8x32xf32, #tpu.memory_space<vmem>>
    tpu.wait_dma2 semaphore(%arg9 : memref<!tpu.dma_semaphore, #tpu.memory_space<semaphore_mem>>) src(%dma_wait3A_1956 : memref<200x8x32xf32, #tpu.memory_space<vmem>>) dst(%dma_wait3A_1952 : memref<200x8x32xf32, #tpu.memory_space<hbm>>)
    %dma_wait3A_1957 = arith.constant 8 : i32
    %dma_wait3A_1958 = arith.constant 0 : i32
    %dma_wait3A_1959 = arith.constant 0 : i32
    %dma_wait3A_1960 = arith.constant 0 : i32
    %dma_wait3A_1961 = tpu.memref_slice %arg7[%dma_wait3A_1958, %dma_wait3A_1959, %dma_wait3A_1960] : memref<200x8x33xf32, #tpu.memory_space<vmem>> -> memref<200x8x32xf32, #tpu.memory_space<vmem>>
    %dma_wait3A_1962 = arith.constant 0 : i32
    %dma_wait3A_1963 = arith.constant 0 : i32
    %dma_wait3A_1964 = tpu.memref_slice %arg4[%dma_wait3A_1957, %dma_wait3A_1962, %select_n3A_1136, %dma_wait3A_1963, %mul3A_1154] : memref<20x200x8x8x128xf32, #tpu.memory_space<hbm>> -> memref<1x200x1x8x32xf32, #tpu.memory_space<hbm>>
    %dma_wait3A_1965 = tpu.memref_squeeze %dma_wait3A_1964 : memref<1x200x1x8x32xf32, #tpu.memory_space<hbm>> -> memref<200x8x32xf32, #tpu.memory_space<hbm>>
    %dma_wait3A_1966 = arith.constant 0 : i32
    %dma_wait3A_1967 = arith.constant 0 : i32
    %dma_wait3A_1968 = tpu.memref_slice %arg4[%dma_wait3A_1957, %dma_wait3A_1966, %select_n3A_1136, %dma_wait3A_1967, %mul3A_1154] : memref<20x200x8x8x128xf32, #tpu.memory_space<hbm>> -> memref<1x200x1x8x32xf32, #tpu.memory_space<hbm>>
    %dma_wait3A_1969 = tpu.memref_squeeze %dma_wait3A_1968 : memref<1x200x1x8x32xf32, #tpu.memory_space<hbm>> -> memref<200x8x32xf32, #tpu.memory_space<hbm>>
    %dma_wait3A_1970 = arith.constant 0 : i32
    %dma_wait3A_1971 = arith.constant 0 : i32
    %dma_wait3A_1972 = arith.constant 0 : i32
    %dma_wait3A_1973 = tpu.memref_slice %arg7[%dma_wait3A_1970, %dma_wait3A_1971, %dma_wait3A_1972] : memref<200x8x33xf32, #tpu.memory_space<vmem>> -> memref<200x8x32xf32, #tpu.memory_space<vmem>>
    tpu.wait_dma2 semaphore(%arg9 : memref<!tpu.dma_semaphore, #tpu.memory_space<semaphore_mem>>) src(%dma_wait3A_1973 : memref<200x8x32xf32, #tpu.memory_space<vmem>>) dst(%dma_wait3A_1969 : memref<200x8x32xf32, #tpu.memory_space<hbm>>)
    %dma_wait3A_1974 = arith.constant 9 : i32
    %dma_wait3A_1975 = arith.constant 0 : i32
    %dma_wait3A_1976 = arith.constant 0 : i32
    %dma_wait3A_1977 = arith.constant 0 : i32
    %dma_wait3A_1978 = tpu.memref_slice %arg7[%dma_wait3A_1975, %dma_wait3A_1976, %dma_wait3A_1977] : memref<200x8x33xf32, #tpu.memory_space<vmem>> -> memref<200x8x32xf32, #tpu.memory_space<vmem>>
    %dma_wait3A_1979 = arith.constant 0 : i32
    %dma_wait3A_1980 = arith.constant 0 : i32
    %dma_wait3A_1981 = tpu.memref_slice %arg4[%dma_wait3A_1974, %dma_wait3A_1979, %select_n3A_1195, %dma_wait3A_1980, %mul3A_1213] : memref<20x200x8x8x128xf32, #tpu.memory_space<hbm>> -> memref<1x200x1x8x32xf32, #tpu.memory_space<hbm>>
    %dma_wait3A_1982 = tpu.memref_squeeze %dma_wait3A_1981 : memref<1x200x1x8x32xf32, #tpu.memory_space<hbm>> -> memref<200x8x32xf32, #tpu.memory_space<hbm>>
    %dma_wait3A_1983 = arith.constant 0 : i32
    %dma_wait3A_1984 = arith.constant 0 : i32
    %dma_wait3A_1985 = tpu.memref_slice %arg4[%dma_wait3A_1974, %dma_wait3A_1983, %select_n3A_1195, %dma_wait3A_1984, %mul3A_1213] : memref<20x200x8x8x128xf32, #tpu.memory_space<hbm>> -> memref<1x200x1x8x32xf32, #tpu.memory_space<hbm>>
    %dma_wait3A_1986 = tpu.memref_squeeze %dma_wait3A_1985 : memref<1x200x1x8x32xf32, #tpu.memory_space<hbm>> -> memref<200x8x32xf32, #tpu.memory_space<hbm>>
    %dma_wait3A_1987 = arith.constant 0 : i32
    %dma_wait3A_1988 = arith.constant 0 : i32
    %dma_wait3A_1989 = arith.constant 0 : i32
    %dma_wait3A_1990 = tpu.memref_slice %arg7[%dma_wait3A_1987, %dma_wait3A_1988, %dma_wait3A_1989] : memref<200x8x33xf32, #tpu.memory_space<vmem>> -> memref<200x8x32xf32, #tpu.memory_space<vmem>>
    tpu.wait_dma2 semaphore(%arg9 : memref<!tpu.dma_semaphore, #tpu.memory_space<semaphore_mem>>) src(%dma_wait3A_1990 : memref<200x8x32xf32, #tpu.memory_space<vmem>>) dst(%dma_wait3A_1986 : memref<200x8x32xf32, #tpu.memory_space<hbm>>)
    %dma_wait3A_1991 = arith.constant 10 : i32
    %dma_wait3A_1992 = arith.constant 0 : i32
    %dma_wait3A_1993 = arith.constant 0 : i32
    %dma_wait3A_1994 = arith.constant 0 : i32
    %dma_wait3A_1995 = tpu.memref_slice %arg7[%dma_wait3A_1992, %dma_wait3A_1993, %dma_wait3A_1994] : memref<200x8x33xf32, #tpu.memory_space<vmem>> -> memref<200x8x32xf32, #tpu.memory_space<vmem>>
    %dma_wait3A_1996 = arith.constant 0 : i32
    %dma_wait3A_1997 = arith.constant 0 : i32
    %dma_wait3A_1998 = tpu.memref_slice %arg4[%dma_wait3A_1991, %dma_wait3A_1996, %select_n3A_1254, %dma_wait3A_1997, %mul3A_1272] : memref<20x200x8x8x128xf32, #tpu.memory_space<hbm>> -> memref<1x200x1x8x32xf32, #tpu.memory_space<hbm>>
    %dma_wait3A_1999 = tpu.memref_squeeze %dma_wait3A_1998 : memref<1x200x1x8x32xf32, #tpu.memory_space<hbm>> -> memref<200x8x32xf32, #tpu.memory_space<hbm>>
    %dma_wait3A_2000 = arith.constant 0 : i32
    %dma_wait3A_2001 = arith.constant 0 : i32
    %dma_wait3A_2002 = tpu.memref_slice %arg4[%dma_wait3A_1991, %dma_wait3A_2000, %select_n3A_1254, %dma_wait3A_2001, %mul3A_1272] : memref<20x200x8x8x128xf32, #tpu.memory_space<hbm>> -> memref<1x200x1x8x32xf32, #tpu.memory_space<hbm>>
    %dma_wait3A_2003 = tpu.memref_squeeze %dma_wait3A_2002 : memref<1x200x1x8x32xf32, #tpu.memory_space<hbm>> -> memref<200x8x32xf32, #tpu.memory_space<hbm>>
    %dma_wait3A_2004 = arith.constant 0 : i32
    %dma_wait3A_2005 = arith.constant 0 : i32
    %dma_wait3A_2006 = arith.constant 0 : i32
    %dma_wait3A_2007 = tpu.memref_slice %arg7[%dma_wait3A_2004, %dma_wait3A_2005, %dma_wait3A_2006] : memref<200x8x33xf32, #tpu.memory_space<vmem>> -> memref<200x8x32xf32, #tpu.memory_space<vmem>>
    tpu.wait_dma2 semaphore(%arg9 : memref<!tpu.dma_semaphore, #tpu.memory_space<semaphore_mem>>) src(%dma_wait3A_2007 : memref<200x8x32xf32, #tpu.memory_space<vmem>>) dst(%dma_wait3A_2003 : memref<200x8x32xf32, #tpu.memory_space<hbm>>)
    %dma_wait3A_2008 = arith.constant 11 : i32
    %dma_wait3A_2009 = arith.constant 0 : i32
    %dma_wait3A_2010 = arith.constant 0 : i32
    %dma_wait3A_2011 = arith.constant 0 : i32
    %dma_wait3A_2012 = tpu.memref_slice %arg7[%dma_wait3A_2009, %dma_wait3A_2010, %dma_wait3A_2011] : memref<200x8x33xf32, #tpu.memory_space<vmem>> -> memref<200x8x32xf32, #tpu.memory_space<vmem>>
    %dma_wait3A_2013 = arith.constant 0 : i32
    %dma_wait3A_2014 = arith.constant 0 : i32
    %dma_wait3A_2015 = tpu.memref_slice %arg4[%dma_wait3A_2008, %dma_wait3A_2013, %select_n3A_1313, %dma_wait3A_2014, %mul3A_1331] : memref<20x200x8x8x128xf32, #tpu.memory_space<hbm>> -> memref<1x200x1x8x32xf32, #tpu.memory_space<hbm>>
    %dma_wait3A_2016 = tpu.memref_squeeze %dma_wait3A_2015 : memref<1x200x1x8x32xf32, #tpu.memory_space<hbm>> -> memref<200x8x32xf32, #tpu.memory_space<hbm>>
    %dma_wait3A_2017 = arith.constant 0 : i32
    %dma_wait3A_2018 = arith.constant 0 : i32
    %dma_wait3A_2019 = tpu.memref_slice %arg4[%dma_wait3A_2008, %dma_wait3A_2017, %select_n3A_1313, %dma_wait3A_2018, %mul3A_1331] : memref<20x200x8x8x128xf32, #tpu.memory_space<hbm>> -> memref<1x200x1x8x32xf32, #tpu.memory_space<hbm>>
    %dma_wait3A_2020 = tpu.memref_squeeze %dma_wait3A_2019 : memref<1x200x1x8x32xf32, #tpu.memory_space<hbm>> -> memref<200x8x32xf32, #tpu.memory_space<hbm>>
    %dma_wait3A_2021 = arith.constant 0 : i32
    %dma_wait3A_2022 = arith.constant 0 : i32
    %dma_wait3A_2023 = arith.constant 0 : i32
    %dma_wait3A_2024 = tpu.memref_slice %arg7[%dma_wait3A_2021, %dma_wait3A_2022, %dma_wait3A_2023] : memref<200x8x33xf32, #tpu.memory_space<vmem>> -> memref<200x8x32xf32, #tpu.memory_space<vmem>>
    tpu.wait_dma2 semaphore(%arg9 : memref<!tpu.dma_semaphore, #tpu.memory_space<semaphore_mem>>) src(%dma_wait3A_2024 : memref<200x8x32xf32, #tpu.memory_space<vmem>>) dst(%dma_wait3A_2020 : memref<200x8x32xf32, #tpu.memory_space<hbm>>)
    %dma_wait3A_2025 = arith.constant 12 : i32
    %dma_wait3A_2026 = arith.constant 0 : i32
    %dma_wait3A_2027 = arith.constant 0 : i32
    %dma_wait3A_2028 = arith.constant 0 : i32
    %dma_wait3A_2029 = tpu.memref_slice %arg7[%dma_wait3A_2026, %dma_wait3A_2027, %dma_wait3A_2028] : memref<200x8x33xf32, #tpu.memory_space<vmem>> -> memref<200x8x32xf32, #tpu.memory_space<vmem>>
    %dma_wait3A_2030 = arith.constant 0 : i32
    %dma_wait3A_2031 = arith.constant 0 : i32
    %dma_wait3A_2032 = tpu.memref_slice %arg4[%dma_wait3A_2025, %dma_wait3A_2030, %select_n3A_1372, %dma_wait3A_2031, %mul3A_1390] : memref<20x200x8x8x128xf32, #tpu.memory_space<hbm>> -> memref<1x200x1x8x32xf32, #tpu.memory_space<hbm>>
    %dma_wait3A_2033 = tpu.memref_squeeze %dma_wait3A_2032 : memref<1x200x1x8x32xf32, #tpu.memory_space<hbm>> -> memref<200x8x32xf32, #tpu.memory_space<hbm>>
    %dma_wait3A_2034 = arith.constant 0 : i32
    %dma_wait3A_2035 = arith.constant 0 : i32
    %dma_wait3A_2036 = tpu.memref_slice %arg4[%dma_wait3A_2025, %dma_wait3A_2034, %select_n3A_1372, %dma_wait3A_2035, %mul3A_1390] : memref<20x200x8x8x128xf32, #tpu.memory_space<hbm>> -> memref<1x200x1x8x32xf32, #tpu.memory_space<hbm>>
    %dma_wait3A_2037 = tpu.memref_squeeze %dma_wait3A_2036 : memref<1x200x1x8x32xf32, #tpu.memory_space<hbm>> -> memref<200x8x32xf32, #tpu.memory_space<hbm>>
    %dma_wait3A_2038 = arith.constant 0 : i32
    %dma_wait3A_2039 = arith.constant 0 : i32
    %dma_wait3A_2040 = arith.constant 0 : i32
    %dma_wait3A_2041 = tpu.memref_slice %arg7[%dma_wait3A_2038, %dma_wait3A_2039, %dma_wait3A_2040] : memref<200x8x33xf32, #tpu.memory_space<vmem>> -> memref<200x8x32xf32, #tpu.memory_space<vmem>>
    tpu.wait_dma2 semaphore(%arg9 : memref<!tpu.dma_semaphore, #tpu.memory_space<semaphore_mem>>) src(%dma_wait3A_2041 : memref<200x8x32xf32, #tpu.memory_space<vmem>>) dst(%dma_wait3A_2037 : memref<200x8x32xf32, #tpu.memory_space<hbm>>)
    %dma_wait3A_2042 = arith.constant 13 : i32
    %dma_wait3A_2043 = arith.constant 0 : i32
    %dma_wait3A_2044 = arith.constant 0 : i32
    %dma_wait3A_2045 = arith.constant 0 : i32
    %dma_wait3A_2046 = tpu.memref_slice %arg7[%dma_wait3A_2043, %dma_wait3A_2044, %dma_wait3A_2045] : memref<200x8x33xf32, #tpu.memory_space<vmem>> -> memref<200x8x32xf32, #tpu.memory_space<vmem>>
    %dma_wait3A_2047 = arith.constant 0 : i32
    %dma_wait3A_2048 = arith.constant 0 : i32
    %dma_wait3A_2049 = tpu.memref_slice %arg4[%dma_wait3A_2042, %dma_wait3A_2047, %select_n3A_1431, %dma_wait3A_2048, %mul3A_1449] : memref<20x200x8x8x128xf32, #tpu.memory_space<hbm>> -> memref<1x200x1x8x32xf32, #tpu.memory_space<hbm>>
    %dma_wait3A_2050 = tpu.memref_squeeze %dma_wait3A_2049 : memref<1x200x1x8x32xf32, #tpu.memory_space<hbm>> -> memref<200x8x32xf32, #tpu.memory_space<hbm>>
    %dma_wait3A_2051 = arith.constant 0 : i32
    %dma_wait3A_2052 = arith.constant 0 : i32
    %dma_wait3A_2053 = tpu.memref_slice %arg4[%dma_wait3A_2042, %dma_wait3A_2051, %select_n3A_1431, %dma_wait3A_2052, %mul3A_1449] : memref<20x200x8x8x128xf32, #tpu.memory_space<hbm>> -> memref<1x200x1x8x32xf32, #tpu.memory_space<hbm>>
    %dma_wait3A_2054 = tpu.memref_squeeze %dma_wait3A_2053 : memref<1x200x1x8x32xf32, #tpu.memory_space<hbm>> -> memref<200x8x32xf32, #tpu.memory_space<hbm>>
    %dma_wait3A_2055 = arith.constant 0 : i32
    %dma_wait3A_2056 = arith.constant 0 : i32
    %dma_wait3A_2057 = arith.constant 0 : i32
    %dma_wait3A_2058 = tpu.memref_slice %arg7[%dma_wait3A_2055, %dma_wait3A_2056, %dma_wait3A_2057] : memref<200x8x33xf32, #tpu.memory_space<vmem>> -> memref<200x8x32xf32, #tpu.memory_space<vmem>>
    tpu.wait_dma2 semaphore(%arg9 : memref<!tpu.dma_semaphore, #tpu.memory_space<semaphore_mem>>) src(%dma_wait3A_2058 : memref<200x8x32xf32, #tpu.memory_space<vmem>>) dst(%dma_wait3A_2054 : memref<200x8x32xf32, #tpu.memory_space<hbm>>)
    %dma_wait3A_2059 = arith.constant 14 : i32
    %dma_wait3A_2060 = arith.constant 0 : i32
    %dma_wait3A_2061 = arith.constant 0 : i32
    %dma_wait3A_2062 = arith.constant 0 : i32
    %dma_wait3A_2063 = tpu.memref_slice %arg7[%dma_wait3A_2060, %dma_wait3A_2061, %dma_wait3A_2062] : memref<200x8x33xf32, #tpu.memory_space<vmem>> -> memref<200x8x32xf32, #tpu.memory_space<vmem>>
    %dma_wait3A_2064 = arith.constant 0 : i32
    %dma_wait3A_2065 = arith.constant 0 : i32
    %dma_wait3A_2066 = tpu.memref_slice %arg4[%dma_wait3A_2059, %dma_wait3A_2064, %select_n3A_1490, %dma_wait3A_2065, %mul3A_1508] : memref<20x200x8x8x128xf32, #tpu.memory_space<hbm>> -> memref<1x200x1x8x32xf32, #tpu.memory_space<hbm>>
    %dma_wait3A_2067 = tpu.memref_squeeze %dma_wait3A_2066 : memref<1x200x1x8x32xf32, #tpu.memory_space<hbm>> -> memref<200x8x32xf32, #tpu.memory_space<hbm>>
    %dma_wait3A_2068 = arith.constant 0 : i32
    %dma_wait3A_2069 = arith.constant 0 : i32
    %dma_wait3A_2070 = tpu.memref_slice %arg4[%dma_wait3A_2059, %dma_wait3A_2068, %select_n3A_1490, %dma_wait3A_2069, %mul3A_1508] : memref<20x200x8x8x128xf32, #tpu.memory_space<hbm>> -> memref<1x200x1x8x32xf32, #tpu.memory_space<hbm>>
    %dma_wait3A_2071 = tpu.memref_squeeze %dma_wait3A_2070 : memref<1x200x1x8x32xf32, #tpu.memory_space<hbm>> -> memref<200x8x32xf32, #tpu.memory_space<hbm>>
    %dma_wait3A_2072 = arith.constant 0 : i32
    %dma_wait3A_2073 = arith.constant 0 : i32
    %dma_wait3A_2074 = arith.constant 0 : i32
    %dma_wait3A_2075 = tpu.memref_slice %arg7[%dma_wait3A_2072, %dma_wait3A_2073, %dma_wait3A_2074] : memref<200x8x33xf32, #tpu.memory_space<vmem>> -> memref<200x8x32xf32, #tpu.memory_space<vmem>>
    tpu.wait_dma2 semaphore(%arg9 : memref<!tpu.dma_semaphore, #tpu.memory_space<semaphore_mem>>) src(%dma_wait3A_2075 : memref<200x8x32xf32, #tpu.memory_space<vmem>>) dst(%dma_wait3A_2071 : memref<200x8x32xf32, #tpu.memory_space<hbm>>)
    %dma_wait3A_2076 = arith.constant 15 : i32
    %dma_wait3A_2077 = arith.constant 0 : i32
    %dma_wait3A_2078 = arith.constant 0 : i32
    %dma_wait3A_2079 = arith.constant 0 : i32
    %dma_wait3A_2080 = tpu.memref_slice %arg7[%dma_wait3A_2077, %dma_wait3A_2078, %dma_wait3A_2079] : memref<200x8x33xf32, #tpu.memory_space<vmem>> -> memref<200x8x32xf32, #tpu.memory_space<vmem>>
    %dma_wait3A_2081 = arith.constant 0 : i32
    %dma_wait3A_2082 = arith.constant 0 : i32
    %dma_wait3A_2083 = tpu.memref_slice %arg4[%dma_wait3A_2076, %dma_wait3A_2081, %select_n3A_1549, %dma_wait3A_2082, %mul3A_1567] : memref<20x200x8x8x128xf32, #tpu.memory_space<hbm>> -> memref<1x200x1x8x32xf32, #tpu.memory_space<hbm>>
    %dma_wait3A_2084 = tpu.memref_squeeze %dma_wait3A_2083 : memref<1x200x1x8x32xf32, #tpu.memory_space<hbm>> -> memref<200x8x32xf32, #tpu.memory_space<hbm>>
    %dma_wait3A_2085 = arith.constant 0 : i32
    %dma_wait3A_2086 = arith.constant 0 : i32
    %dma_wait3A_2087 = tpu.memref_slice %arg4[%dma_wait3A_2076, %dma_wait3A_2085, %select_n3A_1549, %dma_wait3A_2086, %mul3A_1567] : memref<20x200x8x8x128xf32, #tpu.memory_space<hbm>> -> memref<1x200x1x8x32xf32, #tpu.memory_space<hbm>>
    %dma_wait3A_2088 = tpu.memref_squeeze %dma_wait3A_2087 : memref<1x200x1x8x32xf32, #tpu.memory_space<hbm>> -> memref<200x8x32xf32, #tpu.memory_space<hbm>>
    %dma_wait3A_2089 = arith.constant 0 : i32
    %dma_wait3A_2090 = arith.constant 0 : i32
    %dma_wait3A_2091 = arith.constant 0 : i32
    %dma_wait3A_2092 = tpu.memref_slice %arg7[%dma_wait3A_2089, %dma_wait3A_2090, %dma_wait3A_2091] : memref<200x8x33xf32, #tpu.memory_space<vmem>> -> memref<200x8x32xf32, #tpu.memory_space<vmem>>
    tpu.wait_dma2 semaphore(%arg9 : memref<!tpu.dma_semaphore, #tpu.memory_space<semaphore_mem>>) src(%dma_wait3A_2092 : memref<200x8x32xf32, #tpu.memory_space<vmem>>) dst(%dma_wait3A_2088 : memref<200x8x32xf32, #tpu.memory_space<hbm>>)
    %dma_wait3A_2093 = arith.constant 16 : i32
    %dma_wait3A_2094 = arith.constant 0 : i32
    %dma_wait3A_2095 = arith.constant 0 : i32
    %dma_wait3A_2096 = arith.constant 0 : i32
    %dma_wait3A_2097 = tpu.memref_slice %arg7[%dma_wait3A_2094, %dma_wait3A_2095, %dma_wait3A_2096] : memref<200x8x33xf32, #tpu.memory_space<vmem>> -> memref<200x8x32xf32, #tpu.memory_space<vmem>>
    %dma_wait3A_2098 = arith.constant 0 : i32
    %dma_wait3A_2099 = arith.constant 0 : i32
    %dma_wait3A_2100 = tpu.memref_slice %arg4[%dma_wait3A_2093, %dma_wait3A_2098, %select_n3A_1608, %dma_wait3A_2099, %mul3A_1626] : memref<20x200x8x8x128xf32, #tpu.memory_space<hbm>> -> memref<1x200x1x8x32xf32, #tpu.memory_space<hbm>>
    %dma_wait3A_2101 = tpu.memref_squeeze %dma_wait3A_2100 : memref<1x200x1x8x32xf32, #tpu.memory_space<hbm>> -> memref<200x8x32xf32, #tpu.memory_space<hbm>>
    %dma_wait3A_2102 = arith.constant 0 : i32
    %dma_wait3A_2103 = arith.constant 0 : i32
    %dma_wait3A_2104 = tpu.memref_slice %arg4[%dma_wait3A_2093, %dma_wait3A_2102, %select_n3A_1608, %dma_wait3A_2103, %mul3A_1626] : memref<20x200x8x8x128xf32, #tpu.memory_space<hbm>> -> memref<1x200x1x8x32xf32, #tpu.memory_space<hbm>>
    %dma_wait3A_2105 = tpu.memref_squeeze %dma_wait3A_2104 : memref<1x200x1x8x32xf32, #tpu.memory_space<hbm>> -> memref<200x8x32xf32, #tpu.memory_space<hbm>>
    %dma_wait3A_2106 = arith.constant 0 : i32
    %dma_wait3A_2107 = arith.constant 0 : i32
    %dma_wait3A_2108 = arith.constant 0 : i32
    %dma_wait3A_2109 = tpu.memref_slice %arg7[%dma_wait3A_2106, %dma_wait3A_2107, %dma_wait3A_2108] : memref<200x8x33xf32, #tpu.memory_space<vmem>> -> memref<200x8x32xf32, #tpu.memory_space<vmem>>
    tpu.wait_dma2 semaphore(%arg9 : memref<!tpu.dma_semaphore, #tpu.memory_space<semaphore_mem>>) src(%dma_wait3A_2109 : memref<200x8x32xf32, #tpu.memory_space<vmem>>) dst(%dma_wait3A_2105 : memref<200x8x32xf32, #tpu.memory_space<hbm>>)
    %dma_wait3A_2110 = arith.constant 17 : i32
    %dma_wait3A_2111 = arith.constant 0 : i32
    %dma_wait3A_2112 = arith.constant 0 : i32
    %dma_wait3A_2113 = arith.constant 0 : i32
    %dma_wait3A_2114 = tpu.memref_slice %arg7[%dma_wait3A_2111, %dma_wait3A_2112, %dma_wait3A_2113] : memref<200x8x33xf32, #tpu.memory_space<vmem>> -> memref<200x8x32xf32, #tpu.memory_space<vmem>>
    %dma_wait3A_2115 = arith.constant 0 : i32
    %dma_wait3A_2116 = arith.constant 0 : i32
    %dma_wait3A_2117 = tpu.memref_slice %arg4[%dma_wait3A_2110, %dma_wait3A_2115, %select_n3A_1667, %dma_wait3A_2116, %mul3A_1685] : memref<20x200x8x8x128xf32, #tpu.memory_space<hbm>> -> memref<1x200x1x8x32xf32, #tpu.memory_space<hbm>>
    %dma_wait3A_2118 = tpu.memref_squeeze %dma_wait3A_2117 : memref<1x200x1x8x32xf32, #tpu.memory_space<hbm>> -> memref<200x8x32xf32, #tpu.memory_space<hbm>>
    %dma_wait3A_2119 = arith.constant 0 : i32
    %dma_wait3A_2120 = arith.constant 0 : i32
    %dma_wait3A_2121 = tpu.memref_slice %arg4[%dma_wait3A_2110, %dma_wait3A_2119, %select_n3A_1667, %dma_wait3A_2120, %mul3A_1685] : memref<20x200x8x8x128xf32, #tpu.memory_space<hbm>> -> memref<1x200x1x8x32xf32, #tpu.memory_space<hbm>>
    %dma_wait3A_2122 = tpu.memref_squeeze %dma_wait3A_2121 : memref<1x200x1x8x32xf32, #tpu.memory_space<hbm>> -> memref<200x8x32xf32, #tpu.memory_space<hbm>>
    %dma_wait3A_2123 = arith.constant 0 : i32
    %dma_wait3A_2124 = arith.constant 0 : i32
    %dma_wait3A_2125 = arith.constant 0 : i32
    %dma_wait3A_2126 = tpu.memref_slice %arg7[%dma_wait3A_2123, %dma_wait3A_2124, %dma_wait3A_2125] : memref<200x8x33xf32, #tpu.memory_space<vmem>> -> memref<200x8x32xf32, #tpu.memory_space<vmem>>
    tpu.wait_dma2 semaphore(%arg9 : memref<!tpu.dma_semaphore, #tpu.memory_space<semaphore_mem>>) src(%dma_wait3A_2126 : memref<200x8x32xf32, #tpu.memory_space<vmem>>) dst(%dma_wait3A_2122 : memref<200x8x32xf32, #tpu.memory_space<hbm>>)
    %dma_wait3A_2127 = arith.constant 18 : i32
    %dma_wait3A_2128 = arith.constant 0 : i32
    %dma_wait3A_2129 = arith.constant 0 : i32
    %dma_wait3A_2130 = arith.constant 0 : i32
    %dma_wait3A_2131 = tpu.memref_slice %arg7[%dma_wait3A_2128, %dma_wait3A_2129, %dma_wait3A_2130] : memref<200x8x33xf32, #tpu.memory_space<vmem>> -> memref<200x8x32xf32, #tpu.memory_space<vmem>>
    %dma_wait3A_2132 = arith.constant 0 : i32
    %dma_wait3A_2133 = arith.constant 0 : i32
    %dma_wait3A_2134 = tpu.memref_slice %arg4[%dma_wait3A_2127, %dma_wait3A_2132, %select_n3A_1726, %dma_wait3A_2133, %mul3A_1744] : memref<20x200x8x8x128xf32, #tpu.memory_space<hbm>> -> memref<1x200x1x8x32xf32, #tpu.memory_space<hbm>>
    %dma_wait3A_2135 = tpu.memref_squeeze %dma_wait3A_2134 : memref<1x200x1x8x32xf32, #tpu.memory_space<hbm>> -> memref<200x8x32xf32, #tpu.memory_space<hbm>>
    %dma_wait3A_2136 = arith.constant 0 : i32
    %dma_wait3A_2137 = arith.constant 0 : i32
    %dma_wait3A_2138 = tpu.memref_slice %arg4[%dma_wait3A_2127, %dma_wait3A_2136, %select_n3A_1726, %dma_wait3A_2137, %mul3A_1744] : memref<20x200x8x8x128xf32, #tpu.memory_space<hbm>> -> memref<1x200x1x8x32xf32, #tpu.memory_space<hbm>>
    %dma_wait3A_2139 = tpu.memref_squeeze %dma_wait3A_2138 : memref<1x200x1x8x32xf32, #tpu.memory_space<hbm>> -> memref<200x8x32xf32, #tpu.memory_space<hbm>>
    %dma_wait3A_2140 = arith.constant 0 : i32
    %dma_wait3A_2141 = arith.constant 0 : i32
    %dma_wait3A_2142 = arith.constant 0 : i32
    %dma_wait3A_2143 = tpu.memref_slice %arg7[%dma_wait3A_2140, %dma_wait3A_2141, %dma_wait3A_2142] : memref<200x8x33xf32, #tpu.memory_space<vmem>> -> memref<200x8x32xf32, #tpu.memory_space<vmem>>
    tpu.wait_dma2 semaphore(%arg9 : memref<!tpu.dma_semaphore, #tpu.memory_space<semaphore_mem>>) src(%dma_wait3A_2143 : memref<200x8x32xf32, #tpu.memory_space<vmem>>) dst(%dma_wait3A_2139 : memref<200x8x32xf32, #tpu.memory_space<hbm>>)
    %dma_wait3A_2144 = arith.constant 19 : i32
    %dma_wait3A_2145 = arith.constant 0 : i32
    %dma_wait3A_2146 = arith.constant 0 : i32
    %dma_wait3A_2147 = arith.constant 0 : i32
    %dma_wait3A_2148 = tpu.memref_slice %arg7[%dma_wait3A_2145, %dma_wait3A_2146, %dma_wait3A_2147] : memref<200x8x33xf32, #tpu.memory_space<vmem>> -> memref<200x8x32xf32, #tpu.memory_space<vmem>>
    %dma_wait3A_2149 = arith.constant 0 : i32
    %dma_wait3A_2150 = arith.constant 0 : i32
    %dma_wait3A_2151 = tpu.memref_slice %arg4[%dma_wait3A_2144, %dma_wait3A_2149, %select_n3A_1785, %dma_wait3A_2150, %mul3A_1803] : memref<20x200x8x8x128xf32, #tpu.memory_space<hbm>> -> memref<1x200x1x8x32xf32, #tpu.memory_space<hbm>>
    %dma_wait3A_2152 = tpu.memref_squeeze %dma_wait3A_2151 : memref<1x200x1x8x32xf32, #tpu.memory_space<hbm>> -> memref<200x8x32xf32, #tpu.memory_space<hbm>>
    %dma_wait3A_2153 = arith.constant 0 : i32
    %dma_wait3A_2154 = arith.constant 0 : i32
    %dma_wait3A_2155 = tpu.memref_slice %arg4[%dma_wait3A_2144, %dma_wait3A_2153, %select_n3A_1785, %dma_wait3A_2154, %mul3A_1803] : memref<20x200x8x8x128xf32, #tpu.memory_space<hbm>> -> memref<1x200x1x8x32xf32, #tpu.memory_space<hbm>>
    %dma_wait3A_2156 = tpu.memref_squeeze %dma_wait3A_2155 : memref<1x200x1x8x32xf32, #tpu.memory_space<hbm>> -> memref<200x8x32xf32, #tpu.memory_space<hbm>>
    %dma_wait3A_2157 = arith.constant 0 : i32
    %dma_wait3A_2158 = arith.constant 0 : i32
    %dma_wait3A_2159 = arith.constant 0 : i32
    %dma_wait3A_2160 = tpu.memref_slice %arg7[%dma_wait3A_2157, %dma_wait3A_2158, %dma_wait3A_2159] : memref<200x8x33xf32, #tpu.memory_space<vmem>> -> memref<200x8x32xf32, #tpu.memory_space<vmem>>
    tpu.wait_dma2 semaphore(%arg9 : memref<!tpu.dma_semaphore, #tpu.memory_space<semaphore_mem>>) src(%dma_wait3A_2160 : memref<200x8x32xf32, #tpu.memory_space<vmem>>) dst(%dma_wait3A_2156 : memref<200x8x32xf32, #tpu.memory_space<hbm>>)
    return
  }
}

</mosaic_0001>

<sc_bundles>
// kernel: kernel.3.cloned.1.call-start
scs
__scs_entry_jumppad:
0x0: {  	(pc) =	sbr.rel $0x88, $3  }
0x1: {  	(tag) =	ssettag $0x0;
	lr =	simm.s32 $0x1  }
0x2: {  	[smem:$0x3F9F] =	sst lr;
	_ =	strace $0xD0000000  }
0x3: {  	_ = 	snop  }
0x4: {  	_ = 	snop  }
0x5: {  	_ = 	snop  }
0x6: {  	_ = 	snop  }
0x7: {  	_ = 	snop  }
__scs_overlays_trampoline_lowered:
0x8: {  	[smem:$0x3FAE] =	sst s0  }
0x9: {  	[smem:$0x3FAF] =	sst s1  }
0xa: {  	[smem:$0x3FB0] =	sst s2  }
0xb: {  	[smem:$0x3FB1] =	sst s3  }
0xc: {  	[smem:$0x3FB2] =	sst s4  }
0xd: {  	[smem:$0x3FB3] =	sst s5  }
0xe: {  	[smem:$0x3FB4] =	sst s6  }
0xf: {  	[smem:$0x3FB5] =	sst s7  }
0x10: {  	[smem:$0x3FB6] =	sst s8  }
0x11: {  	[smem:$0x3FB7] =	sst s9;
	s0 =	simm.s32 @!p0 $0x0  }
0x12: {  	s1 =	sld [smem:$0x3F9D];
	s0 =	simm.s32 @p0 $0x1  }
0x13: {  	[smem:$0x3FB8] =	sst s0;
	s0 =	simm.s32 @!p1 $0x0  }
0x14: {  	s2 =	sld [smem:$0x3F9C];
	s0 =	simm.s32 @p1 $0x1  }
0x15: {  	[smem:$0x3FB9] =	sst s0;
	s0 =	simm.s32 @!p2 $0x0  }
0x16: {  	s3 =	sld [smem:$0x3FDB];
	s0 =	simm.s32 @p2 $0x1  }
0x17: {  	s4 =	simm.s32 $0x1BF5;
	[smem:$0x3FBB] =	sst s0  }
0x18: {  	s0 =	sld [smem:$0x3F9E];
	_ =	swait.ge [sflag:s4], $0x0  }
0x19: {  	s7 =	sld [smem:$0x3F9F]  }
0x1a: {  	s8 =	sadd.s32 $0xFFFFE003, lr  }
0x1b: {  	s9 =	sadd.s32 $0xFFFFFEF7, lr;
	s5 =	simm.s32 $0xFFFFFFFF;
	p2 =	slt.u32 s8, $0xFFFFF086  }
0x1c: {  	p1 =	slt.u32 s9, $0xF7A;
	s5 =	simm.s32 @!p2 $0x0  }
0x1d: {  	s5 =	simm.s32 @p1 $0x1;
	p0 =	seq.s32 s7, s2  }
0x1e: {  	s7 =	smul.u32 @!p0 $0xF7A, s2;
	p2 =	seq.s32 @!p0 s5, $0x0  }
0x1f: {  	s9 =	smul.u32 $0xF7A, s1;
	s8 =	simm.s32 @!p0 $0x1BF5;
	p2 =	por !p2, p0  }
0x20: {  	[sflag:s8] =	ssyncset.s32 @!p0 $0xFFFFF086;
	s6 =	sadd.s32 @!p0 s3, s7;
	s7 =	simm.s32 @!p0 $0x108  }
0x21: {  	s3 =	sadd.s32 s3, s9;
	s6 =	sadd.s32 @!p0 $0x88, s6;
	s7 =	simm.s32 @p2 $0x1082  }
0x22: {  	[simem:s7], [sflag:s8] =	dma.local @!p0 [hbm:s6], $0xF7A  }
0x23: {  	s9 =	sor.u32 $0xD0000000, s2;
	s6 =	simm.s32 $0x108;
	_ =	swait.ge @!p0 [sflag:s8], $0x0  }
0x24: {  	s3 =	sadd.s32 $0x88, s3;
	s6 =	simm.s32 @!p1 $0x1082;
	[sflag:s4] =	ssyncset.s32 $0xFFFFF086  }
0x25: {  	[simem:s6], [sflag:s4] =	dma.local [hbm:s3], $0xF7A  }
0x26: {  	[smem:$0x3F9F] =	sst s1;
	(tag) =	ssettag s2;
	_ =	strace s9  }
0x27: {  	s1 =	sld [smem:$0x3FAF]  }
0x28: {  	s2 =	sld [smem:$0x3FB0]  }
0x29: {  	s4 =	sld [smem:$0x3FB2]  }
0x2a: {  	p0 =	seq.s32 s5, $0x0;
	s5 =	sld [smem:$0x3FB3]  }
0x2b: {  	s6 =	sld [smem:$0x3FB4]  }
0x2c: {  	s7 =	sld [smem:$0x3FB5]  }
0x2d: {  	s3 =	simm.s32 $0x108;
	s8 =	sld [smem:$0x3FB6]  }
0x2e: {  	s3 =	simm.s32 @!p0 $0x1082;
	s9 =	sld [smem:$0x3FB7]  }
0x2f: {  	lr =	sadd.s32 s0, s3;
	s0 =	sld [smem:$0x3FAE]  }
0x30: {  	s3 =	sld [smem:$0x3FB1]  }
0x31: {  	[smem:$0x3FBA] =	sst s10  }
0x32: {  	s10 =	sld [smem:$0x3FB8];
	_ =	sdelay $0x3  }
0x33: {  	p0 =	seq.s32 s10, $0x1;
	s10 =	sld [smem:$0x3FBA];
	_ =	sdelay $0x3  }
0x34: {  	[smem:$0x3FBA] =	sst s10  }
0x35: {  	s10 =	sld [smem:$0x3FB9];
	_ =	sdelay $0x3  }
0x36: {  	p1 =	seq.s32 s10, $0x1;
	s10 =	sld [smem:$0x3FBA];
	_ =	sdelay $0x3  }
0x37: {  	[smem:$0x3FBA] =	sst s10  }
0x38: {  	s10 =	sld [smem:$0x3FBB]  }
0x39: {  	_ = 	snop;
	(pc) =	sbr.ind lr, $3  }
0x3a: {  	_ = 	snop  }
0x3b: {  	_ = 	snop  }
0x3c: {  	p2 =	seq.s32 s10, $0x1;
	s10 =	sld [smem:$0x3FBA]  }
0x3d: {  	_ =	shalt  }
0x3e: {  	_ =	shalt  }
0x3f: {  	_ =	shalt  }
0x40: {  	_ =	shalt  }
0x41: {  	_ =	shalt  }
0x42: {  	_ =	shalt  }
0x43: {  	_ =	shalt  }
0x44: {  	_ =	shalt  }
0x45: {  	_ =	shalt  }
0x46: {  	_ =	shalt  }
0x47: {  	_ =	shalt  }
0x48: {  	_ =	shalt  }
0x49: {  	_ =	shalt  }
0x4a: {  	_ =	shalt  }
0x4b: {  	_ =	shalt  }
0x4c: {  	_ =	shalt  }
0x4d: {  	_ =	shalt  }
0x4e: {  	_ =	shalt  }
0x4f: {  	_ =	shalt  }
0x50: {  	_ =	shalt  }
0x51: {  	_ =	shalt  }
0x52: {  	_ =	shalt  }
0x53: {  	_ =	shalt  }
0x54: {  	_ =	shalt  }
0x55: {  	_ =	shalt  }
0x56: {  	_ =	shalt  }
0x57: {  	_ =	shalt  }
0x58: {  	_ =	shalt  }
0x59: {  	_ =	shalt  }
0x5a: {  	_ =	shalt  }
0x5b: {  	_ =	shalt  }
0x5c: {  	_ =	shalt  }
0x5d: {  	_ =	shalt  }
0x5e: {  	_ =	shalt  }
0x5f: {  	_ =	shalt  }
0x60: {  	_ =	shalt  }
0x61: {  	_ =	shalt  }
0x62: {  	_ =	shalt  }
0x63: {  	_ =	shalt  }
0x64: {  	_ =	shalt  }
0x65: {  	_ =	shalt  }
0x66: {  	_ =	shalt  }
0x67: {  	_ =	shalt  }
0x68: {  	_ =	shalt  }
0x69: {  	_ =	shalt  }
0x6a: {  	_ =	shalt  }
0x6b: {  	_ =	shalt  }
0x6c: {  	_ =	shalt  }
0x6d: {  	_ =	shalt  }
0x6e: {  	_ =	shalt  }
0x6f: {  	_ =	shalt  }
0x70: {  	_ =	shalt  }
0x71: {  	_ =	shalt  }
0x72: {  	_ =	shalt  }
0x73: {  	_ =	shalt  }
0x74: {  	_ =	shalt  }
0x75: {  	_ =	shalt  }
0x76: {  	_ =	shalt  }
0x77: {  	_ =	shalt  }
0x78: {  	_ =	shalt  }
0x79: {  	_ =	shalt  }
0x7a: {  	_ =	shalt  }
0x7b: {  	_ =	shalt  }
0x7c: {  	_ =	shalt  }
0x7d: {  	_ =	shalt  }
0x7e: {  	_ =	shalt  }
0x7f: {  	_ =	shalt  }
0x80: {  	_ =	shalt  }
0x81: {  	_ =	shalt  }
0x82: {  	_ =	shalt  }
0x83: {  	_ =	shalt  }
0x84: {  	_ =	shalt  }
0x85: {  	_ =	shalt  }
0x86: {  	_ =	shalt  }
0x87: {  	_ =	shalt  }
.Lfunc_end0:
.L_simem_size_0:
called_computation_lowered:
.L_overlay_start_0:
0x88: {  	s2 =	sld [smem:$0x3FD9]  }
0x89: {  	s3 =	sld [smem:$0x3FFE];
	_ =	sdelay $0x1  }
0x8a: {  	s1 =	srdreg.scid  }
0x8b: {  	s0 =	sand.u32 $0x1, s1  }
0x8c: {  	s17 =	sshll.u32 s0, $0xA;
	s2 =	sadd.s32 s3, s2  }
0x8d: {  	s2 =	sadd.s32 s2, s17  }
0x8e: {  	[smem:$0x3FC6] =	sst s2  }
0x8f: {  	_ = 	snop  }
0x90: {  	s2 =	sld [smem:$0x3FD0];
	(tm) =	ssettm $0x1  }
0x91: {  	s18 =	sld [smem:$0x3FFB];
	_ =	sdelay $0x3  }
0x92: {  	_ =	strace s18  }
0x93: {  	s3 =	sld [smem:$0x3FFC];
	_ =	sdelay $0x3  }
0x94: {  	_ =	strace s3  }
0x95: {  	s3 =	sld [smem:$0x3FFD];
	_ =	sdelay $0x3  }
0x96: {  	_ =	strace s3  }
0x97: {  	_ =	strace $0x8FFFFFFF  }
0x98: {  	s19 =	sld [smem:$0x3FDB];
	_ =	sdelay $0x1  }
0x99: {  	s4 =	simm.s32 $_scs_section_size  }
0x9a: {  	s5 =	simm.s32 $_size__tile_overlayer_lowered;
	s6 =	simm.s32 $_tile_overlayer_lowered  }
0x9b: {  	s22 =	simm.s32 $0x1BFF;
	s21 =	sshll.u32 s6, $0x1;
	s3 =	sadd.s32 s4, s19  }
0x9c: {  	s7 =	simm.s32 $0x0;
	s20 =	sshll.u32 s5, $0x1;
	s5 =	sadd.s32 s21, s3  }
0x9d: {  	[timem:s7], [sflag:s22] =	dma.local [hbm:s5], s20  }
0x9e: {  	_ =	swait.ge [sflag:s22], s20  }
0x9f: {  	s4 =	ssub.s32 $0x0, s20;
	[sflag:s22] =	ssyncset.done $0x0  }
0xa0: {  	[sflag:s22] =	ssyncadd.s32 s4;
	_ =	sdelay $0x1  }
0xa1: {  	s23 =	simm.s32 $0x1B8B  }
0xa2: {  	_ =	swait.ge [sflag:s23], $0x1  }
0xa3: {  	[sflag:s23] =	ssyncset.done $0x0  }
0xa4: {  	s25 =	simm.s32 $0x1B8E;
	s24 =	sld [smem:$0x3FFE];
	[sflag:s23] =	ssyncadd.s32 $0xFFFFFFFF  }
0xa5: {  	s26 =	simm.s32 $execute0_lowered;
	[smem:$0x3FD2] =	sst s25  }
0xa6: {  	s5 =	sshll.u32 s26, $0x1;
	_ =	strace $0x80000046;
	[dreg:$0x1] =	wrdreg $0xFFFFFFFF  }
0xa7: {  	s28 =	simm.s32 $_size_execute0_lowered;
	s3 =	sadd.s32 s3, s5;
	[dreg:$0x0] =	wrdreg $0x0  }
0xa8: {  	s5 =	sshll.u32 s28, $0x1;
	[dreg:$0x2] =	wrdreg s3  }
0xa9: {  	[dreg:$0x3] =	wrdreg s5  }
0xaa: {  	[dreg:$0x4] =	wrdreg $0xC0  }
0xab: {  	_ =	task [dreg:s7], $0x5FFFF  }
0xac: {  	[dreg:$0x1] =	wrdreg $0xFFFFFFFF  }
0xad: {  	[dreg:$0x0] =	wrdreg $0x60  }
0xae: {  	[dreg:$0x2] =	wrdreg s24  }
0xaf: {  	[dreg:$0x3] =	wrdreg s2  }
0xb0: {  	[dreg:$0x4] =	wrdreg $0x9  }
0xb1: {  	_ =	task.clear_ibuf [dreg:s7], $0x5FFFF;
	_ =	strace $0x90000046  }
0xb2: {  	s29 =	simm.s32 $0x9;
	_ =	strace $0x80000048  }
0xb3: {  	_ =	swait.ge [sflag:s29], $0x1  }
0xb4: {  	[sflag:s29] =	ssyncadd.s32 $0xFFFFFFFF  }
0xb5: {  	_ =	strace $0x90000048  }
0xb6: {  	_ =	sfence  }
0xb7: {  	s30 =	sld [smem:$0x0];
	_ =	sdelay $0x2  }
0xb8: {  	s31 =	sshll.u32 s1, $0xD;
	s1 =	sshrl.u32 s1, $0x2  }
0xb9: {  	s3 =	sand.u32 $0x4000, s31;
	s1 =	sadd.s32 s1, s30  }
0xba: {  	s0 =	sor.u32 s3, s0;
	s1 =	sshll.u32 s1, $0x11  }
0xbb: {  	s0 =	sor.u32 s1, s0  }
0xbc: {  	s0 =	sadd.s32 $0x8F2B, s0  }
0xbd: {  	[sflag:s0] =	ssyncadd.remote.s32 $0x1  }
0xbe: {  	_ =	sfence.sel $0xFFFF  }
0xbf: {  	[dreg:$0x0] =	wrdreg $0xFFFFFFFF;
	(pc) =	sbr.abs _section_cstart, $3  }
0xc0: {  	[dreg:$0x1] =	wrdreg $0xFFFFFFFF  }
0xc1: {  	_ =	task.clear_ibuf [dreg:s7], $0x2FFFF;
	_ =	strace $0x9FFFFFFF  }
0xc2: {  	(tm) =	ssettm $0x7FFFFFFF  }
0xc3: {  	_ =	shalt  }
tec
execute0_lowered:
.L_overlay_start_1:
0x0: {  	(tag) =	ssettag $0x1  }
0x1: {  	v0 =	vlaneseq.u32  }
0x2: {  	v0 =	vmul.u32 $0x28, v0;
	_ =	sdelay $0x1  }
0x3: {  	v1 =	vadd.s32 $0x280, v0;
	v2 =	vadd.s32 $0x500, v0  }
0x4: {  	v3 =	vadd.s32 $0x780, v0;
	v4 =	vadd.s32 $0xA00, v0;
	v5 =	vadd.s32 $0xC80, v0  }
0x5: {  	v6 =	vadd.s32 $0xF00, v0;
	v7 =	vadd.s32 $0x1180, v0;
	v8 =	vor.u32 $0x1400, v0  }
0x6: {  	v9 =	vadd.s32 $0x1680, v0;
	v10 =	vadd.s32 $0x1900, v0;
	v11 =	vadd.s32 $0x1B80, v0  }
0x7: {  	v12 =	vadd.s32 $0x1E00, v0;
	v13 =	vadd.s32 $0x2080, v0;
	v14 =	vadd.s32 $0x2300, v0  }
0x8: {  	s0 =	rddreg [dreg:$0x0];
	v15 =	vadd.s32 $0x2580, v0;
	v16 =	vor.u32 $0x2800, v0;
	v17 =	vadd.s32 $0x2A80, v0  }
0x9: {  	s1 =	rddreg [dreg:$0x1];
	s3 =	srdreg.scid;
	v18 =	vadd.s32 $0x2D00, v0;
	v19 =	vadd.s32 $0x2F80, v0;
	v20 =	vadd.s32 $0x3200, v0  }
0xa: {  	s6 =	stileid.u32;
	s2 =	simm.s32 $0x0;
	s28 =	simm.s32 $0x32;
	v21 =	vadd.s32 $0x3480, v0;
	v22 =	vadd.s32 $0x3700, v0;
	v23 =	vadd.s32 $0x3980, v0  }
0xb: {  	s29 =	simm.s32 $0x2;
	s3 =	sand.u32 $0x1, s3;
	s4 =	sshll.u32 s6, $0x1;
	v24 =	vor.u32 $0x3C00, v0;
	v25 =	vadd.s32 $0x3E80, v0;
	v26 =	vadd.s32 $0x4100, v0  }
0xc: {  	[smem:$0x7FF] =	sst s2;
	s6 =	sshll.u32 s6, $0x6;
	s4 =	sor.u32 s3, s4;
	v27 =	vadd.s32 $0x4380, v0;
	v28 =	vadd.s32 $0x4600, v0;
	v29 =	vadd.s32 $0x4880, v0  }
0xd: {  	s7 =	ssub.s32 $0x2, s3;
	s5 =	smul.u32 $0xE0, s4;
	s4 =	sshll.u32 s4, $0x2;
	v30 =	vadd.s32 $0x4B00, v0;
	v31 =	vadd.s32 $0x4D80, v0;
	v32 =	vor.u32 $0x5000, v0  }
0xe: {  	_ =	strace $0x80000047;
	s24 =	sshrl.u32 s7, $0x1;
	v33 =	vadd.s32 $0x5280, v0;
	v34 =	vadd.s32 $0x5500, v0;
	v35 =	vadd.s32 $0x5780, v0;
	s23 =	sor.u32 s6, s4  }
0xf: {  	s3 =	sadd.s32 $0x2000, s0;
	v36 =	vadd.s32 $0x5A00, v0;
	v37 =	vadd.s32 $0x5C80, v0;
	v38 =	vadd.s32 $0x5F00, v0;
	s25 =	ssub.s32 s7, s24;
	s6 =	sand.u32 $0x38C, s23  }
0x10: {  	v39 =	vadd.s32 $0x6180, v0;
	v40 =	vor.u32 $0x6400, v0;
	v41 =	vadd.s32 $0x6680, v0;
	s5 =	sadd.s32 s5, s0;
	s0 =	smax.u32 s25, $0x1;
	s4 =	sadd.s32 s1, s6  }
0x11: {  	v42 =	vadd.s32 $0x6900, v0;
	v43 =	vadd.s32 $0x6B80, v0;
	v44 =	vadd.s32 $0x6E00, v0;
	s26 =	sadd.s32 $0x400, s5;
	[dreg:$0x6] =	wrdreg s0;
	s0 =	simm.s32 $0x1  }
0x12: {  	v45 =	vadd.s32 $0x7080, v0;
	v46 =	vadd.s32 $0x7300, v0;
	v47 =	vadd.s32 $0x7580, v0;
	s1 =	simm.s32 $0xCF00;
	s6 =	simm.s32 $0x0;
	[dreg:$0x3] =	wrdreg s26  }
0x13: {  	v48 =	vor.u32 $0x7800, v0;
	v49 =	vadd.s32 $0x7A80, v0;
	[tilespmem:$0x1FF90] =	vst v8;
	s30 =	sadd.s32 $0x32000, s4;
	s31 =	sadd.s32 $0x64000, s4;
	s8 =	sadd.s32 $0x96000, s4  }
0x14: {  	v50 =	vadd.s32 $0x7D00, v0;
	v51 =	vadd.s32 $0x7F80, v0;
	[tilespmem:$0x1FFA0] =	vst v13;
	s9 =	sadd.s32 $0xC8000, s4;
	s10 =	sadd.s32 $0xFA000, s4;
	s11 =	sadd.s32 $0x12C000, s4  }
0x15: {  	v52 =	vadd.s32 $0x8200, v0;
	v53 =	vadd.s32 $0x8480, v0;
	[tilespmem:$0x1FFB0] =	vst v25;
	s12 =	sadd.s32 $0x15E000, s4;
	s13 =	sadd.s32 $0x190000, s4;
	s14 =	sadd.s32 $0x1C2000, s4  }
0x16: {  	v54 =	vadd.s32 $0x8700, v0;
	v55 =	vadd.s32 $0x8980, v0;
	[tilespmem:$0x1FFC0] =	vst v37;
	s15 =	sadd.s32 $0x1F4000, s4;
	s16 =	sadd.s32 $0x226000, s4;
	s17 =	sadd.s32 $0x258000, s4  }
0x17: {  	v56 =	vor.u32 $0x8C00, v0;
	v61 =	vadd.s32 $0x9880, v0;
	[tilespmem:$0x1FFD0] =	vst v49;
	s18 =	sadd.s32 $0x28A000, s4;
	s19 =	sadd.s32 $0x2BC000, s4;
	s20 =	sadd.s32 $0x2EE000, s4  }
0x18: {  	v57 =	vadd.s32 $0x8E80, v0;
	v58 =	vadd.s32 $0x9100, v0;
	v59 =	vadd.s32 $0x9380, v0;
	[tilespmem:$0x1FFE0] =	vst v61;
	s21 =	sadd.s32 $0x320000, s4;
	s22 =	sadd.s32 $0x352000, s4;
	[dreg:$0x4] =	wrdreg s30  }
0x19: {  	v60 =	vadd.s32 $0x9600, v0;
	v62 =	vadd.s32 $0x9B00, v0;
	v63 =	vadd.s32 $0x9D80, v0;
	[tilespmem:$0x1FFF0] =	vst v1;
	s23 =	sadd.s32 $0x384000, s4;
	s24 =	sadd.s32 $0x3B6000, s4;
	[dreg:$0x5] =	wrdreg s31  }
.LBB2_1:
0x1a: {  	[dreg:$0x7] =	wrdreg s6  }
0x1b: {  	s5 =	rddreg [dreg:$0x3];
	s7 =	simm.s32 $0x3  }
0x1c: {  	[tilespmem:s2], [sflag:$0x3] =	stream.linear.gather [hbm4b:s5+s2], $0x700, $0x38;
	[tilespmem:$0x1C900] =	vst v63  }
0x1d: {  	_ =	swait.ge [sflag:s7], $0x700  }
0x1e: {  	[sflag:s7] =	ssyncset.done $0x0  }
0x1f: {  	s25 =	simm.s32 $0x700;
	[sflag:s7] =	ssyncadd.s32 $0xFFFFF900  }
0x20: {  	[tilespmem:s25], [sflag:$0x1] =	stream.indirect.gather [hbm4b:s3+s28], $0x20, s2, s28, $0xb8;
	[tilespmem:$0x1C900] =	vst v63  }
0x21: {  	s26 =	simm.s32 $0x38;
	s30 =	simm.s32 $0xD40  }
0x22: {  	[tilespmem:s30], [sflag:$0x1] =	stream.indirect.gather [hbm4b:s3+s28], $0x20, s26, s28, $0xb8;
	[tilespmem:$0x1C900] =	vst v63  }
0x23: {  	s7 =	simm.s32 $0x70;
	s25 =	simm.s32 $0x1380  }
0x24: {  	[tilespmem:s25], [sflag:$0x1] =	stream.indirect.gather [hbm4b:s3+s28], $0x20, s7, s28, $0xb8;
	[tilespmem:$0x1C900] =	vst v63  }
0x25: {  	s26 =	simm.s32 $0xA8;
	s30 =	simm.s32 $0x19C0  }
0x26: {  	[tilespmem:s30], [sflag:$0x1] =	stream.indirect.gather [hbm4b:s3+s28], $0x20, s26, s28, $0xb8;
	[tilespmem:$0x1C900] =	vst v63  }
0x27: {  	s7 =	simm.s32 $0xE0;
	s25 =	simm.s32 $0x2000  }
0x28: {  	[tilespmem:s25], [sflag:$0x1] =	stream.indirect.gather [hbm4b:s3+s28], $0x20, s7, s28, $0xb8;
	[tilespmem:$0x1C900] =	vst v63  }
0x29: {  	s26 =	simm.s32 $0x118;
	s30 =	simm.s32 $0x2640  }
0x2a: {  	[tilespmem:s30], [sflag:$0x1] =	stream.indirect.gather [hbm4b:s3+s28], $0x20, s26, s28, $0xb8;
	[tilespmem:$0x1C900] =	vst v63  }
0x2b: {  	s7 =	simm.s32 $0x150;
	s25 =	simm.s32 $0x2C80  }
0x2c: {  	[tilespmem:s25], [sflag:$0x1] =	stream.indirect.gather [hbm4b:s3+s28], $0x20, s7, s28, $0xb8;
	[tilespmem:$0x1C900] =	vst v63  }
0x2d: {  	s26 =	simm.s32 $0x188;
	s30 =	simm.s32 $0x32C0  }
0x2e: {  	[tilespmem:s30], [sflag:$0x1] =	stream.indirect.gather [hbm4b:s3+s28], $0x20, s26, s28, $0xb8;
	[tilespmem:$0x1C900] =	vst v63  }
0x2f: {  	s7 =	simm.s32 $0x1C0;
	s25 =	simm.s32 $0x3900  }
0x30: {  	[tilespmem:s25], [sflag:$0x1] =	stream.indirect.gather [hbm4b:s3+s28], $0x20, s7, s28, $0xb8;
	[tilespmem:$0x1C900] =	vst v63  }
0x31: {  	s26 =	simm.s32 $0x1F8;
	s30 =	simm.s32 $0x3F40  }
0x32: {  	[tilespmem:s30], [sflag:$0x1] =	stream.indirect.gather [hbm4b:s3+s28], $0x20, s26, s28, $0xb8;
	[tilespmem:$0x1C900] =	vst v63  }
0x33: {  	s7 =	simm.s32 $0x230;
	s25 =	simm.s32 $0x4580  }
0x34: {  	[tilespmem:s25], [sflag:$0x1] =	stream.indirect.gather [hbm4b:s3+s28], $0x20, s7, s28, $0xb8;
	[tilespmem:$0x1C900] =	vst v63  }
0x35: {  	s26 =	simm.s32 $0x268;
	s30 =	simm.s32 $0x4BC0  }
0x36: {  	[tilespmem:s30], [sflag:$0x1] =	stream.indirect.gather [hbm4b:s3+s28], $0x20, s26, s28, $0xb8;
	[tilespmem:$0x1C900] =	vst v63  }
0x37: {  	s7 =	simm.s32 $0x2A0;
	s25 =	simm.s32 $0x5200  }
0x38: {  	[tilespmem:s25], [sflag:$0x1] =	stream.indirect.gather [hbm4b:s3+s28], $0x20, s7, s28, $0xb8;
	[tilespmem:$0x1C900] =	vst v63  }
0x39: {  	s26 =	simm.s32 $0x2D8;
	s30 =	simm.s32 $0x5840  }
0x3a: {  	[tilespmem:s30], [sflag:$0x1] =	stream.indirect.gather [hbm4b:s3+s28], $0x20, s26, s28, $0xb8;
	[tilespmem:$0x1C900] =	vst v63  }
0x3b: {  	s7 =	simm.s32 $0x310;
	s25 =	simm.s32 $0x5E80  }
0x3c: {  	[tilespmem:s25], [sflag:$0x1] =	stream.indirect.gather [hbm4b:s3+s28], $0x20, s7, s28, $0xb8;
	[tilespmem:$0x1C900] =	vst v63  }
0x3d: {  	s26 =	simm.s32 $0x348;
	s30 =	simm.s32 $0x64C0  }
0x3e: {  	[tilespmem:s30], [sflag:$0x1] =	stream.indirect.gather [hbm4b:s3+s28], $0x20, s26, s28, $0xb8;
	[tilespmem:$0x1C900] =	vst v63  }
0x3f: {  	s7 =	simm.s32 $0x380;
	s25 =	simm.s32 $0x6B00  }
0x40: {  	[tilespmem:s25], [sflag:$0x1] =	stream.indirect.gather [hbm4b:s3+s28], $0x20, s7, s28, $0xb8;
	[tilespmem:$0x1C900] =	vst v63  }
0x41: {  	s26 =	simm.s32 $0x3B8;
	s30 =	simm.s32 $0x7140  }
0x42: {  	[tilespmem:s30], [sflag:$0x1] =	stream.indirect.gather [hbm4b:s3+s28], $0x20, s26, s28, $0xb8;
	[tilespmem:$0x1C900] =	vst v63  }
0x43: {  	s7 =	simm.s32 $0x3F0;
	s25 =	simm.s32 $0x7780  }
0x44: {  	[tilespmem:s25], [sflag:$0x1] =	stream.indirect.gather [hbm4b:s3+s28], $0x20, s7, s28, $0xb8;
	[tilespmem:$0x1C900] =	vst v63  }
0x45: {  	s26 =	simm.s32 $0x428;
	s30 =	simm.s32 $0x7DC0  }
0x46: {  	[tilespmem:s30], [sflag:$0x1] =	stream.indirect.gather [hbm4b:s3+s28], $0x20, s26, s28, $0xb8;
	[tilespmem:$0x1C900] =	vst v63  }
0x47: {  	s7 =	simm.s32 $0x460;
	s25 =	simm.s32 $0x8400  }
0x48: {  	[tilespmem:s25], [sflag:$0x1] =	stream.indirect.gather [hbm4b:s3+s28], $0x20, s7, s28, $0xb8;
	[tilespmem:$0x1C900] =	vst v63  }
0x49: {  	s26 =	simm.s32 $0x498;
	s30 =	simm.s32 $0x8A40  }
0x4a: {  	[tilespmem:s30], [sflag:$0x1] =	stream.indirect.gather [hbm4b:s3+s28], $0x20, s26, s28, $0xb8;
	[tilespmem:$0x1C900] =	vst v63  }
0x4b: {  	s7 =	simm.s32 $0x4D0;
	s25 =	simm.s32 $0x9080  }
0x4c: {  	[tilespmem:s25], [sflag:$0x1] =	stream.indirect.gather [hbm4b:s3+s28], $0x20, s7, s28, $0xb8;
	[tilespmem:$0x1C900] =	vst v63  }
0x4d: {  	s26 =	simm.s32 $0x508;
	s30 =	simm.s32 $0x96C0  }
0x4e: {  	[tilespmem:s30], [sflag:$0x1] =	stream.indirect.gather [hbm4b:s3+s28], $0x20, s26, s28, $0xb8;
	[tilespmem:$0x1C900] =	vst v63  }
0x4f: {  	s7 =	simm.s32 $0x540;
	s25 =	simm.s32 $0x9D00  }
0x50: {  	[tilespmem:s25], [sflag:$0x1] =	stream.indirect.gather [hbm4b:s3+s28], $0x20, s7, s28, $0xb8;
	[tilespmem:$0x1C900] =	vst v63  }
0x51: {  	s26 =	simm.s32 $0x578;
	s30 =	simm.s32 $0xA340  }
0x52: {  	[tilespmem:s30], [sflag:$0x1] =	stream.indirect.gather [hbm4b:s3+s28], $0x20, s26, s28, $0xb8;
	[tilespmem:$0x1C900] =	vst v63  }
0x53: {  	s7 =	simm.s32 $0x5B0;
	s25 =	simm.s32 $0xA980  }
0x54: {  	[tilespmem:s25], [sflag:$0x1] =	stream.indirect.gather [hbm4b:s3+s28], $0x20, s7, s28, $0xb8;
	[tilespmem:$0x1C900] =	vst v63  }
0x55: {  	s26 =	simm.s32 $0x5E8;
	s30 =	simm.s32 $0xAFC0  }
0x56: {  	[tilespmem:s30], [sflag:$0x1] =	stream.indirect.gather [hbm4b:s3+s28], $0x20, s26, s28, $0xb8;
	[tilespmem:$0x1C900] =	vst v63  }
0x57: {  	s7 =	simm.s32 $0x620;
	s25 =	simm.s32 $0xB600  }
0x58: {  	[tilespmem:s25], [sflag:$0x1] =	stream.indirect.gather [hbm4b:s3+s28], $0x20, s7, s28, $0xb8;
	[tilespmem:$0x1C900] =	vst v63  }
0x59: {  	s26 =	simm.s32 $0x658;
	s30 =	simm.s32 $0xBC40  }
0x5a: {  	[tilespmem:s30], [sflag:$0x1] =	stream.indirect.gather [hbm4b:s3+s28], $0x20, s26, s28, $0xb8;
	[tilespmem:$0x1C900] =	vst v63  }
0x5b: {  	s7 =	simm.s32 $0x690;
	s25 =	simm.s32 $0xC280  }
0x5c: {  	[tilespmem:s25], [sflag:$0x1] =	stream.indirect.gather [hbm4b:s3+s28], $0x20, s7, s28, $0xb8;
	[tilespmem:$0x1C900] =	vst v63  }
0x5d: {  	s26 =	simm.s32 $0x6C8;
	s30 =	simm.s32 $0xC8C0  }
0x5e: {  	[tilespmem:s30], [sflag:$0x1] =	stream.indirect.gather [hbm4b:s3+s28], $0x20, s26, s28, $0xb8;
	[tilespmem:$0x1C900] =	vst v63  }
0x5f: {  	_ =	swait.ge [sflag:s0], $0x640  }
0x60: {  	[sflag:s0] =	ssyncset.done $0x0  }
0x61: {  	[sflag:s0] =	ssyncadd.s32 $0xFFFFF9C0  }
0x62: {  	_ =	swait.ge [sflag:s0], $0x640  }
0x63: {  	[sflag:s0] =	ssyncset.done $0x0  }
0x64: {  	[sflag:s0] =	ssyncadd.s32 $0xFFFFF9C0  }
0x65: {  	_ =	swait.ge [sflag:s0], $0x640  }
0x66: {  	[sflag:s0] =	ssyncset.done $0x0  }
0x67: {  	[sflag:s0] =	ssyncadd.s32 $0xFFFFF9C0  }
0x68: {  	_ =	swait.ge [sflag:s0], $0x640  }
0x69: {  	[sflag:s0] =	ssyncset.done $0x0  }
0x6a: {  	[sflag:s0] =	ssyncadd.s32 $0xFFFFF9C0  }
0x6b: {  	_ =	swait.ge [sflag:s0], $0x640  }
0x6c: {  	[sflag:s0] =	ssyncset.done $0x0  }
0x6d: {  	[sflag:s0] =	ssyncadd.s32 $0xFFFFF9C0  }
0x6e: {  	_ =	swait.ge [sflag:s0], $0x640  }
0x6f: {  	[sflag:s0] =	ssyncset.done $0x0  }
0x70: {  	[sflag:s0] =	ssyncadd.s32 $0xFFFFF9C0  }
0x71: {  	_ =	swait.ge [sflag:s0], $0x640  }
0x72: {  	[sflag:s0] =	ssyncset.done $0x0  }
0x73: {  	[sflag:s0] =	ssyncadd.s32 $0xFFFFF9C0  }
0x74: {  	_ =	swait.ge [sflag:s0], $0x640  }
0x75: {  	[sflag:s0] =	ssyncset.done $0x0  }
0x76: {  	[sflag:s0] =	ssyncadd.s32 $0xFFFFF9C0  }
0x77: {  	_ =	swait.ge [sflag:s0], $0x640  }
0x78: {  	[sflag:s0] =	ssyncset.done $0x0  }
0x79: {  	[sflag:s0] =	ssyncadd.s32 $0xFFFFF9C0  }
0x7a: {  	_ =	swait.ge [sflag:s0], $0x640  }
0x7b: {  	[sflag:s0] =	ssyncset.done $0x0  }
0x7c: {  	[sflag:s0] =	ssyncadd.s32 $0xFFFFF9C0  }
0x7d: {  	_ =	swait.ge [sflag:s0], $0x640  }
0x7e: {  	[sflag:s0] =	ssyncset.done $0x0  }
0x7f: {  	[sflag:s0] =	ssyncadd.s32 $0xFFFFF9C0  }
0x80: {  	_ =	swait.ge [sflag:s0], $0x640  }
0x81: {  	[sflag:s0] =	ssyncset.done $0x0  }
0x82: {  	[sflag:s0] =	ssyncadd.s32 $0xFFFFF9C0  }
0x83: {  	_ =	swait.ge [sflag:s0], $0x640  }
0x84: {  	[sflag:s0] =	ssyncset.done $0x0  }
0x85: {  	[sflag:s0] =	ssyncadd.s32 $0xFFFFF9C0  }
0x86: {  	_ =	swait.ge [sflag:s0], $0x640  }
0x87: {  	[sflag:s0] =	ssyncset.done $0x0  }
0x88: {  	[sflag:s0] =	ssyncadd.s32 $0xFFFFF9C0  }
0x89: {  	_ =	swait.ge [sflag:s0], $0x640  }
0x8a: {  	[sflag:s0] =	ssyncset.done $0x0  }
0x8b: {  	[sflag:s0] =	ssyncadd.s32 $0xFFFFF9C0  }
0x8c: {  	_ =	swait.ge [sflag:s0], $0x640  }
0x8d: {  	[sflag:s0] =	ssyncset.done $0x0  }
0x8e: {  	[sflag:s0] =	ssyncadd.s32 $0xFFFFF9C0  }
0x8f: {  	_ =	swait.ge [sflag:s0], $0x640  }
0x90: {  	[sflag:s0] =	ssyncset.done $0x0  }
0x91: {  	[sflag:s0] =	ssyncadd.s32 $0xFFFFF9C0  }
0x92: {  	_ =	swait.ge [sflag:s0], $0x640  }
0x93: {  	[sflag:s0] =	ssyncset.done $0x0  }
0x94: {  	[sflag:s0] =	ssyncadd.s32 $0xFFFFF9C0  }
0x95: {  	_ =	swait.ge [sflag:s0], $0x640  }
0x96: {  	[sflag:s0] =	ssyncset.done $0x0  }
0x97: {  	[sflag:s0] =	ssyncadd.s32 $0xFFFFF9C0  }
0x98: {  	_ =	swait.ge [sflag:s0], $0x640  }
0x99: {  	[sflag:s0] =	ssyncset.done $0x0  }
0x9a: {  	[sflag:s0] =	ssyncadd.s32 $0xFFFFF9C0  }
0x9b: {  	_ =	swait.ge [sflag:s0], $0x640  }
0x9c: {  	[sflag:s0] =	ssyncset.done $0x0  }
0x9d: {  	[sflag:s0] =	ssyncadd.s32 $0xFFFFF9C0  }
0x9e: {  	_ =	swait.ge [sflag:s0], $0x640  }
0x9f: {  	[sflag:s0] =	ssyncset.done $0x0  }
0xa0: {  	[sflag:s0] =	ssyncadd.s32 $0xFFFFF9C0  }
0xa1: {  	_ =	swait.ge [sflag:s0], $0x640  }
0xa2: {  	[sflag:s0] =	ssyncset.done $0x0  }
0xa3: {  	[sflag:s0] =	ssyncadd.s32 $0xFFFFF9C0  }
0xa4: {  	_ =	swait.ge [sflag:s0], $0x640  }
0xa5: {  	[sflag:s0] =	ssyncset.done $0x0  }
0xa6: {  	[sflag:s0] =	ssyncadd.s32 $0xFFFFF9C0  }
0xa7: {  	_ =	swait.ge [sflag:s0], $0x640  }
0xa8: {  	[sflag:s0] =	ssyncset.done $0x0  }
0xa9: {  	[sflag:s0] =	ssyncadd.s32 $0xFFFFF9C0  }
0xaa: {  	_ =	swait.ge [sflag:s0], $0x640  }
0xab: {  	[sflag:s0] =	ssyncset.done $0x0  }
0xac: {  	[sflag:s0] =	ssyncadd.s32 $0xFFFFF9C0  }
0xad: {  	_ =	swait.ge [sflag:s0], $0x640  }
0xae: {  	[sflag:s0] =	ssyncset.done $0x0  }
0xaf: {  	[sflag:s0] =	ssyncadd.s32 $0xFFFFF9C0  }
0xb0: {  	_ =	swait.ge [sflag:s0], $0x640  }
0xb1: {  	[sflag:s0] =	ssyncset.done $0x0  }
0xb2: {  	[sflag:s0] =	ssyncadd.s32 $0xFFFFF9C0  }
0xb3: {  	_ =	swait.ge [sflag:s0], $0x640  }
0xb4: {  	[sflag:s0] =	ssyncset.done $0x0  }
0xb5: {  	[sflag:s0] =	ssyncadd.s32 $0xFFFFF9C0  }
0xb6: {  	_ =	swait.ge [sflag:s0], $0x640  }
0xb7: {  	[sflag:s0] =	ssyncset.done $0x0  }
0xb8: {  	[sflag:s0] =	ssyncadd.s32 $0xFFFFF9C0  }
0xb9: {  	_ =	swait.ge [sflag:s0], $0x640  }
0xba: {  	v61 =	vmov v58;
	[sflag:s0] =	ssyncset.done $0x0  }
0xbb: {  	v58 =	vmovc v55;
	v55 =	vmovc v52;
	v52 =	vmov v49;
	v49 =	vmov v46;
	v46 =	vmov v43;
	[sflag:s0] =	ssyncadd.s32 $0xFFFFF9C0  }
0xbc: {  	v43 =	vmovc v40;
	v40 =	vmovc v37;
	v37 =	vmov v34;
	v34 =	vmov v31;
	v31 =	vmov v28;
	_ =	swait.ge [sflag:s0], $0x640  }
0xbd: {  	v28 =	vmovc v25;
	v25 =	vmovc v22;
	v22 =	vmov v19;
	v19 =	vmov v16;
	v13 =	vmov v10;
	[sflag:s0] =	ssyncset.done $0x0  }
0xbe: {  	s31 =	simm.s32 $0xA20;
	v10 =	vmovc v7;
	v7 =	vmovc v4;
	v4 =	vmov v5;
	v5 =	vmov v2;
	v16 =	vmov v3;
	s5 =	simm.s32 $0x0;
	[sflag:s0] =	ssyncadd.s32 $0xFFFFF9C0  }
.LBB2_2:
0xbf: {  	v1 =	vmov s5  }
0xc0: {  	v1 =	vand.u32 $0x1F, v1  }
0xc1: {  	v2 =	vld [tilespmem:s31+$0xFFFFFCE0];
	v3 =	vadd.s32 v0, v1;
	_ =	sdelay $0x4  }
0xc2: {  	[tilespmem:v3+s1+$0x0] =	vst.idx.msk $0xffff, v2;
	v3 =	vld [tilespmem:$0x1FFF0];
	_ =	sdelay $0x4  }
0xc3: {  	v2 =	vld [tilespmem:s31+$0xFFFFFCF0];
	v3 =	vadd.s32 v3, v1;
	_ =	sdelay $0x4  }
0xc4: {  	[tilespmem:v3+s1+$0x0] =	vst.idx.msk $0xffff, v2  }
0xc5: {  	v3 =	vadd.s32 v5, v1;
	v2 =	vld [tilespmem:s31+$0xFFFFFD00];
	_ =	sdelay $0x4  }
0xc6: {  	[tilespmem:v3+s1+$0x0] =	vst.idx.msk $0xffff, v2  }
0xc7: {  	v3 =	vadd.s32 v16, v1;
	v2 =	vld [tilespmem:s31+$0xFFFFFD10];
	_ =	sdelay $0x4  }
0xc8: {  	[tilespmem:v3+s1+$0x0] =	vst.idx.msk $0xffff, v2  }
0xc9: {  	v3 =	vadd.s32 v7, v1;
	v2 =	vld [tilespmem:s31+$0xFFFFFD20];
	_ =	sdelay $0x4  }
0xca: {  	[tilespmem:v3+s1+$0x0] =	vst.idx.msk $0xffff, v2  }
0xcb: {  	v3 =	vadd.s32 v4, v1;
	v2 =	vld [tilespmem:s31+$0xFFFFFD30];
	_ =	sdelay $0x4  }
0xcc: {  	[tilespmem:v3+s1+$0x0] =	vst.idx.msk $0xffff, v2  }
0xcd: {  	v3 =	vadd.s32 v6, v1;
	v2 =	vld [tilespmem:s31+$0xFFFFFD40];
	_ =	sdelay $0x4  }
0xce: {  	[tilespmem:v3+s1+$0x0] =	vst.idx.msk $0xffff, v2  }
0xcf: {  	v3 =	vadd.s32 v10, v1;
	v2 =	vld [tilespmem:s31+$0xFFFFFD50];
	_ =	sdelay $0x4  }
0xd0: {  	[tilespmem:v3+s1+$0x0] =	vst.idx.msk $0xffff, v2  }
0xd1: {  	v3 =	vadd.s32 v8, v1;
	v2 =	vld [tilespmem:s31+$0xFFFFFD60];
	_ =	sdelay $0x4  }
0xd2: {  	[tilespmem:v3+s1+$0x0] =	vst.idx.msk $0xffff, v2  }
0xd3: {  	v3 =	vadd.s32 v9, v1;
	v2 =	vld [tilespmem:s31+$0xFFFFFD70];
	_ =	sdelay $0x4  }
0xd4: {  	[tilespmem:v3+s1+$0x0] =	vst.idx.msk $0xffff, v2  }
0xd5: {  	v3 =	vadd.s32 v13, v1;
	v2 =	vld [tilespmem:s31+$0xFFFFFD80];
	_ =	sdelay $0x4  }
0xd6: {  	[tilespmem:v3+s1+$0x0] =	vst.idx.msk $0xffff, v2  }
0xd7: {  	v3 =	vadd.s32 v11, v1;
	v2 =	vld [tilespmem:s31+$0xFFFFFD90];
	_ =	sdelay $0x4  }
0xd8: {  	[tilespmem:v3+s1+$0x0] =	vst.idx.msk $0xffff, v2  }
0xd9: {  	v3 =	vadd.s32 v12, v1;
	v2 =	vld [tilespmem:s31+$0xFFFFFDA0];
	_ =	sdelay $0x4  }
0xda: {  	[tilespmem:v3+s1+$0x0] =	vst.idx.msk $0xffff, v2;
	v3 =	vld [tilespmem:$0x1FFA0];
	_ =	sdelay $0x4  }
0xdb: {  	v2 =	vld [tilespmem:s31+$0xFFFFFDB0];
	v3 =	vadd.s32 v3, v1;
	_ =	sdelay $0x4  }
0xdc: {  	[tilespmem:v3+s1+$0x0] =	vst.idx.msk $0xffff, v2  }
0xdd: {  	v3 =	vadd.s32 v14, v1;
	v2 =	vld [tilespmem:s31+$0xFFFFFDC0];
	_ =	sdelay $0x4  }
0xde: {  	[tilespmem:v3+s1+$0x0] =	vst.idx.msk $0xffff, v2  }
0xdf: {  	v3 =	vadd.s32 v15, v1;
	v2 =	vld [tilespmem:s31+$0xFFFFFDD0];
	_ =	sdelay $0x4  }
0xe0: {  	[tilespmem:v3+s1+$0x0] =	vst.idx.msk $0xffff, v2  }
0xe1: {  	v3 =	vadd.s32 v19, v1;
	v2 =	vld [tilespmem:s31+$0xFFFFFDE0];
	_ =	sdelay $0x4  }
0xe2: {  	[tilespmem:v3+s1+$0x0] =	vst.idx.msk $0xffff, v2  }
0xe3: {  	v3 =	vadd.s32 v17, v1;
	v2 =	vld [tilespmem:s31+$0xFFFFFDF0];
	_ =	sdelay $0x4  }
0xe4: {  	[tilespmem:v3+s1+$0x0] =	vst.idx.msk $0xffff, v2  }
0xe5: {  	v3 =	vadd.s32 v18, v1;
	v2 =	vld [tilespmem:s31+$0xFFFFFE00];
	_ =	sdelay $0x4  }
0xe6: {  	[tilespmem:v3+s1+$0x0] =	vst.idx.msk $0xffff, v2  }
0xe7: {  	v3 =	vadd.s32 v22, v1;
	v2 =	vld [tilespmem:s31+$0xFFFFFE10];
	_ =	sdelay $0x4  }
0xe8: {  	[tilespmem:v3+s1+$0x0] =	vst.idx.msk $0xffff, v2  }
0xe9: {  	v3 =	vadd.s32 v20, v1;
	v2 =	vld [tilespmem:s31+$0xFFFFFE20];
	_ =	sdelay $0x4  }
0xea: {  	[tilespmem:v3+s1+$0x0] =	vst.idx.msk $0xffff, v2  }
0xeb: {  	v3 =	vadd.s32 v21, v1;
	v2 =	vld [tilespmem:s31+$0xFFFFFE30];
	_ =	sdelay $0x4  }
0xec: {  	[tilespmem:v3+s1+$0x0] =	vst.idx.msk $0xffff, v2  }
0xed: {  	v3 =	vadd.s32 v25, v1;
	v2 =	vld [tilespmem:s31+$0xFFFFFE40];
	_ =	sdelay $0x4  }
0xee: {  	[tilespmem:v3+s1+$0x0] =	vst.idx.msk $0xffff, v2  }
0xef: {  	v3 =	vadd.s32 v23, v1;
	v2 =	vld [tilespmem:s31+$0xFFFFFE50];
	_ =	sdelay $0x4  }
0xf0: {  	[tilespmem:v3+s1+$0x0] =	vst.idx.msk $0xffff, v2  }
0xf1: {  	v3 =	vadd.s32 v24, v1;
	v2 =	vld [tilespmem:s31+$0xFFFFFE60];
	_ =	sdelay $0x4  }
0xf2: {  	[tilespmem:v3+s1+$0x0] =	vst.idx.msk $0xffff, v2  }
0xf3: {  	v3 =	vadd.s32 v28, v1;
	v2 =	vld [tilespmem:s31+$0xFFFFFE70];
	_ =	sdelay $0x4  }
0xf4: {  	[tilespmem:v3+s1+$0x0] =	vst.idx.msk $0xffff, v2  }
0xf5: {  	v3 =	vadd.s32 v26, v1;
	v2 =	vld [tilespmem:s31+$0xFFFFFE80];
	_ =	sdelay $0x4  }
0xf6: {  	[tilespmem:v3+s1+$0x0] =	vst.idx.msk $0xffff, v2  }
0xf7: {  	v3 =	vadd.s32 v27, v1;
	v2 =	vld [tilespmem:s31+$0xFFFFFE90];
	_ =	sdelay $0x4  }
0xf8: {  	[tilespmem:v3+s1+$0x0] =	vst.idx.msk $0xffff, v2  }
0xf9: {  	v3 =	vadd.s32 v31, v1;
	v2 =	vld [tilespmem:s31+$0xFFFFFEA0];
	_ =	sdelay $0x4  }
0xfa: {  	[tilespmem:v3+s1+$0x0] =	vst.idx.msk $0xffff, v2  }
0xfb: {  	v3 =	vadd.s32 v29, v1;
	v2 =	vld [tilespmem:s31+$0xFFFFFEB0];
	_ =	sdelay $0x4  }
0xfc: {  	[tilespmem:v3+s1+$0x0] =	vst.idx.msk $0xffff, v2  }
0xfd: {  	v3 =	vadd.s32 v30, v1;
	v2 =	vld [tilespmem:s31+$0xFFFFFEC0];
	_ =	sdelay $0x4  }
0xfe: {  	[tilespmem:v3+s1+$0x0] =	vst.idx.msk $0xffff, v2  }
0xff: {  	v3 =	vadd.s32 v34, v1;
	v2 =	vld [tilespmem:s31+$0xFFFFFED0];
	_ =	sdelay $0x4  }
0x100: {  	[tilespmem:v3+s1+$0x0] =	vst.idx.msk $0xffff, v2  }
0x101: {  	v3 =	vadd.s32 v32, v1;
	v2 =	vld [tilespmem:s31+$0xFFFFFEE0];
	_ =	sdelay $0x4  }
0x102: {  	[tilespmem:v3+s1+$0x0] =	vst.idx.msk $0xffff, v2  }
0x103: {  	v3 =	vadd.s32 v33, v1;
	v2 =	vld [tilespmem:s31+$0xFFFFFEF0];
	_ =	sdelay $0x4  }
0x104: {  	[tilespmem:v3+s1+$0x0] =	vst.idx.msk $0xffff, v2  }
0x105: {  	v3 =	vadd.s32 v37, v1;
	v2 =	vld [tilespmem:s31+$0xFFFFFF00];
	_ =	sdelay $0x4  }
0x106: {  	[tilespmem:v3+s1+$0x0] =	vst.idx.msk $0xffff, v2  }
0x107: {  	v3 =	vadd.s32 v35, v1;
	v2 =	vld [tilespmem:s31+$0xFFFFFF10];
	_ =	sdelay $0x4  }
0x108: {  	[tilespmem:v3+s1+$0x0] =	vst.idx.msk $0xffff, v2  }
0x109: {  	v3 =	vadd.s32 v36, v1;
	v2 =	vld [tilespmem:s31+$0xFFFFFF20];
	_ =	sdelay $0x4  }
0x10a: {  	[tilespmem:v3+s1+$0x0] =	vst.idx.msk $0xffff, v2  }
0x10b: {  	v3 =	vadd.s32 v40, v1;
	v2 =	vld [tilespmem:s31+$0xFFFFFF30];
	_ =	sdelay $0x4  }
0x10c: {  	[tilespmem:v3+s1+$0x0] =	vst.idx.msk $0xffff, v2  }
0x10d: {  	v3 =	vadd.s32 v38, v1;
	v2 =	vld [tilespmem:s31+$0xFFFFFF40];
	_ =	sdelay $0x4  }
0x10e: {  	[tilespmem:v3+s1+$0x0] =	vst.idx.msk $0xffff, v2  }
0x10f: {  	v3 =	vadd.s32 v39, v1;
	v2 =	vld [tilespmem:s31+$0xFFFFFF50];
	_ =	sdelay $0x4  }
0x110: {  	[tilespmem:v3+s1+$0x0] =	vst.idx.msk $0xffff, v2  }
0x111: {  	v3 =	vadd.s32 v43, v1;
	v2 =	vld [tilespmem:s31+$0xFFFFFF60];
	_ =	sdelay $0x4  }
0x112: {  	[tilespmem:v3+s1+$0x0] =	vst.idx.msk $0xffff, v2  }
0x113: {  	v3 =	vadd.s32 v41, v1;
	v2 =	vld [tilespmem:s31+$0xFFFFFF70];
	_ =	sdelay $0x4  }
0x114: {  	[tilespmem:v3+s1+$0x0] =	vst.idx.msk $0xffff, v2  }
0x115: {  	v3 =	vadd.s32 v42, v1;
	v2 =	vld [tilespmem:s31+$0xFFFFFF80];
	_ =	sdelay $0x4  }
0x116: {  	[tilespmem:v3+s1+$0x0] =	vst.idx.msk $0xffff, v2  }
0x117: {  	v3 =	vadd.s32 v46, v1;
	v2 =	vld [tilespmem:s31+$0xFFFFFF90];
	_ =	sdelay $0x4  }
0x118: {  	[tilespmem:v3+s1+$0x0] =	vst.idx.msk $0xffff, v2  }
0x119: {  	v3 =	vadd.s32 v44, v1;
	v2 =	vld [tilespmem:s31+$0xFFFFFFA0];
	_ =	sdelay $0x4  }
0x11a: {  	[tilespmem:v3+s1+$0x0] =	vst.idx.msk $0xffff, v2  }
0x11b: {  	v3 =	vadd.s32 v45, v1;
	v2 =	vld [tilespmem:s31+$0xFFFFFFB0];
	_ =	sdelay $0x4  }
0x11c: {  	[tilespmem:v3+s1+$0x0] =	vst.idx.msk $0xffff, v2  }
0x11d: {  	v3 =	vadd.s32 v49, v1;
	v2 =	vld [tilespmem:s31+$0xFFFFFFC0];
	_ =	sdelay $0x4  }
0x11e: {  	[tilespmem:v3+s1+$0x0] =	vst.idx.msk $0xffff, v2  }
0x11f: {  	v3 =	vadd.s32 v47, v1;
	v2 =	vld [tilespmem:s31+$0xFFFFFFD0];
	_ =	sdelay $0x4  }
0x120: {  	[tilespmem:v3+s1+$0x0] =	vst.idx.msk $0xffff, v2  }
0x121: {  	v3 =	vadd.s32 v48, v1;
	v2 =	vld [tilespmem:s31+$0xFFFFFFE0];
	_ =	sdelay $0x4  }
0x122: {  	[tilespmem:v3+s1+$0x0] =	vst.idx.msk $0xffff, v2  }
0x123: {  	v3 =	vadd.s32 v52, v1;
	v2 =	vld [tilespmem:s31+$0xFFFFFFF0];
	_ =	sdelay $0x4  }
0x124: {  	[tilespmem:v3+s1+$0x0] =	vst.idx.msk $0xffff, v2  }
0x125: {  	v3 =	vadd.s32 v50, v1;
	v2 =	vld [tilespmem:s31+$0x0];
	_ =	sdelay $0x4  }
0x126: {  	[tilespmem:v3+s1+$0x0] =	vst.idx.msk $0xffff, v2  }
0x127: {  	v3 =	vadd.s32 v51, v1;
	v2 =	vld [tilespmem:s31+$0x10];
	_ =	sdelay $0x4  }
0x128: {  	[tilespmem:v3+s1+$0x0] =	vst.idx.msk $0xffff, v2  }
0x129: {  	v3 =	vadd.s32 v55, v1;
	v2 =	vld [tilespmem:s31+$0x20];
	_ =	sdelay $0x4  }
0x12a: {  	[tilespmem:v3+s1+$0x0] =	vst.idx.msk $0xffff, v2  }
0x12b: {  	v3 =	vadd.s32 v53, v1;
	v2 =	vld [tilespmem:s31+$0x30];
	_ =	sdelay $0x4  }
0x12c: {  	[tilespmem:v3+s1+$0x0] =	vst.idx.msk $0xffff, v2  }
0x12d: {  	v3 =	vadd.s32 v54, v1;
	v2 =	vld [tilespmem:s31+$0x40];
	_ =	sdelay $0x4  }
0x12e: {  	[tilespmem:v3+s1+$0x0] =	vst.idx.msk $0xffff, v2  }
0x12f: {  	v3 =	vadd.s32 v58, v1;
	v2 =	vld [tilespmem:s31+$0x50];
	_ =	sdelay $0x4  }
0x130: {  	[tilespmem:v3+s1+$0x0] =	vst.idx.msk $0xffff, v2  }
0x131: {  	v3 =	vadd.s32 v56, v1;
	v2 =	vld [tilespmem:s31+$0x60];
	_ =	sdelay $0x4  }
0x132: {  	[tilespmem:v3+s1+$0x0] =	vst.idx.msk $0xffff, v2  }
0x133: {  	v3 =	vadd.s32 v57, v1;
	v2 =	vld [tilespmem:s31+$0x70];
	_ =	sdelay $0x4  }
0x134: {  	[tilespmem:v3+s1+$0x0] =	vst.idx.msk $0xffff, v2  }
0x135: {  	v3 =	vadd.s32 v61, v1;
	v2 =	vld [tilespmem:s31+$0x80];
	_ =	sdelay $0x4  }
0x136: {  	[tilespmem:v3+s1+$0x0] =	vst.idx.msk $0xffff, v2  }
0x137: {  	v3 =	vadd.s32 v59, v1;
	v2 =	vld [tilespmem:s31+$0x90];
	_ =	sdelay $0x4  }
0x138: {  	[tilespmem:v3+s1+$0x0] =	vst.idx.msk $0xffff, v2  }
0x139: {  	v3 =	vadd.s32 v60, v1;
	v2 =	vld [tilespmem:s31+$0xA0];
	_ =	sdelay $0x4  }
0x13a: {  	[tilespmem:v3+s1+$0x0] =	vst.idx.msk $0xffff, v2;
	v3 =	vld [tilespmem:$0x1FFE0];
	_ =	sdelay $0x4  }
0x13b: {  	v2 =	vld [tilespmem:s31+$0xB0];
	v3 =	vadd.s32 v3, v1;
	_ =	sdelay $0x4  }
0x13c: {  	[tilespmem:v3+s1+$0x0] =	vst.idx.msk $0xffff, v2  }
0x13d: {  	v3 =	vadd.s32 v62, v1;
	v2 =	vld [tilespmem:s31+$0xC0];
	_ =	sdelay $0x4  }
0x13e: {  	[tilespmem:v3+s1+$0x0] =	vst.idx.msk $0xffff, v2  }
0x13f: {  	v3 =	vadd.s32 v63, v1;
	v2 =	vld [tilespmem:s31+$0xD0];
	_ =	sdelay $0x4  }
0x140: {  	[tilespmem:v3+s1+$0x0] =	vst.idx.msk $0xffff, v2;
	v2 =	vor.u32 $0xA000, v0  }
0x141: {  	v3 =	vld [tilespmem:s31+$0xE0];
	v2 =	vadd.s32 v2, v1;
	_ =	sdelay $0x4  }
0x142: {  	[tilespmem:v2+s1+$0x0] =	vst.idx.msk $0xffff, v3;
	v2 =	vadd.s32 $0xA280, v0  }
0x143: {  	v3 =	vld [tilespmem:s31+$0xF0];
	v2 =	vadd.s32 v2, v1;
	_ =	sdelay $0x4  }
0x144: {  	[tilespmem:v2+s1+$0x0] =	vst.idx.msk $0xffff, v3;
	v2 =	vadd.s32 $0xA500, v0  }
0x145: {  	v3 =	vld [tilespmem:s31+$0x100];
	v2 =	vadd.s32 v2, v1;
	_ =	sdelay $0x4  }
0x146: {  	[tilespmem:v2+s1+$0x0] =	vst.idx.msk $0xffff, v3;
	v2 =	vadd.s32 $0xA780, v0  }
0x147: {  	v3 =	vld [tilespmem:s31+$0x110];
	v2 =	vadd.s32 v2, v1;
	_ =	sdelay $0x4  }
0x148: {  	[tilespmem:v2+s1+$0x0] =	vst.idx.msk $0xffff, v3;
	v2 =	vadd.s32 $0xAA00, v0  }
0x149: {  	v3 =	vld [tilespmem:s31+$0x120];
	v2 =	vadd.s32 v2, v1;
	_ =	sdelay $0x4  }
0x14a: {  	[tilespmem:v2+s1+$0x0] =	vst.idx.msk $0xffff, v3;
	v2 =	vadd.s32 $0xAC80, v0  }
0x14b: {  	v3 =	vld [tilespmem:s31+$0x130];
	v2 =	vadd.s32 v2, v1;
	_ =	sdelay $0x4  }
0x14c: {  	[tilespmem:v2+s1+$0x0] =	vst.idx.msk $0xffff, v3;
	v2 =	vadd.s32 $0xAF00, v0  }
0x14d: {  	v3 =	vld [tilespmem:s31+$0x140];
	v2 =	vadd.s32 v2, v1;
	_ =	sdelay $0x4  }
0x14e: {  	[tilespmem:v2+s1+$0x0] =	vst.idx.msk $0xffff, v3;
	v2 =	vadd.s32 $0xB180, v0  }
0x14f: {  	v3 =	vld [tilespmem:s31+$0x150];
	v2 =	vadd.s32 v2, v1;
	_ =	sdelay $0x4  }
0x150: {  	[tilespmem:v2+s1+$0x0] =	vst.idx.msk $0xffff, v3;
	v2 =	vor.u32 $0xB400, v0  }
0x151: {  	v3 =	vld [tilespmem:s31+$0x160];
	v2 =	vadd.s32 v2, v1;
	_ =	sdelay $0x4  }
0x152: {  	[tilespmem:v2+s1+$0x0] =	vst.idx.msk $0xffff, v3;
	v2 =	vadd.s32 $0xB680, v0  }
0x153: {  	v3 =	vld [tilespmem:s31+$0x170];
	v2 =	vadd.s32 v2, v1;
	_ =	sdelay $0x4  }
0x154: {  	[tilespmem:v2+s1+$0x0] =	vst.idx.msk $0xffff, v3;
	v2 =	vadd.s32 $0xB900, v0  }
0x155: {  	v3 =	vld [tilespmem:s31+$0x180];
	v2 =	vadd.s32 v2, v1;
	_ =	sdelay $0x4  }
0x156: {  	[tilespmem:v2+s1+$0x0] =	vst.idx.msk $0xffff, v3;
	v2 =	vadd.s32 $0xBB80, v0  }
0x157: {  	v3 =	vld [tilespmem:s31+$0x190];
	v2 =	vadd.s32 v2, v1;
	_ =	sdelay $0x4  }
0x158: {  	[tilespmem:v2+s1+$0x0] =	vst.idx.msk $0xffff, v3;
	v2 =	vadd.s32 $0xBE00, v0  }
0x159: {  	v3 =	vld [tilespmem:s31+$0x1A0];
	v2 =	vadd.s32 v2, v1;
	_ =	sdelay $0x4  }
0x15a: {  	[tilespmem:v2+s1+$0x0] =	vst.idx.msk $0xffff, v3;
	v2 =	vadd.s32 $0xC080, v0  }
0x15b: {  	v3 =	vld [tilespmem:s31+$0x1B0];
	v2 =	vadd.s32 v2, v1;
	_ =	sdelay $0x4  }
0x15c: {  	[tilespmem:v2+s1+$0x0] =	vst.idx.msk $0xffff, v3;
	v2 =	vadd.s32 $0xC300, v0  }
0x15d: {  	v3 =	vld [tilespmem:s31+$0x1C0];
	v2 =	vadd.s32 v2, v1;
	_ =	sdelay $0x4  }
0x15e: {  	[tilespmem:v2+s1+$0x0] =	vst.idx.msk $0xffff, v3;
	v2 =	vadd.s32 $0xC580, v0  }
0x15f: {  	v3 =	vld [tilespmem:s31+$0x1D0];
	v2 =	vadd.s32 v2, v1;
	_ =	sdelay $0x4  }
0x160: {  	[tilespmem:v2+s1+$0x0] =	vst.idx.msk $0xffff, v3;
	v2 =	vor.u32 $0xC800, v0  }
0x161: {  	v3 =	vld [tilespmem:s31+$0x1E0];
	v2 =	vadd.s32 v2, v1;
	_ =	sdelay $0x4  }
0x162: {  	[tilespmem:v2+s1+$0x0] =	vst.idx.msk $0xffff, v3;
	v2 =	vadd.s32 $0xCA80, v0  }
0x163: {  	v3 =	vld [tilespmem:s31+$0x1F0];
	v2 =	vadd.s32 v2, v1;
	_ =	sdelay $0x4  }
0x164: {  	[tilespmem:v2+s1+$0x0] =	vst.idx.msk $0xffff, v3;
	v2 =	vadd.s32 $0xCD00, v0  }
0x165: {  	v3 =	vld [tilespmem:s31+$0x200];
	v2 =	vadd.s32 v2, v1;
	_ =	sdelay $0x4  }
0x166: {  	[tilespmem:v2+s1+$0x0] =	vst.idx.msk $0xffff, v3;
	v2 =	vadd.s32 $0xCF80, v0  }
0x167: {  	v3 =	vld [tilespmem:s31+$0x210];
	v2 =	vadd.s32 v2, v1;
	_ =	sdelay $0x4  }
0x168: {  	[tilespmem:v2+s1+$0x0] =	vst.idx.msk $0xffff, v3;
	v2 =	vadd.s32 $0xD200, v0  }
0x169: {  	v3 =	vld [tilespmem:s31+$0x220];
	v2 =	vadd.s32 v2, v1;
	_ =	sdelay $0x4  }
0x16a: {  	[tilespmem:v2+s1+$0x0] =	vst.idx.msk $0xffff, v3;
	v2 =	vadd.s32 $0xD480, v0  }
0x16b: {  	v3 =	vld [tilespmem:s31+$0x230];
	v2 =	vadd.s32 v2, v1;
	_ =	sdelay $0x4  }
0x16c: {  	[tilespmem:v2+s1+$0x0] =	vst.idx.msk $0xffff, v3;
	v2 =	vadd.s32 $0xD700, v0  }
0x16d: {  	v3 =	vld [tilespmem:s31+$0x240];
	v2 =	vadd.s32 v2, v1;
	_ =	sdelay $0x4  }
0x16e: {  	[tilespmem:v2+s1+$0x0] =	vst.idx.msk $0xffff, v3;
	v2 =	vadd.s32 $0xD980, v0  }
0x16f: {  	v3 =	vld [tilespmem:s31+$0x250];
	v2 =	vadd.s32 v2, v1;
	_ =	sdelay $0x4  }
0x170: {  	[tilespmem:v2+s1+$0x0] =	vst.idx.msk $0xffff, v3;
	v2 =	vor.u32 $0xDC00, v0  }
0x171: {  	v3 =	vld [tilespmem:s31+$0x260];
	v2 =	vadd.s32 v2, v1;
	_ =	sdelay $0x4  }
0x172: {  	[tilespmem:v2+s1+$0x0] =	vst.idx.msk $0xffff, v3;
	v2 =	vadd.s32 $0xDE80, v0  }
0x173: {  	v3 =	vld [tilespmem:s31+$0x270];
	v2 =	vadd.s32 v2, v1;
	_ =	sdelay $0x4  }
0x174: {  	[tilespmem:v2+s1+$0x0] =	vst.idx.msk $0xffff, v3;
	v2 =	vadd.s32 $0xE100, v0  }
0x175: {  	v3 =	vld [tilespmem:s31+$0x280];
	v2 =	vadd.s32 v2, v1;
	_ =	sdelay $0x4  }
0x176: {  	[tilespmem:v2+s1+$0x0] =	vst.idx.msk $0xffff, v3;
	v2 =	vadd.s32 $0xE380, v0  }
0x177: {  	v3 =	vld [tilespmem:s31+$0x290];
	v2 =	vadd.s32 v2, v1;
	_ =	sdelay $0x4  }
0x178: {  	[tilespmem:v2+s1+$0x0] =	vst.idx.msk $0xffff, v3;
	v2 =	vadd.s32 $0xE600, v0  }
0x179: {  	v3 =	vld [tilespmem:s31+$0x2A0];
	v2 =	vadd.s32 v2, v1;
	_ =	sdelay $0x4  }
0x17a: {  	[tilespmem:v2+s1+$0x0] =	vst.idx.msk $0xffff, v3;
	v2 =	vadd.s32 $0xE880, v0  }
0x17b: {  	v3 =	vld [tilespmem:s31+$0x2B0];
	v2 =	vadd.s32 v2, v1;
	_ =	sdelay $0x4  }
0x17c: {  	[tilespmem:v2+s1+$0x0] =	vst.idx.msk $0xffff, v3;
	v2 =	vadd.s32 $0xEB00, v0  }
0x17d: {  	v3 =	vld [tilespmem:s31+$0x2C0];
	v2 =	vadd.s32 v2, v1;
	_ =	sdelay $0x4  }
0x17e: {  	[tilespmem:v2+s1+$0x0] =	vst.idx.msk $0xffff, v3;
	v2 =	vadd.s32 $0xED80, v0  }
0x17f: {  	v3 =	vld [tilespmem:s31+$0x2D0];
	v2 =	vadd.s32 v2, v1;
	_ =	sdelay $0x4  }
0x180: {  	[tilespmem:v2+s1+$0x0] =	vst.idx.msk $0xffff, v3;
	v2 =	vor.u32 $0xF000, v0  }
0x181: {  	v3 =	vld [tilespmem:s31+$0x2E0];
	v2 =	vadd.s32 v2, v1;
	_ =	sdelay $0x4  }
0x182: {  	[tilespmem:v2+s1+$0x0] =	vst.idx.msk $0xffff, v3;
	v2 =	vadd.s32 $0xF280, v0  }
0x183: {  	v3 =	vld [tilespmem:s31+$0x2F0];
	v2 =	vadd.s32 v2, v1;
	_ =	sdelay $0x4  }
0x184: {  	[tilespmem:v2+s1+$0x0] =	vst.idx.msk $0xffff, v3;
	v2 =	vadd.s32 $0xF500, v0  }
0x185: {  	v3 =	vld [tilespmem:s31+$0x300];
	v2 =	vadd.s32 v2, v1;
	_ =	sdelay $0x4  }
0x186: {  	[tilespmem:v2+s1+$0x0] =	vst.idx.msk $0xffff, v3;
	v2 =	vadd.s32 $0xF780, v0  }
0x187: {  	p0 =	sne.s32 s5, $0x1F;
	v1 =	vadd.s32 v2, v1;
	v2 =	vld [tilespmem:s31+$0x310]  }
.Ltmp0:
0x188: {  	_ = 	snop;
	(pc) =	sbr.rel @p0 .LBB2_2-.Ltmp0, $2  }
0x189: {  	_ =	sdelay $0x2  }
0x18a: {  	s5 =	sadd.s32 $0x1, s5;
	s31 =	sadd.s32 $0x640, s31;
	[tilespmem:v1+s1+$0x0] =	vst.idx.msk $0xffff, v2  }
0x18b: {  	s5 =	simm.s32 $0xCF00  }
0x18c: {  	[hbm4b:s4+s2] =	stream.linear.scatter [tilespmem:s5], [sflag:$0x2], $0x20, $0x38;
	[tilespmem:$0x1C900] =	vst v63  }
0x18d: {  	s7 =	simm.s32 $0xCF28;
	s25 =	sadd.s32 $0x10, s4  }
0x18e: {  	[hbm4b:s25+s2] =	stream.linear.scatter [tilespmem:s7], [sflag:$0x2], $0x20, $0x38;
	[tilespmem:$0x1C900] =	vst v63  }
0x18f: {  	s26 =	sadd.s32 $0x20, s4;
	s25 =	simm.s32 $0xCF50  }
0x190: {  	[hbm4b:s26+s2] =	stream.linear.scatter [tilespmem:s25], [sflag:$0x2], $0x20, $0x38;
	[tilespmem:$0x1C900] =	vst v63  }
0x191: {  	s6 =	simm.s32 $0xCF78;
	s7 =	sadd.s32 $0x30, s4  }
0x192: {  	[hbm4b:s7+s2] =	stream.linear.scatter [tilespmem:s6], [sflag:$0x2], $0x20, $0x38;
	[tilespmem:$0x1C900] =	vst v63  }
0x193: {  	s25 =	simm.s32 $0xCFA0;
	s26 =	sadd.s32 $0x40, s4  }
0x194: {  	[hbm4b:s26+s2] =	stream.linear.scatter [tilespmem:s25], [sflag:$0x2], $0x20, $0x38;
	[tilespmem:$0x1C900] =	vst v63  }
0x195: {  	s30 =	sadd.s32 $0x70, s4;
	s6 =	simm.s32 $0xCFC8;
	s7 =	sadd.s32 $0x50, s4  }
0x196: {  	[hbm4b:s7+s2] =	stream.linear.scatter [tilespmem:s6], [sflag:$0x2], $0x20, $0x38;
	[tilespmem:$0x1C900] =	vst v63  }
0x197: {  	s31 =	sadd.s32 $0x400, s4;
	s25 =	simm.s32 $0xCFF0;
	s26 =	sadd.s32 $0x60, s4  }
0x198: {  	[hbm4b:s26+s2] =	stream.linear.scatter [tilespmem:s25], [sflag:$0x2], $0x20, $0x38;
	[tilespmem:$0x1C900] =	vst v63  }
0x199: {  	v8 =	vmov v4;
	s5 =	simm.s32 $0x140;
	s25 =	simm.s32 $0xA00;
	s26 =	simm.s32 $0xD018  }
.LBB2_4:
0x19a: {  	[hbm4b:s30+s2] =	stream.linear.scatter [tilespmem:s26], [sflag:$0x2], $0x20, $0x38;
	[tilespmem:$0x1C900] =	vst v63  }
0x19b: {  	s26 =	smov.u32 s5;
	s5 =	smov.u32 s25  }
0x19c: {  	s6 =	sadd.s32 $0x500, s25;
	s5 =	sshra.s32 s5, $0x2;
	s30 =	sadd.s32 $0xCF00, s26  }
0x19d: {  	[hbm4b:s31+s2] =	stream.linear.scatter [tilespmem:s30], [sflag:$0x2], $0x20, $0x38;
	[tilespmem:$0x1C900] =	vst v63  }
0x19e: {  	p0 =	sne.s32 s25, $0x3E300;
	s25 =	sadd.s32 $0xCF28, s26;
	s30 =	sadd.s32 $0x10, s31  }
0x19f: {  	[hbm4b:s30+s2] =	stream.linear.scatter [tilespmem:s25], [sflag:$0x2], $0x20, $0x38;
	[tilespmem:$0x1C900] =	vst v63  }
0x1a0: {  	s25 =	sadd.s32 $0xCF50, s26;
	s30 =	sadd.s32 $0x20, s31  }
0x1a1: {  	[hbm4b:s30+s2] =	stream.linear.scatter [tilespmem:s25], [sflag:$0x2], $0x20, $0x38;
	[tilespmem:$0x1C900] =	vst v63  }
0x1a2: {  	s25 =	sadd.s32 $0xCF78, s26;
	s30 =	sadd.s32 $0x30, s31  }
0x1a3: {  	[hbm4b:s30+s2] =	stream.linear.scatter [tilespmem:s25], [sflag:$0x2], $0x20, $0x38;
	[tilespmem:$0x1C900] =	vst v63  }
0x1a4: {  	s25 =	sadd.s32 $0xCFA0, s26;
	s30 =	sadd.s32 $0x40, s31  }
0x1a5: {  	[hbm4b:s30+s2] =	stream.linear.scatter [tilespmem:s25], [sflag:$0x2], $0x20, $0x38;
	[tilespmem:$0x1C900] =	vst v63  }
.Ltmp1:
0x1a6: {  	s25 =	sadd.s32 $0xCFC8, s26;
	s30 =	sadd.s32 $0x50, s31;
	(pc) =	sbr.rel @p0 .LBB2_4-.Ltmp1, $4  }
0x1a7: {  	[hbm4b:s30+s2] =	stream.linear.scatter [tilespmem:s25], [sflag:$0x2], $0x20, $0x38;
	[tilespmem:$0x1C900] =	vst v63  }
0x1a8: {  	s25 =	sadd.s32 $0xCFF0, s26;
	s30 =	sadd.s32 $0x60, s31;
	s26 =	sadd.s32 $0xD018, s26  }
0x1a9: {  	[hbm4b:s30+s2] =	stream.linear.scatter [tilespmem:s25], [sflag:$0x2], $0x20, $0x38;
	[tilespmem:$0x1C900] =	vst v63  }
0x1aa: {  	s30 =	sadd.s32 $0x70, s31;
	s31 =	sadd.s32 $0x400, s31;
	s25 =	smov.u32 s6  }
0x1ab: {  	[hbm4b:s30+s2] =	stream.linear.scatter [tilespmem:s26], [sflag:$0x2], $0x20, $0x38;
	[tilespmem:$0x1C900] =	vst v63  }
0x1ac: {  	s6 =	sadd.s32 $0xCF00, s5  }
0x1ad: {  	[hbm4b:s31+s2] =	stream.linear.scatter [tilespmem:s6], [sflag:$0x2], $0x20, $0x38;
	[tilespmem:$0x1C900] =	vst v63  }
0x1ae: {  	s7 =	sadd.s32 $0xCF28, s5;
	s25 =	sadd.s32 $0x10, s31  }
0x1af: {  	[hbm4b:s25+s2] =	stream.linear.scatter [tilespmem:s7], [sflag:$0x2], $0x20, $0x38;
	[tilespmem:$0x1C900] =	vst v63  }
0x1b0: {  	s26 =	sadd.s32 $0xCF50, s5;
	s7 =	sadd.s32 $0x20, s31  }
0x1b1: {  	[hbm4b:s7+s2] =	stream.linear.scatter [tilespmem:s26], [sflag:$0x2], $0x20, $0x38;
	[tilespmem:$0x1C900] =	vst v63  }
0x1b2: {  	s26 =	sadd.s32 $0xCF78, s5;
	s7 =	sadd.s32 $0x30, s31  }
0x1b3: {  	[hbm4b:s7+s2] =	stream.linear.scatter [tilespmem:s26], [sflag:$0x2], $0x20, $0x38;
	[tilespmem:$0x1C900] =	vst v63  }
0x1b4: {  	s26 =	sadd.s32 $0xCFA0, s5;
	s7 =	sadd.s32 $0x40, s31  }
0x1b5: {  	[hbm4b:s7+s2] =	stream.linear.scatter [tilespmem:s26], [sflag:$0x2], $0x20, $0x38;
	[tilespmem:$0x1C900] =	vst v63  }
0x1b6: {  	s26 =	sadd.s32 $0xCFC8, s5;
	s7 =	sadd.s32 $0x50, s31  }
0x1b7: {  	[hbm4b:s7+s2] =	stream.linear.scatter [tilespmem:s26], [sflag:$0x2], $0x20, $0x38;
	[tilespmem:$0x1C900] =	vst v63  }
0x1b8: {  	s26 =	sadd.s32 $0xCFF0, s5;
	s7 =	sadd.s32 $0x60, s31  }
0x1b9: {  	[hbm4b:s7+s2] =	stream.linear.scatter [tilespmem:s26], [sflag:$0x2], $0x20, $0x38;
	[tilespmem:$0x1C900] =	vst v63  }
0x1ba: {  	s25 =	sadd.s32 $0xD018, s5;
	s26 =	sadd.s32 $0x70, s31  }
0x1bb: {  	[hbm4b:s26+s2] =	stream.linear.scatter [tilespmem:s25], [sflag:$0x2], $0x20, $0x38;
	[tilespmem:$0x1C900] =	vst v63  }
0x1bc: {  	s6 =	simm.s32 $0xCF00;
	s7 =	rddreg [dreg:$0x4]  }
0x1bd: {  	[hbm4b:s7+s2] =	stream.linear.scatter [tilespmem:s6], [sflag:$0x2], $0x20, $0x38;
	[tilespmem:$0x1C900] =	vst v63  }
0x1be: {  	s25 =	simm.s32 $0xCF28;
	s26 =	sadd.s32 $0x10, s7  }
0x1bf: {  	[hbm4b:s26+s2] =	stream.linear.scatter [tilespmem:s25], [sflag:$0x2], $0x20, $0x38;
	[tilespmem:$0x1C900] =	vst v63  }
0x1c0: {  	s25 =	simm.s32 $0xCF50;
	s26 =	sadd.s32 $0x20, s7  }
0x1c1: {  	[hbm4b:s26+s2] =	stream.linear.scatter [tilespmem:s25], [sflag:$0x2], $0x20, $0x38;
	[tilespmem:$0x1C900] =	vst v63  }
0x1c2: {  	s25 =	simm.s32 $0xCF78;
	s26 =	sadd.s32 $0x30, s7  }
0x1c3: {  	[hbm4b:s26+s2] =	stream.linear.scatter [tilespmem:s25], [sflag:$0x2], $0x20, $0x38;
	[tilespmem:$0x1C900] =	vst v63  }
0x1c4: {  	s25 =	simm.s32 $0xCFA0;
	s26 =	sadd.s32 $0x40, s7  }
0x1c5: {  	[hbm4b:s26+s2] =	stream.linear.scatter [tilespmem:s25], [sflag:$0x2], $0x20, $0x38;
	[tilespmem:$0x1C900] =	vst v63  }
0x1c6: {  	s5 =	simm.s32 $0x140;
	s25 =	simm.s32 $0xCFC8;
	s26 =	sadd.s32 $0x50, s7  }
0x1c7: {  	[hbm4b:s26+s2] =	stream.linear.scatter [tilespmem:s25], [sflag:$0x2], $0x20, $0x38;
	[tilespmem:$0x1C900] =	vst v63  }
0x1c8: {  	s30 =	sadd.s32 $0x70, s7;
	s25 =	simm.s32 $0xCFF0;
	s26 =	sadd.s32 $0x60, s7  }
0x1c9: {  	v2 =	vmov v5;
	v3 =	vmov v16;
	v4 =	vmov v7;
	[hbm4b:s26+s2] =	stream.linear.scatter [tilespmem:s25], [sflag:$0x2], $0x20, $0x38;
	[tilespmem:$0x1C900] =	vst v63  }
0x1ca: {  	v5 =	vmovc v8;
	v16 =	vmovc v19;
	v28 =	vmov v31;
	v40 =	vmov v43;
	v52 =	vmov v55;
	s31 =	sadd.s32 $0x400, s7;
	s25 =	simm.s32 $0xA00;
	s26 =	simm.s32 $0xD018  }
.LBB2_6:
0x1cb: {  	[hbm4b:s30+s2] =	stream.linear.scatter [tilespmem:s26], [sflag:$0x2], $0x20, $0x38;
	[tilespmem:$0x1C900] =	vst v63  }
0x1cc: {  	s6 =	smov.u32 s5;
	s5 =	smov.u32 s25  }
0x1cd: {  	s7 =	sadd.s32 $0x500, s25;
	s5 =	sshra.s32 s5, $0x2;
	s26 =	sadd.s32 $0xCF00, s6  }
0x1ce: {  	[hbm4b:s31+s2] =	stream.linear.scatter [tilespmem:s26], [sflag:$0x2], $0x20, $0x38;
	[tilespmem:$0x1C900] =	vst v63  }
0x1cf: {  	p0 =	sne.s32 s25, $0x3E300;
	s25 =	sadd.s32 $0xCF28, s6;
	s26 =	sadd.s32 $0x10, s31  }
0x1d0: {  	[hbm4b:s26+s2] =	stream.linear.scatter [tilespmem:s25], [sflag:$0x2], $0x20, $0x38;
	[tilespmem:$0x1C900] =	vst v63  }
0x1d1: {  	s25 =	sadd.s32 $0xCF50, s6;
	s26 =	sadd.s32 $0x20, s31  }
0x1d2: {  	[hbm4b:s26+s2] =	stream.linear.scatter [tilespmem:s25], [sflag:$0x2], $0x20, $0x38;
	[tilespmem:$0x1C900] =	vst v63  }
0x1d3: {  	s25 =	sadd.s32 $0xCF78, s6;
	s26 =	sadd.s32 $0x30, s31  }
0x1d4: {  	[hbm4b:s26+s2] =	stream.linear.scatter [tilespmem:s25], [sflag:$0x2], $0x20, $0x38;
	[tilespmem:$0x1C900] =	vst v63  }
0x1d5: {  	s25 =	sadd.s32 $0xCFA0, s6;
	s26 =	sadd.s32 $0x40, s31  }
0x1d6: {  	[hbm4b:s26+s2] =	stream.linear.scatter [tilespmem:s25], [sflag:$0x2], $0x20, $0x38;
	[tilespmem:$0x1C900] =	vst v63  }
.Ltmp2:
0x1d7: {  	s25 =	sadd.s32 $0xCFC8, s6;
	s26 =	sadd.s32 $0x50, s31;
	(pc) =	sbr.rel @p0 .LBB2_6-.Ltmp2, $4  }
0x1d8: {  	[hbm4b:s26+s2] =	stream.linear.scatter [tilespmem:s25], [sflag:$0x2], $0x20, $0x38;
	[tilespmem:$0x1C900] =	vst v63  }
0x1d9: {  	s30 =	sadd.s32 $0x70, s31;
	s25 =	sadd.s32 $0xCFF0, s6;
	s26 =	sadd.s32 $0x60, s31  }
0x1da: {  	[hbm4b:s26+s2] =	stream.linear.scatter [tilespmem:s25], [sflag:$0x2], $0x20, $0x38;
	[tilespmem:$0x1C900] =	vst v63  }
0x1db: {  	s31 =	sadd.s32 $0x400, s31;
	s26 =	sadd.s32 $0xD018, s6;
	s25 =	smov.u32 s7  }
0x1dc: {  	[hbm4b:s30+s2] =	stream.linear.scatter [tilespmem:s26], [sflag:$0x2], $0x20, $0x38;
	[tilespmem:$0x1C900] =	vst v63  }
0x1dd: {  	s6 =	sadd.s32 $0xCF00, s5  }
0x1de: {  	[hbm4b:s31+s2] =	stream.linear.scatter [tilespmem:s6], [sflag:$0x2], $0x20, $0x38;
	[tilespmem:$0x1C900] =	vst v63  }
0x1df: {  	s26 =	sadd.s32 $0xCF28, s5;
	s7 =	sadd.s32 $0x10, s31  }
0x1e0: {  	[hbm4b:s7+s2] =	stream.linear.scatter [tilespmem:s26], [sflag:$0x2], $0x20, $0x38;
	[tilespmem:$0x1C900] =	vst v63  }
0x1e1: {  	s25 =	sadd.s32 $0xCF50, s5;
	s26 =	sadd.s32 $0x20, s31  }
0x1e2: {  	[hbm4b:s26+s2] =	stream.linear.scatter [tilespmem:s25], [sflag:$0x2], $0x20, $0x38;
	[tilespmem:$0x1C900] =	vst v63  }
0x1e3: {  	s25 =	sadd.s32 $0xCF78, s5;
	s26 =	sadd.s32 $0x30, s31  }
0x1e4: {  	[hbm4b:s26+s2] =	stream.linear.scatter [tilespmem:s25], [sflag:$0x2], $0x20, $0x38;
	[tilespmem:$0x1C900] =	vst v63  }
0x1e5: {  	s25 =	sadd.s32 $0xCFA0, s5;
	s26 =	sadd.s32 $0x40, s31  }
0x1e6: {  	[hbm4b:s26+s2] =	stream.linear.scatter [tilespmem:s25], [sflag:$0x2], $0x20, $0x38;
	[tilespmem:$0x1C900] =	vst v63  }
0x1e7: {  	s25 =	sadd.s32 $0xCFC8, s5;
	s26 =	sadd.s32 $0x50, s31  }
0x1e8: {  	[hbm4b:s26+s2] =	stream.linear.scatter [tilespmem:s25], [sflag:$0x2], $0x20, $0x38;
	[tilespmem:$0x1C900] =	vst v63  }
0x1e9: {  	s25 =	sadd.s32 $0xCFF0, s5;
	s26 =	sadd.s32 $0x60, s31  }
0x1ea: {  	[hbm4b:s26+s2] =	stream.linear.scatter [tilespmem:s25], [sflag:$0x2], $0x20, $0x38;
	[tilespmem:$0x1C900] =	vst v63  }
0x1eb: {  	s25 =	sadd.s32 $0xD018, s5;
	s26 =	sadd.s32 $0x70, s31  }
0x1ec: {  	[hbm4b:s26+s2] =	stream.linear.scatter [tilespmem:s25], [sflag:$0x2], $0x20, $0x38;
	[tilespmem:$0x1C900] =	vst v63  }
0x1ed: {  	s6 =	simm.s32 $0xCF00;
	s7 =	rddreg [dreg:$0x5]  }
0x1ee: {  	[hbm4b:s7+s2] =	stream.linear.scatter [tilespmem:s6], [sflag:$0x2], $0x20, $0x38;
	[tilespmem:$0x1C900] =	vst v63  }
0x1ef: {  	s25 =	simm.s32 $0xCF28;
	s26 =	sadd.s32 $0x10, s7  }
0x1f0: {  	[hbm4b:s26+s2] =	stream.linear.scatter [tilespmem:s25], [sflag:$0x2], $0x20, $0x38;
	[tilespmem:$0x1C900] =	vst v63  }
0x1f1: {  	s25 =	simm.s32 $0xCF50;
	s26 =	sadd.s32 $0x20, s7  }
0x1f2: {  	[hbm4b:s26+s2] =	stream.linear.scatter [tilespmem:s25], [sflag:$0x2], $0x20, $0x38;
	[tilespmem:$0x1C900] =	vst v63  }
0x1f3: {  	s25 =	simm.s32 $0xCF78;
	s26 =	sadd.s32 $0x30, s7  }
0x1f4: {  	[hbm4b:s26+s2] =	stream.linear.scatter [tilespmem:s25], [sflag:$0x2], $0x20, $0x38;
	[tilespmem:$0x1C900] =	vst v63  }
0x1f5: {  	s25 =	simm.s32 $0xCFA0;
	s26 =	sadd.s32 $0x40, s7  }
0x1f6: {  	[hbm4b:s26+s2] =	stream.linear.scatter [tilespmem:s25], [sflag:$0x2], $0x20, $0x38;
	[tilespmem:$0x1C900] =	vst v63  }
0x1f7: {  	s30 =	sadd.s32 $0x70, s7;
	s25 =	simm.s32 $0xCFC8;
	s26 =	sadd.s32 $0x50, s7  }
0x1f8: {  	[hbm4b:s26+s2] =	stream.linear.scatter [tilespmem:s25], [sflag:$0x2], $0x20, $0x38;
	[tilespmem:$0x1C900] =	vst v63  }
0x1f9: {  	s5 =	simm.s32 $0x140;
	s25 =	simm.s32 $0xCFF0;
	s26 =	sadd.s32 $0x60, s7  }
0x1fa: {  	[hbm4b:s26+s2] =	stream.linear.scatter [tilespmem:s25], [sflag:$0x2], $0x20, $0x38;
	[tilespmem:$0x1C900] =	vst v63  }
0x1fb: {  	v7 =	vmovc v10;
	v8 =	vld [tilespmem:$0x1FF90];
	v19 =	vmovc v22;
	v31 =	vmov v34;
	v43 =	vmov v46;
	v55 =	vmov v58;
	s31 =	sadd.s32 $0x400, s7;
	s25 =	simm.s32 $0xA00;
	s26 =	simm.s32 $0xD018  }
.LBB2_8:
0x1fc: {  	[hbm4b:s30+s2] =	stream.linear.scatter [tilespmem:s26], [sflag:$0x2], $0x20, $0x38;
	[tilespmem:$0x1C900] =	vst v63  }
0x1fd: {  	s6 =	smov.u32 s5;
	s5 =	smov.u32 s25  }
0x1fe: {  	s7 =	sadd.s32 $0x500, s25;
	s5 =	sshra.s32 s5, $0x2;
	s26 =	sadd.s32 $0xCF00, s6  }
0x1ff: {  	[hbm4b:s31+s2] =	stream.linear.scatter [tilespmem:s26], [sflag:$0x2], $0x20, $0x38;
	[tilespmem:$0x1C900] =	vst v63  }
0x200: {  	p0 =	sne.s32 s25, $0x3E300;
	s25 =	sadd.s32 $0xCF28, s6;
	s26 =	sadd.s32 $0x10, s31  }
0x201: {  	[hbm4b:s26+s2] =	stream.linear.scatter [tilespmem:s25], [sflag:$0x2], $0x20, $0x38;
	[tilespmem:$0x1C900] =	vst v63  }
0x202: {  	s25 =	sadd.s32 $0xCF50, s6;
	s26 =	sadd.s32 $0x20, s31  }
0x203: {  	[hbm4b:s26+s2] =	stream.linear.scatter [tilespmem:s25], [sflag:$0x2], $0x20, $0x38;
	[tilespmem:$0x1C900] =	vst v63  }
0x204: {  	s25 =	sadd.s32 $0xCF78, s6;
	s26 =	sadd.s32 $0x30, s31  }
0x205: {  	[hbm4b:s26+s2] =	stream.linear.scatter [tilespmem:s25], [sflag:$0x2], $0x20, $0x38;
	[tilespmem:$0x1C900] =	vst v63  }
0x206: {  	s25 =	sadd.s32 $0xCFA0, s6;
	s26 =	sadd.s32 $0x40, s31  }
0x207: {  	[hbm4b:s26+s2] =	stream.linear.scatter [tilespmem:s25], [sflag:$0x2], $0x20, $0x38;
	[tilespmem:$0x1C900] =	vst v63  }
.Ltmp3:
0x208: {  	s25 =	sadd.s32 $0xCFC8, s6;
	s26 =	sadd.s32 $0x50, s31;
	(pc) =	sbr.rel @p0 .LBB2_8-.Ltmp3, $4  }
0x209: {  	[hbm4b:s26+s2] =	stream.linear.scatter [tilespmem:s25], [sflag:$0x2], $0x20, $0x38;
	[tilespmem:$0x1C900] =	vst v63  }
0x20a: {  	s30 =	sadd.s32 $0x70, s31;
	s25 =	sadd.s32 $0xCFF0, s6;
	s26 =	sadd.s32 $0x60, s31  }
0x20b: {  	[hbm4b:s26+s2] =	stream.linear.scatter [tilespmem:s25], [sflag:$0x2], $0x20, $0x38;
	[tilespmem:$0x1C900] =	vst v63  }
0x20c: {  	s31 =	sadd.s32 $0x400, s31;
	s26 =	sadd.s32 $0xD018, s6;
	s25 =	smov.u32 s7  }
0x20d: {  	[hbm4b:s30+s2] =	stream.linear.scatter [tilespmem:s26], [sflag:$0x2], $0x20, $0x38;
	[tilespmem:$0x1C900] =	vst v63  }
0x20e: {  	s6 =	sadd.s32 $0xCF00, s5  }
0x20f: {  	[hbm4b:s31+s2] =	stream.linear.scatter [tilespmem:s6], [sflag:$0x2], $0x20, $0x38;
	[tilespmem:$0x1C900] =	vst v63  }
0x210: {  	s26 =	sadd.s32 $0xCF28, s5;
	s7 =	sadd.s32 $0x10, s31  }
0x211: {  	[hbm4b:s7+s2] =	stream.linear.scatter [tilespmem:s26], [sflag:$0x2], $0x20, $0x38;
	[tilespmem:$0x1C900] =	vst v63  }
0x212: {  	s25 =	sadd.s32 $0xCF50, s5;
	s26 =	sadd.s32 $0x20, s31  }
0x213: {  	[hbm4b:s26+s2] =	stream.linear.scatter [tilespmem:s25], [sflag:$0x2], $0x20, $0x38;
	[tilespmem:$0x1C900] =	vst v63  }
0x214: {  	s25 =	sadd.s32 $0xCF78, s5;
	s26 =	sadd.s32 $0x30, s31  }
0x215: {  	[hbm4b:s26+s2] =	stream.linear.scatter [tilespmem:s25], [sflag:$0x2], $0x20, $0x38;
	[tilespmem:$0x1C900] =	vst v63  }
0x216: {  	s25 =	sadd.s32 $0xCFA0, s5;
	s26 =	sadd.s32 $0x40, s31  }
0x217: {  	[hbm4b:s26+s2] =	stream.linear.scatter [tilespmem:s25], [sflag:$0x2], $0x20, $0x38;
	[tilespmem:$0x1C900] =	vst v63  }
0x218: {  	s25 =	sadd.s32 $0xCFC8, s5;
	s26 =	sadd.s32 $0x50, s31  }
0x219: {  	[hbm4b:s26+s2] =	stream.linear.scatter [tilespmem:s25], [sflag:$0x2], $0x20, $0x38;
	[tilespmem:$0x1C900] =	vst v63  }
0x21a: {  	s25 =	sadd.s32 $0xCFF0, s5;
	s26 =	sadd.s32 $0x60, s31  }
0x21b: {  	[hbm4b:s26+s2] =	stream.linear.scatter [tilespmem:s25], [sflag:$0x2], $0x20, $0x38;
	[tilespmem:$0x1C900] =	vst v63  }
0x21c: {  	s7 =	sadd.s32 $0xD018, s5;
	s25 =	sadd.s32 $0x70, s31  }
0x21d: {  	[hbm4b:s25+s2] =	stream.linear.scatter [tilespmem:s7], [sflag:$0x2], $0x20, $0x38;
	[tilespmem:$0x1C900] =	vst v63  }
0x21e: {  	s26 =	simm.s32 $0xCF00  }
0x21f: {  	[hbm4b:s8+s2] =	stream.linear.scatter [tilespmem:s26], [sflag:$0x2], $0x20, $0x38;
	[tilespmem:$0x1C900] =	vst v63  }
0x220: {  	s6 =	simm.s32 $0xCF28;
	s7 =	sadd.s32 $0x10, s8  }
0x221: {  	[hbm4b:s7+s2] =	stream.linear.scatter [tilespmem:s6], [sflag:$0x2], $0x20, $0x38;
	[tilespmem:$0x1C900] =	vst v63  }
0x222: {  	s25 =	simm.s32 $0xCF50;
	s26 =	sadd.s32 $0x20, s8  }
0x223: {  	[hbm4b:s26+s2] =	stream.linear.scatter [tilespmem:s25], [sflag:$0x2], $0x20, $0x38;
	[tilespmem:$0x1C900] =	vst v63  }
0x224: {  	s6 =	simm.s32 $0xCF78;
	s7 =	sadd.s32 $0x30, s8  }
0x225: {  	[hbm4b:s7+s2] =	stream.linear.scatter [tilespmem:s6], [sflag:$0x2], $0x20, $0x38;
	[tilespmem:$0x1C900] =	vst v63  }
0x226: {  	s25 =	simm.s32 $0xCFA0;
	s26 =	sadd.s32 $0x40, s8  }
0x227: {  	[hbm4b:s26+s2] =	stream.linear.scatter [tilespmem:s25], [sflag:$0x2], $0x20, $0x38;
	[tilespmem:$0x1C900] =	vst v63  }
0x228: {  	s30 =	sadd.s32 $0x70, s8;
	s6 =	simm.s32 $0xCFC8;
	s7 =	sadd.s32 $0x50, s8  }
0x229: {  	[hbm4b:s7+s2] =	stream.linear.scatter [tilespmem:s6], [sflag:$0x2], $0x20, $0x38;
	[tilespmem:$0x1C900] =	vst v63  }
0x22a: {  	s5 =	simm.s32 $0x140;
	s25 =	simm.s32 $0xCFF0;
	s26 =	sadd.s32 $0x60, s8  }
0x22b: {  	[hbm4b:s26+s2] =	stream.linear.scatter [tilespmem:s25], [sflag:$0x2], $0x20, $0x38;
	[tilespmem:$0x1C900] =	vst v63  }
0x22c: {  	v10 =	vmovc v13;
	v22 =	vmovc v25;
	v34 =	vmov v37;
	v46 =	vmov v49;
	v58 =	vmov v61;
	s31 =	sadd.s32 $0x400, s8;
	s25 =	simm.s32 $0xA00;
	s26 =	simm.s32 $0xD018  }
.LBB2_10:
0x22d: {  	[hbm4b:s30+s2] =	stream.linear.scatter [tilespmem:s26], [sflag:$0x2], $0x20, $0x38;
	[tilespmem:$0x1C900] =	vst v63  }
0x22e: {  	s6 =	smov.u32 s5;
	s5 =	smov.u32 s25  }
0x22f: {  	s7 =	sadd.s32 $0x500, s25;
	s5 =	sshra.s32 s5, $0x2;
	s26 =	sadd.s32 $0xCF00, s6  }
0x230: {  	[hbm4b:s31+s2] =	stream.linear.scatter [tilespmem:s26], [sflag:$0x2], $0x20, $0x38;
	[tilespmem:$0x1C900] =	vst v63  }
0x231: {  	p0 =	sne.s32 s25, $0x3E300;
	s25 =	sadd.s32 $0xCF28, s6;
	s26 =	sadd.s32 $0x10, s31  }
0x232: {  	[hbm4b:s26+s2] =	stream.linear.scatter [tilespmem:s25], [sflag:$0x2], $0x20, $0x38;
	[tilespmem:$0x1C900] =	vst v63  }
0x233: {  	s25 =	sadd.s32 $0xCF50, s6;
	s26 =	sadd.s32 $0x20, s31  }
0x234: {  	[hbm4b:s26+s2] =	stream.linear.scatter [tilespmem:s25], [sflag:$0x2], $0x20, $0x38;
	[tilespmem:$0x1C900] =	vst v63  }
0x235: {  	s25 =	sadd.s32 $0xCF78, s6;
	s26 =	sadd.s32 $0x30, s31  }
0x236: {  	[hbm4b:s26+s2] =	stream.linear.scatter [tilespmem:s25], [sflag:$0x2], $0x20, $0x38;
	[tilespmem:$0x1C900] =	vst v63  }
0x237: {  	s25 =	sadd.s32 $0xCFA0, s6;
	s26 =	sadd.s32 $0x40, s31  }
0x238: {  	[hbm4b:s26+s2] =	stream.linear.scatter [tilespmem:s25], [sflag:$0x2], $0x20, $0x38;
	[tilespmem:$0x1C900] =	vst v63  }
.Ltmp4:
0x239: {  	s25 =	sadd.s32 $0xCFC8, s6;
	s26 =	sadd.s32 $0x50, s31;
	(pc) =	sbr.rel @p0 .LBB2_10-.Ltmp4, $4  }
0x23a: {  	[hbm4b:s26+s2] =	stream.linear.scatter [tilespmem:s25], [sflag:$0x2], $0x20, $0x38;
	[tilespmem:$0x1C900] =	vst v63  }
0x23b: {  	s30 =	sadd.s32 $0x70, s31;
	s25 =	sadd.s32 $0xCFF0, s6;
	s26 =	sadd.s32 $0x60, s31  }
0x23c: {  	[hbm4b:s26+s2] =	stream.linear.scatter [tilespmem:s25], [sflag:$0x2], $0x20, $0x38;
	[tilespmem:$0x1C900] =	vst v63  }
0x23d: {  	s31 =	sadd.s32 $0x400, s31;
	s26 =	sadd.s32 $0xD018, s6;
	s25 =	smov.u32 s7  }
0x23e: {  	[hbm4b:s30+s2] =	stream.linear.scatter [tilespmem:s26], [sflag:$0x2], $0x20, $0x38;
	[tilespmem:$0x1C900] =	vst v63  }
0x23f: {  	s6 =	sadd.s32 $0xCF00, s5  }
0x240: {  	[hbm4b:s31+s2] =	stream.linear.scatter [tilespmem:s6], [sflag:$0x2], $0x20, $0x38;
	[tilespmem:$0x1C900] =	vst v63  }
0x241: {  	s26 =	sadd.s32 $0xCF28, s5;
	s7 =	sadd.s32 $0x10, s31  }
0x242: {  	[hbm4b:s7+s2] =	stream.linear.scatter [tilespmem:s26], [sflag:$0x2], $0x20, $0x38;
	[tilespmem:$0x1C900] =	vst v63  }
0x243: {  	s25 =	sadd.s32 $0xCF50, s5;
	s26 =	sadd.s32 $0x20, s31  }
0x244: {  	[hbm4b:s26+s2] =	stream.linear.scatter [tilespmem:s25], [sflag:$0x2], $0x20, $0x38;
	[tilespmem:$0x1C900] =	vst v63  }
0x245: {  	s25 =	sadd.s32 $0xCF78, s5;
	s26 =	sadd.s32 $0x30, s31  }
0x246: {  	[hbm4b:s26+s2] =	stream.linear.scatter [tilespmem:s25], [sflag:$0x2], $0x20, $0x38;
	[tilespmem:$0x1C900] =	vst v63  }
0x247: {  	s25 =	sadd.s32 $0xCFA0, s5;
	s26 =	sadd.s32 $0x40, s31  }
0x248: {  	[hbm4b:s26+s2] =	stream.linear.scatter [tilespmem:s25], [sflag:$0x2], $0x20, $0x38;
	[tilespmem:$0x1C900] =	vst v63  }
0x249: {  	s25 =	sadd.s32 $0xCFC8, s5;
	s26 =	sadd.s32 $0x50, s31  }
0x24a: {  	[hbm4b:s26+s2] =	stream.linear.scatter [tilespmem:s25], [sflag:$0x2], $0x20, $0x38;
	[tilespmem:$0x1C900] =	vst v63  }
0x24b: {  	s25 =	sadd.s32 $0xCFF0, s5;
	s26 =	sadd.s32 $0x60, s31  }
0x24c: {  	[hbm4b:s26+s2] =	stream.linear.scatter [tilespmem:s25], [sflag:$0x2], $0x20, $0x38;
	[tilespmem:$0x1C900] =	vst v63  }
0x24d: {  	s7 =	sadd.s32 $0xD018, s5;
	s25 =	sadd.s32 $0x70, s31  }
0x24e: {  	[hbm4b:s25+s2] =	stream.linear.scatter [tilespmem:s7], [sflag:$0x2], $0x20, $0x38;
	[tilespmem:$0x1C900] =	vst v63  }
0x24f: {  	s26 =	simm.s32 $0xCF00  }
0x250: {  	[hbm4b:s9+s2] =	stream.linear.scatter [tilespmem:s26], [sflag:$0x2], $0x20, $0x38;
	[tilespmem:$0x1C900] =	vst v63  }
0x251: {  	s6 =	simm.s32 $0xCF28;
	s7 =	sadd.s32 $0x10, s9  }
0x252: {  	[hbm4b:s7+s2] =	stream.linear.scatter [tilespmem:s6], [sflag:$0x2], $0x20, $0x38;
	[tilespmem:$0x1C900] =	vst v63  }
0x253: {  	s25 =	simm.s32 $0xCF50;
	s26 =	sadd.s32 $0x20, s9  }
0x254: {  	[hbm4b:s26+s2] =	stream.linear.scatter [tilespmem:s25], [sflag:$0x2], $0x20, $0x38;
	[tilespmem:$0x1C900] =	vst v63  }
0x255: {  	s6 =	simm.s32 $0xCF78;
	s7 =	sadd.s32 $0x30, s9  }
0x256: {  	[hbm4b:s7+s2] =	stream.linear.scatter [tilespmem:s6], [sflag:$0x2], $0x20, $0x38;
	[tilespmem:$0x1C900] =	vst v63  }
0x257: {  	s25 =	simm.s32 $0xCFA0;
	s26 =	sadd.s32 $0x40, s9  }
0x258: {  	[hbm4b:s26+s2] =	stream.linear.scatter [tilespmem:s25], [sflag:$0x2], $0x20, $0x38;
	[tilespmem:$0x1C900] =	vst v63  }
0x259: {  	s30 =	sadd.s32 $0x70, s9;
	s6 =	simm.s32 $0xCFC8;
	s7 =	sadd.s32 $0x50, s9  }
0x25a: {  	[hbm4b:s7+s2] =	stream.linear.scatter [tilespmem:s6], [sflag:$0x2], $0x20, $0x38;
	[tilespmem:$0x1C900] =	vst v63  }
0x25b: {  	v25 =	vld [tilespmem:$0x1FFB0];
	s5 =	simm.s32 $0x140;
	s25 =	simm.s32 $0xCFF0;
	s26 =	sadd.s32 $0x60, s9  }
0x25c: {  	v37 =	vld [tilespmem:$0x1FFC0];
	[hbm4b:s26+s2] =	stream.linear.scatter [tilespmem:s25], [sflag:$0x2], $0x20, $0x38  }
0x25d: {  	v49 =	vld [tilespmem:$0x1FFD0];
	s31 =	sadd.s32 $0x400, s9;
	s25 =	simm.s32 $0xA00;
	s26 =	simm.s32 $0xD018  }
.LBB2_12:
0x25e: {  	[hbm4b:s30+s2] =	stream.linear.scatter [tilespmem:s26], [sflag:$0x2], $0x20, $0x38;
	[tilespmem:$0x1C900] =	vst v63  }
0x25f: {  	s6 =	smov.u32 s5;
	s5 =	smov.u32 s25  }
0x260: {  	s7 =	sadd.s32 $0x500, s25;
	s5 =	sshra.s32 s5, $0x2;
	s26 =	sadd.s32 $0xCF00, s6  }
0x261: {  	[hbm4b:s31+s2] =	stream.linear.scatter [tilespmem:s26], [sflag:$0x2], $0x20, $0x38;
	[tilespmem:$0x1C900] =	vst v63  }
0x262: {  	p0 =	sne.s32 s25, $0x3E300;
	s25 =	sadd.s32 $0xCF28, s6;
	s26 =	sadd.s32 $0x10, s31  }
0x263: {  	[hbm4b:s26+s2] =	stream.linear.scatter [tilespmem:s25], [sflag:$0x2], $0x20, $0x38;
	[tilespmem:$0x1C900] =	vst v63  }
0x264: {  	s25 =	sadd.s32 $0xCF50, s6;
	s26 =	sadd.s32 $0x20, s31  }
0x265: {  	[hbm4b:s26+s2] =	stream.linear.scatter [tilespmem:s25], [sflag:$0x2], $0x20, $0x38;
	[tilespmem:$0x1C900] =	vst v63  }
0x266: {  	s25 =	sadd.s32 $0xCF78, s6;
	s26 =	sadd.s32 $0x30, s31  }
0x267: {  	[hbm4b:s26+s2] =	stream.linear.scatter [tilespmem:s25], [sflag:$0x2], $0x20, $0x38;
	[tilespmem:$0x1C900] =	vst v63  }
0x268: {  	s25 =	sadd.s32 $0xCFA0, s6;
	s26 =	sadd.s32 $0x40, s31  }
0x269: {  	[hbm4b:s26+s2] =	stream.linear.scatter [tilespmem:s25], [sflag:$0x2], $0x20, $0x38;
	[tilespmem:$0x1C900] =	vst v63  }
.Ltmp5:
0x26a: {  	s25 =	sadd.s32 $0xCFC8, s6;
	s26 =	sadd.s32 $0x50, s31;
	(pc) =	sbr.rel @p0 .LBB2_12-.Ltmp5, $4  }
0x26b: {  	[hbm4b:s26+s2] =	stream.linear.scatter [tilespmem:s25], [sflag:$0x2], $0x20, $0x38;
	[tilespmem:$0x1C900] =	vst v63  }
0x26c: {  	s30 =	sadd.s32 $0x70, s31;
	s25 =	sadd.s32 $0xCFF0, s6;
	s26 =	sadd.s32 $0x60, s31  }
0x26d: {  	[hbm4b:s26+s2] =	stream.linear.scatter [tilespmem:s25], [sflag:$0x2], $0x20, $0x38;
	[tilespmem:$0x1C900] =	vst v63  }
0x26e: {  	s31 =	sadd.s32 $0x400, s31;
	s26 =	sadd.s32 $0xD018, s6;
	s25 =	smov.u32 s7  }
0x26f: {  	[hbm4b:s30+s2] =	stream.linear.scatter [tilespmem:s26], [sflag:$0x2], $0x20, $0x38;
	[tilespmem:$0x1C900] =	vst v63  }
0x270: {  	s6 =	sadd.s32 $0xCF00, s5  }
0x271: {  	[hbm4b:s31+s2] =	stream.linear.scatter [tilespmem:s6], [sflag:$0x2], $0x20, $0x38;
	[tilespmem:$0x1C900] =	vst v63  }
0x272: {  	s26 =	sadd.s32 $0xCF28, s5;
	s7 =	sadd.s32 $0x10, s31  }
0x273: {  	[hbm4b:s7+s2] =	stream.linear.scatter [tilespmem:s26], [sflag:$0x2], $0x20, $0x38;
	[tilespmem:$0x1C900] =	vst v63  }
0x274: {  	s25 =	sadd.s32 $0xCF50, s5;
	s26 =	sadd.s32 $0x20, s31  }
0x275: {  	[hbm4b:s26+s2] =	stream.linear.scatter [tilespmem:s25], [sflag:$0x2], $0x20, $0x38;
	[tilespmem:$0x1C900] =	vst v63  }
0x276: {  	s25 =	sadd.s32 $0xCF78, s5;
	s26 =	sadd.s32 $0x30, s31  }
0x277: {  	[hbm4b:s26+s2] =	stream.linear.scatter [tilespmem:s25], [sflag:$0x2], $0x20, $0x38;
	[tilespmem:$0x1C900] =	vst v63  }
0x278: {  	s25 =	sadd.s32 $0xCFA0, s5;
	s26 =	sadd.s32 $0x40, s31  }
0x279: {  	[hbm4b:s26+s2] =	stream.linear.scatter [tilespmem:s25], [sflag:$0x2], $0x20, $0x38;
	[tilespmem:$0x1C900] =	vst v63  }
0x27a: {  	s25 =	sadd.s32 $0xCFC8, s5;
	s26 =	sadd.s32 $0x50, s31  }
0x27b: {  	[hbm4b:s26+s2] =	stream.linear.scatter [tilespmem:s25], [sflag:$0x2], $0x20, $0x38;
	[tilespmem:$0x1C900] =	vst v63  }
0x27c: {  	s25 =	sadd.s32 $0xCFF0, s5;
	s26 =	sadd.s32 $0x60, s31  }
0x27d: {  	[hbm4b:s26+s2] =	stream.linear.scatter [tilespmem:s25], [sflag:$0x2], $0x20, $0x38;
	[tilespmem:$0x1C900] =	vst v63  }
0x27e: {  	s7 =	sadd.s32 $0xD018, s5;
	s25 =	sadd.s32 $0x70, s31  }
0x27f: {  	[hbm4b:s25+s2] =	stream.linear.scatter [tilespmem:s7], [sflag:$0x2], $0x20, $0x38;
	[tilespmem:$0x1C900] =	vst v63  }
0x280: {  	s26 =	simm.s32 $0xCF00  }
0x281: {  	[hbm4b:s10+s2] =	stream.linear.scatter [tilespmem:s26], [sflag:$0x2], $0x20, $0x38;
	[tilespmem:$0x1C900] =	vst v63  }
0x282: {  	s6 =	simm.s32 $0xCF28;
	s7 =	sadd.s32 $0x10, s10  }
0x283: {  	[hbm4b:s7+s2] =	stream.linear.scatter [tilespmem:s6], [sflag:$0x2], $0x20, $0x38;
	[tilespmem:$0x1C900] =	vst v63  }
0x284: {  	s25 =	simm.s32 $0xCF50;
	s26 =	sadd.s32 $0x20, s10  }
0x285: {  	[hbm4b:s26+s2] =	stream.linear.scatter [tilespmem:s25], [sflag:$0x2], $0x20, $0x38;
	[tilespmem:$0x1C900] =	vst v63  }
0x286: {  	s6 =	simm.s32 $0xCF78;
	s7 =	sadd.s32 $0x30, s10  }
0x287: {  	[hbm4b:s7+s2] =	stream.linear.scatter [tilespmem:s6], [sflag:$0x2], $0x20, $0x38;
	[tilespmem:$0x1C900] =	vst v63  }
0x288: {  	s25 =	simm.s32 $0xCFA0;
	s26 =	sadd.s32 $0x40, s10  }
0x289: {  	[hbm4b:s26+s2] =	stream.linear.scatter [tilespmem:s25], [sflag:$0x2], $0x20, $0x38;
	[tilespmem:$0x1C900] =	vst v63  }
0x28a: {  	s30 =	sadd.s32 $0x70, s10;
	s6 =	simm.s32 $0xCFC8;
	s7 =	sadd.s32 $0x50, s10  }
0x28b: {  	[hbm4b:s7+s2] =	stream.linear.scatter [tilespmem:s6], [sflag:$0x2], $0x20, $0x38;
	[tilespmem:$0x1C900] =	vst v63  }
0x28c: {  	s5 =	simm.s32 $0x140;
	s25 =	simm.s32 $0xCFF0;
	s26 =	sadd.s32 $0x60, s10  }
0x28d: {  	[hbm4b:s26+s2] =	stream.linear.scatter [tilespmem:s25], [sflag:$0x2], $0x20, $0x38;
	[tilespmem:$0x1C900] =	vst v63  }
0x28e: {  	s31 =	sadd.s32 $0x400, s10;
	s25 =	simm.s32 $0xA00;
	s26 =	simm.s32 $0xD018  }
.LBB2_14:
0x28f: {  	[hbm4b:s30+s2] =	stream.linear.scatter [tilespmem:s26], [sflag:$0x2], $0x20, $0x38;
	[tilespmem:$0x1C900] =	vst v63  }
0x290: {  	s6 =	smov.u32 s5;
	s5 =	smov.u32 s25  }
0x291: {  	s7 =	sadd.s32 $0x500, s25;
	s5 =	sshra.s32 s5, $0x2;
	s26 =	sadd.s32 $0xCF00, s6  }
0x292: {  	[hbm4b:s31+s2] =	stream.linear.scatter [tilespmem:s26], [sflag:$0x2], $0x20, $0x38;
	[tilespmem:$0x1C900] =	vst v63  }
0x293: {  	p0 =	sne.s32 s25, $0x3E300;
	s25 =	sadd.s32 $0xCF28, s6;
	s26 =	sadd.s32 $0x10, s31  }
0x294: {  	[hbm4b:s26+s2] =	stream.linear.scatter [tilespmem:s25], [sflag:$0x2], $0x20, $0x38;
	[tilespmem:$0x1C900] =	vst v63  }
0x295: {  	s25 =	sadd.s32 $0xCF50, s6;
	s26 =	sadd.s32 $0x20, s31  }
0x296: {  	[hbm4b:s26+s2] =	stream.linear.scatter [tilespmem:s25], [sflag:$0x2], $0x20, $0x38;
	[tilespmem:$0x1C900] =	vst v63  }
0x297: {  	s25 =	sadd.s32 $0xCF78, s6;
	s26 =	sadd.s32 $0x30, s31  }
0x298: {  	[hbm4b:s26+s2] =	stream.linear.scatter [tilespmem:s25], [sflag:$0x2], $0x20, $0x38;
	[tilespmem:$0x1C900] =	vst v63  }
0x299: {  	s25 =	sadd.s32 $0xCFA0, s6;
	s26 =	sadd.s32 $0x40, s31  }
0x29a: {  	[hbm4b:s26+s2] =	stream.linear.scatter [tilespmem:s25], [sflag:$0x2], $0x20, $0x38;
	[tilespmem:$0x1C900] =	vst v63  }
.Ltmp6:
0x29b: {  	s25 =	sadd.s32 $0xCFC8, s6;
	s26 =	sadd.s32 $0x50, s31;
	(pc) =	sbr.rel @p0 .LBB2_14-.Ltmp6, $4  }
0x29c: {  	[hbm4b:s26+s2] =	stream.linear.scatter [tilespmem:s25], [sflag:$0x2], $0x20, $0x38;
	[tilespmem:$0x1C900] =	vst v63  }
0x29d: {  	s30 =	sadd.s32 $0x70, s31;
	s25 =	sadd.s32 $0xCFF0, s6;
	s26 =	sadd.s32 $0x60, s31  }
0x29e: {  	[hbm4b:s26+s2] =	stream.linear.scatter [tilespmem:s25], [sflag:$0x2], $0x20, $0x38;
	[tilespmem:$0x1C900] =	vst v63  }
0x29f: {  	s31 =	sadd.s32 $0x400, s31;
	s26 =	sadd.s32 $0xD018, s6;
	s25 =	smov.u32 s7  }
0x2a0: {  	[hbm4b:s30+s2] =	stream.linear.scatter [tilespmem:s26], [sflag:$0x2], $0x20, $0x38;
	[tilespmem:$0x1C900] =	vst v63  }
0x2a1: {  	s6 =	sadd.s32 $0xCF00, s5  }
0x2a2: {  	[hbm4b:s31+s2] =	stream.linear.scatter [tilespmem:s6], [sflag:$0x2], $0x20, $0x38;
	[tilespmem:$0x1C900] =	vst v63  }
0x2a3: {  	s26 =	sadd.s32 $0xCF28, s5;
	s7 =	sadd.s32 $0x10, s31  }
0x2a4: {  	[hbm4b:s7+s2] =	stream.linear.scatter [tilespmem:s26], [sflag:$0x2], $0x20, $0x38;
	[tilespmem:$0x1C900] =	vst v63  }
0x2a5: {  	s25 =	sadd.s32 $0xCF50, s5;
	s26 =	sadd.s32 $0x20, s31  }
0x2a6: {  	[hbm4b:s26+s2] =	stream.linear.scatter [tilespmem:s25], [sflag:$0x2], $0x20, $0x38;
	[tilespmem:$0x1C900] =	vst v63  }
0x2a7: {  	s25 =	sadd.s32 $0xCF78, s5;
	s26 =	sadd.s32 $0x30, s31  }
0x2a8: {  	[hbm4b:s26+s2] =	stream.linear.scatter [tilespmem:s25], [sflag:$0x2], $0x20, $0x38;
	[tilespmem:$0x1C900] =	vst v63  }
0x2a9: {  	s25 =	sadd.s32 $0xCFA0, s5;
	s26 =	sadd.s32 $0x40, s31  }
0x2aa: {  	[hbm4b:s26+s2] =	stream.linear.scatter [tilespmem:s25], [sflag:$0x2], $0x20, $0x38;
	[tilespmem:$0x1C900] =	vst v63  }
0x2ab: {  	s25 =	sadd.s32 $0xCFC8, s5;
	s26 =	sadd.s32 $0x50, s31  }
0x2ac: {  	[hbm4b:s26+s2] =	stream.linear.scatter [tilespmem:s25], [sflag:$0x2], $0x20, $0x38;
	[tilespmem:$0x1C900] =	vst v63  }
0x2ad: {  	s25 =	sadd.s32 $0xCFF0, s5;
	s26 =	sadd.s32 $0x60, s31  }
0x2ae: {  	[hbm4b:s26+s2] =	stream.linear.scatter [tilespmem:s25], [sflag:$0x2], $0x20, $0x38;
	[tilespmem:$0x1C900] =	vst v63  }
0x2af: {  	s7 =	sadd.s32 $0xD018, s5;
	s25 =	sadd.s32 $0x70, s31  }
0x2b0: {  	[hbm4b:s25+s2] =	stream.linear.scatter [tilespmem:s7], [sflag:$0x2], $0x20, $0x38;
	[tilespmem:$0x1C900] =	vst v63  }
0x2b1: {  	s26 =	simm.s32 $0xCF00  }
0x2b2: {  	[hbm4b:s11+s2] =	stream.linear.scatter [tilespmem:s26], [sflag:$0x2], $0x20, $0x38;
	[tilespmem:$0x1C900] =	vst v63  }
0x2b3: {  	s6 =	simm.s32 $0xCF28;
	s7 =	sadd.s32 $0x10, s11  }
0x2b4: {  	[hbm4b:s7+s2] =	stream.linear.scatter [tilespmem:s6], [sflag:$0x2], $0x20, $0x38;
	[tilespmem:$0x1C900] =	vst v63  }
0x2b5: {  	s25 =	simm.s32 $0xCF50;
	s26 =	sadd.s32 $0x20, s11  }
0x2b6: {  	[hbm4b:s26+s2] =	stream.linear.scatter [tilespmem:s25], [sflag:$0x2], $0x20, $0x38;
	[tilespmem:$0x1C900] =	vst v63  }
0x2b7: {  	s6 =	simm.s32 $0xCF78;
	s7 =	sadd.s32 $0x30, s11  }
0x2b8: {  	[hbm4b:s7+s2] =	stream.linear.scatter [tilespmem:s6], [sflag:$0x2], $0x20, $0x38;
	[tilespmem:$0x1C900] =	vst v63  }
0x2b9: {  	s25 =	simm.s32 $0xCFA0;
	s26 =	sadd.s32 $0x40, s11  }
0x2ba: {  	[hbm4b:s26+s2] =	stream.linear.scatter [tilespmem:s25], [sflag:$0x2], $0x20, $0x38;
	[tilespmem:$0x1C900] =	vst v63  }
0x2bb: {  	s30 =	sadd.s32 $0x70, s11;
	s6 =	simm.s32 $0xCFC8;
	s7 =	sadd.s32 $0x50, s11  }
0x2bc: {  	[hbm4b:s7+s2] =	stream.linear.scatter [tilespmem:s6], [sflag:$0x2], $0x20, $0x38;
	[tilespmem:$0x1C900] =	vst v63  }
0x2bd: {  	s5 =	simm.s32 $0x140;
	s25 =	simm.s32 $0xCFF0;
	s26 =	sadd.s32 $0x60, s11  }
0x2be: {  	[hbm4b:s26+s2] =	stream.linear.scatter [tilespmem:s25], [sflag:$0x2], $0x20, $0x38;
	[tilespmem:$0x1C900] =	vst v63  }
0x2bf: {  	s31 =	sadd.s32 $0x400, s11;
	s25 =	simm.s32 $0xA00;
	s26 =	simm.s32 $0xD018  }
.LBB2_16:
0x2c0: {  	[hbm4b:s30+s2] =	stream.linear.scatter [tilespmem:s26], [sflag:$0x2], $0x20, $0x38;
	[tilespmem:$0x1C900] =	vst v63  }
0x2c1: {  	s6 =	smov.u32 s5;
	s5 =	smov.u32 s25  }
0x2c2: {  	s7 =	sadd.s32 $0x500, s25;
	s5 =	sshra.s32 s5, $0x2;
	s26 =	sadd.s32 $0xCF00, s6  }
0x2c3: {  	[hbm4b:s31+s2] =	stream.linear.scatter [tilespmem:s26], [sflag:$0x2], $0x20, $0x38;
	[tilespmem:$0x1C900] =	vst v63  }
0x2c4: {  	p0 =	sne.s32 s25, $0x3E300;
	s25 =	sadd.s32 $0xCF28, s6;
	s26 =	sadd.s32 $0x10, s31  }
0x2c5: {  	[hbm4b:s26+s2] =	stream.linear.scatter [tilespmem:s25], [sflag:$0x2], $0x20, $0x38;
	[tilespmem:$0x1C900] =	vst v63  }
0x2c6: {  	s25 =	sadd.s32 $0xCF50, s6;
	s26 =	sadd.s32 $0x20, s31  }
0x2c7: {  	[hbm4b:s26+s2] =	stream.linear.scatter [tilespmem:s25], [sflag:$0x2], $0x20, $0x38;
	[tilespmem:$0x1C900] =	vst v63  }
0x2c8: {  	s25 =	sadd.s32 $0xCF78, s6;
	s26 =	sadd.s32 $0x30, s31  }
0x2c9: {  	[hbm4b:s26+s2] =	stream.linear.scatter [tilespmem:s25], [sflag:$0x2], $0x20, $0x38;
	[tilespmem:$0x1C900] =	vst v63  }
0x2ca: {  	s25 =	sadd.s32 $0xCFA0, s6;
	s26 =	sadd.s32 $0x40, s31  }
0x2cb: {  	[hbm4b:s26+s2] =	stream.linear.scatter [tilespmem:s25], [sflag:$0x2], $0x20, $0x38;
	[tilespmem:$0x1C900] =	vst v63  }
.Ltmp7:
0x2cc: {  	s25 =	sadd.s32 $0xCFC8, s6;
	s26 =	sadd.s32 $0x50, s31;
	(pc) =	sbr.rel @p0 .LBB2_16-.Ltmp7, $4  }
0x2cd: {  	[hbm4b:s26+s2] =	stream.linear.scatter [tilespmem:s25], [sflag:$0x2], $0x20, $0x38;
	[tilespmem:$0x1C900] =	vst v63  }
0x2ce: {  	s30 =	sadd.s32 $0x70, s31;
	s25 =	sadd.s32 $0xCFF0, s6;
	s26 =	sadd.s32 $0x60, s31  }
0x2cf: {  	[hbm4b:s26+s2] =	stream.linear.scatter [tilespmem:s25], [sflag:$0x2], $0x20, $0x38;
	[tilespmem:$0x1C900] =	vst v63  }
0x2d0: {  	s31 =	sadd.s32 $0x400, s31;
	s26 =	sadd.s32 $0xD018, s6;
	s25 =	smov.u32 s7  }
0x2d1: {  	[hbm4b:s30+s2] =	stream.linear.scatter [tilespmem:s26], [sflag:$0x2], $0x20, $0x38;
	[tilespmem:$0x1C900] =	vst v63  }
0x2d2: {  	s6 =	sadd.s32 $0xCF00, s5  }
0x2d3: {  	[hbm4b:s31+s2] =	stream.linear.scatter [tilespmem:s6], [sflag:$0x2], $0x20, $0x38;
	[tilespmem:$0x1C900] =	vst v63  }
0x2d4: {  	s26 =	sadd.s32 $0xCF28, s5;
	s7 =	sadd.s32 $0x10, s31  }
0x2d5: {  	[hbm4b:s7+s2] =	stream.linear.scatter [tilespmem:s26], [sflag:$0x2], $0x20, $0x38;
	[tilespmem:$0x1C900] =	vst v63  }
0x2d6: {  	s25 =	sadd.s32 $0xCF50, s5;
	s26 =	sadd.s32 $0x20, s31  }
0x2d7: {  	[hbm4b:s26+s2] =	stream.linear.scatter [tilespmem:s25], [sflag:$0x2], $0x20, $0x38;
	[tilespmem:$0x1C900] =	vst v63  }
0x2d8: {  	s25 =	sadd.s32 $0xCF78, s5;
	s26 =	sadd.s32 $0x30, s31  }
0x2d9: {  	[hbm4b:s26+s2] =	stream.linear.scatter [tilespmem:s25], [sflag:$0x2], $0x20, $0x38;
	[tilespmem:$0x1C900] =	vst v63  }
0x2da: {  	s25 =	sadd.s32 $0xCFA0, s5;
	s26 =	sadd.s32 $0x40, s31  }
0x2db: {  	[hbm4b:s26+s2] =	stream.linear.scatter [tilespmem:s25], [sflag:$0x2], $0x20, $0x38;
	[tilespmem:$0x1C900] =	vst v63  }
0x2dc: {  	s25 =	sadd.s32 $0xCFC8, s5;
	s26 =	sadd.s32 $0x50, s31  }
0x2dd: {  	[hbm4b:s26+s2] =	stream.linear.scatter [tilespmem:s25], [sflag:$0x2], $0x20, $0x38;
	[tilespmem:$0x1C900] =	vst v63  }
0x2de: {  	s25 =	sadd.s32 $0xCFF0, s5;
	s26 =	sadd.s32 $0x60, s31  }
0x2df: {  	[hbm4b:s26+s2] =	stream.linear.scatter [tilespmem:s25], [sflag:$0x2], $0x20, $0x38;
	[tilespmem:$0x1C900] =	vst v63  }
0x2e0: {  	s7 =	sadd.s32 $0xD018, s5;
	s25 =	sadd.s32 $0x70, s31  }
0x2e1: {  	[hbm4b:s25+s2] =	stream.linear.scatter [tilespmem:s7], [sflag:$0x2], $0x20, $0x38;
	[tilespmem:$0x1C900] =	vst v63  }
0x2e2: {  	s26 =	simm.s32 $0xCF00  }
0x2e3: {  	[hbm4b:s12+s2] =	stream.linear.scatter [tilespmem:s26], [sflag:$0x2], $0x20, $0x38;
	[tilespmem:$0x1C900] =	vst v63  }
0x2e4: {  	s6 =	simm.s32 $0xCF28;
	s7 =	sadd.s32 $0x10, s12  }
0x2e5: {  	[hbm4b:s7+s2] =	stream.linear.scatter [tilespmem:s6], [sflag:$0x2], $0x20, $0x38;
	[tilespmem:$0x1C900] =	vst v63  }
0x2e6: {  	s25 =	simm.s32 $0xCF50;
	s26 =	sadd.s32 $0x20, s12  }
0x2e7: {  	[hbm4b:s26+s2] =	stream.linear.scatter [tilespmem:s25], [sflag:$0x2], $0x20, $0x38;
	[tilespmem:$0x1C900] =	vst v63  }
0x2e8: {  	s6 =	simm.s32 $0xCF78;
	s7 =	sadd.s32 $0x30, s12  }
0x2e9: {  	[hbm4b:s7+s2] =	stream.linear.scatter [tilespmem:s6], [sflag:$0x2], $0x20, $0x38;
	[tilespmem:$0x1C900] =	vst v63  }
0x2ea: {  	s25 =	simm.s32 $0xCFA0;
	s26 =	sadd.s32 $0x40, s12  }
0x2eb: {  	[hbm4b:s26+s2] =	stream.linear.scatter [tilespmem:s25], [sflag:$0x2], $0x20, $0x38;
	[tilespmem:$0x1C900] =	vst v63  }
0x2ec: {  	s30 =	sadd.s32 $0x70, s12;
	s6 =	simm.s32 $0xCFC8;
	s7 =	sadd.s32 $0x50, s12  }
0x2ed: {  	[hbm4b:s7+s2] =	stream.linear.scatter [tilespmem:s6], [sflag:$0x2], $0x20, $0x38;
	[tilespmem:$0x1C900] =	vst v63  }
0x2ee: {  	s5 =	simm.s32 $0x140;
	s25 =	simm.s32 $0xCFF0;
	s26 =	sadd.s32 $0x60, s12  }
0x2ef: {  	[hbm4b:s26+s2] =	stream.linear.scatter [tilespmem:s25], [sflag:$0x2], $0x20, $0x38;
	[tilespmem:$0x1C900] =	vst v63  }
0x2f0: {  	s31 =	sadd.s32 $0x400, s12;
	s25 =	simm.s32 $0xA00;
	s26 =	simm.s32 $0xD018  }
.LBB2_18:
0x2f1: {  	[hbm4b:s30+s2] =	stream.linear.scatter [tilespmem:s26], [sflag:$0x2], $0x20, $0x38;
	[tilespmem:$0x1C900] =	vst v63  }
0x2f2: {  	s6 =	smov.u32 s5;
	s5 =	smov.u32 s25  }
0x2f3: {  	s7 =	sadd.s32 $0x500, s25;
	s5 =	sshra.s32 s5, $0x2;
	s26 =	sadd.s32 $0xCF00, s6  }
0x2f4: {  	[hbm4b:s31+s2] =	stream.linear.scatter [tilespmem:s26], [sflag:$0x2], $0x20, $0x38;
	[tilespmem:$0x1C900] =	vst v63  }
0x2f5: {  	p0 =	sne.s32 s25, $0x3E300;
	s25 =	sadd.s32 $0xCF28, s6;
	s26 =	sadd.s32 $0x10, s31  }
0x2f6: {  	[hbm4b:s26+s2] =	stream.linear.scatter [tilespmem:s25], [sflag:$0x2], $0x20, $0x38;
	[tilespmem:$0x1C900] =	vst v63  }
0x2f7: {  	s25 =	sadd.s32 $0xCF50, s6;
	s26 =	sadd.s32 $0x20, s31  }
0x2f8: {  	[hbm4b:s26+s2] =	stream.linear.scatter [tilespmem:s25], [sflag:$0x2], $0x20, $0x38;
	[tilespmem:$0x1C900] =	vst v63  }
0x2f9: {  	s25 =	sadd.s32 $0xCF78, s6;
	s26 =	sadd.s32 $0x30, s31  }
0x2fa: {  	[hbm4b:s26+s2] =	stream.linear.scatter [tilespmem:s25], [sflag:$0x2], $0x20, $0x38;
	[tilespmem:$0x1C900] =	vst v63  }
0x2fb: {  	s25 =	sadd.s32 $0xCFA0, s6;
	s26 =	sadd.s32 $0x40, s31  }
0x2fc: {  	[hbm4b:s26+s2] =	stream.linear.scatter [tilespmem:s25], [sflag:$0x2], $0x20, $0x38;
	[tilespmem:$0x1C900] =	vst v63  }
.Ltmp8:
0x2fd: {  	s25 =	sadd.s32 $0xCFC8, s6;
	s26 =	sadd.s32 $0x50, s31;
	(pc) =	sbr.rel @p0 .LBB2_18-.Ltmp8, $4  }
0x2fe: {  	[hbm4b:s26+s2] =	stream.linear.scatter [tilespmem:s25], [sflag:$0x2], $0x20, $0x38;
	[tilespmem:$0x1C900] =	vst v63  }
0x2ff: {  	s30 =	sadd.s32 $0x70, s31;
	s25 =	sadd.s32 $0xCFF0, s6;
	s26 =	sadd.s32 $0x60, s31  }
0x300: {  	[hbm4b:s26+s2] =	stream.linear.scatter [tilespmem:s25], [sflag:$0x2], $0x20, $0x38;
	[tilespmem:$0x1C900] =	vst v63  }
0x301: {  	s31 =	sadd.s32 $0x400, s31;
	s26 =	sadd.s32 $0xD018, s6;
	s25 =	smov.u32 s7  }
0x302: {  	[hbm4b:s30+s2] =	stream.linear.scatter [tilespmem:s26], [sflag:$0x2], $0x20, $0x38;
	[tilespmem:$0x1C900] =	vst v63  }
0x303: {  	s6 =	sadd.s32 $0xCF00, s5  }
0x304: {  	[hbm4b:s31+s2] =	stream.linear.scatter [tilespmem:s6], [sflag:$0x2], $0x20, $0x38;
	[tilespmem:$0x1C900] =	vst v63  }
0x305: {  	s26 =	sadd.s32 $0xCF28, s5;
	s7 =	sadd.s32 $0x10, s31  }
0x306: {  	[hbm4b:s7+s2] =	stream.linear.scatter [tilespmem:s26], [sflag:$0x2], $0x20, $0x38;
	[tilespmem:$0x1C900] =	vst v63  }
0x307: {  	s25 =	sadd.s32 $0xCF50, s5;
	s26 =	sadd.s32 $0x20, s31  }
0x308: {  	[hbm4b:s26+s2] =	stream.linear.scatter [tilespmem:s25], [sflag:$0x2], $0x20, $0x38;
	[tilespmem:$0x1C900] =	vst v63  }
0x309: {  	s25 =	sadd.s32 $0xCF78, s5;
	s26 =	sadd.s32 $0x30, s31  }
0x30a: {  	[hbm4b:s26+s2] =	stream.linear.scatter [tilespmem:s25], [sflag:$0x2], $0x20, $0x38;
	[tilespmem:$0x1C900] =	vst v63  }
0x30b: {  	s25 =	sadd.s32 $0xCFA0, s5;
	s26 =	sadd.s32 $0x40, s31  }
0x30c: {  	[hbm4b:s26+s2] =	stream.linear.scatter [tilespmem:s25], [sflag:$0x2], $0x20, $0x38;
	[tilespmem:$0x1C900] =	vst v63  }
0x30d: {  	s25 =	sadd.s32 $0xCFC8, s5;
	s26 =	sadd.s32 $0x50, s31  }
0x30e: {  	[hbm4b:s26+s2] =	stream.linear.scatter [tilespmem:s25], [sflag:$0x2], $0x20, $0x38;
	[tilespmem:$0x1C900] =	vst v63  }
0x30f: {  	s25 =	sadd.s32 $0xCFF0, s5;
	s26 =	sadd.s32 $0x60, s31  }
0x310: {  	[hbm4b:s26+s2] =	stream.linear.scatter [tilespmem:s25], [sflag:$0x2], $0x20, $0x38;
	[tilespmem:$0x1C900] =	vst v63  }
0x311: {  	s7 =	sadd.s32 $0xD018, s5;
	s25 =	sadd.s32 $0x70, s31  }
0x312: {  	[hbm4b:s25+s2] =	stream.linear.scatter [tilespmem:s7], [sflag:$0x2], $0x20, $0x38;
	[tilespmem:$0x1C900] =	vst v63  }
0x313: {  	s26 =	simm.s32 $0xCF00  }
0x314: {  	[hbm4b:s13+s2] =	stream.linear.scatter [tilespmem:s26], [sflag:$0x2], $0x20, $0x38;
	[tilespmem:$0x1C900] =	vst v63  }
0x315: {  	s6 =	simm.s32 $0xCF28;
	s7 =	sadd.s32 $0x10, s13  }
0x316: {  	[hbm4b:s7+s2] =	stream.linear.scatter [tilespmem:s6], [sflag:$0x2], $0x20, $0x38;
	[tilespmem:$0x1C900] =	vst v63  }
0x317: {  	s25 =	simm.s32 $0xCF50;
	s26 =	sadd.s32 $0x20, s13  }
0x318: {  	[hbm4b:s26+s2] =	stream.linear.scatter [tilespmem:s25], [sflag:$0x2], $0x20, $0x38;
	[tilespmem:$0x1C900] =	vst v63  }
0x319: {  	s6 =	simm.s32 $0xCF78;
	s7 =	sadd.s32 $0x30, s13  }
0x31a: {  	[hbm4b:s7+s2] =	stream.linear.scatter [tilespmem:s6], [sflag:$0x2], $0x20, $0x38;
	[tilespmem:$0x1C900] =	vst v63  }
0x31b: {  	s25 =	simm.s32 $0xCFA0;
	s26 =	sadd.s32 $0x40, s13  }
0x31c: {  	[hbm4b:s26+s2] =	stream.linear.scatter [tilespmem:s25], [sflag:$0x2], $0x20, $0x38;
	[tilespmem:$0x1C900] =	vst v63  }
0x31d: {  	s30 =	sadd.s32 $0x70, s13;
	s6 =	simm.s32 $0xCFC8;
	s7 =	sadd.s32 $0x50, s13  }
0x31e: {  	[hbm4b:s7+s2] =	stream.linear.scatter [tilespmem:s6], [sflag:$0x2], $0x20, $0x38;
	[tilespmem:$0x1C900] =	vst v63  }
0x31f: {  	s5 =	simm.s32 $0x140;
	s25 =	simm.s32 $0xCFF0;
	s26 =	sadd.s32 $0x60, s13  }
0x320: {  	[hbm4b:s26+s2] =	stream.linear.scatter [tilespmem:s25], [sflag:$0x2], $0x20, $0x38;
	[tilespmem:$0x1C900] =	vst v63  }
0x321: {  	s31 =	sadd.s32 $0x400, s13;
	s25 =	simm.s32 $0xA00;
	s26 =	simm.s32 $0xD018  }
.LBB2_20:
0x322: {  	[hbm4b:s30+s2] =	stream.linear.scatter [tilespmem:s26], [sflag:$0x2], $0x20, $0x38;
	[tilespmem:$0x1C900] =	vst v63  }
0x323: {  	s6 =	smov.u32 s5;
	s5 =	smov.u32 s25  }
0x324: {  	s7 =	sadd.s32 $0x500, s25;
	s5 =	sshra.s32 s5, $0x2;
	s26 =	sadd.s32 $0xCF00, s6  }
0x325: {  	[hbm4b:s31+s2] =	stream.linear.scatter [tilespmem:s26], [sflag:$0x2], $0x20, $0x38;
	[tilespmem:$0x1C900] =	vst v63  }
0x326: {  	p0 =	sne.s32 s25, $0x3E300;
	s25 =	sadd.s32 $0xCF28, s6;
	s26 =	sadd.s32 $0x10, s31  }
0x327: {  	[hbm4b:s26+s2] =	stream.linear.scatter [tilespmem:s25], [sflag:$0x2], $0x20, $0x38;
	[tilespmem:$0x1C900] =	vst v63  }
0x328: {  	s25 =	sadd.s32 $0xCF50, s6;
	s26 =	sadd.s32 $0x20, s31  }
0x329: {  	[hbm4b:s26+s2] =	stream.linear.scatter [tilespmem:s25], [sflag:$0x2], $0x20, $0x38;
	[tilespmem:$0x1C900] =	vst v63  }
0x32a: {  	s25 =	sadd.s32 $0xCF78, s6;
	s26 =	sadd.s32 $0x30, s31  }
0x32b: {  	[hbm4b:s26+s2] =	stream.linear.scatter [tilespmem:s25], [sflag:$0x2], $0x20, $0x38;
	[tilespmem:$0x1C900] =	vst v63  }
0x32c: {  	s25 =	sadd.s32 $0xCFA0, s6;
	s26 =	sadd.s32 $0x40, s31  }
0x32d: {  	[hbm4b:s26+s2] =	stream.linear.scatter [tilespmem:s25], [sflag:$0x2], $0x20, $0x38;
	[tilespmem:$0x1C900] =	vst v63  }
.Ltmp9:
0x32e: {  	s25 =	sadd.s32 $0xCFC8, s6;
	s26 =	sadd.s32 $0x50, s31;
	(pc) =	sbr.rel @p0 .LBB2_20-.Ltmp9, $4  }
0x32f: {  	[hbm4b:s26+s2] =	stream.linear.scatter [tilespmem:s25], [sflag:$0x2], $0x20, $0x38;
	[tilespmem:$0x1C900] =	vst v63  }
0x330: {  	s30 =	sadd.s32 $0x70, s31;
	s25 =	sadd.s32 $0xCFF0, s6;
	s26 =	sadd.s32 $0x60, s31  }
0x331: {  	[hbm4b:s26+s2] =	stream.linear.scatter [tilespmem:s25], [sflag:$0x2], $0x20, $0x38;
	[tilespmem:$0x1C900] =	vst v63  }
0x332: {  	s31 =	sadd.s32 $0x400, s31;
	s26 =	sadd.s32 $0xD018, s6;
	s25 =	smov.u32 s7  }
0x333: {  	[hbm4b:s30+s2] =	stream.linear.scatter [tilespmem:s26], [sflag:$0x2], $0x20, $0x38;
	[tilespmem:$0x1C900] =	vst v63  }
0x334: {  	s6 =	sadd.s32 $0xCF00, s5  }
0x335: {  	[hbm4b:s31+s2] =	stream.linear.scatter [tilespmem:s6], [sflag:$0x2], $0x20, $0x38;
	[tilespmem:$0x1C900] =	vst v63  }
0x336: {  	s26 =	sadd.s32 $0xCF28, s5;
	s7 =	sadd.s32 $0x10, s31  }
0x337: {  	[hbm4b:s7+s2] =	stream.linear.scatter [tilespmem:s26], [sflag:$0x2], $0x20, $0x38;
	[tilespmem:$0x1C900] =	vst v63  }
0x338: {  	s25 =	sadd.s32 $0xCF50, s5;
	s26 =	sadd.s32 $0x20, s31  }
0x339: {  	[hbm4b:s26+s2] =	stream.linear.scatter [tilespmem:s25], [sflag:$0x2], $0x20, $0x38;
	[tilespmem:$0x1C900] =	vst v63  }
0x33a: {  	s25 =	sadd.s32 $0xCF78, s5;
	s26 =	sadd.s32 $0x30, s31  }
0x33b: {  	[hbm4b:s26+s2] =	stream.linear.scatter [tilespmem:s25], [sflag:$0x2], $0x20, $0x38;
	[tilespmem:$0x1C900] =	vst v63  }
0x33c: {  	s25 =	sadd.s32 $0xCFA0, s5;
	s26 =	sadd.s32 $0x40, s31  }
0x33d: {  	[hbm4b:s26+s2] =	stream.linear.scatter [tilespmem:s25], [sflag:$0x2], $0x20, $0x38;
	[tilespmem:$0x1C900] =	vst v63  }
0x33e: {  	s25 =	sadd.s32 $0xCFC8, s5;
	s26 =	sadd.s32 $0x50, s31  }
0x33f: {  	[hbm4b:s26+s2] =	stream.linear.scatter [tilespmem:s25], [sflag:$0x2], $0x20, $0x38;
	[tilespmem:$0x1C900] =	vst v63  }
0x340: {  	s25 =	sadd.s32 $0xCFF0, s5;
	s26 =	sadd.s32 $0x60, s31  }
0x341: {  	[hbm4b:s26+s2] =	stream.linear.scatter [tilespmem:s25], [sflag:$0x2], $0x20, $0x38;
	[tilespmem:$0x1C900] =	vst v63  }
0x342: {  	s7 =	sadd.s32 $0xD018, s5;
	s25 =	sadd.s32 $0x70, s31  }
0x343: {  	[hbm4b:s25+s2] =	stream.linear.scatter [tilespmem:s7], [sflag:$0x2], $0x20, $0x38;
	[tilespmem:$0x1C900] =	vst v63  }
0x344: {  	s26 =	simm.s32 $0xCF00  }
0x345: {  	[hbm4b:s14+s2] =	stream.linear.scatter [tilespmem:s26], [sflag:$0x2], $0x20, $0x38;
	[tilespmem:$0x1C900] =	vst v63  }
0x346: {  	s6 =	simm.s32 $0xCF28;
	s7 =	sadd.s32 $0x10, s14  }
0x347: {  	[hbm4b:s7+s2] =	stream.linear.scatter [tilespmem:s6], [sflag:$0x2], $0x20, $0x38;
	[tilespmem:$0x1C900] =	vst v63  }
0x348: {  	s25 =	simm.s32 $0xCF50;
	s26 =	sadd.s32 $0x20, s14  }
0x349: {  	[hbm4b:s26+s2] =	stream.linear.scatter [tilespmem:s25], [sflag:$0x2], $0x20, $0x38;
	[tilespmem:$0x1C900] =	vst v63  }
0x34a: {  	s6 =	simm.s32 $0xCF78;
	s7 =	sadd.s32 $0x30, s14  }
0x34b: {  	[hbm4b:s7+s2] =	stream.linear.scatter [tilespmem:s6], [sflag:$0x2], $0x20, $0x38;
	[tilespmem:$0x1C900] =	vst v63  }
0x34c: {  	s25 =	simm.s32 $0xCFA0;
	s26 =	sadd.s32 $0x40, s14  }
0x34d: {  	[hbm4b:s26+s2] =	stream.linear.scatter [tilespmem:s25], [sflag:$0x2], $0x20, $0x38;
	[tilespmem:$0x1C900] =	vst v63  }
0x34e: {  	s30 =	sadd.s32 $0x70, s14;
	s6 =	simm.s32 $0xCFC8;
	s7 =	sadd.s32 $0x50, s14  }
0x34f: {  	[hbm4b:s7+s2] =	stream.linear.scatter [tilespmem:s6], [sflag:$0x2], $0x20, $0x38;
	[tilespmem:$0x1C900] =	vst v63  }
0x350: {  	s5 =	simm.s32 $0x140;
	s25 =	simm.s32 $0xCFF0;
	s26 =	sadd.s32 $0x60, s14  }
0x351: {  	[hbm4b:s26+s2] =	stream.linear.scatter [tilespmem:s25], [sflag:$0x2], $0x20, $0x38;
	[tilespmem:$0x1C900] =	vst v63  }
0x352: {  	s31 =	sadd.s32 $0x400, s14;
	s25 =	simm.s32 $0xA00;
	s26 =	simm.s32 $0xD018  }
.LBB2_22:
0x353: {  	[hbm4b:s30+s2] =	stream.linear.scatter [tilespmem:s26], [sflag:$0x2], $0x20, $0x38;
	[tilespmem:$0x1C900] =	vst v63  }
0x354: {  	s6 =	smov.u32 s5;
	s5 =	smov.u32 s25  }
0x355: {  	s7 =	sadd.s32 $0x500, s25;
	s5 =	sshra.s32 s5, $0x2;
	s26 =	sadd.s32 $0xCF00, s6  }
0x356: {  	[hbm4b:s31+s2] =	stream.linear.scatter [tilespmem:s26], [sflag:$0x2], $0x20, $0x38;
	[tilespmem:$0x1C900] =	vst v63  }
0x357: {  	p0 =	sne.s32 s25, $0x3E300;
	s25 =	sadd.s32 $0xCF28, s6;
	s26 =	sadd.s32 $0x10, s31  }
0x358: {  	[hbm4b:s26+s2] =	stream.linear.scatter [tilespmem:s25], [sflag:$0x2], $0x20, $0x38;
	[tilespmem:$0x1C900] =	vst v63  }
0x359: {  	s25 =	sadd.s32 $0xCF50, s6;
	s26 =	sadd.s32 $0x20, s31  }
0x35a: {  	[hbm4b:s26+s2] =	stream.linear.scatter [tilespmem:s25], [sflag:$0x2], $0x20, $0x38;
	[tilespmem:$0x1C900] =	vst v63  }
0x35b: {  	s25 =	sadd.s32 $0xCF78, s6;
	s26 =	sadd.s32 $0x30, s31  }
0x35c: {  	[hbm4b:s26+s2] =	stream.linear.scatter [tilespmem:s25], [sflag:$0x2], $0x20, $0x38;
	[tilespmem:$0x1C900] =	vst v63  }
0x35d: {  	s25 =	sadd.s32 $0xCFA0, s6;
	s26 =	sadd.s32 $0x40, s31  }
0x35e: {  	[hbm4b:s26+s2] =	stream.linear.scatter [tilespmem:s25], [sflag:$0x2], $0x20, $0x38;
	[tilespmem:$0x1C900] =	vst v63  }
.Ltmp10:
0x35f: {  	s25 =	sadd.s32 $0xCFC8, s6;
	s26 =	sadd.s32 $0x50, s31;
	(pc) =	sbr.rel @p0 .LBB2_22-.Ltmp10, $4  }
0x360: {  	[hbm4b:s26+s2] =	stream.linear.scatter [tilespmem:s25], [sflag:$0x2], $0x20, $0x38;
	[tilespmem:$0x1C900] =	vst v63  }
0x361: {  	s30 =	sadd.s32 $0x70, s31;
	s25 =	sadd.s32 $0xCFF0, s6;
	s26 =	sadd.s32 $0x60, s31  }
0x362: {  	[hbm4b:s26+s2] =	stream.linear.scatter [tilespmem:s25], [sflag:$0x2], $0x20, $0x38;
	[tilespmem:$0x1C900] =	vst v63  }
0x363: {  	s31 =	sadd.s32 $0x400, s31;
	s26 =	sadd.s32 $0xD018, s6;
	s25 =	smov.u32 s7  }
0x364: {  	[hbm4b:s30+s2] =	stream.linear.scatter [tilespmem:s26], [sflag:$0x2], $0x20, $0x38;
	[tilespmem:$0x1C900] =	vst v63  }
0x365: {  	s6 =	sadd.s32 $0xCF00, s5  }
0x366: {  	[hbm4b:s31+s2] =	stream.linear.scatter [tilespmem:s6], [sflag:$0x2], $0x20, $0x38;
	[tilespmem:$0x1C900] =	vst v63  }
0x367: {  	s26 =	sadd.s32 $0xCF28, s5;
	s7 =	sadd.s32 $0x10, s31  }
0x368: {  	[hbm4b:s7+s2] =	stream.linear.scatter [tilespmem:s26], [sflag:$0x2], $0x20, $0x38;
	[tilespmem:$0x1C900] =	vst v63  }
0x369: {  	s25 =	sadd.s32 $0xCF50, s5;
	s26 =	sadd.s32 $0x20, s31  }
0x36a: {  	[hbm4b:s26+s2] =	stream.linear.scatter [tilespmem:s25], [sflag:$0x2], $0x20, $0x38;
	[tilespmem:$0x1C900] =	vst v63  }
0x36b: {  	s25 =	sadd.s32 $0xCF78, s5;
	s26 =	sadd.s32 $0x30, s31  }
0x36c: {  	[hbm4b:s26+s2] =	stream.linear.scatter [tilespmem:s25], [sflag:$0x2], $0x20, $0x38;
	[tilespmem:$0x1C900] =	vst v63  }
0x36d: {  	s25 =	sadd.s32 $0xCFA0, s5;
	s26 =	sadd.s32 $0x40, s31  }
0x36e: {  	[hbm4b:s26+s2] =	stream.linear.scatter [tilespmem:s25], [sflag:$0x2], $0x20, $0x38;
	[tilespmem:$0x1C900] =	vst v63  }
0x36f: {  	s25 =	sadd.s32 $0xCFC8, s5;
	s26 =	sadd.s32 $0x50, s31  }
0x370: {  	[hbm4b:s26+s2] =	stream.linear.scatter [tilespmem:s25], [sflag:$0x2], $0x20, $0x38;
	[tilespmem:$0x1C900] =	vst v63  }
0x371: {  	s25 =	sadd.s32 $0xCFF0, s5;
	s26 =	sadd.s32 $0x60, s31  }
0x372: {  	[hbm4b:s26+s2] =	stream.linear.scatter [tilespmem:s25], [sflag:$0x2], $0x20, $0x38;
	[tilespmem:$0x1C900] =	vst v63  }
0x373: {  	s7 =	sadd.s32 $0xD018, s5;
	s25 =	sadd.s32 $0x70, s31  }
0x374: {  	[hbm4b:s25+s2] =	stream.linear.scatter [tilespmem:s7], [sflag:$0x2], $0x20, $0x38;
	[tilespmem:$0x1C900] =	vst v63  }
0x375: {  	s26 =	simm.s32 $0xCF00  }
0x376: {  	[hbm4b:s15+s2] =	stream.linear.scatter [tilespmem:s26], [sflag:$0x2], $0x20, $0x38;
	[tilespmem:$0x1C900] =	vst v63  }
0x377: {  	s6 =	simm.s32 $0xCF28;
	s7 =	sadd.s32 $0x10, s15  }
0x378: {  	[hbm4b:s7+s2] =	stream.linear.scatter [tilespmem:s6], [sflag:$0x2], $0x20, $0x38;
	[tilespmem:$0x1C900] =	vst v63  }
0x379: {  	s25 =	simm.s32 $0xCF50;
	s26 =	sadd.s32 $0x20, s15  }
0x37a: {  	[hbm4b:s26+s2] =	stream.linear.scatter [tilespmem:s25], [sflag:$0x2], $0x20, $0x38;
	[tilespmem:$0x1C900] =	vst v63  }
0x37b: {  	s6 =	simm.s32 $0xCF78;
	s7 =	sadd.s32 $0x30, s15  }
0x37c: {  	[hbm4b:s7+s2] =	stream.linear.scatter [tilespmem:s6], [sflag:$0x2], $0x20, $0x38;
	[tilespmem:$0x1C900] =	vst v63  }
0x37d: {  	s25 =	simm.s32 $0xCFA0;
	s26 =	sadd.s32 $0x40, s15  }
0x37e: {  	[hbm4b:s26+s2] =	stream.linear.scatter [tilespmem:s25], [sflag:$0x2], $0x20, $0x38;
	[tilespmem:$0x1C900] =	vst v63  }
0x37f: {  	s30 =	sadd.s32 $0x70, s15;
	s6 =	simm.s32 $0xCFC8;
	s7 =	sadd.s32 $0x50, s15  }
0x380: {  	[hbm4b:s7+s2] =	stream.linear.scatter [tilespmem:s6], [sflag:$0x2], $0x20, $0x38;
	[tilespmem:$0x1C900] =	vst v63  }
0x381: {  	s5 =	simm.s32 $0x140;
	s25 =	simm.s32 $0xCFF0;
	s26 =	sadd.s32 $0x60, s15  }
0x382: {  	[hbm4b:s26+s2] =	stream.linear.scatter [tilespmem:s25], [sflag:$0x2], $0x20, $0x38;
	[tilespmem:$0x1C900] =	vst v63  }
0x383: {  	s31 =	sadd.s32 $0x400, s15;
	s25 =	simm.s32 $0xA00;
	s26 =	simm.s32 $0xD018  }
.LBB2_24:
0x384: {  	[hbm4b:s30+s2] =	stream.linear.scatter [tilespmem:s26], [sflag:$0x2], $0x20, $0x38;
	[tilespmem:$0x1C900] =	vst v63  }
0x385: {  	s6 =	smov.u32 s5;
	s5 =	smov.u32 s25  }
0x386: {  	s7 =	sadd.s32 $0x500, s25;
	s5 =	sshra.s32 s5, $0x2;
	s26 =	sadd.s32 $0xCF00, s6  }
0x387: {  	[hbm4b:s31+s2] =	stream.linear.scatter [tilespmem:s26], [sflag:$0x2], $0x20, $0x38;
	[tilespmem:$0x1C900] =	vst v63  }
0x388: {  	p0 =	sne.s32 s25, $0x3E300;
	s25 =	sadd.s32 $0xCF28, s6;
	s26 =	sadd.s32 $0x10, s31  }
0x389: {  	[hbm4b:s26+s2] =	stream.linear.scatter [tilespmem:s25], [sflag:$0x2], $0x20, $0x38;
	[tilespmem:$0x1C900] =	vst v63  }
0x38a: {  	s25 =	sadd.s32 $0xCF50, s6;
	s26 =	sadd.s32 $0x20, s31  }
0x38b: {  	[hbm4b:s26+s2] =	stream.linear.scatter [tilespmem:s25], [sflag:$0x2], $0x20, $0x38;
	[tilespmem:$0x1C900] =	vst v63  }
0x38c: {  	s25 =	sadd.s32 $0xCF78, s6;
	s26 =	sadd.s32 $0x30, s31  }
0x38d: {  	[hbm4b:s26+s2] =	stream.linear.scatter [tilespmem:s25], [sflag:$0x2], $0x20, $0x38;
	[tilespmem:$0x1C900] =	vst v63  }
0x38e: {  	s25 =	sadd.s32 $0xCFA0, s6;
	s26 =	sadd.s32 $0x40, s31  }
0x38f: {  	[hbm4b:s26+s2] =	stream.linear.scatter [tilespmem:s25], [sflag:$0x2], $0x20, $0x38;
	[tilespmem:$0x1C900] =	vst v63  }
.Ltmp11:
0x390: {  	s25 =	sadd.s32 $0xCFC8, s6;
	s26 =	sadd.s32 $0x50, s31;
	(pc) =	sbr.rel @p0 .LBB2_24-.Ltmp11, $4  }
0x391: {  	[hbm4b:s26+s2] =	stream.linear.scatter [tilespmem:s25], [sflag:$0x2], $0x20, $0x38;
	[tilespmem:$0x1C900] =	vst v63  }
0x392: {  	s30 =	sadd.s32 $0x70, s31;
	s25 =	sadd.s32 $0xCFF0, s6;
	s26 =	sadd.s32 $0x60, s31  }
0x393: {  	[hbm4b:s26+s2] =	stream.linear.scatter [tilespmem:s25], [sflag:$0x2], $0x20, $0x38;
	[tilespmem:$0x1C900] =	vst v63  }
0x394: {  	s31 =	sadd.s32 $0x400, s31;
	s26 =	sadd.s32 $0xD018, s6;
	s25 =	smov.u32 s7  }
0x395: {  	[hbm4b:s30+s2] =	stream.linear.scatter [tilespmem:s26], [sflag:$0x2], $0x20, $0x38;
	[tilespmem:$0x1C900] =	vst v63  }
0x396: {  	s6 =	sadd.s32 $0xCF00, s5  }
0x397: {  	[hbm4b:s31+s2] =	stream.linear.scatter [tilespmem:s6], [sflag:$0x2], $0x20, $0x38;
	[tilespmem:$0x1C900] =	vst v63  }
0x398: {  	s26 =	sadd.s32 $0xCF28, s5;
	s7 =	sadd.s32 $0x10, s31  }
0x399: {  	[hbm4b:s7+s2] =	stream.linear.scatter [tilespmem:s26], [sflag:$0x2], $0x20, $0x38;
	[tilespmem:$0x1C900] =	vst v63  }
0x39a: {  	s25 =	sadd.s32 $0xCF50, s5;
	s26 =	sadd.s32 $0x20, s31  }
0x39b: {  	[hbm4b:s26+s2] =	stream.linear.scatter [tilespmem:s25], [sflag:$0x2], $0x20, $0x38;
	[tilespmem:$0x1C900] =	vst v63  }
0x39c: {  	s25 =	sadd.s32 $0xCF78, s5;
	s26 =	sadd.s32 $0x30, s31  }
0x39d: {  	[hbm4b:s26+s2] =	stream.linear.scatter [tilespmem:s25], [sflag:$0x2], $0x20, $0x38;
	[tilespmem:$0x1C900] =	vst v63  }
0x39e: {  	s25 =	sadd.s32 $0xCFA0, s5;
	s26 =	sadd.s32 $0x40, s31  }
0x39f: {  	[hbm4b:s26+s2] =	stream.linear.scatter [tilespmem:s25], [sflag:$0x2], $0x20, $0x38;
	[tilespmem:$0x1C900] =	vst v63  }
0x3a0: {  	s25 =	sadd.s32 $0xCFC8, s5;
	s26 =	sadd.s32 $0x50, s31  }
0x3a1: {  	[hbm4b:s26+s2] =	stream.linear.scatter [tilespmem:s25], [sflag:$0x2], $0x20, $0x38;
	[tilespmem:$0x1C900] =	vst v63  }
0x3a2: {  	s25 =	sadd.s32 $0xCFF0, s5;
	s26 =	sadd.s32 $0x60, s31  }
0x3a3: {  	[hbm4b:s26+s2] =	stream.linear.scatter [tilespmem:s25], [sflag:$0x2], $0x20, $0x38;
	[tilespmem:$0x1C900] =	vst v63  }
0x3a4: {  	s7 =	sadd.s32 $0xD018, s5;
	s25 =	sadd.s32 $0x70, s31  }
0x3a5: {  	[hbm4b:s25+s2] =	stream.linear.scatter [tilespmem:s7], [sflag:$0x2], $0x20, $0x38;
	[tilespmem:$0x1C900] =	vst v63  }
0x3a6: {  	s26 =	simm.s32 $0xCF00  }
0x3a7: {  	[hbm4b:s16+s2] =	stream.linear.scatter [tilespmem:s26], [sflag:$0x2], $0x20, $0x38;
	[tilespmem:$0x1C900] =	vst v63  }
0x3a8: {  	s6 =	simm.s32 $0xCF28;
	s7 =	sadd.s32 $0x10, s16  }
0x3a9: {  	[hbm4b:s7+s2] =	stream.linear.scatter [tilespmem:s6], [sflag:$0x2], $0x20, $0x38;
	[tilespmem:$0x1C900] =	vst v63  }
0x3aa: {  	s25 =	simm.s32 $0xCF50;
	s26 =	sadd.s32 $0x20, s16  }
0x3ab: {  	[hbm4b:s26+s2] =	stream.linear.scatter [tilespmem:s25], [sflag:$0x2], $0x20, $0x38;
	[tilespmem:$0x1C900] =	vst v63  }
0x3ac: {  	s6 =	simm.s32 $0xCF78;
	s7 =	sadd.s32 $0x30, s16  }
0x3ad: {  	[hbm4b:s7+s2] =	stream.linear.scatter [tilespmem:s6], [sflag:$0x2], $0x20, $0x38;
	[tilespmem:$0x1C900] =	vst v63  }
0x3ae: {  	s25 =	simm.s32 $0xCFA0;
	s26 =	sadd.s32 $0x40, s16  }
0x3af: {  	[hbm4b:s26+s2] =	stream.linear.scatter [tilespmem:s25], [sflag:$0x2], $0x20, $0x38;
	[tilespmem:$0x1C900] =	vst v63  }
0x3b0: {  	s30 =	sadd.s32 $0x70, s16;
	s6 =	simm.s32 $0xCFC8;
	s7 =	sadd.s32 $0x50, s16  }
0x3b1: {  	[hbm4b:s7+s2] =	stream.linear.scatter [tilespmem:s6], [sflag:$0x2], $0x20, $0x38;
	[tilespmem:$0x1C900] =	vst v63  }
0x3b2: {  	s5 =	simm.s32 $0x140;
	s25 =	simm.s32 $0xCFF0;
	s26 =	sadd.s32 $0x60, s16  }
0x3b3: {  	[hbm4b:s26+s2] =	stream.linear.scatter [tilespmem:s25], [sflag:$0x2], $0x20, $0x38;
	[tilespmem:$0x1C900] =	vst v63  }
0x3b4: {  	s31 =	sadd.s32 $0x400, s16;
	s25 =	simm.s32 $0xA00;
	s26 =	simm.s32 $0xD018  }
.LBB2_26:
0x3b5: {  	[hbm4b:s30+s2] =	stream.linear.scatter [tilespmem:s26], [sflag:$0x2], $0x20, $0x38;
	[tilespmem:$0x1C900] =	vst v63  }
0x3b6: {  	s6 =	smov.u32 s5;
	s5 =	smov.u32 s25  }
0x3b7: {  	s7 =	sadd.s32 $0x500, s25;
	s5 =	sshra.s32 s5, $0x2;
	s26 =	sadd.s32 $0xCF00, s6  }
0x3b8: {  	[hbm4b:s31+s2] =	stream.linear.scatter [tilespmem:s26], [sflag:$0x2], $0x20, $0x38;
	[tilespmem:$0x1C900] =	vst v63  }
0x3b9: {  	p0 =	sne.s32 s25, $0x3E300;
	s25 =	sadd.s32 $0xCF28, s6;
	s26 =	sadd.s32 $0x10, s31  }
0x3ba: {  	[hbm4b:s26+s2] =	stream.linear.scatter [tilespmem:s25], [sflag:$0x2], $0x20, $0x38;
	[tilespmem:$0x1C900] =	vst v63  }
0x3bb: {  	s25 =	sadd.s32 $0xCF50, s6;
	s26 =	sadd.s32 $0x20, s31  }
0x3bc: {  	[hbm4b:s26+s2] =	stream.linear.scatter [tilespmem:s25], [sflag:$0x2], $0x20, $0x38;
	[tilespmem:$0x1C900] =	vst v63  }
0x3bd: {  	s25 =	sadd.s32 $0xCF78, s6;
	s26 =	sadd.s32 $0x30, s31  }
0x3be: {  	[hbm4b:s26+s2] =	stream.linear.scatter [tilespmem:s25], [sflag:$0x2], $0x20, $0x38;
	[tilespmem:$0x1C900] =	vst v63  }
0x3bf: {  	s25 =	sadd.s32 $0xCFA0, s6;
	s26 =	sadd.s32 $0x40, s31  }
0x3c0: {  	[hbm4b:s26+s2] =	stream.linear.scatter [tilespmem:s25], [sflag:$0x2], $0x20, $0x38;
	[tilespmem:$0x1C900] =	vst v63  }
.Ltmp12:
0x3c1: {  	s25 =	sadd.s32 $0xCFC8, s6;
	s26 =	sadd.s32 $0x50, s31;
	(pc) =	sbr.rel @p0 .LBB2_26-.Ltmp12, $4  }
0x3c2: {  	[hbm4b:s26+s2] =	stream.linear.scatter [tilespmem:s25], [sflag:$0x2], $0x20, $0x38;
	[tilespmem:$0x1C900] =	vst v63  }
0x3c3: {  	s30 =	sadd.s32 $0x70, s31;
	s25 =	sadd.s32 $0xCFF0, s6;
	s26 =	sadd.s32 $0x60, s31  }
0x3c4: {  	[hbm4b:s26+s2] =	stream.linear.scatter [tilespmem:s25], [sflag:$0x2], $0x20, $0x38;
	[tilespmem:$0x1C900] =	vst v63  }
0x3c5: {  	s31 =	sadd.s32 $0x400, s31;
	s26 =	sadd.s32 $0xD018, s6;
	s25 =	smov.u32 s7  }
0x3c6: {  	[hbm4b:s30+s2] =	stream.linear.scatter [tilespmem:s26], [sflag:$0x2], $0x20, $0x38;
	[tilespmem:$0x1C900] =	vst v63  }
0x3c7: {  	s6 =	sadd.s32 $0xCF00, s5  }
0x3c8: {  	[hbm4b:s31+s2] =	stream.linear.scatter [tilespmem:s6], [sflag:$0x2], $0x20, $0x38;
	[tilespmem:$0x1C900] =	vst v63  }
0x3c9: {  	s26 =	sadd.s32 $0xCF28, s5;
	s7 =	sadd.s32 $0x10, s31  }
0x3ca: {  	[hbm4b:s7+s2] =	stream.linear.scatter [tilespmem:s26], [sflag:$0x2], $0x20, $0x38;
	[tilespmem:$0x1C900] =	vst v63  }
0x3cb: {  	s25 =	sadd.s32 $0xCF50, s5;
	s26 =	sadd.s32 $0x20, s31  }
0x3cc: {  	[hbm4b:s26+s2] =	stream.linear.scatter [tilespmem:s25], [sflag:$0x2], $0x20, $0x38;
	[tilespmem:$0x1C900] =	vst v63  }
0x3cd: {  	s25 =	sadd.s32 $0xCF78, s5;
	s26 =	sadd.s32 $0x30, s31  }
0x3ce: {  	[hbm4b:s26+s2] =	stream.linear.scatter [tilespmem:s25], [sflag:$0x2], $0x20, $0x38;
	[tilespmem:$0x1C900] =	vst v63  }
0x3cf: {  	s25 =	sadd.s32 $0xCFA0, s5;
	s26 =	sadd.s32 $0x40, s31  }
0x3d0: {  	[hbm4b:s26+s2] =	stream.linear.scatter [tilespmem:s25], [sflag:$0x2], $0x20, $0x38;
	[tilespmem:$0x1C900] =	vst v63  }
0x3d1: {  	s25 =	sadd.s32 $0xCFC8, s5;
	s26 =	sadd.s32 $0x50, s31  }
0x3d2: {  	[hbm4b:s26+s2] =	stream.linear.scatter [tilespmem:s25], [sflag:$0x2], $0x20, $0x38;
	[tilespmem:$0x1C900] =	vst v63  }
0x3d3: {  	s25 =	sadd.s32 $0xCFF0, s5;
	s26 =	sadd.s32 $0x60, s31  }
0x3d4: {  	[hbm4b:s26+s2] =	stream.linear.scatter [tilespmem:s25], [sflag:$0x2], $0x20, $0x38;
	[tilespmem:$0x1C900] =	vst v63  }
0x3d5: {  	s7 =	sadd.s32 $0xD018, s5;
	s25 =	sadd.s32 $0x70, s31  }
0x3d6: {  	[hbm4b:s25+s2] =	stream.linear.scatter [tilespmem:s7], [sflag:$0x2], $0x20, $0x38;
	[tilespmem:$0x1C900] =	vst v63  }
0x3d7: {  	s26 =	simm.s32 $0xCF00  }
0x3d8: {  	[hbm4b:s17+s2] =	stream.linear.scatter [tilespmem:s26], [sflag:$0x2], $0x20, $0x38;
	[tilespmem:$0x1C900] =	vst v63  }
0x3d9: {  	s6 =	simm.s32 $0xCF28;
	s7 =	sadd.s32 $0x10, s17  }
0x3da: {  	[hbm4b:s7+s2] =	stream.linear.scatter [tilespmem:s6], [sflag:$0x2], $0x20, $0x38;
	[tilespmem:$0x1C900] =	vst v63  }
0x3db: {  	s25 =	simm.s32 $0xCF50;
	s26 =	sadd.s32 $0x20, s17  }
0x3dc: {  	[hbm4b:s26+s2] =	stream.linear.scatter [tilespmem:s25], [sflag:$0x2], $0x20, $0x38;
	[tilespmem:$0x1C900] =	vst v63  }
0x3dd: {  	s6 =	simm.s32 $0xCF78;
	s7 =	sadd.s32 $0x30, s17  }
0x3de: {  	[hbm4b:s7+s2] =	stream.linear.scatter [tilespmem:s6], [sflag:$0x2], $0x20, $0x38;
	[tilespmem:$0x1C900] =	vst v63  }
0x3df: {  	s25 =	simm.s32 $0xCFA0;
	s26 =	sadd.s32 $0x40, s17  }
0x3e0: {  	[hbm4b:s26+s2] =	stream.linear.scatter [tilespmem:s25], [sflag:$0x2], $0x20, $0x38;
	[tilespmem:$0x1C900] =	vst v63  }
0x3e1: {  	s30 =	sadd.s32 $0x70, s17;
	s6 =	simm.s32 $0xCFC8;
	s7 =	sadd.s32 $0x50, s17  }
0x3e2: {  	[hbm4b:s7+s2] =	stream.linear.scatter [tilespmem:s6], [sflag:$0x2], $0x20, $0x38;
	[tilespmem:$0x1C900] =	vst v63  }
0x3e3: {  	s5 =	simm.s32 $0x140;
	s25 =	simm.s32 $0xCFF0;
	s26 =	sadd.s32 $0x60, s17  }
0x3e4: {  	[hbm4b:s26+s2] =	stream.linear.scatter [tilespmem:s25], [sflag:$0x2], $0x20, $0x38;
	[tilespmem:$0x1C900] =	vst v63  }
0x3e5: {  	s31 =	sadd.s32 $0x400, s17;
	s25 =	simm.s32 $0xA00;
	s26 =	simm.s32 $0xD018  }
.LBB2_28:
0x3e6: {  	[hbm4b:s30+s2] =	stream.linear.scatter [tilespmem:s26], [sflag:$0x2], $0x20, $0x38;
	[tilespmem:$0x1C900] =	vst v63  }
0x3e7: {  	s6 =	smov.u32 s5;
	s5 =	smov.u32 s25  }
0x3e8: {  	s7 =	sadd.s32 $0x500, s25;
	s5 =	sshra.s32 s5, $0x2;
	s26 =	sadd.s32 $0xCF00, s6  }
0x3e9: {  	[hbm4b:s31+s2] =	stream.linear.scatter [tilespmem:s26], [sflag:$0x2], $0x20, $0x38;
	[tilespmem:$0x1C900] =	vst v63  }
0x3ea: {  	p0 =	sne.s32 s25, $0x3E300;
	s25 =	sadd.s32 $0xCF28, s6;
	s26 =	sadd.s32 $0x10, s31  }
0x3eb: {  	[hbm4b:s26+s2] =	stream.linear.scatter [tilespmem:s25], [sflag:$0x2], $0x20, $0x38;
	[tilespmem:$0x1C900] =	vst v63  }
0x3ec: {  	s25 =	sadd.s32 $0xCF50, s6;
	s26 =	sadd.s32 $0x20, s31  }
0x3ed: {  	[hbm4b:s26+s2] =	stream.linear.scatter [tilespmem:s25], [sflag:$0x2], $0x20, $0x38;
	[tilespmem:$0x1C900] =	vst v63  }
0x3ee: {  	s25 =	sadd.s32 $0xCF78, s6;
	s26 =	sadd.s32 $0x30, s31  }
0x3ef: {  	[hbm4b:s26+s2] =	stream.linear.scatter [tilespmem:s25], [sflag:$0x2], $0x20, $0x38;
	[tilespmem:$0x1C900] =	vst v63  }
0x3f0: {  	s25 =	sadd.s32 $0xCFA0, s6;
	s26 =	sadd.s32 $0x40, s31  }
0x3f1: {  	[hbm4b:s26+s2] =	stream.linear.scatter [tilespmem:s25], [sflag:$0x2], $0x20, $0x38;
	[tilespmem:$0x1C900] =	vst v63  }
.Ltmp13:
0x3f2: {  	s25 =	sadd.s32 $0xCFC8, s6;
	s26 =	sadd.s32 $0x50, s31;
	(pc) =	sbr.rel @p0 .LBB2_28-.Ltmp13, $4  }
0x3f3: {  	[hbm4b:s26+s2] =	stream.linear.scatter [tilespmem:s25], [sflag:$0x2], $0x20, $0x38;
	[tilespmem:$0x1C900] =	vst v63  }
0x3f4: {  	s30 =	sadd.s32 $0x70, s31;
	s25 =	sadd.s32 $0xCFF0, s6;
	s26 =	sadd.s32 $0x60, s31  }
0x3f5: {  	[hbm4b:s26+s2] =	stream.linear.scatter [tilespmem:s25], [sflag:$0x2], $0x20, $0x38;
	[tilespmem:$0x1C900] =	vst v63  }
0x3f6: {  	s31 =	sadd.s32 $0x400, s31;
	s26 =	sadd.s32 $0xD018, s6;
	s25 =	smov.u32 s7  }
0x3f7: {  	[hbm4b:s30+s2] =	stream.linear.scatter [tilespmem:s26], [sflag:$0x2], $0x20, $0x38;
	[tilespmem:$0x1C900] =	vst v63  }
0x3f8: {  	s6 =	sadd.s32 $0xCF00, s5  }
0x3f9: {  	[hbm4b:s31+s2] =	stream.linear.scatter [tilespmem:s6], [sflag:$0x2], $0x20, $0x38;
	[tilespmem:$0x1C900] =	vst v63  }
0x3fa: {  	s26 =	sadd.s32 $0xCF28, s5;
	s7 =	sadd.s32 $0x10, s31  }
0x3fb: {  	[hbm4b:s7+s2] =	stream.linear.scatter [tilespmem:s26], [sflag:$0x2], $0x20, $0x38;
	[tilespmem:$0x1C900] =	vst v63  }
0x3fc: {  	s25 =	sadd.s32 $0xCF50, s5;
	s26 =	sadd.s32 $0x20, s31  }
0x3fd: {  	[hbm4b:s26+s2] =	stream.linear.scatter [tilespmem:s25], [sflag:$0x2], $0x20, $0x38;
	[tilespmem:$0x1C900] =	vst v63  }
0x3fe: {  	s25 =	sadd.s32 $0xCF78, s5;
	s26 =	sadd.s32 $0x30, s31  }
0x3ff: {  	[hbm4b:s26+s2] =	stream.linear.scatter [tilespmem:s25], [sflag:$0x2], $0x20, $0x38;
	[tilespmem:$0x1C900] =	vst v63  }
0x400: {  	s25 =	sadd.s32 $0xCFA0, s5;
	s26 =	sadd.s32 $0x40, s31  }
0x401: {  	[hbm4b:s26+s2] =	stream.linear.scatter [tilespmem:s25], [sflag:$0x2], $0x20, $0x38;
	[tilespmem:$0x1C900] =	vst v63  }
0x402: {  	s25 =	sadd.s32 $0xCFC8, s5;
	s26 =	sadd.s32 $0x50, s31  }
0x403: {  	[hbm4b:s26+s2] =	stream.linear.scatter [tilespmem:s25], [sflag:$0x2], $0x20, $0x38;
	[tilespmem:$0x1C900] =	vst v63  }
0x404: {  	s25 =	sadd.s32 $0xCFF0, s5;
	s26 =	sadd.s32 $0x60, s31  }
0x405: {  	[hbm4b:s26+s2] =	stream.linear.scatter [tilespmem:s25], [sflag:$0x2], $0x20, $0x38;
	[tilespmem:$0x1C900] =	vst v63  }
0x406: {  	s7 =	sadd.s32 $0xD018, s5;
	s25 =	sadd.s32 $0x70, s31  }
0x407: {  	[hbm4b:s25+s2] =	stream.linear.scatter [tilespmem:s7], [sflag:$0x2], $0x20, $0x38;
	[tilespmem:$0x1C900] =	vst v63  }
0x408: {  	s26 =	simm.s32 $0xCF00  }
0x409: {  	[hbm4b:s18+s2] =	stream.linear.scatter [tilespmem:s26], [sflag:$0x2], $0x20, $0x38;
	[tilespmem:$0x1C900] =	vst v63  }
0x40a: {  	s6 =	simm.s32 $0xCF28;
	s7 =	sadd.s32 $0x10, s18  }
0x40b: {  	[hbm4b:s7+s2] =	stream.linear.scatter [tilespmem:s6], [sflag:$0x2], $0x20, $0x38;
	[tilespmem:$0x1C900] =	vst v63  }
0x40c: {  	s25 =	simm.s32 $0xCF50;
	s26 =	sadd.s32 $0x20, s18  }
0x40d: {  	[hbm4b:s26+s2] =	stream.linear.scatter [tilespmem:s25], [sflag:$0x2], $0x20, $0x38;
	[tilespmem:$0x1C900] =	vst v63  }
0x40e: {  	s6 =	simm.s32 $0xCF78;
	s7 =	sadd.s32 $0x30, s18  }
0x40f: {  	[hbm4b:s7+s2] =	stream.linear.scatter [tilespmem:s6], [sflag:$0x2], $0x20, $0x38;
	[tilespmem:$0x1C900] =	vst v63  }
0x410: {  	s25 =	simm.s32 $0xCFA0;
	s26 =	sadd.s32 $0x40, s18  }
0x411: {  	[hbm4b:s26+s2] =	stream.linear.scatter [tilespmem:s25], [sflag:$0x2], $0x20, $0x38;
	[tilespmem:$0x1C900] =	vst v63  }
0x412: {  	s30 =	sadd.s32 $0x70, s18;
	s6 =	simm.s32 $0xCFC8;
	s7 =	sadd.s32 $0x50, s18  }
0x413: {  	[hbm4b:s7+s2] =	stream.linear.scatter [tilespmem:s6], [sflag:$0x2], $0x20, $0x38;
	[tilespmem:$0x1C900] =	vst v63  }
0x414: {  	s5 =	simm.s32 $0x140;
	s25 =	simm.s32 $0xCFF0;
	s26 =	sadd.s32 $0x60, s18  }
0x415: {  	[hbm4b:s26+s2] =	stream.linear.scatter [tilespmem:s25], [sflag:$0x2], $0x20, $0x38;
	[tilespmem:$0x1C900] =	vst v63  }
0x416: {  	s31 =	sadd.s32 $0x400, s18;
	s25 =	simm.s32 $0xA00;
	s26 =	simm.s32 $0xD018  }
.LBB2_30:
0x417: {  	[hbm4b:s30+s2] =	stream.linear.scatter [tilespmem:s26], [sflag:$0x2], $0x20, $0x38;
	[tilespmem:$0x1C900] =	vst v63  }
0x418: {  	s6 =	smov.u32 s5;
	s5 =	smov.u32 s25  }
0x419: {  	s7 =	sadd.s32 $0x500, s25;
	s5 =	sshra.s32 s5, $0x2;
	s26 =	sadd.s32 $0xCF00, s6  }
0x41a: {  	[hbm4b:s31+s2] =	stream.linear.scatter [tilespmem:s26], [sflag:$0x2], $0x20, $0x38;
	[tilespmem:$0x1C900] =	vst v63  }
0x41b: {  	p0 =	sne.s32 s25, $0x3E300;
	s25 =	sadd.s32 $0xCF28, s6;
	s26 =	sadd.s32 $0x10, s31  }
0x41c: {  	[hbm4b:s26+s2] =	stream.linear.scatter [tilespmem:s25], [sflag:$0x2], $0x20, $0x38;
	[tilespmem:$0x1C900] =	vst v63  }
0x41d: {  	s25 =	sadd.s32 $0xCF50, s6;
	s26 =	sadd.s32 $0x20, s31  }
0x41e: {  	[hbm4b:s26+s2] =	stream.linear.scatter [tilespmem:s25], [sflag:$0x2], $0x20, $0x38;
	[tilespmem:$0x1C900] =	vst v63  }
0x41f: {  	s25 =	sadd.s32 $0xCF78, s6;
	s26 =	sadd.s32 $0x30, s31  }
0x420: {  	[hbm4b:s26+s2] =	stream.linear.scatter [tilespmem:s25], [sflag:$0x2], $0x20, $0x38;
	[tilespmem:$0x1C900] =	vst v63  }
0x421: {  	s25 =	sadd.s32 $0xCFA0, s6;
	s26 =	sadd.s32 $0x40, s31  }
0x422: {  	[hbm4b:s26+s2] =	stream.linear.scatter [tilespmem:s25], [sflag:$0x2], $0x20, $0x38;
	[tilespmem:$0x1C900] =	vst v63  }
.Ltmp14:
0x423: {  	s25 =	sadd.s32 $0xCFC8, s6;
	s26 =	sadd.s32 $0x50, s31;
	(pc) =	sbr.rel @p0 .LBB2_30-.Ltmp14, $4  }
0x424: {  	[hbm4b:s26+s2] =	stream.linear.scatter [tilespmem:s25], [sflag:$0x2], $0x20, $0x38;
	[tilespmem:$0x1C900] =	vst v63  }
0x425: {  	s30 =	sadd.s32 $0x70, s31;
	s25 =	sadd.s32 $0xCFF0, s6;
	s26 =	sadd.s32 $0x60, s31  }
0x426: {  	[hbm4b:s26+s2] =	stream.linear.scatter [tilespmem:s25], [sflag:$0x2], $0x20, $0x38;
	[tilespmem:$0x1C900] =	vst v63  }
0x427: {  	s31 =	sadd.s32 $0x400, s31;
	s26 =	sadd.s32 $0xD018, s6;
	s25 =	smov.u32 s7  }
0x428: {  	[hbm4b:s30+s2] =	stream.linear.scatter [tilespmem:s26], [sflag:$0x2], $0x20, $0x38;
	[tilespmem:$0x1C900] =	vst v63  }
0x429: {  	s6 =	sadd.s32 $0xCF00, s5  }
0x42a: {  	[hbm4b:s31+s2] =	stream.linear.scatter [tilespmem:s6], [sflag:$0x2], $0x20, $0x38;
	[tilespmem:$0x1C900] =	vst v63  }
0x42b: {  	s26 =	sadd.s32 $0xCF28, s5;
	s7 =	sadd.s32 $0x10, s31  }
0x42c: {  	[hbm4b:s7+s2] =	stream.linear.scatter [tilespmem:s26], [sflag:$0x2], $0x20, $0x38;
	[tilespmem:$0x1C900] =	vst v63  }
0x42d: {  	s25 =	sadd.s32 $0xCF50, s5;
	s26 =	sadd.s32 $0x20, s31  }
0x42e: {  	[hbm4b:s26+s2] =	stream.linear.scatter [tilespmem:s25], [sflag:$0x2], $0x20, $0x38;
	[tilespmem:$0x1C900] =	vst v63  }
0x42f: {  	s25 =	sadd.s32 $0xCF78, s5;
	s26 =	sadd.s32 $0x30, s31  }
0x430: {  	[hbm4b:s26+s2] =	stream.linear.scatter [tilespmem:s25], [sflag:$0x2], $0x20, $0x38;
	[tilespmem:$0x1C900] =	vst v63  }
0x431: {  	s25 =	sadd.s32 $0xCFA0, s5;
	s26 =	sadd.s32 $0x40, s31  }
0x432: {  	[hbm4b:s26+s2] =	stream.linear.scatter [tilespmem:s25], [sflag:$0x2], $0x20, $0x38;
	[tilespmem:$0x1C900] =	vst v63  }
0x433: {  	s25 =	sadd.s32 $0xCFC8, s5;
	s26 =	sadd.s32 $0x50, s31  }
0x434: {  	[hbm4b:s26+s2] =	stream.linear.scatter [tilespmem:s25], [sflag:$0x2], $0x20, $0x38;
	[tilespmem:$0x1C900] =	vst v63  }
0x435: {  	s25 =	sadd.s32 $0xCFF0, s5;
	s26 =	sadd.s32 $0x60, s31  }
0x436: {  	[hbm4b:s26+s2] =	stream.linear.scatter [tilespmem:s25], [sflag:$0x2], $0x20, $0x38;
	[tilespmem:$0x1C900] =	vst v63  }
0x437: {  	s7 =	sadd.s32 $0xD018, s5;
	s25 =	sadd.s32 $0x70, s31  }
0x438: {  	[hbm4b:s25+s2] =	stream.linear.scatter [tilespmem:s7], [sflag:$0x2], $0x20, $0x38;
	[tilespmem:$0x1C900] =	vst v63  }
0x439: {  	s26 =	simm.s32 $0xCF00  }
0x43a: {  	[hbm4b:s19+s2] =	stream.linear.scatter [tilespmem:s26], [sflag:$0x2], $0x20, $0x38;
	[tilespmem:$0x1C900] =	vst v63  }
0x43b: {  	s6 =	simm.s32 $0xCF28;
	s7 =	sadd.s32 $0x10, s19  }
0x43c: {  	[hbm4b:s7+s2] =	stream.linear.scatter [tilespmem:s6], [sflag:$0x2], $0x20, $0x38;
	[tilespmem:$0x1C900] =	vst v63  }
0x43d: {  	s25 =	simm.s32 $0xCF50;
	s26 =	sadd.s32 $0x20, s19  }
0x43e: {  	[hbm4b:s26+s2] =	stream.linear.scatter [tilespmem:s25], [sflag:$0x2], $0x20, $0x38;
	[tilespmem:$0x1C900] =	vst v63  }
0x43f: {  	s6 =	simm.s32 $0xCF78;
	s7 =	sadd.s32 $0x30, s19  }
0x440: {  	[hbm4b:s7+s2] =	stream.linear.scatter [tilespmem:s6], [sflag:$0x2], $0x20, $0x38;
	[tilespmem:$0x1C900] =	vst v63  }
0x441: {  	s25 =	simm.s32 $0xCFA0;
	s26 =	sadd.s32 $0x40, s19  }
0x442: {  	[hbm4b:s26+s2] =	stream.linear.scatter [tilespmem:s25], [sflag:$0x2], $0x20, $0x38;
	[tilespmem:$0x1C900] =	vst v63  }
0x443: {  	s30 =	sadd.s32 $0x70, s19;
	s6 =	simm.s32 $0xCFC8;
	s7 =	sadd.s32 $0x50, s19  }
0x444: {  	[hbm4b:s7+s2] =	stream.linear.scatter [tilespmem:s6], [sflag:$0x2], $0x20, $0x38;
	[tilespmem:$0x1C900] =	vst v63  }
0x445: {  	s5 =	simm.s32 $0x140;
	s25 =	simm.s32 $0xCFF0;
	s26 =	sadd.s32 $0x60, s19  }
0x446: {  	[hbm4b:s26+s2] =	stream.linear.scatter [tilespmem:s25], [sflag:$0x2], $0x20, $0x38;
	[tilespmem:$0x1C900] =	vst v63  }
0x447: {  	s31 =	sadd.s32 $0x400, s19;
	s25 =	simm.s32 $0xA00;
	s26 =	simm.s32 $0xD018  }
.LBB2_32:
0x448: {  	[hbm4b:s30+s2] =	stream.linear.scatter [tilespmem:s26], [sflag:$0x2], $0x20, $0x38;
	[tilespmem:$0x1C900] =	vst v63  }
0x449: {  	s6 =	smov.u32 s5;
	s5 =	smov.u32 s25  }
0x44a: {  	s7 =	sadd.s32 $0x500, s25;
	s5 =	sshra.s32 s5, $0x2;
	s26 =	sadd.s32 $0xCF00, s6  }
0x44b: {  	[hbm4b:s31+s2] =	stream.linear.scatter [tilespmem:s26], [sflag:$0x2], $0x20, $0x38;
	[tilespmem:$0x1C900] =	vst v63  }
0x44c: {  	p0 =	sne.s32 s25, $0x3E300;
	s25 =	sadd.s32 $0xCF28, s6;
	s26 =	sadd.s32 $0x10, s31  }
0x44d: {  	[hbm4b:s26+s2] =	stream.linear.scatter [tilespmem:s25], [sflag:$0x2], $0x20, $0x38;
	[tilespmem:$0x1C900] =	vst v63  }
0x44e: {  	s25 =	sadd.s32 $0xCF50, s6;
	s26 =	sadd.s32 $0x20, s31  }
0x44f: {  	[hbm4b:s26+s2] =	stream.linear.scatter [tilespmem:s25], [sflag:$0x2], $0x20, $0x38;
	[tilespmem:$0x1C900] =	vst v63  }
0x450: {  	s25 =	sadd.s32 $0xCF78, s6;
	s26 =	sadd.s32 $0x30, s31  }
0x451: {  	[hbm4b:s26+s2] =	stream.linear.scatter [tilespmem:s25], [sflag:$0x2], $0x20, $0x38;
	[tilespmem:$0x1C900] =	vst v63  }
0x452: {  	s25 =	sadd.s32 $0xCFA0, s6;
	s26 =	sadd.s32 $0x40, s31  }
0x453: {  	[hbm4b:s26+s2] =	stream.linear.scatter [tilespmem:s25], [sflag:$0x2], $0x20, $0x38;
	[tilespmem:$0x1C900] =	vst v63  }
.Ltmp15:
0x454: {  	s25 =	sadd.s32 $0xCFC8, s6;
	s26 =	sadd.s32 $0x50, s31;
	(pc) =	sbr.rel @p0 .LBB2_32-.Ltmp15, $4  }
0x455: {  	[hbm4b:s26+s2] =	stream.linear.scatter [tilespmem:s25], [sflag:$0x2], $0x20, $0x38;
	[tilespmem:$0x1C900] =	vst v63  }
0x456: {  	s30 =	sadd.s32 $0x70, s31;
	s25 =	sadd.s32 $0xCFF0, s6;
	s26 =	sadd.s32 $0x60, s31  }
0x457: {  	[hbm4b:s26+s2] =	stream.linear.scatter [tilespmem:s25], [sflag:$0x2], $0x20, $0x38;
	[tilespmem:$0x1C900] =	vst v63  }
0x458: {  	s31 =	sadd.s32 $0x400, s31;
	s26 =	sadd.s32 $0xD018, s6;
	s25 =	smov.u32 s7  }
0x459: {  	[hbm4b:s30+s2] =	stream.linear.scatter [tilespmem:s26], [sflag:$0x2], $0x20, $0x38;
	[tilespmem:$0x1C900] =	vst v63  }
0x45a: {  	s6 =	sadd.s32 $0xCF00, s5  }
0x45b: {  	[hbm4b:s31+s2] =	stream.linear.scatter [tilespmem:s6], [sflag:$0x2], $0x20, $0x38;
	[tilespmem:$0x1C900] =	vst v63  }
0x45c: {  	s26 =	sadd.s32 $0xCF28, s5;
	s7 =	sadd.s32 $0x10, s31  }
0x45d: {  	[hbm4b:s7+s2] =	stream.linear.scatter [tilespmem:s26], [sflag:$0x2], $0x20, $0x38;
	[tilespmem:$0x1C900] =	vst v63  }
0x45e: {  	s25 =	sadd.s32 $0xCF50, s5;
	s26 =	sadd.s32 $0x20, s31  }
0x45f: {  	[hbm4b:s26+s2] =	stream.linear.scatter [tilespmem:s25], [sflag:$0x2], $0x20, $0x38;
	[tilespmem:$0x1C900] =	vst v63  }
0x460: {  	s25 =	sadd.s32 $0xCF78, s5;
	s26 =	sadd.s32 $0x30, s31  }
0x461: {  	[hbm4b:s26+s2] =	stream.linear.scatter [tilespmem:s25], [sflag:$0x2], $0x20, $0x38;
	[tilespmem:$0x1C900] =	vst v63  }
0x462: {  	s25 =	sadd.s32 $0xCFA0, s5;
	s26 =	sadd.s32 $0x40, s31  }
0x463: {  	[hbm4b:s26+s2] =	stream.linear.scatter [tilespmem:s25], [sflag:$0x2], $0x20, $0x38;
	[tilespmem:$0x1C900] =	vst v63  }
0x464: {  	s25 =	sadd.s32 $0xCFC8, s5;
	s26 =	sadd.s32 $0x50, s31  }
0x465: {  	[hbm4b:s26+s2] =	stream.linear.scatter [tilespmem:s25], [sflag:$0x2], $0x20, $0x38;
	[tilespmem:$0x1C900] =	vst v63  }
0x466: {  	s25 =	sadd.s32 $0xCFF0, s5;
	s26 =	sadd.s32 $0x60, s31  }
0x467: {  	[hbm4b:s26+s2] =	stream.linear.scatter [tilespmem:s25], [sflag:$0x2], $0x20, $0x38;
	[tilespmem:$0x1C900] =	vst v63  }
0x468: {  	s7 =	sadd.s32 $0xD018, s5;
	s25 =	sadd.s32 $0x70, s31  }
0x469: {  	[hbm4b:s25+s2] =	stream.linear.scatter [tilespmem:s7], [sflag:$0x2], $0x20, $0x38;
	[tilespmem:$0x1C900] =	vst v63  }
0x46a: {  	s26 =	simm.s32 $0xCF00  }
0x46b: {  	[hbm4b:s20+s2] =	stream.linear.scatter [tilespmem:s26], [sflag:$0x2], $0x20, $0x38;
	[tilespmem:$0x1C900] =	vst v63  }
0x46c: {  	s6 =	simm.s32 $0xCF28;
	s7 =	sadd.s32 $0x10, s20  }
0x46d: {  	[hbm4b:s7+s2] =	stream.linear.scatter [tilespmem:s6], [sflag:$0x2], $0x20, $0x38;
	[tilespmem:$0x1C900] =	vst v63  }
0x46e: {  	s25 =	simm.s32 $0xCF50;
	s26 =	sadd.s32 $0x20, s20  }
0x46f: {  	[hbm4b:s26+s2] =	stream.linear.scatter [tilespmem:s25], [sflag:$0x2], $0x20, $0x38;
	[tilespmem:$0x1C900] =	vst v63  }
0x470: {  	s6 =	simm.s32 $0xCF78;
	s7 =	sadd.s32 $0x30, s20  }
0x471: {  	[hbm4b:s7+s2] =	stream.linear.scatter [tilespmem:s6], [sflag:$0x2], $0x20, $0x38;
	[tilespmem:$0x1C900] =	vst v63  }
0x472: {  	s25 =	simm.s32 $0xCFA0;
	s26 =	sadd.s32 $0x40, s20  }
0x473: {  	[hbm4b:s26+s2] =	stream.linear.scatter [tilespmem:s25], [sflag:$0x2], $0x20, $0x38;
	[tilespmem:$0x1C900] =	vst v63  }
0x474: {  	s30 =	sadd.s32 $0x70, s20;
	s6 =	simm.s32 $0xCFC8;
	s7 =	sadd.s32 $0x50, s20  }
0x475: {  	[hbm4b:s7+s2] =	stream.linear.scatter [tilespmem:s6], [sflag:$0x2], $0x20, $0x38;
	[tilespmem:$0x1C900] =	vst v63  }
0x476: {  	s5 =	simm.s32 $0x140;
	s25 =	simm.s32 $0xCFF0;
	s26 =	sadd.s32 $0x60, s20  }
0x477: {  	[hbm4b:s26+s2] =	stream.linear.scatter [tilespmem:s25], [sflag:$0x2], $0x20, $0x38;
	[tilespmem:$0x1C900] =	vst v63  }
0x478: {  	s31 =	sadd.s32 $0x400, s20;
	s25 =	simm.s32 $0xA00;
	s26 =	simm.s32 $0xD018  }
.LBB2_34:
0x479: {  	[hbm4b:s30+s2] =	stream.linear.scatter [tilespmem:s26], [sflag:$0x2], $0x20, $0x38;
	[tilespmem:$0x1C900] =	vst v63  }
0x47a: {  	s6 =	smov.u32 s5;
	s5 =	smov.u32 s25  }
0x47b: {  	s7 =	sadd.s32 $0x500, s25;
	s5 =	sshra.s32 s5, $0x2;
	s26 =	sadd.s32 $0xCF00, s6  }
0x47c: {  	[hbm4b:s31+s2] =	stream.linear.scatter [tilespmem:s26], [sflag:$0x2], $0x20, $0x38;
	[tilespmem:$0x1C900] =	vst v63  }
0x47d: {  	p0 =	sne.s32 s25, $0x3E300;
	s25 =	sadd.s32 $0xCF28, s6;
	s26 =	sadd.s32 $0x10, s31  }
0x47e: {  	[hbm4b:s26+s2] =	stream.linear.scatter [tilespmem:s25], [sflag:$0x2], $0x20, $0x38;
	[tilespmem:$0x1C900] =	vst v63  }
0x47f: {  	s25 =	sadd.s32 $0xCF50, s6;
	s26 =	sadd.s32 $0x20, s31  }
0x480: {  	[hbm4b:s26+s2] =	stream.linear.scatter [tilespmem:s25], [sflag:$0x2], $0x20, $0x38;
	[tilespmem:$0x1C900] =	vst v63  }
0x481: {  	s25 =	sadd.s32 $0xCF78, s6;
	s26 =	sadd.s32 $0x30, s31  }
0x482: {  	[hbm4b:s26+s2] =	stream.linear.scatter [tilespmem:s25], [sflag:$0x2], $0x20, $0x38;
	[tilespmem:$0x1C900] =	vst v63  }
0x483: {  	s25 =	sadd.s32 $0xCFA0, s6;
	s26 =	sadd.s32 $0x40, s31  }
0x484: {  	[hbm4b:s26+s2] =	stream.linear.scatter [tilespmem:s25], [sflag:$0x2], $0x20, $0x38;
	[tilespmem:$0x1C900] =	vst v63  }
.Ltmp16:
0x485: {  	s25 =	sadd.s32 $0xCFC8, s6;
	s26 =	sadd.s32 $0x50, s31;
	(pc) =	sbr.rel @p0 .LBB2_34-.Ltmp16, $4  }
0x486: {  	[hbm4b:s26+s2] =	stream.linear.scatter [tilespmem:s25], [sflag:$0x2], $0x20, $0x38;
	[tilespmem:$0x1C900] =	vst v63  }
0x487: {  	s30 =	sadd.s32 $0x70, s31;
	s25 =	sadd.s32 $0xCFF0, s6;
	s26 =	sadd.s32 $0x60, s31  }
0x488: {  	[hbm4b:s26+s2] =	stream.linear.scatter [tilespmem:s25], [sflag:$0x2], $0x20, $0x38;
	[tilespmem:$0x1C900] =	vst v63  }
0x489: {  	s31 =	sadd.s32 $0x400, s31;
	s26 =	sadd.s32 $0xD018, s6;
	s25 =	smov.u32 s7  }
0x48a: {  	[hbm4b:s30+s2] =	stream.linear.scatter [tilespmem:s26], [sflag:$0x2], $0x20, $0x38;
	[tilespmem:$0x1C900] =	vst v63  }
0x48b: {  	s6 =	sadd.s32 $0xCF00, s5  }
0x48c: {  	[hbm4b:s31+s2] =	stream.linear.scatter [tilespmem:s6], [sflag:$0x2], $0x20, $0x38;
	[tilespmem:$0x1C900] =	vst v63  }
0x48d: {  	s26 =	sadd.s32 $0xCF28, s5;
	s7 =	sadd.s32 $0x10, s31  }
0x48e: {  	[hbm4b:s7+s2] =	stream.linear.scatter [tilespmem:s26], [sflag:$0x2], $0x20, $0x38;
	[tilespmem:$0x1C900] =	vst v63  }
0x48f: {  	s25 =	sadd.s32 $0xCF50, s5;
	s26 =	sadd.s32 $0x20, s31  }
0x490: {  	[hbm4b:s26+s2] =	stream.linear.scatter [tilespmem:s25], [sflag:$0x2], $0x20, $0x38;
	[tilespmem:$0x1C900] =	vst v63  }
0x491: {  	s25 =	sadd.s32 $0xCF78, s5;
	s26 =	sadd.s32 $0x30, s31  }
0x492: {  	[hbm4b:s26+s2] =	stream.linear.scatter [tilespmem:s25], [sflag:$0x2], $0x20, $0x38;
	[tilespmem:$0x1C900] =	vst v63  }
0x493: {  	s25 =	sadd.s32 $0xCFA0, s5;
	s26 =	sadd.s32 $0x40, s31  }
0x494: {  	[hbm4b:s26+s2] =	stream.linear.scatter [tilespmem:s25], [sflag:$0x2], $0x20, $0x38;
	[tilespmem:$0x1C900] =	vst v63  }
0x495: {  	s25 =	sadd.s32 $0xCFC8, s5;
	s26 =	sadd.s32 $0x50, s31  }
0x496: {  	[hbm4b:s26+s2] =	stream.linear.scatter [tilespmem:s25], [sflag:$0x2], $0x20, $0x38;
	[tilespmem:$0x1C900] =	vst v63  }
0x497: {  	s25 =	sadd.s32 $0xCFF0, s5;
	s26 =	sadd.s32 $0x60, s31  }
0x498: {  	[hbm4b:s26+s2] =	stream.linear.scatter [tilespmem:s25], [sflag:$0x2], $0x20, $0x38;
	[tilespmem:$0x1C900] =	vst v63  }
0x499: {  	s7 =	sadd.s32 $0xD018, s5;
	s25 =	sadd.s32 $0x70, s31  }
0x49a: {  	[hbm4b:s25+s2] =	stream.linear.scatter [tilespmem:s7], [sflag:$0x2], $0x20, $0x38;
	[tilespmem:$0x1C900] =	vst v63  }
0x49b: {  	s26 =	simm.s32 $0xCF00  }
0x49c: {  	[hbm4b:s21+s2] =	stream.linear.scatter [tilespmem:s26], [sflag:$0x2], $0x20, $0x38;
	[tilespmem:$0x1C900] =	vst v63  }
0x49d: {  	s6 =	simm.s32 $0xCF28;
	s7 =	sadd.s32 $0x10, s21  }
0x49e: {  	[hbm4b:s7+s2] =	stream.linear.scatter [tilespmem:s6], [sflag:$0x2], $0x20, $0x38;
	[tilespmem:$0x1C900] =	vst v63  }
0x49f: {  	s25 =	simm.s32 $0xCF50;
	s26 =	sadd.s32 $0x20, s21  }
0x4a0: {  	[hbm4b:s26+s2] =	stream.linear.scatter [tilespmem:s25], [sflag:$0x2], $0x20, $0x38;
	[tilespmem:$0x1C900] =	vst v63  }
0x4a1: {  	s6 =	simm.s32 $0xCF78;
	s7 =	sadd.s32 $0x30, s21  }
0x4a2: {  	[hbm4b:s7+s2] =	stream.linear.scatter [tilespmem:s6], [sflag:$0x2], $0x20, $0x38;
	[tilespmem:$0x1C900] =	vst v63  }
0x4a3: {  	s25 =	simm.s32 $0xCFA0;
	s26 =	sadd.s32 $0x40, s21  }
0x4a4: {  	[hbm4b:s26+s2] =	stream.linear.scatter [tilespmem:s25], [sflag:$0x2], $0x20, $0x38;
	[tilespmem:$0x1C900] =	vst v63  }
0x4a5: {  	s30 =	sadd.s32 $0x70, s21;
	s6 =	simm.s32 $0xCFC8;
	s7 =	sadd.s32 $0x50, s21  }
0x4a6: {  	[hbm4b:s7+s2] =	stream.linear.scatter [tilespmem:s6], [sflag:$0x2], $0x20, $0x38;
	[tilespmem:$0x1C900] =	vst v63  }
0x4a7: {  	s5 =	simm.s32 $0x140;
	s25 =	simm.s32 $0xCFF0;
	s26 =	sadd.s32 $0x60, s21  }
0x4a8: {  	[hbm4b:s26+s2] =	stream.linear.scatter [tilespmem:s25], [sflag:$0x2], $0x20, $0x38;
	[tilespmem:$0x1C900] =	vst v63  }
0x4a9: {  	s31 =	sadd.s32 $0x400, s21;
	s25 =	simm.s32 $0xA00;
	s26 =	simm.s32 $0xD018  }
.LBB2_36:
0x4aa: {  	[hbm4b:s30+s2] =	stream.linear.scatter [tilespmem:s26], [sflag:$0x2], $0x20, $0x38;
	[tilespmem:$0x1C900] =	vst v63  }
0x4ab: {  	s6 =	smov.u32 s5;
	s5 =	smov.u32 s25  }
0x4ac: {  	s7 =	sadd.s32 $0x500, s25;
	s5 =	sshra.s32 s5, $0x2;
	s26 =	sadd.s32 $0xCF00, s6  }
0x4ad: {  	[hbm4b:s31+s2] =	stream.linear.scatter [tilespmem:s26], [sflag:$0x2], $0x20, $0x38;
	[tilespmem:$0x1C900] =	vst v63  }
0x4ae: {  	p0 =	sne.s32 s25, $0x3E300;
	s25 =	sadd.s32 $0xCF28, s6;
	s26 =	sadd.s32 $0x10, s31  }
0x4af: {  	[hbm4b:s26+s2] =	stream.linear.scatter [tilespmem:s25], [sflag:$0x2], $0x20, $0x38;
	[tilespmem:$0x1C900] =	vst v63  }
0x4b0: {  	s25 =	sadd.s32 $0xCF50, s6;
	s26 =	sadd.s32 $0x20, s31  }
0x4b1: {  	[hbm4b:s26+s2] =	stream.linear.scatter [tilespmem:s25], [sflag:$0x2], $0x20, $0x38;
	[tilespmem:$0x1C900] =	vst v63  }
0x4b2: {  	s25 =	sadd.s32 $0xCF78, s6;
	s26 =	sadd.s32 $0x30, s31  }
0x4b3: {  	[hbm4b:s26+s2] =	stream.linear.scatter [tilespmem:s25], [sflag:$0x2], $0x20, $0x38;
	[tilespmem:$0x1C900] =	vst v63  }
0x4b4: {  	s25 =	sadd.s32 $0xCFA0, s6;
	s26 =	sadd.s32 $0x40, s31  }
0x4b5: {  	[hbm4b:s26+s2] =	stream.linear.scatter [tilespmem:s25], [sflag:$0x2], $0x20, $0x38;
	[tilespmem:$0x1C900] =	vst v63  }
.Ltmp17:
0x4b6: {  	s25 =	sadd.s32 $0xCFC8, s6;
	s26 =	sadd.s32 $0x50, s31;
	(pc) =	sbr.rel @p0 .LBB2_36-.Ltmp17, $4  }
0x4b7: {  	[hbm4b:s26+s2] =	stream.linear.scatter [tilespmem:s25], [sflag:$0x2], $0x20, $0x38;
	[tilespmem:$0x1C900] =	vst v63  }
0x4b8: {  	s30 =	sadd.s32 $0x70, s31;
	s25 =	sadd.s32 $0xCFF0, s6;
	s26 =	sadd.s32 $0x60, s31  }
0x4b9: {  	[hbm4b:s26+s2] =	stream.linear.scatter [tilespmem:s25], [sflag:$0x2], $0x20, $0x38;
	[tilespmem:$0x1C900] =	vst v63  }
0x4ba: {  	s31 =	sadd.s32 $0x400, s31;
	s26 =	sadd.s32 $0xD018, s6;
	s25 =	smov.u32 s7  }
0x4bb: {  	[hbm4b:s30+s2] =	stream.linear.scatter [tilespmem:s26], [sflag:$0x2], $0x20, $0x38;
	[tilespmem:$0x1C900] =	vst v63  }
0x4bc: {  	s6 =	sadd.s32 $0xCF00, s5  }
0x4bd: {  	[hbm4b:s31+s2] =	stream.linear.scatter [tilespmem:s6], [sflag:$0x2], $0x20, $0x38;
	[tilespmem:$0x1C900] =	vst v63  }
0x4be: {  	s26 =	sadd.s32 $0xCF28, s5;
	s7 =	sadd.s32 $0x10, s31  }
0x4bf: {  	[hbm4b:s7+s2] =	stream.linear.scatter [tilespmem:s26], [sflag:$0x2], $0x20, $0x38;
	[tilespmem:$0x1C900] =	vst v63  }
0x4c0: {  	s25 =	sadd.s32 $0xCF50, s5;
	s26 =	sadd.s32 $0x20, s31  }
0x4c1: {  	[hbm4b:s26+s2] =	stream.linear.scatter [tilespmem:s25], [sflag:$0x2], $0x20, $0x38;
	[tilespmem:$0x1C900] =	vst v63  }
0x4c2: {  	s25 =	sadd.s32 $0xCF78, s5;
	s26 =	sadd.s32 $0x30, s31  }
0x4c3: {  	[hbm4b:s26+s2] =	stream.linear.scatter [tilespmem:s25], [sflag:$0x2], $0x20, $0x38;
	[tilespmem:$0x1C900] =	vst v63  }
0x4c4: {  	s25 =	sadd.s32 $0xCFA0, s5;
	s26 =	sadd.s32 $0x40, s31  }
0x4c5: {  	[hbm4b:s26+s2] =	stream.linear.scatter [tilespmem:s25], [sflag:$0x2], $0x20, $0x38;
	[tilespmem:$0x1C900] =	vst v63  }
0x4c6: {  	s25 =	sadd.s32 $0xCFC8, s5;
	s26 =	sadd.s32 $0x50, s31  }
0x4c7: {  	[hbm4b:s26+s2] =	stream.linear.scatter [tilespmem:s25], [sflag:$0x2], $0x20, $0x38;
	[tilespmem:$0x1C900] =	vst v63  }
0x4c8: {  	s25 =	sadd.s32 $0xCFF0, s5;
	s26 =	sadd.s32 $0x60, s31  }
0x4c9: {  	[hbm4b:s26+s2] =	stream.linear.scatter [tilespmem:s25], [sflag:$0x2], $0x20, $0x38;
	[tilespmem:$0x1C900] =	vst v63  }
0x4ca: {  	s7 =	sadd.s32 $0xD018, s5;
	s25 =	sadd.s32 $0x70, s31  }
0x4cb: {  	[hbm4b:s25+s2] =	stream.linear.scatter [tilespmem:s7], [sflag:$0x2], $0x20, $0x38;
	[tilespmem:$0x1C900] =	vst v63  }
0x4cc: {  	s26 =	simm.s32 $0xCF00  }
0x4cd: {  	[hbm4b:s22+s2] =	stream.linear.scatter [tilespmem:s26], [sflag:$0x2], $0x20, $0x38;
	[tilespmem:$0x1C900] =	vst v63  }
0x4ce: {  	s6 =	simm.s32 $0xCF28;
	s7 =	sadd.s32 $0x10, s22  }
0x4cf: {  	[hbm4b:s7+s2] =	stream.linear.scatter [tilespmem:s6], [sflag:$0x2], $0x20, $0x38;
	[tilespmem:$0x1C900] =	vst v63  }
0x4d0: {  	s25 =	simm.s32 $0xCF50;
	s26 =	sadd.s32 $0x20, s22  }
0x4d1: {  	[hbm4b:s26+s2] =	stream.linear.scatter [tilespmem:s25], [sflag:$0x2], $0x20, $0x38;
	[tilespmem:$0x1C900] =	vst v63  }
0x4d2: {  	s6 =	simm.s32 $0xCF78;
	s7 =	sadd.s32 $0x30, s22  }
0x4d3: {  	[hbm4b:s7+s2] =	stream.linear.scatter [tilespmem:s6], [sflag:$0x2], $0x20, $0x38;
	[tilespmem:$0x1C900] =	vst v63  }
0x4d4: {  	s25 =	simm.s32 $0xCFA0;
	s26 =	sadd.s32 $0x40, s22  }
0x4d5: {  	[hbm4b:s26+s2] =	stream.linear.scatter [tilespmem:s25], [sflag:$0x2], $0x20, $0x38;
	[tilespmem:$0x1C900] =	vst v63  }
0x4d6: {  	s30 =	sadd.s32 $0x70, s22;
	s6 =	simm.s32 $0xCFC8;
	s7 =	sadd.s32 $0x50, s22  }
0x4d7: {  	[hbm4b:s7+s2] =	stream.linear.scatter [tilespmem:s6], [sflag:$0x2], $0x20, $0x38;
	[tilespmem:$0x1C900] =	vst v63  }
0x4d8: {  	s5 =	simm.s32 $0x140;
	s25 =	simm.s32 $0xCFF0;
	s26 =	sadd.s32 $0x60, s22  }
0x4d9: {  	[hbm4b:s26+s2] =	stream.linear.scatter [tilespmem:s25], [sflag:$0x2], $0x20, $0x38;
	[tilespmem:$0x1C900] =	vst v63  }
0x4da: {  	s31 =	sadd.s32 $0x400, s22;
	s25 =	simm.s32 $0xA00;
	s26 =	simm.s32 $0xD018  }
.LBB2_38:
0x4db: {  	[hbm4b:s30+s2] =	stream.linear.scatter [tilespmem:s26], [sflag:$0x2], $0x20, $0x38;
	[tilespmem:$0x1C900] =	vst v63  }
0x4dc: {  	s6 =	smov.u32 s5;
	s5 =	smov.u32 s25  }
0x4dd: {  	s7 =	sadd.s32 $0x500, s25;
	s5 =	sshra.s32 s5, $0x2;
	s26 =	sadd.s32 $0xCF00, s6  }
0x4de: {  	[hbm4b:s31+s2] =	stream.linear.scatter [tilespmem:s26], [sflag:$0x2], $0x20, $0x38;
	[tilespmem:$0x1C900] =	vst v63  }
0x4df: {  	p0 =	sne.s32 s25, $0x3E300;
	s25 =	sadd.s32 $0xCF28, s6;
	s26 =	sadd.s32 $0x10, s31  }
0x4e0: {  	[hbm4b:s26+s2] =	stream.linear.scatter [tilespmem:s25], [sflag:$0x2], $0x20, $0x38;
	[tilespmem:$0x1C900] =	vst v63  }
0x4e1: {  	s25 =	sadd.s32 $0xCF50, s6;
	s26 =	sadd.s32 $0x20, s31  }
0x4e2: {  	[hbm4b:s26+s2] =	stream.linear.scatter [tilespmem:s25], [sflag:$0x2], $0x20, $0x38;
	[tilespmem:$0x1C900] =	vst v63  }
0x4e3: {  	s25 =	sadd.s32 $0xCF78, s6;
	s26 =	sadd.s32 $0x30, s31  }
0x4e4: {  	[hbm4b:s26+s2] =	stream.linear.scatter [tilespmem:s25], [sflag:$0x2], $0x20, $0x38;
	[tilespmem:$0x1C900] =	vst v63  }
0x4e5: {  	s25 =	sadd.s32 $0xCFA0, s6;
	s26 =	sadd.s32 $0x40, s31  }
0x4e6: {  	[hbm4b:s26+s2] =	stream.linear.scatter [tilespmem:s25], [sflag:$0x2], $0x20, $0x38;
	[tilespmem:$0x1C900] =	vst v63  }
.Ltmp18:
0x4e7: {  	s25 =	sadd.s32 $0xCFC8, s6;
	s26 =	sadd.s32 $0x50, s31;
	(pc) =	sbr.rel @p0 .LBB2_38-.Ltmp18, $4  }
0x4e8: {  	[hbm4b:s26+s2] =	stream.linear.scatter [tilespmem:s25], [sflag:$0x2], $0x20, $0x38;
	[tilespmem:$0x1C900] =	vst v63  }
0x4e9: {  	s30 =	sadd.s32 $0x70, s31;
	s25 =	sadd.s32 $0xCFF0, s6;
	s26 =	sadd.s32 $0x60, s31  }
0x4ea: {  	[hbm4b:s26+s2] =	stream.linear.scatter [tilespmem:s25], [sflag:$0x2], $0x20, $0x38;
	[tilespmem:$0x1C900] =	vst v63  }
0x4eb: {  	s31 =	sadd.s32 $0x400, s31;
	s26 =	sadd.s32 $0xD018, s6;
	s25 =	smov.u32 s7  }
0x4ec: {  	[hbm4b:s30+s2] =	stream.linear.scatter [tilespmem:s26], [sflag:$0x2], $0x20, $0x38;
	[tilespmem:$0x1C900] =	vst v63  }
0x4ed: {  	s6 =	sadd.s32 $0xCF00, s5  }
0x4ee: {  	[hbm4b:s31+s2] =	stream.linear.scatter [tilespmem:s6], [sflag:$0x2], $0x20, $0x38;
	[tilespmem:$0x1C900] =	vst v63  }
0x4ef: {  	s26 =	sadd.s32 $0xCF28, s5;
	s7 =	sadd.s32 $0x10, s31  }
0x4f0: {  	[hbm4b:s7+s2] =	stream.linear.scatter [tilespmem:s26], [sflag:$0x2], $0x20, $0x38;
	[tilespmem:$0x1C900] =	vst v63  }
0x4f1: {  	s25 =	sadd.s32 $0xCF50, s5;
	s26 =	sadd.s32 $0x20, s31  }
0x4f2: {  	[hbm4b:s26+s2] =	stream.linear.scatter [tilespmem:s25], [sflag:$0x2], $0x20, $0x38;
	[tilespmem:$0x1C900] =	vst v63  }
0x4f3: {  	s25 =	sadd.s32 $0xCF78, s5;
	s26 =	sadd.s32 $0x30, s31  }
0x4f4: {  	[hbm4b:s26+s2] =	stream.linear.scatter [tilespmem:s25], [sflag:$0x2], $0x20, $0x38;
	[tilespmem:$0x1C900] =	vst v63  }
0x4f5: {  	s25 =	sadd.s32 $0xCFA0, s5;
	s26 =	sadd.s32 $0x40, s31  }
0x4f6: {  	[hbm4b:s26+s2] =	stream.linear.scatter [tilespmem:s25], [sflag:$0x2], $0x20, $0x38;
	[tilespmem:$0x1C900] =	vst v63  }
0x4f7: {  	s25 =	sadd.s32 $0xCFC8, s5;
	s26 =	sadd.s32 $0x50, s31  }
0x4f8: {  	[hbm4b:s26+s2] =	stream.linear.scatter [tilespmem:s25], [sflag:$0x2], $0x20, $0x38;
	[tilespmem:$0x1C900] =	vst v63  }
0x4f9: {  	s25 =	sadd.s32 $0xCFF0, s5;
	s26 =	sadd.s32 $0x60, s31  }
0x4fa: {  	[hbm4b:s26+s2] =	stream.linear.scatter [tilespmem:s25], [sflag:$0x2], $0x20, $0x38;
	[tilespmem:$0x1C900] =	vst v63  }
0x4fb: {  	s7 =	sadd.s32 $0xD018, s5;
	s25 =	sadd.s32 $0x70, s31  }
0x4fc: {  	[hbm4b:s25+s2] =	stream.linear.scatter [tilespmem:s7], [sflag:$0x2], $0x20, $0x38;
	[tilespmem:$0x1C900] =	vst v63  }
0x4fd: {  	s26 =	simm.s32 $0xCF00  }
0x4fe: {  	[hbm4b:s23+s2] =	stream.linear.scatter [tilespmem:s26], [sflag:$0x2], $0x20, $0x38;
	[tilespmem:$0x1C900] =	vst v63  }
0x4ff: {  	s6 =	simm.s32 $0xCF28;
	s7 =	sadd.s32 $0x10, s23  }
0x500: {  	[hbm4b:s7+s2] =	stream.linear.scatter [tilespmem:s6], [sflag:$0x2], $0x20, $0x38;
	[tilespmem:$0x1C900] =	vst v63  }
0x501: {  	s25 =	simm.s32 $0xCF50;
	s26 =	sadd.s32 $0x20, s23  }
0x502: {  	[hbm4b:s26+s2] =	stream.linear.scatter [tilespmem:s25], [sflag:$0x2], $0x20, $0x38;
	[tilespmem:$0x1C900] =	vst v63  }
0x503: {  	s6 =	simm.s32 $0xCF78;
	s7 =	sadd.s32 $0x30, s23  }
0x504: {  	[hbm4b:s7+s2] =	stream.linear.scatter [tilespmem:s6], [sflag:$0x2], $0x20, $0x38;
	[tilespmem:$0x1C900] =	vst v63  }
0x505: {  	s25 =	simm.s32 $0xCFA0;
	s26 =	sadd.s32 $0x40, s23  }
0x506: {  	[hbm4b:s26+s2] =	stream.linear.scatter [tilespmem:s25], [sflag:$0x2], $0x20, $0x38;
	[tilespmem:$0x1C900] =	vst v63  }
0x507: {  	s30 =	sadd.s32 $0x70, s23;
	s6 =	simm.s32 $0xCFC8;
	s7 =	sadd.s32 $0x50, s23  }
0x508: {  	[hbm4b:s7+s2] =	stream.linear.scatter [tilespmem:s6], [sflag:$0x2], $0x20, $0x38;
	[tilespmem:$0x1C900] =	vst v63  }
0x509: {  	s5 =	simm.s32 $0x140;
	s25 =	simm.s32 $0xCFF0;
	s26 =	sadd.s32 $0x60, s23  }
0x50a: {  	[hbm4b:s26+s2] =	stream.linear.scatter [tilespmem:s25], [sflag:$0x2], $0x20, $0x38;
	[tilespmem:$0x1C900] =	vst v63  }
0x50b: {  	s31 =	sadd.s32 $0x400, s23;
	s25 =	simm.s32 $0xA00;
	s26 =	simm.s32 $0xD018  }
.LBB2_40:
0x50c: {  	[hbm4b:s30+s2] =	stream.linear.scatter [tilespmem:s26], [sflag:$0x2], $0x20, $0x38;
	[tilespmem:$0x1C900] =	vst v63  }
0x50d: {  	s6 =	smov.u32 s5;
	s5 =	smov.u32 s25  }
0x50e: {  	s7 =	sadd.s32 $0x500, s25;
	s5 =	sshra.s32 s5, $0x2;
	s26 =	sadd.s32 $0xCF00, s6  }
0x50f: {  	[hbm4b:s31+s2] =	stream.linear.scatter [tilespmem:s26], [sflag:$0x2], $0x20, $0x38;
	[tilespmem:$0x1C900] =	vst v63  }
0x510: {  	p0 =	sne.s32 s25, $0x3E300;
	s25 =	sadd.s32 $0xCF28, s6;
	s26 =	sadd.s32 $0x10, s31  }
0x511: {  	[hbm4b:s26+s2] =	stream.linear.scatter [tilespmem:s25], [sflag:$0x2], $0x20, $0x38;
	[tilespmem:$0x1C900] =	vst v63  }
0x512: {  	s25 =	sadd.s32 $0xCF50, s6;
	s26 =	sadd.s32 $0x20, s31  }
0x513: {  	[hbm4b:s26+s2] =	stream.linear.scatter [tilespmem:s25], [sflag:$0x2], $0x20, $0x38;
	[tilespmem:$0x1C900] =	vst v63  }
0x514: {  	s25 =	sadd.s32 $0xCF78, s6;
	s26 =	sadd.s32 $0x30, s31  }
0x515: {  	[hbm4b:s26+s2] =	stream.linear.scatter [tilespmem:s25], [sflag:$0x2], $0x20, $0x38;
	[tilespmem:$0x1C900] =	vst v63  }
0x516: {  	s25 =	sadd.s32 $0xCFA0, s6;
	s26 =	sadd.s32 $0x40, s31  }
0x517: {  	[hbm4b:s26+s2] =	stream.linear.scatter [tilespmem:s25], [sflag:$0x2], $0x20, $0x38;
	[tilespmem:$0x1C900] =	vst v63  }
.Ltmp19:
0x518: {  	s25 =	sadd.s32 $0xCFC8, s6;
	s26 =	sadd.s32 $0x50, s31;
	(pc) =	sbr.rel @p0 .LBB2_40-.Ltmp19, $4  }
0x519: {  	[hbm4b:s26+s2] =	stream.linear.scatter [tilespmem:s25], [sflag:$0x2], $0x20, $0x38;
	[tilespmem:$0x1C900] =	vst v63  }
0x51a: {  	s30 =	sadd.s32 $0x70, s31;
	s25 =	sadd.s32 $0xCFF0, s6;
	s26 =	sadd.s32 $0x60, s31  }
0x51b: {  	[hbm4b:s26+s2] =	stream.linear.scatter [tilespmem:s25], [sflag:$0x2], $0x20, $0x38;
	[tilespmem:$0x1C900] =	vst v63  }
0x51c: {  	s31 =	sadd.s32 $0x400, s31;
	s26 =	sadd.s32 $0xD018, s6;
	s25 =	smov.u32 s7  }
0x51d: {  	[hbm4b:s30+s2] =	stream.linear.scatter [tilespmem:s26], [sflag:$0x2], $0x20, $0x38;
	[tilespmem:$0x1C900] =	vst v63  }
0x51e: {  	s6 =	sadd.s32 $0xCF00, s5  }
0x51f: {  	[hbm4b:s31+s2] =	stream.linear.scatter [tilespmem:s6], [sflag:$0x2], $0x20, $0x38;
	[tilespmem:$0x1C900] =	vst v63  }
0x520: {  	s26 =	sadd.s32 $0xCF28, s5;
	s7 =	sadd.s32 $0x10, s31  }
0x521: {  	[hbm4b:s7+s2] =	stream.linear.scatter [tilespmem:s26], [sflag:$0x2], $0x20, $0x38;
	[tilespmem:$0x1C900] =	vst v63  }
0x522: {  	s25 =	sadd.s32 $0xCF50, s5;
	s26 =	sadd.s32 $0x20, s31  }
0x523: {  	[hbm4b:s26+s2] =	stream.linear.scatter [tilespmem:s25], [sflag:$0x2], $0x20, $0x38;
	[tilespmem:$0x1C900] =	vst v63  }
0x524: {  	s25 =	sadd.s32 $0xCF78, s5;
	s26 =	sadd.s32 $0x30, s31  }
0x525: {  	[hbm4b:s26+s2] =	stream.linear.scatter [tilespmem:s25], [sflag:$0x2], $0x20, $0x38;
	[tilespmem:$0x1C900] =	vst v63  }
0x526: {  	s25 =	sadd.s32 $0xCFA0, s5;
	s26 =	sadd.s32 $0x40, s31  }
0x527: {  	[hbm4b:s26+s2] =	stream.linear.scatter [tilespmem:s25], [sflag:$0x2], $0x20, $0x38;
	[tilespmem:$0x1C900] =	vst v63  }
0x528: {  	s25 =	sadd.s32 $0xCFC8, s5;
	s26 =	sadd.s32 $0x50, s31  }
0x529: {  	[hbm4b:s26+s2] =	stream.linear.scatter [tilespmem:s25], [sflag:$0x2], $0x20, $0x38;
	[tilespmem:$0x1C900] =	vst v63  }
0x52a: {  	s25 =	sadd.s32 $0xCFF0, s5;
	s26 =	sadd.s32 $0x60, s31  }
0x52b: {  	[hbm4b:s26+s2] =	stream.linear.scatter [tilespmem:s25], [sflag:$0x2], $0x20, $0x38;
	[tilespmem:$0x1C900] =	vst v63  }
0x52c: {  	s7 =	sadd.s32 $0xD018, s5;
	s25 =	sadd.s32 $0x70, s31  }
0x52d: {  	[hbm4b:s25+s2] =	stream.linear.scatter [tilespmem:s7], [sflag:$0x2], $0x20, $0x38;
	[tilespmem:$0x1C900] =	vst v63  }
0x52e: {  	s26 =	simm.s32 $0xCF00  }
0x52f: {  	[hbm4b:s24+s2] =	stream.linear.scatter [tilespmem:s26], [sflag:$0x2], $0x20, $0x38;
	[tilespmem:$0x1C900] =	vst v63  }
0x530: {  	s6 =	simm.s32 $0xCF28;
	s7 =	sadd.s32 $0x10, s24  }
0x531: {  	[hbm4b:s7+s2] =	stream.linear.scatter [tilespmem:s6], [sflag:$0x2], $0x20, $0x38;
	[tilespmem:$0x1C900] =	vst v63  }
0x532: {  	s25 =	simm.s32 $0xCF50;
	s26 =	sadd.s32 $0x20, s24  }
0x533: {  	[hbm4b:s26+s2] =	stream.linear.scatter [tilespmem:s25], [sflag:$0x2], $0x20, $0x38;
	[tilespmem:$0x1C900] =	vst v63  }
0x534: {  	s6 =	simm.s32 $0xCF78;
	s7 =	sadd.s32 $0x30, s24  }
0x535: {  	[hbm4b:s7+s2] =	stream.linear.scatter [tilespmem:s6], [sflag:$0x2], $0x20, $0x38;
	[tilespmem:$0x1C900] =	vst v63  }
0x536: {  	s25 =	simm.s32 $0xCFA0;
	s26 =	sadd.s32 $0x40, s24  }
0x537: {  	[hbm4b:s26+s2] =	stream.linear.scatter [tilespmem:s25], [sflag:$0x2], $0x20, $0x38;
	[tilespmem:$0x1C900] =	vst v63  }
0x538: {  	s30 =	sadd.s32 $0x70, s24;
	s6 =	simm.s32 $0xCFC8;
	s7 =	sadd.s32 $0x50, s24  }
0x539: {  	[hbm4b:s7+s2] =	stream.linear.scatter [tilespmem:s6], [sflag:$0x2], $0x20, $0x38;
	[tilespmem:$0x1C900] =	vst v63  }
0x53a: {  	s5 =	simm.s32 $0x140;
	s25 =	simm.s32 $0xCFF0;
	s26 =	sadd.s32 $0x60, s24  }
0x53b: {  	[hbm4b:s26+s2] =	stream.linear.scatter [tilespmem:s25], [sflag:$0x2], $0x20, $0x38;
	[tilespmem:$0x1C900] =	vst v63  }
0x53c: {  	s31 =	sadd.s32 $0x400, s24;
	s25 =	simm.s32 $0xA00;
	s26 =	simm.s32 $0xD018  }
.LBB2_42:
0x53d: {  	[hbm4b:s30+s2] =	stream.linear.scatter [tilespmem:s26], [sflag:$0x2], $0x20, $0x38;
	[tilespmem:$0x1C900] =	vst v63  }
0x53e: {  	s6 =	smov.u32 s5;
	s5 =	smov.u32 s25  }
0x53f: {  	s7 =	sadd.s32 $0x500, s25;
	s5 =	sshra.s32 s5, $0x2;
	s26 =	sadd.s32 $0xCF00, s6  }
0x540: {  	[hbm4b:s31+s2] =	stream.linear.scatter [tilespmem:s26], [sflag:$0x2], $0x20, $0x38;
	[tilespmem:$0x1C900] =	vst v63  }
0x541: {  	p0 =	sne.s32 s25, $0x3E300;
	s25 =	sadd.s32 $0xCF28, s6;
	s26 =	sadd.s32 $0x10, s31  }
0x542: {  	[hbm4b:s26+s2] =	stream.linear.scatter [tilespmem:s25], [sflag:$0x2], $0x20, $0x38;
	[tilespmem:$0x1C900] =	vst v63  }
0x543: {  	s25 =	sadd.s32 $0xCF50, s6;
	s26 =	sadd.s32 $0x20, s31  }
0x544: {  	[hbm4b:s26+s2] =	stream.linear.scatter [tilespmem:s25], [sflag:$0x2], $0x20, $0x38;
	[tilespmem:$0x1C900] =	vst v63  }
0x545: {  	s25 =	sadd.s32 $0xCF78, s6;
	s26 =	sadd.s32 $0x30, s31  }
0x546: {  	[hbm4b:s26+s2] =	stream.linear.scatter [tilespmem:s25], [sflag:$0x2], $0x20, $0x38;
	[tilespmem:$0x1C900] =	vst v63  }
0x547: {  	s25 =	sadd.s32 $0xCFA0, s6;
	s26 =	sadd.s32 $0x40, s31  }
0x548: {  	[hbm4b:s26+s2] =	stream.linear.scatter [tilespmem:s25], [sflag:$0x2], $0x20, $0x38;
	[tilespmem:$0x1C900] =	vst v63  }
.Ltmp20:
0x549: {  	s25 =	sadd.s32 $0xCFC8, s6;
	s26 =	sadd.s32 $0x50, s31;
	(pc) =	sbr.rel @p0 .LBB2_42-.Ltmp20, $4  }
0x54a: {  	[hbm4b:s26+s2] =	stream.linear.scatter [tilespmem:s25], [sflag:$0x2], $0x20, $0x38;
	[tilespmem:$0x1C900] =	vst v63  }
0x54b: {  	s30 =	sadd.s32 $0x70, s31;
	s25 =	sadd.s32 $0xCFF0, s6;
	s26 =	sadd.s32 $0x60, s31  }
0x54c: {  	[hbm4b:s26+s2] =	stream.linear.scatter [tilespmem:s25], [sflag:$0x2], $0x20, $0x38;
	[tilespmem:$0x1C900] =	vst v63  }
0x54d: {  	s31 =	sadd.s32 $0x400, s31;
	s26 =	sadd.s32 $0xD018, s6;
	s25 =	smov.u32 s7  }
0x54e: {  	[hbm4b:s30+s2] =	stream.linear.scatter [tilespmem:s26], [sflag:$0x2], $0x20, $0x38;
	[tilespmem:$0x1C900] =	vst v63  }
0x54f: {  	s6 =	sadd.s32 $0xCF00, s5  }
0x550: {  	[hbm4b:s31+s2] =	stream.linear.scatter [tilespmem:s6], [sflag:$0x2], $0x20, $0x38;
	[tilespmem:$0x1C900] =	vst v63  }
0x551: {  	s25 =	sadd.s32 $0xCF28, s5;
	s7 =	sadd.s32 $0x10, s31  }
0x552: {  	[hbm4b:s7+s2] =	stream.linear.scatter [tilespmem:s25], [sflag:$0x2], $0x20, $0x38;
	[tilespmem:$0x1C900] =	vst v63  }
0x553: {  	s26 =	sadd.s32 $0xCF50, s5;
	s30 =	sadd.s32 $0x20, s31  }
0x554: {  	[hbm4b:s30+s2] =	stream.linear.scatter [tilespmem:s26], [sflag:$0x2], $0x20, $0x38;
	[tilespmem:$0x1C900] =	vst v63  }
0x555: {  	s7 =	sadd.s32 $0xCF78, s5;
	s25 =	sadd.s32 $0x30, s31  }
0x556: {  	[hbm4b:s25+s2] =	stream.linear.scatter [tilespmem:s7], [sflag:$0x2], $0x20, $0x38;
	[tilespmem:$0x1C900] =	vst v63  }
0x557: {  	s26 =	sadd.s32 $0xCFA0, s5;
	s30 =	sadd.s32 $0x40, s31  }
0x558: {  	[hbm4b:s30+s2] =	stream.linear.scatter [tilespmem:s26], [sflag:$0x2], $0x20, $0x38;
	[tilespmem:$0x1C900] =	vst v63  }
0x559: {  	s7 =	sadd.s32 $0xCFC8, s5;
	s25 =	sadd.s32 $0x50, s31  }
0x55a: {  	[hbm4b:s25+s2] =	stream.linear.scatter [tilespmem:s7], [sflag:$0x2], $0x20, $0x38;
	[tilespmem:$0x1C900] =	vst v63  }
0x55b: {  	s26 =	sadd.s32 $0xCFF0, s5;
	s30 =	sadd.s32 $0x60, s31  }
0x55c: {  	[hbm4b:s30+s2] =	stream.linear.scatter [tilespmem:s26], [sflag:$0x2], $0x20, $0x38;
	[tilespmem:$0x1C900] =	vst v63  }
0x55d: {  	s25 =	sadd.s32 $0xD018, s5;
	s26 =	sadd.s32 $0x70, s31  }
0x55e: {  	[hbm4b:s26+s2] =	stream.linear.scatter [tilespmem:s25], [sflag:$0x2], $0x20, $0x38;
	[tilespmem:$0x1C900] =	vst v63  }
0x55f: {  	_ =	swait.ge [sflag:s29], $0xC800  }
0x560: {  	[sflag:s29] =	ssyncset.done $0x0  }
0x561: {  	[sflag:s29] =	ssyncadd.s32 $0xFFFF3800  }
0x562: {  	_ =	swait.ge [sflag:s29], $0xC800  }
0x563: {  	[sflag:s29] =	ssyncset.done $0x0  }
0x564: {  	[sflag:s29] =	ssyncadd.s32 $0xFFFF3800  }
0x565: {  	_ =	swait.ge [sflag:s29], $0xC800  }
0x566: {  	[sflag:s29] =	ssyncset.done $0x0  }
0x567: {  	[sflag:s29] =	ssyncadd.s32 $0xFFFF3800  }
0x568: {  	_ =	swait.ge [sflag:s29], $0xC800  }
0x569: {  	[sflag:s29] =	ssyncset.done $0x0  }
0x56a: {  	[sflag:s29] =	ssyncadd.s32 $0xFFFF3800  }
0x56b: {  	_ =	swait.ge [sflag:s29], $0xC800  }
0x56c: {  	[sflag:s29] =	ssyncset.done $0x0  }
0x56d: {  	[sflag:s29] =	ssyncadd.s32 $0xFFFF3800  }
0x56e: {  	_ =	swait.ge [sflag:s29], $0xC800  }
0x56f: {  	[sflag:s29] =	ssyncset.done $0x0  }
0x570: {  	[sflag:s29] =	ssyncadd.s32 $0xFFFF3800  }
0x571: {  	_ =	swait.ge [sflag:s29], $0xC800  }
0x572: {  	[sflag:s29] =	ssyncset.done $0x0  }
0x573: {  	[sflag:s29] =	ssyncadd.s32 $0xFFFF3800  }
0x574: {  	_ =	swait.ge [sflag:s29], $0xC800  }
0x575: {  	[sflag:s29] =	ssyncset.done $0x0  }
0x576: {  	[sflag:s29] =	ssyncadd.s32 $0xFFFF3800  }
0x577: {  	_ =	swait.ge [sflag:s29], $0xC800  }
0x578: {  	[sflag:s29] =	ssyncset.done $0x0  }
0x579: {  	[sflag:s29] =	ssyncadd.s32 $0xFFFF3800  }
0x57a: {  	_ =	swait.ge [sflag:s29], $0xC800  }
0x57b: {  	[sflag:s29] =	ssyncset.done $0x0  }
0x57c: {  	[sflag:s29] =	ssyncadd.s32 $0xFFFF3800  }
0x57d: {  	_ =	swait.ge [sflag:s29], $0xC800  }
0x57e: {  	[sflag:s29] =	ssyncset.done $0x0  }
0x57f: {  	[sflag:s29] =	ssyncadd.s32 $0xFFFF3800  }
0x580: {  	_ =	swait.ge [sflag:s29], $0xC800  }
0x581: {  	[sflag:s29] =	ssyncset.done $0x0  }
0x582: {  	[sflag:s29] =	ssyncadd.s32 $0xFFFF3800  }
0x583: {  	_ =	swait.ge [sflag:s29], $0xC800  }
0x584: {  	[sflag:s29] =	ssyncset.done $0x0  }
0x585: {  	[sflag:s29] =	ssyncadd.s32 $0xFFFF3800  }
0x586: {  	_ =	swait.ge [sflag:s29], $0xC800  }
0x587: {  	[sflag:s29] =	ssyncset.done $0x0  }
0x588: {  	[sflag:s29] =	ssyncadd.s32 $0xFFFF3800  }
0x589: {  	_ =	swait.ge [sflag:s29], $0xC800  }
0x58a: {  	[sflag:s29] =	ssyncset.done $0x0  }
0x58b: {  	[sflag:s29] =	ssyncadd.s32 $0xFFFF3800  }
0x58c: {  	_ =	swait.ge [sflag:s29], $0xC800  }
0x58d: {  	[sflag:s29] =	ssyncset.done $0x0  }
0x58e: {  	[sflag:s29] =	ssyncadd.s32 $0xFFFF3800  }
0x58f: {  	_ =	swait.ge [sflag:s29], $0xC800  }
0x590: {  	[sflag:s29] =	ssyncset.done $0x0  }
0x591: {  	[sflag:s29] =	ssyncadd.s32 $0xFFFF3800  }
0x592: {  	_ =	swait.ge [sflag:s29], $0xC800  }
0x593: {  	[sflag:s29] =	ssyncset.done $0x0  }
0x594: {  	[sflag:s29] =	ssyncadd.s32 $0xFFFF3800  }
0x595: {  	_ =	swait.ge [sflag:s29], $0xC800  }
0x596: {  	[sflag:s29] =	ssyncset.done $0x0  }
0x597: {  	[sflag:s29] =	ssyncadd.s32 $0xFFFF3800  }
0x598: {  	_ =	swait.ge [sflag:s29], $0xC800  }
0x599: {  	s30 =	rddreg [dreg:$0x7]  }
0x59a: {  	s31 =	rddreg [dreg:$0x6];
	s6 =	sadd.s32 $0x1, s30  }
0x59b: {  	p0 =	sne.s32 s6, s31  }
.Ltmp21:
0x59c: {  	_ = 	snop;
	(pc) =	sbr.rel @p0 .LBB2_1-.Ltmp21, $3  }
0x59d: {  	_ =	sdelay $0x1  }
0x59e: {  	[sflag:s29] =	ssyncset.done $0x0  }
0x59f: {  	[sflag:s29] =	ssyncadd.s32 $0xFFFF3800  }
0x5a0: {  	_ =	sfence.sel $0x180000  }
0x5a1: {  	[bflag:$0x0] =	sbarrier.arrive $0xFFFF  }
0x5a2: {  	_ =	strace $0x90000047  }
0x5a3: {  	s0 =	stileid.u32;
	[bflag:$0x2] =	sbarrier.arrive $0xFFFF  }
0x5a4: {  	p0 =	sne.s32 s0, $0x0;
	s0 =	rddreg [dreg:$0x2]  }
0x5a5: {  	s0 =	sadd.s32 @!p0 $0x100000, s0  }
0x5a6: {  	[sflag:s0] =	ssyncadd.tile.s32 @!p0 $0x1;
	_ =	shalt  }
.Lfunc_end2:
_tile_overlayer_lowered:
.L_overlay_start_2:
0x5a7: {  	(tag) =	ssettag $0x2  }
0x5a8: {  	s0 =	rddreg [dreg:$0x0];
	s2 =	stileid.u32  }
0x5a9: {  	s1 =	rddreg [dreg:$0x1];
	p0 =	sne.s32 s2, $0x0  }
0x5aa: {  	s3 =	rddreg [dreg:$0x2];
	[bflag:$0x3] =	sbarrier.arrive $0xFFFF;
	s2 =	simm.s32 @!p0 $0x1C03  }
0x5ab: {  	[timem:s3], [sflag:s2] =	dma.local @!p0 [hbm:s0], s1  }
0x5ac: {  	s0 =	simm.s32 @!p0 $0x3  }
0x5ad: {  	_ =	swait.ge @!p0 [sflag:s0], s1  }
0x5ae: {  	s1 =	ssub.s32 @!p0 $0x0, s1;
	[sflag:s0] =	ssyncset.done @!p0 $0x0  }
0x5af: {  	[sflag:s0] =	ssyncadd.s32 @!p0 s1  }
0x5b0: {  	[bflag:$0x3] =	sbarrier.arrive $0xFFFF  }
0x5b1: {  	_ =	shalt  }

</sc_bundles>
